<compile_context>
chip_gen: v7x
topology: tpu7x:2x2x1
jax: 0.10.2.dev20260603
libtpu: 0.0.44.dev20260713+nightly
codegen_flags: <defaults>
</compile_context>

<pallas_src>
import functools

import jax
import jax.numpy as jnp
from jax import lax
from jax.experimental import pallas as pl
from jax.experimental.pallas import tpu as pltpu
from jax.experimental.pallas import tpu_sc as plsc

B = 16384
N_FACTORS = 32
HIDDEN = 64
N_USERS = 1000000
N_MOVIES = 100000

_INFO = plsc.get_sparse_core_info()
_NC = _INFO.num_cores
_NS = _INFO.num_subcores
_NW = _NC * _NS
_L = 16

_SLAB_T = 8
_SLAB_C = _SLAB_T * 128
_PW = 781

_U_CPW = N_USERS // _NW
_U_NPASS = 40
_U_REM = _U_CPW - _U_NPASS * _PW
_U_TMAX = N_USERS // 128 - _SLAB_T
_U_TAIL0 = (_U_TMAX + _SLAB_T) * 128
_U_TAIL = N_USERS - _U_TAIL0

_M_CPW = N_MOVIES // _NW
_M_NPASS = 4
_M_REM = _M_CPW - _M_NPASS * _PW
_M_TMAX = N_MOVIES // 128 - _SLAB_T
_M_TAIL0 = (_M_TMAX + _SLAB_T) * 128
_M_TAIL = N_MOVIES - _M_TAIL0



def _routed_phase(idx_hbm, tbl_hbm, out_hbm, wid,
                  slab0_v, slab1_v, plw_v, plp_v, stage_v, slist_v, idx_v,
                  sem0, sem1, sem_sc,
                  cpw, npass, rem, tmax, tail0):
    rows_lo = lax.iota(jnp.int32, _L)
    rows_hi = rows_lo + _L
    lane_iota = lax.iota(jnp.int32, _L)
    lo_w = wid * cpw
    hi_w = jnp.minimum(lo_w + cpw, jnp.int32(tail0))
    trash0 = jnp.int32(B) + wid * _L

    pltpu.sync_copy(idx_hbm, idx_v)

    def vreg_body(v, tail):
        vec = idx_v[pl.ds(v * _L, _L)]
        m = (vec >= lo_w) & (vec < hi_w)
        pos = v * _L + lane_iota
        packed = ((vec - lo_w) << 14) | pos
        plsc.store_compressed(plw_v.at[pl.ds(tail, _L)], packed, mask=m)
        pc = plsc.all_reduce_population_count(m)
        return tail + pc[0]

    n_w = lax.fori_loop(0, B // _L, vreg_body, jnp.int32(0))
    nvreg_w = lax.shift_right_logical(n_w + (_L - 1), 4)

    def pass_geom(p):
        lo_rel = p * _PW + jnp.minimum(p, jnp.int32(rem))
        plen = _PW + (p < rem).astype(jnp.int32)
        lo_p = lo_w + lo_rel
        tstart = jnp.minimum(lax.shift_right_logical(lo_p, 7),
                             jnp.int32(tmax))
        return lo_rel, plen, tstart * 128

    def start(slab_v, sem, p):
        _, _, cbase = pass_geom(p)
        for j in range(_SLAB_T):
            t0 = pl.multiple_of(cbase + j * 128, 128)
            pltpu.async_copy(tbl_hbm.at[:, pl.ds(t0, 128)],
                             slab_v.at[:, pl.ds(j * 128, 128)], sem)

    def wait(slab_v, sem):
        for j in range(_SLAB_T):
            pltpu.make_async_copy(tbl_hbm.at[:, pl.ds(0, 128)],
                                  slab_v.at[:, pl.ds(j * 128, 128)],
                                  sem).wait()

    def process(slab_v, p):
        lo_rel, plen, cbase = pass_geom(p)
        hi_rel = jnp.minimum(lo_rel + plen, hi_w - lo_w)

        def fvreg(v, t2):
            pv = plw_v[pl.ds(v * _L, _L)]
            col = lax.shift_right_logical(pv, 14)
            ids = v * _L + lane_iota
            m2 = (ids < n_w) & (col >= lo_rel) & (col < hi_rel)
            plsc.store_compressed(plp_v.at[pl.ds(t2, _L)], pv, mask=m2)
            pc = plsc.all_reduce_population_count(m2)
            return t2 + pc[0]

        n_p = lax.fori_loop(0, nvreg_w, fvreg, jnp.int32(0))

        def group_body(g, c2):
            pv = plp_v[pl.ds(g * _L, _L)]
            pos = pv & jnp.int32(0x3FFF)
            ids = g * _L + lane_iota
            valid = ids < n_p
            sl = jnp.where(valid, pos, trash0 + lane_iota)
            slist_v[...] = sl
            lc = jnp.clip(lo_w + lax.shift_right_logical(pv, 14) - cbase,
                          0, _SLAB_C - 1)
            for r in range(N_FACTORS):
                rv = jnp.full((_L,), r, jnp.int32)
                vals = plsc.load_gather(slab_v, [rv, lc])
                plsc.store_scatter(stage_v, [lane_iota, rv], vals)
            pltpu.async_copy(stage_v, out_hbm.at[slist_v], sem_sc).wait()
            return c2

        ngroups = lax.shift_right_logical(n_p + (_L - 1), 4)
        lax.fori_loop(0, ngroups, group_body, jnp.int32(0))

    start(slab0_v, sem0, jnp.int32(0))

    def body2(q, carry):
        start(slab1_v, sem1, 2 * q + 1)
        wait(slab0_v, sem0)
        process(slab0_v, 2 * q)
        start(slab0_v, sem0, jnp.minimum(2 * q + 2, jnp.int32(npass - 1)))
        wait(slab1_v, sem1)
        process(slab1_v, 2 * q + 1)
        return carry

    lax.fori_loop(0, npass // 2, body2, jnp.int32(0))
    wait(slab0_v, sem0)


def _sc_body(user_hbm, movie_hbm, Ut_hbm, Mt_hbm, uout_hbm, mout_hbm,
             slab0_v, slab1_v, plw_v, plp_v, stage_v, slist_v, idx_v,
             sem0, sem1, sem_sc):
    wid = lax.axis_index("s") * _NC + lax.axis_index("c")
    _routed_phase(user_hbm, Ut_hbm, uout_hbm, wid,
                  slab0_v, slab1_v, plw_v, plp_v, stage_v, slist_v, idx_v,
                  sem0, sem1, sem_sc,
                  _U_CPW, _U_NPASS, _U_REM, _U_TMAX, _U_TAIL0)
    _routed_phase(movie_hbm, Mt_hbm, mout_hbm, wid,
                  slab0_v, slab1_v, plw_v, plp_v, stage_v, slist_v, idx_v,
                  sem0, sem1, sem_sc,
                  _M_CPW, _M_NPASS, _M_REM, _M_TMAX, _M_TAIL0)


def _sc_gather(user, movie, Ut, Mt):
    mesh = plsc.VectorSubcoreMesh(core_axis_name="c", subcore_axis_name="s")
    f = functools.partial(
        pl.kernel, mesh=mesh,
        compiler_params=pltpu.CompilerParams(needs_layout_passes=False),
        out_type=[
            jax.ShapeDtypeStruct((B + _L * _NW, 128), jnp.float32),
            jax.ShapeDtypeStruct((B + _L * _NW, 128), jnp.float32),
        ],
        scratch_types=[
            pltpu.VMEM((N_FACTORS, _SLAB_C), jnp.float32),
            pltpu.VMEM((N_FACTORS, _SLAB_C), jnp.float32),
            pltpu.VMEM((B + _L,), jnp.int32),
            pltpu.VMEM((B + _L,), jnp.int32),
            pltpu.VMEM((_L, 128), jnp.float32),
            pltpu.VMEM((_L,), jnp.int32),
            pltpu.VMEM((B,), jnp.int32),
            pltpu.SemaphoreType.DMA,
            pltpu.SemaphoreType.DMA,
            pltpu.SemaphoreType.DMA,
        ],
    )(_sc_body)
    return f(user, movie, Ut, Mt)


def _mlp_body(uep_ref, mep_ref, user_ref, movie_ref, tailu_ref, tailm_ref,
              w1a_ref, w1b_ref, b1_ref, w2_ref, b2_ref, out_ref):
    ue = uep_ref[:, :N_FACTORS]
    me = mep_ref[:, :N_FACTORS]
    user = user_ref[...]
    movie = movie_ref[...]
    du = user - _U_TAIL0
    ohu = (du == lax.broadcasted_iota(jnp.int32, (1, _U_TAIL), 1)
           ).astype(jnp.float32)
    ue = jnp.where(user >= _U_TAIL0, 0.0, ue) + jnp.dot(
        ohu, tailu_ref[...], preferred_element_type=jnp.float32)
    dm = movie - _M_TAIL0
    ohm = (dm == lax.broadcasted_iota(jnp.int32, (1, _M_TAIL), 1)
           ).astype(jnp.float32)
    me = jnp.where(movie >= _M_TAIL0, 0.0, me) + jnp.dot(
        ohm, tailm_ref[...], preferred_element_type=jnp.float32)
    h = jnp.dot(ue, w1a_ref[...], preferred_element_type=jnp.float32)
    h = h + jnp.dot(me, w1b_ref[...], preferred_element_type=jnp.float32)
    h = jnp.maximum(h + b1_ref[...], 0.0)
    y = jnp.dot(h, w2_ref[...], preferred_element_type=jnp.float32)
    y = y + b2_ref[...]
    out_ref[...] = jax.nn.sigmoid(y) * 5.5


def _tc_mlp(ue_pad, me_pad, user2, movie2, tailU, tailM, W1, b1, W2, b2):
    bm = 2048
    grid = (B // bm,)
    w1a = W1[:N_FACTORS]
    w1b = W1[N_FACTORS:]
    b1r = b1.reshape(1, HIDDEN)
    b2r = b2.reshape(1, 1)
    return pl.pallas_call(
        _mlp_body,
        grid=grid,
        in_specs=[
            pl.BlockSpec((bm, 128), lambda i: (i, 0)),
            pl.BlockSpec((bm, 128), lambda i: (i, 0)),
            pl.BlockSpec((bm, 1), lambda i: (i, 0)),
            pl.BlockSpec((bm, 1), lambda i: (i, 0)),
            pl.BlockSpec((_U_TAIL, N_FACTORS), lambda i: (0, 0)),
            pl.BlockSpec((_M_TAIL, N_FACTORS), lambda i: (0, 0)),
            pl.BlockSpec((N_FACTORS, HIDDEN), lambda i: (0, 0)),
            pl.BlockSpec((N_FACTORS, HIDDEN), lambda i: (0, 0)),
            pl.BlockSpec((1, HIDDEN), lambda i: (0, 0)),
            pl.BlockSpec((HIDDEN, 1), lambda i: (0, 0)),
            pl.BlockSpec((1, 1), lambda i: (0, 0)),
        ],
        out_specs=pl.BlockSpec((bm, 1), lambda i: (i, 0)),
        out_shape=jax.ShapeDtypeStruct((B, 1), jnp.float32),
    )(ue_pad, me_pad, user2, movie2, tailU, tailM, w1a, w1b, b1r, W2, b2r)


def kernel(user, movie, U, M, W1, b1, W2, b2):
    user = user.astype(jnp.int32)
    movie = movie.astype(jnp.int32)
    ue_pad, me_pad = _sc_gather(user, movie, U.T, M.T)
    tailU = U[_U_TAIL0:]
    tailM = M[_M_TAIL0:]
    return _tc_mlp(ue_pad, me_pad, user.reshape(B, 1), movie.reshape(B, 1),
                   tailU, tailM, W1, b1, W2, b2)

# --- scband reference (transcript-rebuilt; emitter-appended) ---
"""Pipeline reference for scband-embedding-net-9749575761985 (READ-ONLY COPY).

The authoritative reference and input builder live on the scoring server;
editing this copy changes nothing except your own understanding.
"""

import jax, jax.numpy as jnp
import numpy as np

MAX_RATING = 5.0
MIN_RATING = 0.5

B = 16384
N_USERS = 1000000
N_MOVIES = 100000
N_FACTORS = 32
HIDDEN = 64


def setup_inputs(seed: int = 0) -> dict:
    key = jax.random.key(seed)
    ks = jax.random.split(key, 8)
    user = jax.random.randint(ks[0], (B,), 0, N_USERS)
    movie = jax.random.randint(ks[1], (B,), 0, N_MOVIES)
    # embedding tables initialized uniform(0, 0.05) like the torch module
    U = jax.random.uniform(ks[2], (N_USERS, N_FACTORS), minval=0.0, maxval=0.05, dtype=jnp.float32)
    M = jax.random.uniform(ks[3], (N_MOVIES, N_FACTORS), minval=0.0, maxval=0.05, dtype=jnp.float32)
    # lin1: Linear(2*n_factors -> hidden), lin2: Linear(hidden -> 1)
    W1 = jax.random.normal(ks[4], (2 * N_FACTORS, HIDDEN), dtype=jnp.float32) * 0.05
    b1 = jnp.zeros((HIDDEN,), dtype=jnp.float32)
    W2 = jax.random.normal(ks[5], (HIDDEN, 1), dtype=jnp.float32) * 0.05
    b2 = jnp.zeros((1,), dtype=jnp.float32)
    return {"user": user, "movie": movie, "U": U, "M": M, "W1": W1, "b1": b1, "W2": W2, "b2": b2}


def reference(user, movie, U, M, W1, b1, W2, b2):
    # embedding lookups (gather)
    ue = jnp.take(U, user, axis=0)
    me = jnp.take(M, movie, axis=0)
    x = jnp.concatenate([ue, me], axis=1)
    # dropout is identity at inference (p effectively 0)
    x = jax.nn.relu(x @ W1 + b1)
    x = x @ W2 + b2
    return jax.nn.sigmoid(x) * (MAX_RATING - MIN_RATING + 1) + MIN_RATING - 0.5

if __name__ == "__main__":
    import jax
    _d = setup_inputs()
    print(jax.jit(kernel)(*tuple(_d.values())))

</pallas_src>

<mosaic_0001>
#map = affine_map<(d0, d1) -> (0)>
#map1 = affine_map<(d0, d1) -> (0, 0)>
module attributes {stable_mosaic.version = 14 : i64} {
  func.func @_sc_body(%arg0: i32, %arg1: i32, %arg2: memref<16384xi32, #tpu.memory_space<hbm>>, %arg3: memref<16384xi32, #tpu.memory_space<hbm>>, %arg4: memref<32x1000000xf32, #tpu.memory_space<hbm>>, %arg5: memref<32x100000xf32, #tpu.memory_space<hbm>>, %arg6: memref<16896x128xf32, #tpu.memory_space<hbm>>, %arg7: memref<16896x128xf32, #tpu.memory_space<hbm>>, %arg8: memref<32x1024xf32, #tpu.memory_space<vmem>>, %arg9: memref<32x1024xf32, #tpu.memory_space<vmem>>, %arg10: memref<16400xi32, #tpu.memory_space<vmem>>, %arg11: memref<16400xi32, #tpu.memory_space<vmem>>, %arg12: memref<16x128xf32, #tpu.memory_space<vmem>>, %arg13: memref<16xi32, #tpu.memory_space<vmem>>, %arg14: memref<16384xi32, #tpu.memory_space<vmem>>, %arg15: memref<!tpu.dma_semaphore, #tpu.memory_space<semaphore_mem>>, %arg16: memref<!tpu.dma_semaphore, #tpu.memory_space<semaphore_mem>>, %arg17: memref<!tpu.dma_semaphore, #tpu.memory_space<semaphore_mem>>) attributes {dimension_semantics = [#tpu.dimension_semantics<core_parallel>, #tpu.dimension_semantics<subcore_parallel>], iteration_bounds = array<i64: 2, 16>, scalar_prefetch = 0 : i64, scratch_operands = 10 : i64, tpu.core_type = #tpu.core_type<sc_vector_subcore>, window_params = [{transform_indices = #map}, {transform_indices = #map}, {transform_indices = #map1}, {transform_indices = #map1}, {transform_indices = #map1}, {transform_indices = #map1}]} {
    %mul3A = arith.constant 2 : i32
    %mul3A_0 = arith.muli %arg1, %mul3A : i32
    %add3A = arith.addi %mul3A_0, %arg0 : i32
    %iota3A = tpu.iota {dimensions = array<i32: 0>} : vector<16xi32>
    %add3A_1 = arith.constant 16 : i32
    %add3A_2 = vector.broadcast %add3A_1 : i32 to vector<16xi32>
    %add3A_3 = arith.addi %iota3A, %add3A_2 : vector<16xi32>
    %iota3A_4 = tpu.iota {dimensions = array<i32: 0>} : vector<16xi32>
    %mul3A_5 = arith.constant 31250 : i32
    %mul3A_6 = arith.muli %add3A, %mul3A_5 : i32
    %add3A_7 = arith.constant 31250 : i32
    %add3A_8 = arith.addi %mul3A_6, %add3A_7 : i32
    %min3A = arith.constant 999936 : i32
    %min3A_9 = arith.minsi %add3A_8, %min3A : i32
    %mul3A_10 = arith.constant 16 : i32
    %mul3A_11 = arith.muli %add3A, %mul3A_10 : i32
    %add3A_12 = arith.constant 16384 : i32
    %add3A_13 = arith.addi %add3A_12, %mul3A_11 : i32
    "tpu.region"() ({
      %run_scoped3A = tpu.sem_alloc : memref<!tpu.dma_semaphore, #tpu.memory_space<semaphore_mem>>
      tpu.enqueue_dma source(%arg2 : memref<16384xi32, #tpu.memory_space<hbm>>) target(%arg14 : memref<16384xi32, #tpu.memory_space<vmem>>) target_semaphore(%run_scoped3A : memref<!tpu.dma_semaphore, #tpu.memory_space<semaphore_mem>>)
      tpu.wait_dma2 semaphore(%run_scoped3A : memref<!tpu.dma_semaphore, #tpu.memory_space<semaphore_mem>>) src(%arg2 : memref<16384xi32, #tpu.memory_space<hbm>>) dst(%arg14 : memref<16384xi32, #tpu.memory_space<vmem>>)
      tpu.yield
    }) : () -> ()
    %scan3A = arith.constant 0 : i32
    %scan3A_14 = arith.constant 0 : i32
    %scan3A_15 = arith.constant 1024 : i32
    %scan3A_16 = arith.addi %scan3A_14, %scan3A_15 : i32
    %scan3A_17 = arith.constant 1 : i32
    %scan3A_18 = scf.for %scan3A_496 = %scan3A_14 to %scan3A_16 step %scan3A_17 iter_args(%scan3A_497 = %scan3A) -> (i32)  : i32 {
      %mul3A_498 = arith.constant 16 : i32
      %mul3A_499 = arith.muli %scan3A_496, %mul3A_498 : i32
      %get3A = arith.index_cast %mul3A_499 : i32 to index
      %get3A_500 = tpu.vector_load %arg14[%get3A] {strides = array<i32>} : memref<16384xi32, #tpu.memory_space<vmem>>, vector<16xi32>,
      %ge3A = vector.broadcast %mul3A_6 : i32 to vector<16xi32>
      %ge3A_501 = arith.cmpi sge, %get3A_500, %ge3A : vector<16xi32>
      %lt3A_502 = vector.broadcast %min3A_9 : i32 to vector<16xi32>
      %lt3A_503 = arith.cmpi slt, %get3A_500, %lt3A_502 : vector<16xi32>
      %and3A = arith.andi %ge3A_501, %lt3A_503 : vector<16xi1>
      %mul3A_504 = arith.constant 16 : i32
      %mul3A_505 = arith.muli %scan3A_496, %mul3A_504 : i32
      %add3A_506 = vector.broadcast %mul3A_505 : i32 to vector<16xi32>
      %add3A_507 = arith.addi %add3A_506, %iota3A_4 : vector<16xi32>
      %sub3A = vector.broadcast %mul3A_6 : i32 to vector<16xi32>
      %sub3A_508 = arith.subi %get3A_500, %sub3A : vector<16xi32>
      %shift_left3A = arith.constant 14 : i32
      %shift_left3A_509 = vector.broadcast %shift_left3A : i32 to vector<16xi32>
      %shift_left3A_510 = arith.shli %sub3A_508, %shift_left3A_509 : vector<16xi32>
      %or3A = arith.ori %shift_left3A_510, %add3A_507 : vector<16xi32>
      %swap3A = arith.index_cast %scan3A_497 : i32 to index
      %swap3A_511 = tpu.vector_load %arg10[%swap3A] masked %and3A {strides = array<i32>} : memref<16400xi32, #tpu.memory_space<vmem>>, vector<16xi32>, vector<16xi1>
      tpu.vector_store %arg10[%swap3A], %or3A masked %and3A {strides = array<i32>} : memref<16400xi32, #tpu.memory_space<vmem>>, vector<16xi32>, vector<16xi1>
      %all_reduce_population_count3A = tpu.all_reduce %and3A {dim = 0 : i64, kind = #tpu.reduction_kind<sum>} : vector<16xi1> -> vector<16xi32>
      %slice3A = vector.extract_strided_slice %all_reduce_population_count3A {offsets = [0], sizes = [1], strides = [1]} : vector<16xi32> to vector<1xi32>
      %squeeze3A = vector.extract %slice3A[0] : i32 from vector<1xi32>
      %add3A_512 = arith.addi %scan3A_497, %squeeze3A : i32
      scf.yield %add3A_512 : i32
    }
    %scan3A_19 = arith.constant 1024 : i32
    %add3A_20 = arith.constant 15 : i32
    %add3A_21 = arith.addi %scan3A_18, %add3A_20 : i32
    %shift_right_logical3A = arith.constant 4 : i32
    %shift_right_logical3A_22 = arith.shrui %add3A_21, %shift_right_logical3A : i32
    %mul3A_23 = arith.constant 0 : i32
    %mul3A_24 = arith.constant 781 : i32
    %mul3A_25 = arith.muli %mul3A_23, %mul3A_24 : i32
    %min3A_26 = arith.constant 0 : i32
    %min3A_27 = arith.constant 10 : i32
    %min3A_28 = arith.minsi %min3A_26, %min3A_27 : i32
    %add3A_29 = arith.addi %mul3A_25, %min3A_28 : i32
    %lt3A = arith.constant 0 : i32
    %lt3A_30 = arith.constant 10 : i32
    %lt3A_31 = arith.cmpi slt, %lt3A, %lt3A_30 : i32
    %convert_element_type3A = arith.extui %lt3A_31 : i1 to i32
    %add3A_32 = arith.constant 781 : i32
    %add3A_33 = arith.addi %add3A_32, %convert_element_type3A : i32
    %add3A_34 = arith.addi %mul3A_6, %add3A_29 : i32
    %shift_right_logical3A_35 = arith.constant 7 : i32
    %shift_right_logical3A_36 = arith.shrui %add3A_34, %shift_right_logical3A_35 : i32
    %min3A_37 = arith.constant 7804 : i32
    %min3A_38 = arith.minsi %shift_right_logical3A_36, %min3A_37 : i32
    %mul3A_39 = arith.constant 128 : i32
    %mul3A_40 = arith.muli %min3A_38, %mul3A_39 : i32
    %add3A_41 = arith.constant 0 : i32
    %add3A_42 = arith.addi %mul3A_40, %add3A_41 : i32
    %multiple_of3A = tpu.assume_multiple %add3A_42, 128 : i32
    %dma_start3A = arith.constant 0 : i32
    %dma_start3A_43 = arith.constant 0 : i32
    %dma_start3A_44 = tpu.memref_slice %arg8[%dma_start3A, %dma_start3A_43] : memref<32x1024xf32, #tpu.memory_space<vmem>> -> memref<32x128xf32, #tpu.memory_space<vmem>>
    %dma_start3A_45 = arith.constant 0 : i32
    %dma_start3A_46 = tpu.memref_slice %arg4[%dma_start3A_45, %multiple_of3A] : memref<32x1000000xf32, #tpu.memory_space<hbm>> -> memref<32x128xf32, #tpu.memory_space<hbm>>
    %dma_start3A_47 = arith.constant 0 : i32
    %dma_start3A_48 = arith.constant 0 : i32
    %dma_start3A_49 = tpu.memref_slice %arg8[%dma_start3A_47, %dma_start3A_48] : memref<32x1024xf32, #tpu.memory_space<vmem>> -> memref<32x128xf32, #tpu.memory_space<vmem>>
    %dma_start3A_50 = arith.constant 0 : i32
    %dma_start3A_51 = tpu.memref_slice %arg4[%dma_start3A_50, %multiple_of3A] : memref<32x1000000xf32, #tpu.memory_space<hbm>> -> memref<32x128xf32, #tpu.memory_space<hbm>>
    tpu.enqueue_dma source(%dma_start3A_51 : memref<32x128xf32, #tpu.memory_space<hbm>>) target(%dma_start3A_49 : memref<32x128xf32, #tpu.memory_space<vmem>>) target_semaphore(%arg15 : memref<!tpu.dma_semaphore, #tpu.memory_space<semaphore_mem>>)
    %add3A_52 = arith.constant 128 : i32
    %add3A_53 = arith.addi %mul3A_40, %add3A_52 : i32
    %multiple_of3A_54 = tpu.assume_multiple %add3A_53, 128 : i32
    %dma_start3A_55 = arith.constant 0 : i32
    %dma_start3A_56 = arith.constant 128 : i32
    %dma_start3A_57 = tpu.memref_slice %arg8[%dma_start3A_55, %dma_start3A_56] : memref<32x1024xf32, #tpu.memory_space<vmem>> -> memref<32x128xf32, #tpu.memory_space<vmem>>
    %dma_start3A_58 = arith.constant 0 : i32
    %dma_start3A_59 = tpu.memref_slice %arg4[%dma_start3A_58, %multiple_of3A_54] : memref<32x1000000xf32, #tpu.memory_space<hbm>> -> memref<32x128xf32, #tpu.memory_space<hbm>>
    %dma_start3A_60 = arith.constant 0 : i32
    %dma_start3A_61 = arith.constant 128 : i32
    %dma_start3A_62 = tpu.memref_slice %arg8[%dma_start3A_60, %dma_start3A_61] : memref<32x1024xf32, #tpu.memory_space<vmem>> -> memref<32x128xf32, #tpu.memory_space<vmem>>
    %dma_start3A_63 = arith.constant 0 : i32
    %dma_start3A_64 = tpu.memref_slice %arg4[%dma_start3A_63, %multiple_of3A_54] : memref<32x1000000xf32, #tpu.memory_space<hbm>> -> memref<32x128xf32, #tpu.memory_space<hbm>>
    tpu.enqueue_dma source(%dma_start3A_64 : memref<32x128xf32, #tpu.memory_space<hbm>>) target(%dma_start3A_62 : memref<32x128xf32, #tpu.memory_space<vmem>>) target_semaphore(%arg15 : memref<!tpu.dma_semaphore, #tpu.memory_space<semaphore_mem>>)
    %add3A_65 = arith.constant 256 : i32
    %add3A_66 = arith.addi %mul3A_40, %add3A_65 : i32
    %multiple_of3A_67 = tpu.assume_multiple %add3A_66, 128 : i32
    %dma_start3A_68 = arith.constant 0 : i32
    %dma_start3A_69 = arith.constant 256 : i32
    %dma_start3A_70 = tpu.memref_slice %arg8[%dma_start3A_68, %dma_start3A_69] : memref<32x1024xf32, #tpu.memory_space<vmem>> -> memref<32x128xf32, #tpu.memory_space<vmem>>
    %dma_start3A_71 = arith.constant 0 : i32
    %dma_start3A_72 = tpu.memref_slice %arg4[%dma_start3A_71, %multiple_of3A_67] : memref<32x1000000xf32, #tpu.memory_space<hbm>> -> memref<32x128xf32, #tpu.memory_space<hbm>>
    %dma_start3A_73 = arith.constant 0 : i32
    %dma_start3A_74 = arith.constant 256 : i32
    %dma_start3A_75 = tpu.memref_slice %arg8[%dma_start3A_73, %dma_start3A_74] : memref<32x1024xf32, #tpu.memory_space<vmem>> -> memref<32x128xf32, #tpu.memory_space<vmem>>
    %dma_start3A_76 = arith.constant 0 : i32
    %dma_start3A_77 = tpu.memref_slice %arg4[%dma_start3A_76, %multiple_of3A_67] : memref<32x1000000xf32, #tpu.memory_space<hbm>> -> memref<32x128xf32, #tpu.memory_space<hbm>>
    tpu.enqueue_dma source(%dma_start3A_77 : memref<32x128xf32, #tpu.memory_space<hbm>>) target(%dma_start3A_75 : memref<32x128xf32, #tpu.memory_space<vmem>>) target_semaphore(%arg15 : memref<!tpu.dma_semaphore, #tpu.memory_space<semaphore_mem>>)
    %add3A_78 = arith.constant 384 : i32
    %add3A_79 = arith.addi %mul3A_40, %add3A_78 : i32
    %multiple_of3A_80 = tpu.assume_multiple %add3A_79, 128 : i32
    %dma_start3A_81 = arith.constant 0 : i32
    %dma_start3A_82 = arith.constant 384 : i32
    %dma_start3A_83 = tpu.memref_slice %arg8[%dma_start3A_81, %dma_start3A_82] : memref<32x1024xf32, #tpu.memory_space<vmem>> -> memref<32x128xf32, #tpu.memory_space<vmem>>
    %dma_start3A_84 = arith.constant 0 : i32
    %dma_start3A_85 = tpu.memref_slice %arg4[%dma_start3A_84, %multiple_of3A_80] : memref<32x1000000xf32, #tpu.memory_space<hbm>> -> memref<32x128xf32, #tpu.memory_space<hbm>>
    %dma_start3A_86 = arith.constant 0 : i32
    %dma_start3A_87 = arith.constant 384 : i32
    %dma_start3A_88 = tpu.memref_slice %arg8[%dma_start3A_86, %dma_start3A_87] : memref<32x1024xf32, #tpu.memory_space<vmem>> -> memref<32x128xf32, #tpu.memory_space<vmem>>
    %dma_start3A_89 = arith.constant 0 : i32
    %dma_start3A_90 = tpu.memref_slice %arg4[%dma_start3A_89, %multiple_of3A_80] : memref<32x1000000xf32, #tpu.memory_space<hbm>> -> memref<32x128xf32, #tpu.memory_space<hbm>>
    tpu.enqueue_dma source(%dma_start3A_90 : memref<32x128xf32, #tpu.memory_space<hbm>>) target(%dma_start3A_88 : memref<32x128xf32, #tpu.memory_space<vmem>>) target_semaphore(%arg15 : memref<!tpu.dma_semaphore, #tpu.memory_space<semaphore_mem>>)
    %add3A_91 = arith.constant 512 : i32
    %add3A_92 = arith.addi %mul3A_40, %add3A_91 : i32
    %multiple_of3A_93 = tpu.assume_multiple %add3A_92, 128 : i32
    %dma_start3A_94 = arith.constant 0 : i32
    %dma_start3A_95 = arith.constant 512 : i32
    %dma_start3A_96 = tpu.memref_slice %arg8[%dma_start3A_94, %dma_start3A_95] : memref<32x1024xf32, #tpu.memory_space<vmem>> -> memref<32x128xf32, #tpu.memory_space<vmem>>
    %dma_start3A_97 = arith.constant 0 : i32
    %dma_start3A_98 = tpu.memref_slice %arg4[%dma_start3A_97, %multiple_of3A_93] : memref<32x1000000xf32, #tpu.memory_space<hbm>> -> memref<32x128xf32, #tpu.memory_space<hbm>>
    %dma_start3A_99 = arith.constant 0 : i32
    %dma_start3A_100 = arith.constant 512 : i32
    %dma_start3A_101 = tpu.memref_slice %arg8[%dma_start3A_99, %dma_start3A_100] : memref<32x1024xf32, #tpu.memory_space<vmem>> -> memref<32x128xf32, #tpu.memory_space<vmem>>
    %dma_start3A_102 = arith.constant 0 : i32
    %dma_start3A_103 = tpu.memref_slice %arg4[%dma_start3A_102, %multiple_of3A_93] : memref<32x1000000xf32, #tpu.memory_space<hbm>> -> memref<32x128xf32, #tpu.memory_space<hbm>>
    tpu.enqueue_dma source(%dma_start3A_103 : memref<32x128xf32, #tpu.memory_space<hbm>>) target(%dma_start3A_101 : memref<32x128xf32, #tpu.memory_space<vmem>>) target_semaphore(%arg15 : memref<!tpu.dma_semaphore, #tpu.memory_space<semaphore_mem>>)
    %add3A_104 = arith.constant 640 : i32
    %add3A_105 = arith.addi %mul3A_40, %add3A_104 : i32
    %multiple_of3A_106 = tpu.assume_multiple %add3A_105, 128 : i32
    %dma_start3A_107 = arith.constant 0 : i32
    %dma_start3A_108 = arith.constant 640 : i32
    %dma_start3A_109 = tpu.memref_slice %arg8[%dma_start3A_107, %dma_start3A_108] : memref<32x1024xf32, #tpu.memory_space<vmem>> -> memref<32x128xf32, #tpu.memory_space<vmem>>
    %dma_start3A_110 = arith.constant 0 : i32
    %dma_start3A_111 = tpu.memref_slice %arg4[%dma_start3A_110, %multiple_of3A_106] : memref<32x1000000xf32, #tpu.memory_space<hbm>> -> memref<32x128xf32, #tpu.memory_space<hbm>>
    %dma_start3A_112 = arith.constant 0 : i32
    %dma_start3A_113 = arith.constant 640 : i32
    %dma_start3A_114 = tpu.memref_slice %arg8[%dma_start3A_112, %dma_start3A_113] : memref<32x1024xf32, #tpu.memory_space<vmem>> -> memref<32x128xf32, #tpu.memory_space<vmem>>
    %dma_start3A_115 = arith.constant 0 : i32
    %dma_start3A_116 = tpu.memref_slice %arg4[%dma_start3A_115, %multiple_of3A_106] : memref<32x1000000xf32, #tpu.memory_space<hbm>> -> memref<32x128xf32, #tpu.memory_space<hbm>>
    tpu.enqueue_dma source(%dma_start3A_116 : memref<32x128xf32, #tpu.memory_space<hbm>>) target(%dma_start3A_114 : memref<32x128xf32, #tpu.memory_space<vmem>>) target_semaphore(%arg15 : memref<!tpu.dma_semaphore, #tpu.memory_space<semaphore_mem>>)
    %add3A_117 = arith.constant 768 : i32
    %add3A_118 = arith.addi %mul3A_40, %add3A_117 : i32
    %multiple_of3A_119 = tpu.assume_multiple %add3A_118, 128 : i32
    %dma_start3A_120 = arith.constant 0 : i32
    %dma_start3A_121 = arith.constant 768 : i32
    %dma_start3A_122 = tpu.memref_slice %arg8[%dma_start3A_120, %dma_start3A_121] : memref<32x1024xf32, #tpu.memory_space<vmem>> -> memref<32x128xf32, #tpu.memory_space<vmem>>
    %dma_start3A_123 = arith.constant 0 : i32
    %dma_start3A_124 = tpu.memref_slice %arg4[%dma_start3A_123, %multiple_of3A_119] : memref<32x1000000xf32, #tpu.memory_space<hbm>> -> memref<32x128xf32, #tpu.memory_space<hbm>>
    %dma_start3A_125 = arith.constant 0 : i32
    %dma_start3A_126 = arith.constant 768 : i32
    %dma_start3A_127 = tpu.memref_slice %arg8[%dma_start3A_125, %dma_start3A_126] : memref<32x1024xf32, #tpu.memory_space<vmem>> -> memref<32x128xf32, #tpu.memory_space<vmem>>
    %dma_start3A_128 = arith.constant 0 : i32
    %dma_start3A_129 = tpu.memref_slice %arg4[%dma_start3A_128, %multiple_of3A_119] : memref<32x1000000xf32, #tpu.memory_space<hbm>> -> memref<32x128xf32, #tpu.memory_space<hbm>>
    tpu.enqueue_dma source(%dma_start3A_129 : memref<32x128xf32, #tpu.memory_space<hbm>>) target(%dma_start3A_127 : memref<32x128xf32, #tpu.memory_space<vmem>>) target_semaphore(%arg15 : memref<!tpu.dma_semaphore, #tpu.memory_space<semaphore_mem>>)
    %add3A_130 = arith.constant 896 : i32
    %add3A_131 = arith.addi %mul3A_40, %add3A_130 : i32
    %multiple_of3A_132 = tpu.assume_multiple %add3A_131, 128 : i32
    %dma_start3A_133 = arith.constant 0 : i32
    %dma_start3A_134 = arith.constant 896 : i32
    %dma_start3A_135 = tpu.memref_slice %arg8[%dma_start3A_133, %dma_start3A_134] : memref<32x1024xf32, #tpu.memory_space<vmem>> -> memref<32x128xf32, #tpu.memory_space<vmem>>
    %dma_start3A_136 = arith.constant 0 : i32
    %dma_start3A_137 = tpu.memref_slice %arg4[%dma_start3A_136, %multiple_of3A_132] : memref<32x1000000xf32, #tpu.memory_space<hbm>> -> memref<32x128xf32, #tpu.memory_space<hbm>>
    %dma_start3A_138 = arith.constant 0 : i32
    %dma_start3A_139 = arith.constant 896 : i32
    %dma_start3A_140 = tpu.memref_slice %arg8[%dma_start3A_138, %dma_start3A_139] : memref<32x1024xf32, #tpu.memory_space<vmem>> -> memref<32x128xf32, #tpu.memory_space<vmem>>
    %dma_start3A_141 = arith.constant 0 : i32
    %dma_start3A_142 = tpu.memref_slice %arg4[%dma_start3A_141, %multiple_of3A_132] : memref<32x1000000xf32, #tpu.memory_space<hbm>> -> memref<32x128xf32, #tpu.memory_space<hbm>>
    tpu.enqueue_dma source(%dma_start3A_142 : memref<32x128xf32, #tpu.memory_space<hbm>>) target(%dma_start3A_140 : memref<32x128xf32, #tpu.memory_space<vmem>>) target_semaphore(%arg15 : memref<!tpu.dma_semaphore, #tpu.memory_space<semaphore_mem>>)
    %scan3A_143 = arith.constant 0 : i32
    %scan3A_144 = arith.constant 0 : i32
    %scan3A_145 = arith.constant 20 : i32
    %scan3A_146 = arith.addi %scan3A_144, %scan3A_145 : i32
    %scan3A_147 = arith.constant 1 : i32
    scf.for %scan3A_496 = %scan3A_144 to %scan3A_146 step %scan3A_147  : i32 {
      %mul3A_497 = arith.constant 2 : i32
      %mul3A_498 = arith.muli %mul3A_497, %scan3A_496 : i32
      %add3A_499 = arith.constant 1 : i32
      %add3A_500 = arith.addi %mul3A_498, %add3A_499 : i32
      %mul3A_501 = arith.constant 781 : i32
      %mul3A_502 = arith.muli %add3A_500, %mul3A_501 : i32
      %min3A_503 = arith.constant 10 : i32
      %min3A_504 = arith.minsi %add3A_500, %min3A_503 : i32
      %add3A_505 = arith.addi %mul3A_502, %min3A_504 : i32
      %lt3A_506 = arith.constant 10 : i32
      %lt3A_507 = arith.cmpi slt, %add3A_500, %lt3A_506 : i32
      %convert_element_type3A_508 = arith.extui %lt3A_507 : i1 to i32
      %add3A_509 = arith.constant 781 : i32
      %add3A_510 = arith.addi %add3A_509, %convert_element_type3A_508 : i32
      %add3A_511 = arith.addi %mul3A_6, %add3A_505 : i32
      %shift_right_logical3A_512 = arith.constant 7 : i32
      %shift_right_logical3A_513 = arith.shrui %add3A_511, %shift_right_logical3A_512 : i32
      %min3A_514 = arith.constant 7804 : i32
      %min3A_515 = arith.minsi %shift_right_logical3A_513, %min3A_514 : i32
      %mul3A_516 = arith.constant 128 : i32
      %mul3A_517 = arith.muli %min3A_515, %mul3A_516 : i32
      %add3A_518 = arith.constant 0 : i32
      %add3A_519 = arith.addi %mul3A_517, %add3A_518 : i32
      %multiple_of3A_520 = tpu.assume_multiple %add3A_519, 128 : i32
      %dma_start3A_521 = arith.constant 0 : i32
      %dma_start3A_522 = arith.constant 0 : i32
      %dma_start3A_523 = tpu.memref_slice %arg9[%dma_start3A_521, %dma_start3A_522] : memref<32x1024xf32, #tpu.memory_space<vmem>> -> memref<32x128xf32, #tpu.memory_space<vmem>>
      %dma_start3A_524 = arith.constant 0 : i32
      %dma_start3A_525 = tpu.memref_slice %arg4[%dma_start3A_524, %multiple_of3A_520] : memref<32x1000000xf32, #tpu.memory_space<hbm>> -> memref<32x128xf32, #tpu.memory_space<hbm>>
      %dma_start3A_526 = arith.constant 0 : i32
      %dma_start3A_527 = arith.constant 0 : i32
      %dma_start3A_528 = tpu.memref_slice %arg9[%dma_start3A_526, %dma_start3A_527] : memref<32x1024xf32, #tpu.memory_space<vmem>> -> memref<32x128xf32, #tpu.memory_space<vmem>>
      %dma_start3A_529 = arith.constant 0 : i32
      %dma_start3A_530 = tpu.memref_slice %arg4[%dma_start3A_529, %multiple_of3A_520] : memref<32x1000000xf32, #tpu.memory_space<hbm>> -> memref<32x128xf32, #tpu.memory_space<hbm>>
      tpu.enqueue_dma source(%dma_start3A_530 : memref<32x128xf32, #tpu.memory_space<hbm>>) target(%dma_start3A_528 : memref<32x128xf32, #tpu.memory_space<vmem>>) target_semaphore(%arg16 : memref<!tpu.dma_semaphore, #tpu.memory_space<semaphore_mem>>)
      %add3A_531 = arith.constant 128 : i32
      %add3A_532 = arith.addi %mul3A_517, %add3A_531 : i32
      %multiple_of3A_533 = tpu.assume_multiple %add3A_532, 128 : i32
      %dma_start3A_534 = arith.constant 0 : i32
      %dma_start3A_535 = arith.constant 128 : i32
      %dma_start3A_536 = tpu.memref_slice %arg9[%dma_start3A_534, %dma_start3A_535] : memref<32x1024xf32, #tpu.memory_space<vmem>> -> memref<32x128xf32, #tpu.memory_space<vmem>>
      %dma_start3A_537 = arith.constant 0 : i32
      %dma_start3A_538 = tpu.memref_slice %arg4[%dma_start3A_537, %multiple_of3A_533] : memref<32x1000000xf32, #tpu.memory_space<hbm>> -> memref<32x128xf32, #tpu.memory_space<hbm>>
      %dma_start3A_539 = arith.constant 0 : i32
      %dma_start3A_540 = arith.constant 128 : i32
      %dma_start3A_541 = tpu.memref_slice %arg9[%dma_start3A_539, %dma_start3A_540] : memref<32x1024xf32, #tpu.memory_space<vmem>> -> memref<32x128xf32, #tpu.memory_space<vmem>>
      %dma_start3A_542 = arith.constant 0 : i32
      %dma_start3A_543 = tpu.memref_slice %arg4[%dma_start3A_542, %multiple_of3A_533] : memref<32x1000000xf32, #tpu.memory_space<hbm>> -> memref<32x128xf32, #tpu.memory_space<hbm>>
      tpu.enqueue_dma source(%dma_start3A_543 : memref<32x128xf32, #tpu.memory_space<hbm>>) target(%dma_start3A_541 : memref<32x128xf32, #tpu.memory_space<vmem>>) target_semaphore(%arg16 : memref<!tpu.dma_semaphore, #tpu.memory_space<semaphore_mem>>)
      %add3A_544 = arith.constant 256 : i32
      %add3A_545 = arith.addi %mul3A_517, %add3A_544 : i32
      %multiple_of3A_546 = tpu.assume_multiple %add3A_545, 128 : i32
      %dma_start3A_547 = arith.constant 0 : i32
      %dma_start3A_548 = arith.constant 256 : i32
      %dma_start3A_549 = tpu.memref_slice %arg9[%dma_start3A_547, %dma_start3A_548] : memref<32x1024xf32, #tpu.memory_space<vmem>> -> memref<32x128xf32, #tpu.memory_space<vmem>>
      %dma_start3A_550 = arith.constant 0 : i32
      %dma_start3A_551 = tpu.memref_slice %arg4[%dma_start3A_550, %multiple_of3A_546] : memref<32x1000000xf32, #tpu.memory_space<hbm>> -> memref<32x128xf32, #tpu.memory_space<hbm>>
      %dma_start3A_552 = arith.constant 0 : i32
      %dma_start3A_553 = arith.constant 256 : i32
      %dma_start3A_554 = tpu.memref_slice %arg9[%dma_start3A_552, %dma_start3A_553] : memref<32x1024xf32, #tpu.memory_space<vmem>> -> memref<32x128xf32, #tpu.memory_space<vmem>>
      %dma_start3A_555 = arith.constant 0 : i32
      %dma_start3A_556 = tpu.memref_slice %arg4[%dma_start3A_555, %multiple_of3A_546] : memref<32x1000000xf32, #tpu.memory_space<hbm>> -> memref<32x128xf32, #tpu.memory_space<hbm>>
      tpu.enqueue_dma source(%dma_start3A_556 : memref<32x128xf32, #tpu.memory_space<hbm>>) target(%dma_start3A_554 : memref<32x128xf32, #tpu.memory_space<vmem>>) target_semaphore(%arg16 : memref<!tpu.dma_semaphore, #tpu.memory_space<semaphore_mem>>)
      %add3A_557 = arith.constant 384 : i32
      %add3A_558 = arith.addi %mul3A_517, %add3A_557 : i32
      %multiple_of3A_559 = tpu.assume_multiple %add3A_558, 128 : i32
      %dma_start3A_560 = arith.constant 0 : i32
      %dma_start3A_561 = arith.constant 384 : i32
      %dma_start3A_562 = tpu.memref_slice %arg9[%dma_start3A_560, %dma_start3A_561] : memref<32x1024xf32, #tpu.memory_space<vmem>> -> memref<32x128xf32, #tpu.memory_space<vmem>>
      %dma_start3A_563 = arith.constant 0 : i32
      %dma_start3A_564 = tpu.memref_slice %arg4[%dma_start3A_563, %multiple_of3A_559] : memref<32x1000000xf32, #tpu.memory_space<hbm>> -> memref<32x128xf32, #tpu.memory_space<hbm>>
      %dma_start3A_565 = arith.constant 0 : i32
      %dma_start3A_566 = arith.constant 384 : i32
      %dma_start3A_567 = tpu.memref_slice %arg9[%dma_start3A_565, %dma_start3A_566] : memref<32x1024xf32, #tpu.memory_space<vmem>> -> memref<32x128xf32, #tpu.memory_space<vmem>>
      %dma_start3A_568 = arith.constant 0 : i32
      %dma_start3A_569 = tpu.memref_slice %arg4[%dma_start3A_568, %multiple_of3A_559] : memref<32x1000000xf32, #tpu.memory_space<hbm>> -> memref<32x128xf32, #tpu.memory_space<hbm>>
      tpu.enqueue_dma source(%dma_start3A_569 : memref<32x128xf32, #tpu.memory_space<hbm>>) target(%dma_start3A_567 : memref<32x128xf32, #tpu.memory_space<vmem>>) target_semaphore(%arg16 : memref<!tpu.dma_semaphore, #tpu.memory_space<semaphore_mem>>)
      %add3A_570 = arith.constant 512 : i32
      %add3A_571 = arith.addi %mul3A_517, %add3A_570 : i32
      %multiple_of3A_572 = tpu.assume_multiple %add3A_571, 128 : i32
      %dma_start3A_573 = arith.constant 0 : i32
      %dma_start3A_574 = arith.constant 512 : i32
      %dma_start3A_575 = tpu.memref_slice %arg9[%dma_start3A_573, %dma_start3A_574] : memref<32x1024xf32, #tpu.memory_space<vmem>> -> memref<32x128xf32, #tpu.memory_space<vmem>>
      %dma_start3A_576 = arith.constant 0 : i32
      %dma_start3A_577 = tpu.memref_slice %arg4[%dma_start3A_576, %multiple_of3A_572] : memref<32x1000000xf32, #tpu.memory_space<hbm>> -> memref<32x128xf32, #tpu.memory_space<hbm>>
      %dma_start3A_578 = arith.constant 0 : i32
      %dma_start3A_579 = arith.constant 512 : i32
      %dma_start3A_580 = tpu.memref_slice %arg9[%dma_start3A_578, %dma_start3A_579] : memref<32x1024xf32, #tpu.memory_space<vmem>> -> memref<32x128xf32, #tpu.memory_space<vmem>>
      %dma_start3A_581 = arith.constant 0 : i32
      %dma_start3A_582 = tpu.memref_slice %arg4[%dma_start3A_581, %multiple_of3A_572] : memref<32x1000000xf32, #tpu.memory_space<hbm>> -> memref<32x128xf32, #tpu.memory_space<hbm>>
      tpu.enqueue_dma source(%dma_start3A_582 : memref<32x128xf32, #tpu.memory_space<hbm>>) target(%dma_start3A_580 : memref<32x128xf32, #tpu.memory_space<vmem>>) target_semaphore(%arg16 : memref<!tpu.dma_semaphore, #tpu.memory_space<semaphore_mem>>)
      %add3A_583 = arith.constant 640 : i32
      %add3A_584 = arith.addi %mul3A_517, %add3A_583 : i32
      %multiple_of3A_585 = tpu.assume_multiple %add3A_584, 128 : i32
      %dma_start3A_586 = arith.constant 0 : i32
      %dma_start3A_587 = arith.constant 640 : i32
      %dma_start3A_588 = tpu.memref_slice %arg9[%dma_start3A_586, %dma_start3A_587] : memref<32x1024xf32, #tpu.memory_space<vmem>> -> memref<32x128xf32, #tpu.memory_space<vmem>>
      %dma_start3A_589 = arith.constant 0 : i32
      %dma_start3A_590 = tpu.memref_slice %arg4[%dma_start3A_589, %multiple_of3A_585] : memref<32x1000000xf32, #tpu.memory_space<hbm>> -> memref<32x128xf32, #tpu.memory_space<hbm>>
      %dma_start3A_591 = arith.constant 0 : i32
      %dma_start3A_592 = arith.constant 640 : i32
      %dma_start3A_593 = tpu.memref_slice %arg9[%dma_start3A_591, %dma_start3A_592] : memref<32x1024xf32, #tpu.memory_space<vmem>> -> memref<32x128xf32, #tpu.memory_space<vmem>>
      %dma_start3A_594 = arith.constant 0 : i32
      %dma_start3A_595 = tpu.memref_slice %arg4[%dma_start3A_594, %multiple_of3A_585] : memref<32x1000000xf32, #tpu.memory_space<hbm>> -> memref<32x128xf32, #tpu.memory_space<hbm>>
      tpu.enqueue_dma source(%dma_start3A_595 : memref<32x128xf32, #tpu.memory_space<hbm>>) target(%dma_start3A_593 : memref<32x128xf32, #tpu.memory_space<vmem>>) target_semaphore(%arg16 : memref<!tpu.dma_semaphore, #tpu.memory_space<semaphore_mem>>)
      %add3A_596 = arith.constant 768 : i32
      %add3A_597 = arith.addi %mul3A_517, %add3A_596 : i32
      %multiple_of3A_598 = tpu.assume_multiple %add3A_597, 128 : i32
      %dma_start3A_599 = arith.constant 0 : i32
      %dma_start3A_600 = arith.constant 768 : i32
      %dma_start3A_601 = tpu.memref_slice %arg9[%dma_start3A_599, %dma_start3A_600] : memref<32x1024xf32, #tpu.memory_space<vmem>> -> memref<32x128xf32, #tpu.memory_space<vmem>>
      %dma_start3A_602 = arith.constant 0 : i32
      %dma_start3A_603 = tpu.memref_slice %arg4[%dma_start3A_602, %multiple_of3A_598] : memref<32x1000000xf32, #tpu.memory_space<hbm>> -> memref<32x128xf32, #tpu.memory_space<hbm>>
      %dma_start3A_604 = arith.constant 0 : i32
      %dma_start3A_605 = arith.constant 768 : i32
      %dma_start3A_606 = tpu.memref_slice %arg9[%dma_start3A_604, %dma_start3A_605] : memref<32x1024xf32, #tpu.memory_space<vmem>> -> memref<32x128xf32, #tpu.memory_space<vmem>>
      %dma_start3A_607 = arith.constant 0 : i32
      %dma_start3A_608 = tpu.memref_slice %arg4[%dma_start3A_607, %multiple_of3A_598] : memref<32x1000000xf32, #tpu.memory_space<hbm>> -> memref<32x128xf32, #tpu.memory_space<hbm>>
      tpu.enqueue_dma source(%dma_start3A_608 : memref<32x128xf32, #tpu.memory_space<hbm>>) target(%dma_start3A_606 : memref<32x128xf32, #tpu.memory_space<vmem>>) target_semaphore(%arg16 : memref<!tpu.dma_semaphore, #tpu.memory_space<semaphore_mem>>)
      %add3A_609 = arith.constant 896 : i32
      %add3A_610 = arith.addi %mul3A_517, %add3A_609 : i32
      %multiple_of3A_611 = tpu.assume_multiple %add3A_610, 128 : i32
      %dma_start3A_612 = arith.constant 0 : i32
      %dma_start3A_613 = arith.constant 896 : i32
      %dma_start3A_614 = tpu.memref_slice %arg9[%dma_start3A_612, %dma_start3A_613] : memref<32x1024xf32, #tpu.memory_space<vmem>> -> memref<32x128xf32, #tpu.memory_space<vmem>>
      %dma_start3A_615 = arith.constant 0 : i32
      %dma_start3A_616 = tpu.memref_slice %arg4[%dma_start3A_615, %multiple_of3A_611] : memref<32x1000000xf32, #tpu.memory_space<hbm>> -> memref<32x128xf32, #tpu.memory_space<hbm>>
      %dma_start3A_617 = arith.constant 0 : i32
      %dma_start3A_618 = arith.constant 896 : i32
      %dma_start3A_619 = tpu.memref_slice %arg9[%dma_start3A_617, %dma_start3A_618] : memref<32x1024xf32, #tpu.memory_space<vmem>> -> memref<32x128xf32, #tpu.memory_space<vmem>>
      %dma_start3A_620 = arith.constant 0 : i32
      %dma_start3A_621 = tpu.memref_slice %arg4[%dma_start3A_620, %multiple_of3A_611] : memref<32x1000000xf32, #tpu.memory_space<hbm>> -> memref<32x128xf32, #tpu.memory_space<hbm>>
      tpu.enqueue_dma source(%dma_start3A_621 : memref<32x128xf32, #tpu.memory_space<hbm>>) target(%dma_start3A_619 : memref<32x128xf32, #tpu.memory_space<vmem>>) target_semaphore(%arg16 : memref<!tpu.dma_semaphore, #tpu.memory_space<semaphore_mem>>)
      %dma_wait3A_622 = arith.constant 0 : i32
      %dma_wait3A_623 = arith.constant 0 : i32
      %dma_wait3A_624 = tpu.memref_slice %arg8[%dma_wait3A_622, %dma_wait3A_623] : memref<32x1024xf32, #tpu.memory_space<vmem>> -> memref<32x128xf32, #tpu.memory_space<vmem>>
      %dma_wait3A_625 = arith.constant 0 : i32
      %dma_wait3A_626 = arith.constant 0 : i32
      %dma_wait3A_627 = tpu.memref_slice %arg4[%dma_wait3A_625, %dma_wait3A_626] : memref<32x1000000xf32, #tpu.memory_space<hbm>> -> memref<32x128xf32, #tpu.memory_space<hbm>>
      %dma_wait3A_628 = arith.constant 0 : i32
      %dma_wait3A_629 = arith.constant 0 : i32
      %dma_wait3A_630 = tpu.memref_slice %arg8[%dma_wait3A_628, %dma_wait3A_629] : memref<32x1024xf32, #tpu.memory_space<vmem>> -> memref<32x128xf32, #tpu.memory_space<vmem>>
      %dma_wait3A_631 = arith.constant 0 : i32
      %dma_wait3A_632 = arith.constant 0 : i32
      %dma_wait3A_633 = tpu.memref_slice %arg4[%dma_wait3A_631, %dma_wait3A_632] : memref<32x1000000xf32, #tpu.memory_space<hbm>> -> memref<32x128xf32, #tpu.memory_space<hbm>>
      tpu.wait_dma2 semaphore(%arg15 : memref<!tpu.dma_semaphore, #tpu.memory_space<semaphore_mem>>) src(%dma_wait3A_633 : memref<32x128xf32, #tpu.memory_space<hbm>>) dst(%dma_wait3A_630 : memref<32x128xf32, #tpu.memory_space<vmem>>)
      %dma_wait3A_634 = arith.constant 0 : i32
      %dma_wait3A_635 = arith.constant 128 : i32
      %dma_wait3A_636 = tpu.memref_slice %arg8[%dma_wait3A_634, %dma_wait3A_635] : memref<32x1024xf32, #tpu.memory_space<vmem>> -> memref<32x128xf32, #tpu.memory_space<vmem>>
      %dma_wait3A_637 = arith.constant 0 : i32
      %dma_wait3A_638 = arith.constant 0 : i32
      %dma_wait3A_639 = tpu.memref_slice %arg4[%dma_wait3A_637, %dma_wait3A_638] : memref<32x1000000xf32, #tpu.memory_space<hbm>> -> memref<32x128xf32, #tpu.memory_space<hbm>>
      %dma_wait3A_640 = arith.constant 0 : i32
      %dma_wait3A_641 = arith.constant 128 : i32
      %dma_wait3A_642 = tpu.memref_slice %arg8[%dma_wait3A_640, %dma_wait3A_641] : memref<32x1024xf32, #tpu.memory_space<vmem>> -> memref<32x128xf32, #tpu.memory_space<vmem>>
      %dma_wait3A_643 = arith.constant 0 : i32
      %dma_wait3A_644 = arith.constant 0 : i32
      %dma_wait3A_645 = tpu.memref_slice %arg4[%dma_wait3A_643, %dma_wait3A_644] : memref<32x1000000xf32, #tpu.memory_space<hbm>> -> memref<32x128xf32, #tpu.memory_space<hbm>>
      tpu.wait_dma2 semaphore(%arg15 : memref<!tpu.dma_semaphore, #tpu.memory_space<semaphore_mem>>) src(%dma_wait3A_645 : memref<32x128xf32, #tpu.memory_space<hbm>>) dst(%dma_wait3A_642 : memref<32x128xf32, #tpu.memory_space<vmem>>)
      %dma_wait3A_646 = arith.constant 0 : i32
      %dma_wait3A_647 = arith.constant 256 : i32
      %dma_wait3A_648 = tpu.memref_slice %arg8[%dma_wait3A_646, %dma_wait3A_647] : memref<32x1024xf32, #tpu.memory_space<vmem>> -> memref<32x128xf32, #tpu.memory_space<vmem>>
      %dma_wait3A_649 = arith.constant 0 : i32
      %dma_wait3A_650 = arith.constant 0 : i32
      %dma_wait3A_651 = tpu.memref_slice %arg4[%dma_wait3A_649, %dma_wait3A_650] : memref<32x1000000xf32, #tpu.memory_space<hbm>> -> memref<32x128xf32, #tpu.memory_space<hbm>>
      %dma_wait3A_652 = arith.constant 0 : i32
      %dma_wait3A_653 = arith.constant 256 : i32
      %dma_wait3A_654 = tpu.memref_slice %arg8[%dma_wait3A_652, %dma_wait3A_653] : memref<32x1024xf32, #tpu.memory_space<vmem>> -> memref<32x128xf32, #tpu.memory_space<vmem>>
      %dma_wait3A_655 = arith.constant 0 : i32
      %dma_wait3A_656 = arith.constant 0 : i32
      %dma_wait3A_657 = tpu.memref_slice %arg4[%dma_wait3A_655, %dma_wait3A_656] : memref<32x1000000xf32, #tpu.memory_space<hbm>> -> memref<32x128xf32, #tpu.memory_space<hbm>>
      tpu.wait_dma2 semaphore(%arg15 : memref<!tpu.dma_semaphore, #tpu.memory_space<semaphore_mem>>) src(%dma_wait3A_657 : memref<32x128xf32, #tpu.memory_space<hbm>>) dst(%dma_wait3A_654 : memref<32x128xf32, #tpu.memory_space<vmem>>)
      %dma_wait3A_658 = arith.constant 0 : i32
      %dma_wait3A_659 = arith.constant 384 : i32
      %dma_wait3A_660 = tpu.memref_slice %arg8[%dma_wait3A_658, %dma_wait3A_659] : memref<32x1024xf32, #tpu.memory_space<vmem>> -> memref<32x128xf32, #tpu.memory_space<vmem>>
      %dma_wait3A_661 = arith.constant 0 : i32
      %dma_wait3A_662 = arith.constant 0 : i32
      %dma_wait3A_663 = tpu.memref_slice %arg4[%dma_wait3A_661, %dma_wait3A_662] : memref<32x1000000xf32, #tpu.memory_space<hbm>> -> memref<32x128xf32, #tpu.memory_space<hbm>>
      %dma_wait3A_664 = arith.constant 0 : i32
      %dma_wait3A_665 = arith.constant 384 : i32
      %dma_wait3A_666 = tpu.memref_slice %arg8[%dma_wait3A_664, %dma_wait3A_665] : memref<32x1024xf32, #tpu.memory_space<vmem>> -> memref<32x128xf32, #tpu.memory_space<vmem>>
      %dma_wait3A_667 = arith.constant 0 : i32
      %dma_wait3A_668 = arith.constant 0 : i32
      %dma_wait3A_669 = tpu.memref_slice %arg4[%dma_wait3A_667, %dma_wait3A_668] : memref<32x1000000xf32, #tpu.memory_space<hbm>> -> memref<32x128xf32, #tpu.memory_space<hbm>>
      tpu.wait_dma2 semaphore(%arg15 : memref<!tpu.dma_semaphore, #tpu.memory_space<semaphore_mem>>) src(%dma_wait3A_669 : memref<32x128xf32, #tpu.memory_space<hbm>>) dst(%dma_wait3A_666 : memref<32x128xf32, #tpu.memory_space<vmem>>)
      %dma_wait3A_670 = arith.constant 0 : i32
      %dma_wait3A_671 = arith.constant 512 : i32
      %dma_wait3A_672 = tpu.memref_slice %arg8[%dma_wait3A_670, %dma_wait3A_671] : memref<32x1024xf32, #tpu.memory_space<vmem>> -> memref<32x128xf32, #tpu.memory_space<vmem>>
      %dma_wait3A_673 = arith.constant 0 : i32
      %dma_wait3A_674 = arith.constant 0 : i32
      %dma_wait3A_675 = tpu.memref_slice %arg4[%dma_wait3A_673, %dma_wait3A_674] : memref<32x1000000xf32, #tpu.memory_space<hbm>> -> memref<32x128xf32, #tpu.memory_space<hbm>>
      %dma_wait3A_676 = arith.constant 0 : i32
      %dma_wait3A_677 = arith.constant 512 : i32
      %dma_wait3A_678 = tpu.memref_slice %arg8[%dma_wait3A_676, %dma_wait3A_677] : memref<32x1024xf32, #tpu.memory_space<vmem>> -> memref<32x128xf32, #tpu.memory_space<vmem>>
      %dma_wait3A_679 = arith.constant 0 : i32
      %dma_wait3A_680 = arith.constant 0 : i32
      %dma_wait3A_681 = tpu.memref_slice %arg4[%dma_wait3A_679, %dma_wait3A_680] : memref<32x1000000xf32, #tpu.memory_space<hbm>> -> memref<32x128xf32, #tpu.memory_space<hbm>>
      tpu.wait_dma2 semaphore(%arg15 : memref<!tpu.dma_semaphore, #tpu.memory_space<semaphore_mem>>) src(%dma_wait3A_681 : memref<32x128xf32, #tpu.memory_space<hbm>>) dst(%dma_wait3A_678 : memref<32x128xf32, #tpu.memory_space<vmem>>)
      %dma_wait3A_682 = arith.constant 0 : i32
      %dma_wait3A_683 = arith.constant 640 : i32
      %dma_wait3A_684 = tpu.memref_slice %arg8[%dma_wait3A_682, %dma_wait3A_683] : memref<32x1024xf32, #tpu.memory_space<vmem>> -> memref<32x128xf32, #tpu.memory_space<vmem>>
      %dma_wait3A_685 = arith.constant 0 : i32
      %dma_wait3A_686 = arith.constant 0 : i32
      %dma_wait3A_687 = tpu.memref_slice %arg4[%dma_wait3A_685, %dma_wait3A_686] : memref<32x1000000xf32, #tpu.memory_space<hbm>> -> memref<32x128xf32, #tpu.memory_space<hbm>>
      %dma_wait3A_688 = arith.constant 0 : i32
      %dma_wait3A_689 = arith.constant 640 : i32
      %dma_wait3A_690 = tpu.memref_slice %arg8[%dma_wait3A_688, %dma_wait3A_689] : memref<32x1024xf32, #tpu.memory_space<vmem>> -> memref<32x128xf32, #tpu.memory_space<vmem>>
      %dma_wait3A_691 = arith.constant 0 : i32
      %dma_wait3A_692 = arith.constant 0 : i32
      %dma_wait3A_693 = tpu.memref_slice %arg4[%dma_wait3A_691, %dma_wait3A_692] : memref<32x1000000xf32, #tpu.memory_space<hbm>> -> memref<32x128xf32, #tpu.memory_space<hbm>>
      tpu.wait_dma2 semaphore(%arg15 : memref<!tpu.dma_semaphore, #tpu.memory_space<semaphore_mem>>) src(%dma_wait3A_693 : memref<32x128xf32, #tpu.memory_space<hbm>>) dst(%dma_wait3A_690 : memref<32x128xf32, #tpu.memory_space<vmem>>)
      %dma_wait3A_694 = arith.constant 0 : i32
      %dma_wait3A_695 = arith.constant 768 : i32
      %dma_wait3A_696 = tpu.memref_slice %arg8[%dma_wait3A_694, %dma_wait3A_695] : memref<32x1024xf32, #tpu.memory_space<vmem>> -> memref<32x128xf32, #tpu.memory_space<vmem>>
      %dma_wait3A_697 = arith.constant 0 : i32
      %dma_wait3A_698 = arith.constant 0 : i32
      %dma_wait3A_699 = tpu.memref_slice %arg4[%dma_wait3A_697, %dma_wait3A_698] : memref<32x1000000xf32, #tpu.memory_space<hbm>> -> memref<32x128xf32, #tpu.memory_space<hbm>>
      %dma_wait3A_700 = arith.constant 0 : i32
      %dma_wait3A_701 = arith.constant 768 : i32
      %dma_wait3A_702 = tpu.memref_slice %arg8[%dma_wait3A_700, %dma_wait3A_701] : memref<32x1024xf32, #tpu.memory_space<vmem>> -> memref<32x128xf32, #tpu.memory_space<vmem>>
      %dma_wait3A_703 = arith.constant 0 : i32
      %dma_wait3A_704 = arith.constant 0 : i32
      %dma_wait3A_705 = tpu.memref_slice %arg4[%dma_wait3A_703, %dma_wait3A_704] : memref<32x1000000xf32, #tpu.memory_space<hbm>> -> memref<32x128xf32, #tpu.memory_space<hbm>>
      tpu.wait_dma2 semaphore(%arg15 : memref<!tpu.dma_semaphore, #tpu.memory_space<semaphore_mem>>) src(%dma_wait3A_705 : memref<32x128xf32, #tpu.memory_space<hbm>>) dst(%dma_wait3A_702 : memref<32x128xf32, #tpu.memory_space<vmem>>)
      %dma_wait3A_706 = arith.constant 0 : i32
      %dma_wait3A_707 = arith.constant 896 : i32
      %dma_wait3A_708 = tpu.memref_slice %arg8[%dma_wait3A_706, %dma_wait3A_707] : memref<32x1024xf32, #tpu.memory_space<vmem>> -> memref<32x128xf32, #tpu.memory_space<vmem>>
      %dma_wait3A_709 = arith.constant 0 : i32
      %dma_wait3A_710 = arith.constant 0 : i32
      %dma_wait3A_711 = tpu.memref_slice %arg4[%dma_wait3A_709, %dma_wait3A_710] : memref<32x1000000xf32, #tpu.memory_space<hbm>> -> memref<32x128xf32, #tpu.memory_space<hbm>>
      %dma_wait3A_712 = arith.constant 0 : i32
      %dma_wait3A_713 = arith.constant 896 : i32
      %dma_wait3A_714 = tpu.memref_slice %arg8[%dma_wait3A_712, %dma_wait3A_713] : memref<32x1024xf32, #tpu.memory_space<vmem>> -> memref<32x128xf32, #tpu.memory_space<vmem>>
      %dma_wait3A_715 = arith.constant 0 : i32
      %dma_wait3A_716 = arith.constant 0 : i32
      %dma_wait3A_717 = tpu.memref_slice %arg4[%dma_wait3A_715, %dma_wait3A_716] : memref<32x1000000xf32, #tpu.memory_space<hbm>> -> memref<32x128xf32, #tpu.memory_space<hbm>>
      tpu.wait_dma2 semaphore(%arg15 : memref<!tpu.dma_semaphore, #tpu.memory_space<semaphore_mem>>) src(%dma_wait3A_717 : memref<32x128xf32, #tpu.memory_space<hbm>>) dst(%dma_wait3A_714 : memref<32x128xf32, #tpu.memory_space<vmem>>)
      %mul3A_718 = arith.constant 2 : i32
      %mul3A_719 = arith.muli %mul3A_718, %scan3A_496 : i32
      %mul3A_720 = arith.constant 781 : i32
      %mul3A_721 = arith.muli %mul3A_719, %mul3A_720 : i32
      %min3A_722 = arith.constant 10 : i32
      %min3A_723 = arith.minsi %mul3A_719, %min3A_722 : i32
      %add3A_724 = arith.addi %mul3A_721, %min3A_723 : i32
      %lt3A_725 = arith.constant 10 : i32
      %lt3A_726 = arith.cmpi slt, %mul3A_719, %lt3A_725 : i32
      %convert_element_type3A_727 = arith.extui %lt3A_726 : i1 to i32
      %add3A_728 = arith.constant 781 : i32
      %add3A_729 = arith.addi %add3A_728, %convert_element_type3A_727 : i32
      %add3A_730 = arith.addi %mul3A_6, %add3A_724 : i32
      %shift_right_logical3A_731 = arith.constant 7 : i32
      %shift_right_logical3A_732 = arith.shrui %add3A_730, %shift_right_logical3A_731 : i32
      %min3A_733 = arith.constant 7804 : i32
      %min3A_734 = arith.minsi %shift_right_logical3A_732, %min3A_733 : i32
      %mul3A_735 = arith.constant 128 : i32
      %mul3A_736 = arith.muli %min3A_734, %mul3A_735 : i32
      %add3A_737 = arith.addi %add3A_724, %add3A_729 : i32
      %sub3A = arith.subi %min3A_9, %mul3A_6 : i32
      %min3A_738 = arith.minsi %add3A_737, %sub3A : i32
      %while3A = arith.constant 0 : i32
      %while3A_739 = arith.constant 0 : i32
      %while3A_740 = arith.subi %shift_right_logical3A_22, %while3A : i32
      %while3A_741 = arith.addi %while3A, %while3A_740 : i32
      %while3A_742 = arith.constant 1 : i32
      %while3A_743 = arith.divsi %while3A_740, %while3A_742 : i32
      %while3A_744 = arith.muli %while3A_743, %while3A_742 : i32
      %while3A_745 = arith.addi %while3A, %while3A_744 : i32
      %while3A_746 = arith.constant 1 : i32
      %while3A_747 = scf.for %while3A_1037 = %while3A to %while3A_745 step %while3A_746 iter_args(%while3A_1038 = %while3A_739) -> (i32)  : i32 {
        %mul3A_1039 = arith.constant 16 : i32
        %mul3A_1040 = arith.muli %while3A_1037, %mul3A_1039 : i32
        %get3A = arith.index_cast %mul3A_1040 : i32 to index
        %get3A_1041 = tpu.vector_load %arg10[%get3A] {strides = array<i32>} : memref<16400xi32, #tpu.memory_space<vmem>>, vector<16xi32>,
        %shift_right_logical3A_1042 = arith.constant 14 : i32
        %shift_right_logical3A_1043 = vector.broadcast %shift_right_logical3A_1042 : i32 to vector<16xi32>
        %shift_right_logical3A_1044 = arith.shrui %get3A_1041, %shift_right_logical3A_1043 : vector<16xi32>
        %mul3A_1045 = arith.constant 16 : i32
        %mul3A_1046 = arith.muli %while3A_1037, %mul3A_1045 : i32
        %add3A_1047 = vector.broadcast %mul3A_1046 : i32 to vector<16xi32>
        %add3A_1048 = arith.addi %add3A_1047, %iota3A_4 : vector<16xi32>
        %lt3A_1049 = vector.broadcast %scan3A_18 : i32 to vector<16xi32>
        %lt3A_1050 = arith.cmpi slt, %add3A_1048, %lt3A_1049 : vector<16xi32>
        %ge3A = vector.broadcast %add3A_724 : i32 to vector<16xi32>
        %ge3A_1051 = arith.cmpi sge, %shift_right_logical3A_1044, %ge3A : vector<16xi32>
        %and3A = arith.andi %lt3A_1050, %ge3A_1051 : vector<16xi1>
        %lt3A_1052 = vector.broadcast %min3A_738 : i32 to vector<16xi32>
        %lt3A_1053 = arith.cmpi slt, %shift_right_logical3A_1044, %lt3A_1052 : vector<16xi32>
        %and3A_1054 = arith.andi %and3A, %lt3A_1053 : vector<16xi1>
        %swap3A = arith.index_cast %while3A_1038 : i32 to index
        %swap3A_1055 = tpu.vector_load %arg11[%swap3A] masked %and3A_1054 {strides = array<i32>} : memref<16400xi32, #tpu.memory_space<vmem>>, vector<16xi32>, vector<16xi1>
        tpu.vector_store %arg11[%swap3A], %get3A_1041 masked %and3A_1054 {strides = array<i32>} : memref<16400xi32, #tpu.memory_space<vmem>>, vector<16xi32>, vector<16xi1>
        %all_reduce_population_count3A = tpu.all_reduce %and3A_1054 {dim = 0 : i64, kind = #tpu.reduction_kind<sum>} : vector<16xi1> -> vector<16xi32>
        %slice3A = vector.extract_strided_slice %all_reduce_population_count3A {offsets = [0], sizes = [1], strides = [1]} : vector<16xi32> to vector<1xi32>
        %squeeze3A = vector.extract %slice3A[0] : i32 from vector<1xi32>
        %add3A_1056 = arith.addi %while3A_1038, %squeeze3A : i32
        scf.yield %add3A_1056 : i32
      }
      %while3A_748 = arith.constant 1 : i32
      %while3A_749 = scf.for %while3A_1037 = %while3A_745 to %while3A_741 step %while3A_748 iter_args(%while3A_1038 = %while3A_747) -> (i32)  : i32 {
        %mul3A_1039 = arith.constant 16 : i32
        %mul3A_1040 = arith.muli %while3A_1037, %mul3A_1039 : i32
        %get3A = arith.index_cast %mul3A_1040 : i32 to index
        %get3A_1041 = tpu.vector_load %arg10[%get3A] {strides = array<i32>} : memref<16400xi32, #tpu.memory_space<vmem>>, vector<16xi32>,
        %shift_right_logical3A_1042 = arith.constant 14 : i32
        %shift_right_logical3A_1043 = vector.broadcast %shift_right_logical3A_1042 : i32 to vector<16xi32>
        %shift_right_logical3A_1044 = arith.shrui %get3A_1041, %shift_right_logical3A_1043 : vector<16xi32>
        %mul3A_1045 = arith.constant 16 : i32
        %mul3A_1046 = arith.muli %while3A_1037, %mul3A_1045 : i32
        %add3A_1047 = vector.broadcast %mul3A_1046 : i32 to vector<16xi32>
        %add3A_1048 = arith.addi %add3A_1047, %iota3A_4 : vector<16xi32>
        %lt3A_1049 = vector.broadcast %scan3A_18 : i32 to vector<16xi32>
        %lt3A_1050 = arith.cmpi slt, %add3A_1048, %lt3A_1049 : vector<16xi32>
        %ge3A = vector.broadcast %add3A_724 : i32 to vector<16xi32>
        %ge3A_1051 = arith.cmpi sge, %shift_right_logical3A_1044, %ge3A : vector<16xi32>
        %and3A = arith.andi %lt3A_1050, %ge3A_1051 : vector<16xi1>
        %lt3A_1052 = vector.broadcast %min3A_738 : i32 to vector<16xi32>
        %lt3A_1053 = arith.cmpi slt, %shift_right_logical3A_1044, %lt3A_1052 : vector<16xi32>
        %and3A_1054 = arith.andi %and3A, %lt3A_1053 : vector<16xi1>
        %swap3A = arith.index_cast %while3A_1038 : i32 to index
        %swap3A_1055 = tpu.vector_load %arg11[%swap3A] masked %and3A_1054 {strides = array<i32>} : memref<16400xi32, #tpu.memory_space<vmem>>, vector<16xi32>, vector<16xi1>
        tpu.vector_store %arg11[%swap3A], %get3A_1041 masked %and3A_1054 {strides = array<i32>} : memref<16400xi32, #tpu.memory_space<vmem>>, vector<16xi32>, vector<16xi1>
        %all_reduce_population_count3A = tpu.all_reduce %and3A_1054 {dim = 0 : i64, kind = #tpu.reduction_kind<sum>} : vector<16xi1> -> vector<16xi32>
        %slice3A = vector.extract_strided_slice %all_reduce_population_count3A {offsets = [0], sizes = [1], strides = [1]} : vector<16xi32> to vector<1xi32>
        %squeeze3A = vector.extract %slice3A[0] : i32 from vector<1xi32>
        %add3A_1056 = arith.addi %while3A_1038, %squeeze3A : i32
        scf.yield %add3A_1056 : i32
      }
      %add3A_750 = arith.constant 15 : i32
      %add3A_751 = arith.addi %while3A_749, %add3A_750 : i32
      %shift_right_logical3A_752 = arith.constant 4 : i32
      %shift_right_logical3A_753 = arith.shrui %add3A_751, %shift_right_logical3A_752 : i32
      %while3A_754 = arith.constant 0 : i32
      %while3A_755 = arith.constant 0 : i32
      %while3A_756 = arith.subi %shift_right_logical3A_753, %while3A_755 : i32
      %while3A_757 = arith.addi %while3A_755, %while3A_756 : i32
      %while3A_758 = arith.constant 1 : i32
      %while3A_759 = arith.divsi %while3A_756, %while3A_758 : i32
      %while3A_760 = arith.muli %while3A_759, %while3A_758 : i32
      %while3A_761 = arith.addi %while3A_755, %while3A_760 : i32
      %while3A_762 = arith.constant 1 : i32
      scf.for %while3A_1037 = %while3A_755 to %while3A_761 step %while3A_762  : i32 {
        %mul3A_1038 = arith.constant 16 : i32
        %mul3A_1039 = arith.muli %while3A_1037, %mul3A_1038 : i32
        %get3A = arith.index_cast %mul3A_1039 : i32 to index
        %get3A_1040 = tpu.vector_load %arg11[%get3A] {strides = array<i32>} : memref<16400xi32, #tpu.memory_space<vmem>>, vector<16xi32>,
        %and3A = arith.constant 16383 : i32
        %and3A_1041 = vector.broadcast %and3A : i32 to vector<16xi32>
        %and3A_1042 = arith.andi %get3A_1040, %and3A_1041 : vector<16xi32>
        %mul3A_1043 = arith.constant 16 : i32
        %mul3A_1044 = arith.muli %while3A_1037, %mul3A_1043 : i32
        %add3A_1045 = vector.broadcast %mul3A_1044 : i32 to vector<16xi32>
        %add3A_1046 = arith.addi %add3A_1045, %iota3A_4 : vector<16xi32>
        %lt3A_1047 = vector.broadcast %while3A_749 : i32 to vector<16xi32>
        %lt3A_1048 = arith.cmpi slt, %add3A_1046, %lt3A_1047 : vector<16xi32>
        %add3A_1049 = vector.broadcast %add3A_13 : i32 to vector<16xi32>
        %add3A_1050 = arith.addi %add3A_1049, %iota3A_4 : vector<16xi32>
        %select_n3A = arith.select %lt3A_1048, %and3A_1042, %add3A_1050 : vector<16xi1>, vector<16xi32>
        %swap3A = arith.constant 0 : index
        %swap3A_1051 = tpu.vector_load %arg13[%swap3A] {strides = array<i32>} : memref<16xi32, #tpu.memory_space<vmem>>, vector<16xi32>,
        tpu.vector_store %arg13[%swap3A], %select_n3A {strides = array<i32>} : memref<16xi32, #tpu.memory_space<vmem>>, vector<16xi32>,
        %shift_right_logical3A_1052 = arith.constant 14 : i32
        %shift_right_logical3A_1053 = vector.broadcast %shift_right_logical3A_1052 : i32 to vector<16xi32>
        %shift_right_logical3A_1054 = arith.shrui %get3A_1040, %shift_right_logical3A_1053 : vector<16xi32>
        %add3A_1055 = vector.broadcast %mul3A_6 : i32 to vector<16xi32>
        %add3A_1056 = arith.addi %add3A_1055, %shift_right_logical3A_1054 : vector<16xi32>
        %sub3A_1057 = vector.broadcast %mul3A_736 : i32 to vector<16xi32>
        %sub3A_1058 = arith.subi %add3A_1056, %sub3A_1057 : vector<16xi32>
        %jit3A = arith.constant 0 : i32
        %jit3A_1059 = arith.constant 1023 : i32
        %max3A = vector.broadcast %jit3A : i32 to vector<16xi32>
        %max3A_1060 = arith.maxsi %max3A, %sub3A_1058 : vector<16xi32>
        %min3A_1061 = vector.broadcast %jit3A_1059 : i32 to vector<16xi32>
        %min3A_1062 = arith.minsi %min3A_1061, %max3A_1060 : vector<16xi32>
        %broadcast_in_dim3A = arith.constant 0 : i32
        %broadcast_in_dim3A_1063 = vector.broadcast %broadcast_in_dim3A : i32 to vector<16xi32>
        %gather3A = tpu.vector_load_idx %arg8[%broadcast_in_dim3A_1063, %min3A_1062] : memref<32x1024xf32, #tpu.memory_space<vmem>>[vector<16xi32>, vector<16xi32>], vector<16xf32>,
        tpu.vector_store_idx %arg12[%iota3A_4, %broadcast_in_dim3A_1063], %gather3A : memref<16x128xf32, #tpu.memory_space<vmem>>[vector<16xi32>, vector<16xi32>], vector<16xf32>,
        %broadcast_in_dim3A_1064 = arith.constant 1 : i32
        %broadcast_in_dim3A_1065 = vector.broadcast %broadcast_in_dim3A_1064 : i32 to vector<16xi32>
        %gather3A_1066 = tpu.vector_load_idx %arg8[%broadcast_in_dim3A_1065, %min3A_1062] : memref<32x1024xf32, #tpu.memory_space<vmem>>[vector<16xi32>, vector<16xi32>], vector<16xf32>,
        tpu.vector_store_idx %arg12[%iota3A_4, %broadcast_in_dim3A_1065], %gather3A_1066 : memref<16x128xf32, #tpu.memory_space<vmem>>[vector<16xi32>, vector<16xi32>], vector<16xf32>,
        %broadcast_in_dim3A_1067 = arith.constant 2 : i32
        %broadcast_in_dim3A_1068 = vector.broadcast %broadcast_in_dim3A_1067 : i32 to vector<16xi32>
        %gather3A_1069 = tpu.vector_load_idx %arg8[%broadcast_in_dim3A_1068, %min3A_1062] : memref<32x1024xf32, #tpu.memory_space<vmem>>[vector<16xi32>, vector<16xi32>], vector<16xf32>,
        tpu.vector_store_idx %arg12[%iota3A_4, %broadcast_in_dim3A_1068], %gather3A_1069 : memref<16x128xf32, #tpu.memory_space<vmem>>[vector<16xi32>, vector<16xi32>], vector<16xf32>,
        %broadcast_in_dim3A_1070 = arith.constant 3 : i32
        %broadcast_in_dim3A_1071 = vector.broadcast %broadcast_in_dim3A_1070 : i32 to vector<16xi32>
        %gather3A_1072 = tpu.vector_load_idx %arg8[%broadcast_in_dim3A_1071, %min3A_1062] : memref<32x1024xf32, #tpu.memory_space<vmem>>[vector<16xi32>, vector<16xi32>], vector<16xf32>,
        tpu.vector_store_idx %arg12[%iota3A_4, %broadcast_in_dim3A_1071], %gather3A_1072 : memref<16x128xf32, #tpu.memory_space<vmem>>[vector<16xi32>, vector<16xi32>], vector<16xf32>,
        %broadcast_in_dim3A_1073 = arith.constant 4 : i32
        %broadcast_in_dim3A_1074 = vector.broadcast %broadcast_in_dim3A_1073 : i32 to vector<16xi32>
        %gather3A_1075 = tpu.vector_load_idx %arg8[%broadcast_in_dim3A_1074, %min3A_1062] : memref<32x1024xf32, #tpu.memory_space<vmem>>[vector<16xi32>, vector<16xi32>], vector<16xf32>,
        tpu.vector_store_idx %arg12[%iota3A_4, %broadcast_in_dim3A_1074], %gather3A_1075 : memref<16x128xf32, #tpu.memory_space<vmem>>[vector<16xi32>, vector<16xi32>], vector<16xf32>,
        %broadcast_in_dim3A_1076 = arith.constant 5 : i32
        %broadcast_in_dim3A_1077 = vector.broadcast %broadcast_in_dim3A_1076 : i32 to vector<16xi32>
        %gather3A_1078 = tpu.vector_load_idx %arg8[%broadcast_in_dim3A_1077, %min3A_1062] : memref<32x1024xf32, #tpu.memory_space<vmem>>[vector<16xi32>, vector<16xi32>], vector<16xf32>,
        tpu.vector_store_idx %arg12[%iota3A_4, %broadcast_in_dim3A_1077], %gather3A_1078 : memref<16x128xf32, #tpu.memory_space<vmem>>[vector<16xi32>, vector<16xi32>], vector<16xf32>,
        %broadcast_in_dim3A_1079 = arith.constant 6 : i32
        %broadcast_in_dim3A_1080 = vector.broadcast %broadcast_in_dim3A_1079 : i32 to vector<16xi32>
        %gather3A_1081 = tpu.vector_load_idx %arg8[%broadcast_in_dim3A_1080, %min3A_1062] : memref<32x1024xf32, #tpu.memory_space<vmem>>[vector<16xi32>, vector<16xi32>], vector<16xf32>,
        tpu.vector_store_idx %arg12[%iota3A_4, %broadcast_in_dim3A_1080], %gather3A_1081 : memref<16x128xf32, #tpu.memory_space<vmem>>[vector<16xi32>, vector<16xi32>], vector<16xf32>,
        %broadcast_in_dim3A_1082 = arith.constant 7 : i32
        %broadcast_in_dim3A_1083 = vector.broadcast %broadcast_in_dim3A_1082 : i32 to vector<16xi32>
        %gather3A_1084 = tpu.vector_load_idx %arg8[%broadcast_in_dim3A_1083, %min3A_1062] : memref<32x1024xf32, #tpu.memory_space<vmem>>[vector<16xi32>, vector<16xi32>], vector<16xf32>,
        tpu.vector_store_idx %arg12[%iota3A_4, %broadcast_in_dim3A_1083], %gather3A_1084 : memref<16x128xf32, #tpu.memory_space<vmem>>[vector<16xi32>, vector<16xi32>], vector<16xf32>,
        %broadcast_in_dim3A_1085 = arith.constant 8 : i32
        %broadcast_in_dim3A_1086 = vector.broadcast %broadcast_in_dim3A_1085 : i32 to vector<16xi32>
        %gather3A_1087 = tpu.vector_load_idx %arg8[%broadcast_in_dim3A_1086, %min3A_1062] : memref<32x1024xf32, #tpu.memory_space<vmem>>[vector<16xi32>, vector<16xi32>], vector<16xf32>,
        tpu.vector_store_idx %arg12[%iota3A_4, %broadcast_in_dim3A_1086], %gather3A_1087 : memref<16x128xf32, #tpu.memory_space<vmem>>[vector<16xi32>, vector<16xi32>], vector<16xf32>,
        %broadcast_in_dim3A_1088 = arith.constant 9 : i32
        %broadcast_in_dim3A_1089 = vector.broadcast %broadcast_in_dim3A_1088 : i32 to vector<16xi32>
        %gather3A_1090 = tpu.vector_load_idx %arg8[%broadcast_in_dim3A_1089, %min3A_1062] : memref<32x1024xf32, #tpu.memory_space<vmem>>[vector<16xi32>, vector<16xi32>], vector<16xf32>,
        tpu.vector_store_idx %arg12[%iota3A_4, %broadcast_in_dim3A_1089], %gather3A_1090 : memref<16x128xf32, #tpu.memory_space<vmem>>[vector<16xi32>, vector<16xi32>], vector<16xf32>,
        %broadcast_in_dim3A_1091 = arith.constant 10 : i32
        %broadcast_in_dim3A_1092 = vector.broadcast %broadcast_in_dim3A_1091 : i32 to vector<16xi32>
        %gather3A_1093 = tpu.vector_load_idx %arg8[%broadcast_in_dim3A_1092, %min3A_1062] : memref<32x1024xf32, #tpu.memory_space<vmem>>[vector<16xi32>, vector<16xi32>], vector<16xf32>,
        tpu.vector_store_idx %arg12[%iota3A_4, %broadcast_in_dim3A_1092], %gather3A_1093 : memref<16x128xf32, #tpu.memory_space<vmem>>[vector<16xi32>, vector<16xi32>], vector<16xf32>,
        %broadcast_in_dim3A_1094 = arith.constant 11 : i32
        %broadcast_in_dim3A_1095 = vector.broadcast %broadcast_in_dim3A_1094 : i32 to vector<16xi32>
        %gather3A_1096 = tpu.vector_load_idx %arg8[%broadcast_in_dim3A_1095, %min3A_1062] : memref<32x1024xf32, #tpu.memory_space<vmem>>[vector<16xi32>, vector<16xi32>], vector<16xf32>,
        tpu.vector_store_idx %arg12[%iota3A_4, %broadcast_in_dim3A_1095], %gather3A_1096 : memref<16x128xf32, #tpu.memory_space<vmem>>[vector<16xi32>, vector<16xi32>], vector<16xf32>,
        %broadcast_in_dim3A_1097 = arith.constant 12 : i32
        %broadcast_in_dim3A_1098 = vector.broadcast %broadcast_in_dim3A_1097 : i32 to vector<16xi32>
        %gather3A_1099 = tpu.vector_load_idx %arg8[%broadcast_in_dim3A_1098, %min3A_1062] : memref<32x1024xf32, #tpu.memory_space<vmem>>[vector<16xi32>, vector<16xi32>], vector<16xf32>,
        tpu.vector_store_idx %arg12[%iota3A_4, %broadcast_in_dim3A_1098], %gather3A_1099 : memref<16x128xf32, #tpu.memory_space<vmem>>[vector<16xi32>, vector<16xi32>], vector<16xf32>,
        %broadcast_in_dim3A_1100 = arith.constant 13 : i32
        %broadcast_in_dim3A_1101 = vector.broadcast %broadcast_in_dim3A_1100 : i32 to vector<16xi32>
        %gather3A_1102 = tpu.vector_load_idx %arg8[%broadcast_in_dim3A_1101, %min3A_1062] : memref<32x1024xf32, #tpu.memory_space<vmem>>[vector<16xi32>, vector<16xi32>], vector<16xf32>,
        tpu.vector_store_idx %arg12[%iota3A_4, %broadcast_in_dim3A_1101], %gather3A_1102 : memref<16x128xf32, #tpu.memory_space<vmem>>[vector<16xi32>, vector<16xi32>], vector<16xf32>,
        %broadcast_in_dim3A_1103 = arith.constant 14 : i32
        %broadcast_in_dim3A_1104 = vector.broadcast %broadcast_in_dim3A_1103 : i32 to vector<16xi32>
        %gather3A_1105 = tpu.vector_load_idx %arg8[%broadcast_in_dim3A_1104, %min3A_1062] : memref<32x1024xf32, #tpu.memory_space<vmem>>[vector<16xi32>, vector<16xi32>], vector<16xf32>,
        tpu.vector_store_idx %arg12[%iota3A_4, %broadcast_in_dim3A_1104], %gather3A_1105 : memref<16x128xf32, #tpu.memory_space<vmem>>[vector<16xi32>, vector<16xi32>], vector<16xf32>,
        %broadcast_in_dim3A_1106 = arith.constant 15 : i32
        %broadcast_in_dim3A_1107 = vector.broadcast %broadcast_in_dim3A_1106 : i32 to vector<16xi32>
        %gather3A_1108 = tpu.vector_load_idx %arg8[%broadcast_in_dim3A_1107, %min3A_1062] : memref<32x1024xf32, #tpu.memory_space<vmem>>[vector<16xi32>, vector<16xi32>], vector<16xf32>,
        tpu.vector_store_idx %arg12[%iota3A_4, %broadcast_in_dim3A_1107], %gather3A_1108 : memref<16x128xf32, #tpu.memory_space<vmem>>[vector<16xi32>, vector<16xi32>], vector<16xf32>,
        %broadcast_in_dim3A_1109 = arith.constant 16 : i32
        %broadcast_in_dim3A_1110 = vector.broadcast %broadcast_in_dim3A_1109 : i32 to vector<16xi32>
        %gather3A_1111 = tpu.vector_load_idx %arg8[%broadcast_in_dim3A_1110, %min3A_1062] : memref<32x1024xf32, #tpu.memory_space<vmem>>[vector<16xi32>, vector<16xi32>], vector<16xf32>,
        tpu.vector_store_idx %arg12[%iota3A_4, %broadcast_in_dim3A_1110], %gather3A_1111 : memref<16x128xf32, #tpu.memory_space<vmem>>[vector<16xi32>, vector<16xi32>], vector<16xf32>,
        %broadcast_in_dim3A_1112 = arith.constant 17 : i32
        %broadcast_in_dim3A_1113 = vector.broadcast %broadcast_in_dim3A_1112 : i32 to vector<16xi32>
        %gather3A_1114 = tpu.vector_load_idx %arg8[%broadcast_in_dim3A_1113, %min3A_1062] : memref<32x1024xf32, #tpu.memory_space<vmem>>[vector<16xi32>, vector<16xi32>], vector<16xf32>,
        tpu.vector_store_idx %arg12[%iota3A_4, %broadcast_in_dim3A_1113], %gather3A_1114 : memref<16x128xf32, #tpu.memory_space<vmem>>[vector<16xi32>, vector<16xi32>], vector<16xf32>,
        %broadcast_in_dim3A_1115 = arith.constant 18 : i32
        %broadcast_in_dim3A_1116 = vector.broadcast %broadcast_in_dim3A_1115 : i32 to vector<16xi32>
        %gather3A_1117 = tpu.vector_load_idx %arg8[%broadcast_in_dim3A_1116, %min3A_1062] : memref<32x1024xf32, #tpu.memory_space<vmem>>[vector<16xi32>, vector<16xi32>], vector<16xf32>,
        tpu.vector_store_idx %arg12[%iota3A_4, %broadcast_in_dim3A_1116], %gather3A_1117 : memref<16x128xf32, #tpu.memory_space<vmem>>[vector<16xi32>, vector<16xi32>], vector<16xf32>,
        %broadcast_in_dim3A_1118 = arith.constant 19 : i32
        %broadcast_in_dim3A_1119 = vector.broadcast %broadcast_in_dim3A_1118 : i32 to vector<16xi32>
        %gather3A_1120 = tpu.vector_load_idx %arg8[%broadcast_in_dim3A_1119, %min3A_1062] : memref<32x1024xf32, #tpu.memory_space<vmem>>[vector<16xi32>, vector<16xi32>], vector<16xf32>,
        tpu.vector_store_idx %arg12[%iota3A_4, %broadcast_in_dim3A_1119], %gather3A_1120 : memref<16x128xf32, #tpu.memory_space<vmem>>[vector<16xi32>, vector<16xi32>], vector<16xf32>,
        %broadcast_in_dim3A_1121 = arith.constant 20 : i32
        %broadcast_in_dim3A_1122 = vector.broadcast %broadcast_in_dim3A_1121 : i32 to vector<16xi32>
        %gather3A_1123 = tpu.vector_load_idx %arg8[%broadcast_in_dim3A_1122, %min3A_1062] : memref<32x1024xf32, #tpu.memory_space<vmem>>[vector<16xi32>, vector<16xi32>], vector<16xf32>,
        tpu.vector_store_idx %arg12[%iota3A_4, %broadcast_in_dim3A_1122], %gather3A_1123 : memref<16x128xf32, #tpu.memory_space<vmem>>[vector<16xi32>, vector<16xi32>], vector<16xf32>,
        %broadcast_in_dim3A_1124 = arith.constant 21 : i32
        %broadcast_in_dim3A_1125 = vector.broadcast %broadcast_in_dim3A_1124 : i32 to vector<16xi32>
        %gather3A_1126 = tpu.vector_load_idx %arg8[%broadcast_in_dim3A_1125, %min3A_1062] : memref<32x1024xf32, #tpu.memory_space<vmem>>[vector<16xi32>, vector<16xi32>], vector<16xf32>,
        tpu.vector_store_idx %arg12[%iota3A_4, %broadcast_in_dim3A_1125], %gather3A_1126 : memref<16x128xf32, #tpu.memory_space<vmem>>[vector<16xi32>, vector<16xi32>], vector<16xf32>,
        %broadcast_in_dim3A_1127 = arith.constant 22 : i32
        %broadcast_in_dim3A_1128 = vector.broadcast %broadcast_in_dim3A_1127 : i32 to vector<16xi32>
        %gather3A_1129 = tpu.vector_load_idx %arg8[%broadcast_in_dim3A_1128, %min3A_1062] : memref<32x1024xf32, #tpu.memory_space<vmem>>[vector<16xi32>, vector<16xi32>], vector<16xf32>,
        tpu.vector_store_idx %arg12[%iota3A_4, %broadcast_in_dim3A_1128], %gather3A_1129 : memref<16x128xf32, #tpu.memory_space<vmem>>[vector<16xi32>, vector<16xi32>], vector<16xf32>,
        %broadcast_in_dim3A_1130 = arith.constant 23 : i32
        %broadcast_in_dim3A_1131 = vector.broadcast %broadcast_in_dim3A_1130 : i32 to vector<16xi32>
        %gather3A_1132 = tpu.vector_load_idx %arg8[%broadcast_in_dim3A_1131, %min3A_1062] : memref<32x1024xf32, #tpu.memory_space<vmem>>[vector<16xi32>, vector<16xi32>], vector<16xf32>,
        tpu.vector_store_idx %arg12[%iota3A_4, %broadcast_in_dim3A_1131], %gather3A_1132 : memref<16x128xf32, #tpu.memory_space<vmem>>[vector<16xi32>, vector<16xi32>], vector<16xf32>,
        %broadcast_in_dim3A_1133 = arith.constant 24 : i32
        %broadcast_in_dim3A_1134 = vector.broadcast %broadcast_in_dim3A_1133 : i32 to vector<16xi32>
        %gather3A_1135 = tpu.vector_load_idx %arg8[%broadcast_in_dim3A_1134, %min3A_1062] : memref<32x1024xf32, #tpu.memory_space<vmem>>[vector<16xi32>, vector<16xi32>], vector<16xf32>,
        tpu.vector_store_idx %arg12[%iota3A_4, %broadcast_in_dim3A_1134], %gather3A_1135 : memref<16x128xf32, #tpu.memory_space<vmem>>[vector<16xi32>, vector<16xi32>], vector<16xf32>,
        %broadcast_in_dim3A_1136 = arith.constant 25 : i32
        %broadcast_in_dim3A_1137 = vector.broadcast %broadcast_in_dim3A_1136 : i32 to vector<16xi32>
        %gather3A_1138 = tpu.vector_load_idx %arg8[%broadcast_in_dim3A_1137, %min3A_1062] : memref<32x1024xf32, #tpu.memory_space<vmem>>[vector<16xi32>, vector<16xi32>], vector<16xf32>,
        tpu.vector_store_idx %arg12[%iota3A_4, %broadcast_in_dim3A_1137], %gather3A_1138 : memref<16x128xf32, #tpu.memory_space<vmem>>[vector<16xi32>, vector<16xi32>], vector<16xf32>,
        %broadcast_in_dim3A_1139 = arith.constant 26 : i32
        %broadcast_in_dim3A_1140 = vector.broadcast %broadcast_in_dim3A_1139 : i32 to vector<16xi32>
        %gather3A_1141 = tpu.vector_load_idx %arg8[%broadcast_in_dim3A_1140, %min3A_1062] : memref<32x1024xf32, #tpu.memory_space<vmem>>[vector<16xi32>, vector<16xi32>], vector<16xf32>,
        tpu.vector_store_idx %arg12[%iota3A_4, %broadcast_in_dim3A_1140], %gather3A_1141 : memref<16x128xf32, #tpu.memory_space<vmem>>[vector<16xi32>, vector<16xi32>], vector<16xf32>,
        %broadcast_in_dim3A_1142 = arith.constant 27 : i32
        %broadcast_in_dim3A_1143 = vector.broadcast %broadcast_in_dim3A_1142 : i32 to vector<16xi32>
        %gather3A_1144 = tpu.vector_load_idx %arg8[%broadcast_in_dim3A_1143, %min3A_1062] : memref<32x1024xf32, #tpu.memory_space<vmem>>[vector<16xi32>, vector<16xi32>], vector<16xf32>,
        tpu.vector_store_idx %arg12[%iota3A_4, %broadcast_in_dim3A_1143], %gather3A_1144 : memref<16x128xf32, #tpu.memory_space<vmem>>[vector<16xi32>, vector<16xi32>], vector<16xf32>,
        %broadcast_in_dim3A_1145 = arith.constant 28 : i32
        %broadcast_in_dim3A_1146 = vector.broadcast %broadcast_in_dim3A_1145 : i32 to vector<16xi32>
        %gather3A_1147 = tpu.vector_load_idx %arg8[%broadcast_in_dim3A_1146, %min3A_1062] : memref<32x1024xf32, #tpu.memory_space<vmem>>[vector<16xi32>, vector<16xi32>], vector<16xf32>,
        tpu.vector_store_idx %arg12[%iota3A_4, %broadcast_in_dim3A_1146], %gather3A_1147 : memref<16x128xf32, #tpu.memory_space<vmem>>[vector<16xi32>, vector<16xi32>], vector<16xf32>,
        %broadcast_in_dim3A_1148 = arith.constant 29 : i32
        %broadcast_in_dim3A_1149 = vector.broadcast %broadcast_in_dim3A_1148 : i32 to vector<16xi32>
        %gather3A_1150 = tpu.vector_load_idx %arg8[%broadcast_in_dim3A_1149, %min3A_1062] : memref<32x1024xf32, #tpu.memory_space<vmem>>[vector<16xi32>, vector<16xi32>], vector<16xf32>,
        tpu.vector_store_idx %arg12[%iota3A_4, %broadcast_in_dim3A_1149], %gather3A_1150 : memref<16x128xf32, #tpu.memory_space<vmem>>[vector<16xi32>, vector<16xi32>], vector<16xf32>,
        %broadcast_in_dim3A_1151 = arith.constant 30 : i32
        %broadcast_in_dim3A_1152 = vector.broadcast %broadcast_in_dim3A_1151 : i32 to vector<16xi32>
        %gather3A_1153 = tpu.vector_load_idx %arg8[%broadcast_in_dim3A_1152, %min3A_1062] : memref<32x1024xf32, #tpu.memory_space<vmem>>[vector<16xi32>, vector<16xi32>], vector<16xf32>,
        tpu.vector_store_idx %arg12[%iota3A_4, %broadcast_in_dim3A_1152], %gather3A_1153 : memref<16x128xf32, #tpu.memory_space<vmem>>[vector<16xi32>, vector<16xi32>], vector<16xf32>,
        %broadcast_in_dim3A_1154 = arith.constant 31 : i32
        %broadcast_in_dim3A_1155 = vector.broadcast %broadcast_in_dim3A_1154 : i32 to vector<16xi32>
        %gather3A_1156 = tpu.vector_load_idx %arg8[%broadcast_in_dim3A_1155, %min3A_1062] : memref<32x1024xf32, #tpu.memory_space<vmem>>[vector<16xi32>, vector<16xi32>], vector<16xf32>,
        tpu.vector_store_idx %arg12[%iota3A_4, %broadcast_in_dim3A_1155], %gather3A_1156 : memref<16x128xf32, #tpu.memory_space<vmem>>[vector<16xi32>, vector<16xi32>], vector<16xf32>,
        %dma_start3A_1157 = arith.constant 0 : i32
        %dma_start3A_1158 = arith.constant 0 : i32
        %dma_start3A_1159 = tpu.memref_slice %arg6[%dma_start3A_1157, %dma_start3A_1158] : memref<16896x128xf32, #tpu.memory_space<hbm>> -> memref<16896x128xf32, #tpu.memory_space<hbm>>
        tpu.enqueue_indirect_dma source(%arg12 : memref<16x128xf32, #tpu.memory_space<vmem>>) target(%dma_start3A_1159 : memref<16896x128xf32, #tpu.memory_space<hbm>>) offsets(%arg13 : memref<16xi32, #tpu.memory_space<vmem>>) semaphore(%arg17 : memref<!tpu.dma_semaphore, #tpu.memory_space<semaphore_mem>>)
        %dma_wait3A_1160 = arith.constant 0 : i32
        %dma_wait3A_1161 = arith.constant 0 : i32
        %dma_wait3A_1162 = tpu.memref_slice %arg6[%dma_wait3A_1160, %dma_wait3A_1161] : memref<16896x128xf32, #tpu.memory_space<hbm>> -> memref<16896x128xf32, #tpu.memory_space<hbm>>
        tpu.wait_indirect_dma semaphore(%arg17 : memref<!tpu.dma_semaphore, #tpu.memory_space<semaphore_mem>>) src(%arg12 : memref<16x128xf32, #tpu.memory_space<vmem>>) dst(%dma_wait3A_1162 : memref<16896x128xf32, #tpu.memory_space<hbm>>)
      }
      %while3A_763 = arith.constant 1 : i32
      scf.for %while3A_1037 = %while3A_761 to %while3A_757 step %while3A_763  : i32 {
        %mul3A_1038 = arith.constant 16 : i32
        %mul3A_1039 = arith.muli %while3A_1037, %mul3A_1038 : i32
        %get3A = arith.index_cast %mul3A_1039 : i32 to index
        %get3A_1040 = tpu.vector_load %arg11[%get3A] {strides = array<i32>} : memref<16400xi32, #tpu.memory_space<vmem>>, vector<16xi32>,
        %and3A = arith.constant 16383 : i32
        %and3A_1041 = vector.broadcast %and3A : i32 to vector<16xi32>
        %and3A_1042 = arith.andi %get3A_1040, %and3A_1041 : vector<16xi32>
        %mul3A_1043 = arith.constant 16 : i32
        %mul3A_1044 = arith.muli %while3A_1037, %mul3A_1043 : i32
        %add3A_1045 = vector.broadcast %mul3A_1044 : i32 to vector<16xi32>
        %add3A_1046 = arith.addi %add3A_1045, %iota3A_4 : vector<16xi32>
        %lt3A_1047 = vector.broadcast %while3A_749 : i32 to vector<16xi32>
        %lt3A_1048 = arith.cmpi slt, %add3A_1046, %lt3A_1047 : vector<16xi32>
        %add3A_1049 = vector.broadcast %add3A_13 : i32 to vector<16xi32>
        %add3A_1050 = arith.addi %add3A_1049, %iota3A_4 : vector<16xi32>
        %select_n3A = arith.select %lt3A_1048, %and3A_1042, %add3A_1050 : vector<16xi1>, vector<16xi32>
        %swap3A = arith.constant 0 : index
        %swap3A_1051 = tpu.vector_load %arg13[%swap3A] {strides = array<i32>} : memref<16xi32, #tpu.memory_space<vmem>>, vector<16xi32>,
        tpu.vector_store %arg13[%swap3A], %select_n3A {strides = array<i32>} : memref<16xi32, #tpu.memory_space<vmem>>, vector<16xi32>,
        %shift_right_logical3A_1052 = arith.constant 14 : i32
        %shift_right_logical3A_1053 = vector.broadcast %shift_right_logical3A_1052 : i32 to vector<16xi32>
        %shift_right_logical3A_1054 = arith.shrui %get3A_1040, %shift_right_logical3A_1053 : vector<16xi32>
        %add3A_1055 = vector.broadcast %mul3A_6 : i32 to vector<16xi32>
        %add3A_1056 = arith.addi %add3A_1055, %shift_right_logical3A_1054 : vector<16xi32>
        %sub3A_1057 = vector.broadcast %mul3A_736 : i32 to vector<16xi32>
        %sub3A_1058 = arith.subi %add3A_1056, %sub3A_1057 : vector<16xi32>
        %jit3A = arith.constant 0 : i32
        %jit3A_1059 = arith.constant 1023 : i32
        %max3A = vector.broadcast %jit3A : i32 to vector<16xi32>
        %max3A_1060 = arith.maxsi %max3A, %sub3A_1058 : vector<16xi32>
        %min3A_1061 = vector.broadcast %jit3A_1059 : i32 to vector<16xi32>
        %min3A_1062 = arith.minsi %min3A_1061, %max3A_1060 : vector<16xi32>
        %broadcast_in_dim3A = arith.constant 0 : i32
        %broadcast_in_dim3A_1063 = vector.broadcast %broadcast_in_dim3A : i32 to vector<16xi32>
        %gather3A = tpu.vector_load_idx %arg8[%broadcast_in_dim3A_1063, %min3A_1062] : memref<32x1024xf32, #tpu.memory_space<vmem>>[vector<16xi32>, vector<16xi32>], vector<16xf32>,
        tpu.vector_store_idx %arg12[%iota3A_4, %broadcast_in_dim3A_1063], %gather3A : memref<16x128xf32, #tpu.memory_space<vmem>>[vector<16xi32>, vector<16xi32>], vector<16xf32>,
        %broadcast_in_dim3A_1064 = arith.constant 1 : i32
        %broadcast_in_dim3A_1065 = vector.broadcast %broadcast_in_dim3A_1064 : i32 to vector<16xi32>
        %gather3A_1066 = tpu.vector_load_idx %arg8[%broadcast_in_dim3A_1065, %min3A_1062] : memref<32x1024xf32, #tpu.memory_space<vmem>>[vector<16xi32>, vector<16xi32>], vector<16xf32>,
        tpu.vector_store_idx %arg12[%iota3A_4, %broadcast_in_dim3A_1065], %gather3A_1066 : memref<16x128xf32, #tpu.memory_space<vmem>>[vector<16xi32>, vector<16xi32>], vector<16xf32>,
        %broadcast_in_dim3A_1067 = arith.constant 2 : i32
        %broadcast_in_dim3A_1068 = vector.broadcast %broadcast_in_dim3A_1067 : i32 to vector<16xi32>
        %gather3A_1069 = tpu.vector_load_idx %arg8[%broadcast_in_dim3A_1068, %min3A_1062] : memref<32x1024xf32, #tpu.memory_space<vmem>>[vector<16xi32>, vector<16xi32>], vector<16xf32>,
        tpu.vector_store_idx %arg12[%iota3A_4, %broadcast_in_dim3A_1068], %gather3A_1069 : memref<16x128xf32, #tpu.memory_space<vmem>>[vector<16xi32>, vector<16xi32>], vector<16xf32>,
        %broadcast_in_dim3A_1070 = arith.constant 3 : i32
        %broadcast_in_dim3A_1071 = vector.broadcast %broadcast_in_dim3A_1070 : i32 to vector<16xi32>
        %gather3A_1072 = tpu.vector_load_idx %arg8[%broadcast_in_dim3A_1071, %min3A_1062] : memref<32x1024xf32, #tpu.memory_space<vmem>>[vector<16xi32>, vector<16xi32>], vector<16xf32>,
        tpu.vector_store_idx %arg12[%iota3A_4, %broadcast_in_dim3A_1071], %gather3A_1072 : memref<16x128xf32, #tpu.memory_space<vmem>>[vector<16xi32>, vector<16xi32>], vector<16xf32>,
        %broadcast_in_dim3A_1073 = arith.constant 4 : i32
        %broadcast_in_dim3A_1074 = vector.broadcast %broadcast_in_dim3A_1073 : i32 to vector<16xi32>
        %gather3A_1075 = tpu.vector_load_idx %arg8[%broadcast_in_dim3A_1074, %min3A_1062] : memref<32x1024xf32, #tpu.memory_space<vmem>>[vector<16xi32>, vector<16xi32>], vector<16xf32>,
        tpu.vector_store_idx %arg12[%iota3A_4, %broadcast_in_dim3A_1074], %gather3A_1075 : memref<16x128xf32, #tpu.memory_space<vmem>>[vector<16xi32>, vector<16xi32>], vector<16xf32>,
        %broadcast_in_dim3A_1076 = arith.constant 5 : i32
        %broadcast_in_dim3A_1077 = vector.broadcast %broadcast_in_dim3A_1076 : i32 to vector<16xi32>
        %gather3A_1078 = tpu.vector_load_idx %arg8[%broadcast_in_dim3A_1077, %min3A_1062] : memref<32x1024xf32, #tpu.memory_space<vmem>>[vector<16xi32>, vector<16xi32>], vector<16xf32>,
        tpu.vector_store_idx %arg12[%iota3A_4, %broadcast_in_dim3A_1077], %gather3A_1078 : memref<16x128xf32, #tpu.memory_space<vmem>>[vector<16xi32>, vector<16xi32>], vector<16xf32>,
        %broadcast_in_dim3A_1079 = arith.constant 6 : i32
        %broadcast_in_dim3A_1080 = vector.broadcast %broadcast_in_dim3A_1079 : i32 to vector<16xi32>
        %gather3A_1081 = tpu.vector_load_idx %arg8[%broadcast_in_dim3A_1080, %min3A_1062] : memref<32x1024xf32, #tpu.memory_space<vmem>>[vector<16xi32>, vector<16xi32>], vector<16xf32>,
        tpu.vector_store_idx %arg12[%iota3A_4, %broadcast_in_dim3A_1080], %gather3A_1081 : memref<16x128xf32, #tpu.memory_space<vmem>>[vector<16xi32>, vector<16xi32>], vector<16xf32>,
        %broadcast_in_dim3A_1082 = arith.constant 7 : i32
        %broadcast_in_dim3A_1083 = vector.broadcast %broadcast_in_dim3A_1082 : i32 to vector<16xi32>
        %gather3A_1084 = tpu.vector_load_idx %arg8[%broadcast_in_dim3A_1083, %min3A_1062] : memref<32x1024xf32, #tpu.memory_space<vmem>>[vector<16xi32>, vector<16xi32>], vector<16xf32>,
        tpu.vector_store_idx %arg12[%iota3A_4, %broadcast_in_dim3A_1083], %gather3A_1084 : memref<16x128xf32, #tpu.memory_space<vmem>>[vector<16xi32>, vector<16xi32>], vector<16xf32>,
        %broadcast_in_dim3A_1085 = arith.constant 8 : i32
        %broadcast_in_dim3A_1086 = vector.broadcast %broadcast_in_dim3A_1085 : i32 to vector<16xi32>
        %gather3A_1087 = tpu.vector_load_idx %arg8[%broadcast_in_dim3A_1086, %min3A_1062] : memref<32x1024xf32, #tpu.memory_space<vmem>>[vector<16xi32>, vector<16xi32>], vector<16xf32>,
        tpu.vector_store_idx %arg12[%iota3A_4, %broadcast_in_dim3A_1086], %gather3A_1087 : memref<16x128xf32, #tpu.memory_space<vmem>>[vector<16xi32>, vector<16xi32>], vector<16xf32>,
        %broadcast_in_dim3A_1088 = arith.constant 9 : i32
        %broadcast_in_dim3A_1089 = vector.broadcast %broadcast_in_dim3A_1088 : i32 to vector<16xi32>
        %gather3A_1090 = tpu.vector_load_idx %arg8[%broadcast_in_dim3A_1089, %min3A_1062] : memref<32x1024xf32, #tpu.memory_space<vmem>>[vector<16xi32>, vector<16xi32>], vector<16xf32>,
        tpu.vector_store_idx %arg12[%iota3A_4, %broadcast_in_dim3A_1089], %gather3A_1090 : memref<16x128xf32, #tpu.memory_space<vmem>>[vector<16xi32>, vector<16xi32>], vector<16xf32>,
        %broadcast_in_dim3A_1091 = arith.constant 10 : i32
        %broadcast_in_dim3A_1092 = vector.broadcast %broadcast_in_dim3A_1091 : i32 to vector<16xi32>
        %gather3A_1093 = tpu.vector_load_idx %arg8[%broadcast_in_dim3A_1092, %min3A_1062] : memref<32x1024xf32, #tpu.memory_space<vmem>>[vector<16xi32>, vector<16xi32>], vector<16xf32>,
        tpu.vector_store_idx %arg12[%iota3A_4, %broadcast_in_dim3A_1092], %gather3A_1093 : memref<16x128xf32, #tpu.memory_space<vmem>>[vector<16xi32>, vector<16xi32>], vector<16xf32>,
        %broadcast_in_dim3A_1094 = arith.constant 11 : i32
        %broadcast_in_dim3A_1095 = vector.broadcast %broadcast_in_dim3A_1094 : i32 to vector<16xi32>
        %gather3A_1096 = tpu.vector_load_idx %arg8[%broadcast_in_dim3A_1095, %min3A_1062] : memref<32x1024xf32, #tpu.memory_space<vmem>>[vector<16xi32>, vector<16xi32>], vector<16xf32>,
        tpu.vector_store_idx %arg12[%iota3A_4, %broadcast_in_dim3A_1095], %gather3A_1096 : memref<16x128xf32, #tpu.memory_space<vmem>>[vector<16xi32>, vector<16xi32>], vector<16xf32>,
        %broadcast_in_dim3A_1097 = arith.constant 12 : i32
        %broadcast_in_dim3A_1098 = vector.broadcast %broadcast_in_dim3A_1097 : i32 to vector<16xi32>
        %gather3A_1099 = tpu.vector_load_idx %arg8[%broadcast_in_dim3A_1098, %min3A_1062] : memref<32x1024xf32, #tpu.memory_space<vmem>>[vector<16xi32>, vector<16xi32>], vector<16xf32>,
        tpu.vector_store_idx %arg12[%iota3A_4, %broadcast_in_dim3A_1098], %gather3A_1099 : memref<16x128xf32, #tpu.memory_space<vmem>>[vector<16xi32>, vector<16xi32>], vector<16xf32>,
        %broadcast_in_dim3A_1100 = arith.constant 13 : i32
        %broadcast_in_dim3A_1101 = vector.broadcast %broadcast_in_dim3A_1100 : i32 to vector<16xi32>
        %gather3A_1102 = tpu.vector_load_idx %arg8[%broadcast_in_dim3A_1101, %min3A_1062] : memref<32x1024xf32, #tpu.memory_space<vmem>>[vector<16xi32>, vector<16xi32>], vector<16xf32>,
        tpu.vector_store_idx %arg12[%iota3A_4, %broadcast_in_dim3A_1101], %gather3A_1102 : memref<16x128xf32, #tpu.memory_space<vmem>>[vector<16xi32>, vector<16xi32>], vector<16xf32>,
        %broadcast_in_dim3A_1103 = arith.constant 14 : i32
        %broadcast_in_dim3A_1104 = vector.broadcast %broadcast_in_dim3A_1103 : i32 to vector<16xi32>
        %gather3A_1105 = tpu.vector_load_idx %arg8[%broadcast_in_dim3A_1104, %min3A_1062] : memref<32x1024xf32, #tpu.memory_space<vmem>>[vector<16xi32>, vector<16xi32>], vector<16xf32>,
        tpu.vector_store_idx %arg12[%iota3A_4, %broadcast_in_dim3A_1104], %gather3A_1105 : memref<16x128xf32, #tpu.memory_space<vmem>>[vector<16xi32>, vector<16xi32>], vector<16xf32>,
        %broadcast_in_dim3A_1106 = arith.constant 15 : i32
        %broadcast_in_dim3A_1107 = vector.broadcast %broadcast_in_dim3A_1106 : i32 to vector<16xi32>
        %gather3A_1108 = tpu.vector_load_idx %arg8[%broadcast_in_dim3A_1107, %min3A_1062] : memref<32x1024xf32, #tpu.memory_space<vmem>>[vector<16xi32>, vector<16xi32>], vector<16xf32>,
        tpu.vector_store_idx %arg12[%iota3A_4, %broadcast_in_dim3A_1107], %gather3A_1108 : memref<16x128xf32, #tpu.memory_space<vmem>>[vector<16xi32>, vector<16xi32>], vector<16xf32>,
        %broadcast_in_dim3A_1109 = arith.constant 16 : i32
        %broadcast_in_dim3A_1110 = vector.broadcast %broadcast_in_dim3A_1109 : i32 to vector<16xi32>
        %gather3A_1111 = tpu.vector_load_idx %arg8[%broadcast_in_dim3A_1110, %min3A_1062] : memref<32x1024xf32, #tpu.memory_space<vmem>>[vector<16xi32>, vector<16xi32>], vector<16xf32>,
        tpu.vector_store_idx %arg12[%iota3A_4, %broadcast_in_dim3A_1110], %gather3A_1111 : memref<16x128xf32, #tpu.memory_space<vmem>>[vector<16xi32>, vector<16xi32>], vector<16xf32>,
        %broadcast_in_dim3A_1112 = arith.constant 17 : i32
        %broadcast_in_dim3A_1113 = vector.broadcast %broadcast_in_dim3A_1112 : i32 to vector<16xi32>
        %gather3A_1114 = tpu.vector_load_idx %arg8[%broadcast_in_dim3A_1113, %min3A_1062] : memref<32x1024xf32, #tpu.memory_space<vmem>>[vector<16xi32>, vector<16xi32>], vector<16xf32>,
        tpu.vector_store_idx %arg12[%iota3A_4, %broadcast_in_dim3A_1113], %gather3A_1114 : memref<16x128xf32, #tpu.memory_space<vmem>>[vector<16xi32>, vector<16xi32>], vector<16xf32>,
        %broadcast_in_dim3A_1115 = arith.constant 18 : i32
        %broadcast_in_dim3A_1116 = vector.broadcast %broadcast_in_dim3A_1115 : i32 to vector<16xi32>
        %gather3A_1117 = tpu.vector_load_idx %arg8[%broadcast_in_dim3A_1116, %min3A_1062] : memref<32x1024xf32, #tpu.memory_space<vmem>>[vector<16xi32>, vector<16xi32>], vector<16xf32>,
        tpu.vector_store_idx %arg12[%iota3A_4, %broadcast_in_dim3A_1116], %gather3A_1117 : memref<16x128xf32, #tpu.memory_space<vmem>>[vector<16xi32>, vector<16xi32>], vector<16xf32>,
        %broadcast_in_dim3A_1118 = arith.constant 19 : i32
        %broadcast_in_dim3A_1119 = vector.broadcast %broadcast_in_dim3A_1118 : i32 to vector<16xi32>
        %gather3A_1120 = tpu.vector_load_idx %arg8[%broadcast_in_dim3A_1119, %min3A_1062] : memref<32x1024xf32, #tpu.memory_space<vmem>>[vector<16xi32>, vector<16xi32>], vector<16xf32>,
        tpu.vector_store_idx %arg12[%iota3A_4, %broadcast_in_dim3A_1119], %gather3A_1120 : memref<16x128xf32, #tpu.memory_space<vmem>>[vector<16xi32>, vector<16xi32>], vector<16xf32>,
        %broadcast_in_dim3A_1121 = arith.constant 20 : i32
        %broadcast_in_dim3A_1122 = vector.broadcast %broadcast_in_dim3A_1121 : i32 to vector<16xi32>
        %gather3A_1123 = tpu.vector_load_idx %arg8[%broadcast_in_dim3A_1122, %min3A_1062] : memref<32x1024xf32, #tpu.memory_space<vmem>>[vector<16xi32>, vector<16xi32>], vector<16xf32>,
        tpu.vector_store_idx %arg12[%iota3A_4, %broadcast_in_dim3A_1122], %gather3A_1123 : memref<16x128xf32, #tpu.memory_space<vmem>>[vector<16xi32>, vector<16xi32>], vector<16xf32>,
        %broadcast_in_dim3A_1124 = arith.constant 21 : i32
        %broadcast_in_dim3A_1125 = vector.broadcast %broadcast_in_dim3A_1124 : i32 to vector<16xi32>
        %gather3A_1126 = tpu.vector_load_idx %arg8[%broadcast_in_dim3A_1125, %min3A_1062] : memref<32x1024xf32, #tpu.memory_space<vmem>>[vector<16xi32>, vector<16xi32>], vector<16xf32>,
        tpu.vector_store_idx %arg12[%iota3A_4, %broadcast_in_dim3A_1125], %gather3A_1126 : memref<16x128xf32, #tpu.memory_space<vmem>>[vector<16xi32>, vector<16xi32>], vector<16xf32>,
        %broadcast_in_dim3A_1127 = arith.constant 22 : i32
        %broadcast_in_dim3A_1128 = vector.broadcast %broadcast_in_dim3A_1127 : i32 to vector<16xi32>
        %gather3A_1129 = tpu.vector_load_idx %arg8[%broadcast_in_dim3A_1128, %min3A_1062] : memref<32x1024xf32, #tpu.memory_space<vmem>>[vector<16xi32>, vector<16xi32>], vector<16xf32>,
        tpu.vector_store_idx %arg12[%iota3A_4, %broadcast_in_dim3A_1128], %gather3A_1129 : memref<16x128xf32, #tpu.memory_space<vmem>>[vector<16xi32>, vector<16xi32>], vector<16xf32>,
        %broadcast_in_dim3A_1130 = arith.constant 23 : i32
        %broadcast_in_dim3A_1131 = vector.broadcast %broadcast_in_dim3A_1130 : i32 to vector<16xi32>
        %gather3A_1132 = tpu.vector_load_idx %arg8[%broadcast_in_dim3A_1131, %min3A_1062] : memref<32x1024xf32, #tpu.memory_space<vmem>>[vector<16xi32>, vector<16xi32>], vector<16xf32>,
        tpu.vector_store_idx %arg12[%iota3A_4, %broadcast_in_dim3A_1131], %gather3A_1132 : memref<16x128xf32, #tpu.memory_space<vmem>>[vector<16xi32>, vector<16xi32>], vector<16xf32>,
        %broadcast_in_dim3A_1133 = arith.constant 24 : i32
        %broadcast_in_dim3A_1134 = vector.broadcast %broadcast_in_dim3A_1133 : i32 to vector<16xi32>
        %gather3A_1135 = tpu.vector_load_idx %arg8[%broadcast_in_dim3A_1134, %min3A_1062] : memref<32x1024xf32, #tpu.memory_space<vmem>>[vector<16xi32>, vector<16xi32>], vector<16xf32>,
        tpu.vector_store_idx %arg12[%iota3A_4, %broadcast_in_dim3A_1134], %gather3A_1135 : memref<16x128xf32, #tpu.memory_space<vmem>>[vector<16xi32>, vector<16xi32>], vector<16xf32>,
        %broadcast_in_dim3A_1136 = arith.constant 25 : i32
        %broadcast_in_dim3A_1137 = vector.broadcast %broadcast_in_dim3A_1136 : i32 to vector<16xi32>
        %gather3A_1138 = tpu.vector_load_idx %arg8[%broadcast_in_dim3A_1137, %min3A_1062] : memref<32x1024xf32, #tpu.memory_space<vmem>>[vector<16xi32>, vector<16xi32>], vector<16xf32>,
        tpu.vector_store_idx %arg12[%iota3A_4, %broadcast_in_dim3A_1137], %gather3A_1138 : memref<16x128xf32, #tpu.memory_space<vmem>>[vector<16xi32>, vector<16xi32>], vector<16xf32>,
        %broadcast_in_dim3A_1139 = arith.constant 26 : i32
        %broadcast_in_dim3A_1140 = vector.broadcast %broadcast_in_dim3A_1139 : i32 to vector<16xi32>
        %gather3A_1141 = tpu.vector_load_idx %arg8[%broadcast_in_dim3A_1140, %min3A_1062] : memref<32x1024xf32, #tpu.memory_space<vmem>>[vector<16xi32>, vector<16xi32>], vector<16xf32>,
        tpu.vector_store_idx %arg12[%iota3A_4, %broadcast_in_dim3A_1140], %gather3A_1141 : memref<16x128xf32, #tpu.memory_space<vmem>>[vector<16xi32>, vector<16xi32>], vector<16xf32>,
        %broadcast_in_dim3A_1142 = arith.constant 27 : i32
        %broadcast_in_dim3A_1143 = vector.broadcast %broadcast_in_dim3A_1142 : i32 to vector<16xi32>
        %gather3A_1144 = tpu.vector_load_idx %arg8[%broadcast_in_dim3A_1143, %min3A_1062] : memref<32x1024xf32, #tpu.memory_space<vmem>>[vector<16xi32>, vector<16xi32>], vector<16xf32>,
        tpu.vector_store_idx %arg12[%iota3A_4, %broadcast_in_dim3A_1143], %gather3A_1144 : memref<16x128xf32, #tpu.memory_space<vmem>>[vector<16xi32>, vector<16xi32>], vector<16xf32>,
        %broadcast_in_dim3A_1145 = arith.constant 28 : i32
        %broadcast_in_dim3A_1146 = vector.broadcast %broadcast_in_dim3A_1145 : i32 to vector<16xi32>
        %gather3A_1147 = tpu.vector_load_idx %arg8[%broadcast_in_dim3A_1146, %min3A_1062] : memref<32x1024xf32, #tpu.memory_space<vmem>>[vector<16xi32>, vector<16xi32>], vector<16xf32>,
        tpu.vector_store_idx %arg12[%iota3A_4, %broadcast_in_dim3A_1146], %gather3A_1147 : memref<16x128xf32, #tpu.memory_space<vmem>>[vector<16xi32>, vector<16xi32>], vector<16xf32>,
        %broadcast_in_dim3A_1148 = arith.constant 29 : i32
        %broadcast_in_dim3A_1149 = vector.broadcast %broadcast_in_dim3A_1148 : i32 to vector<16xi32>
        %gather3A_1150 = tpu.vector_load_idx %arg8[%broadcast_in_dim3A_1149, %min3A_1062] : memref<32x1024xf32, #tpu.memory_space<vmem>>[vector<16xi32>, vector<16xi32>], vector<16xf32>,
        tpu.vector_store_idx %arg12[%iota3A_4, %broadcast_in_dim3A_1149], %gather3A_1150 : memref<16x128xf32, #tpu.memory_space<vmem>>[vector<16xi32>, vector<16xi32>], vector<16xf32>,
        %broadcast_in_dim3A_1151 = arith.constant 30 : i32
        %broadcast_in_dim3A_1152 = vector.broadcast %broadcast_in_dim3A_1151 : i32 to vector<16xi32>
        %gather3A_1153 = tpu.vector_load_idx %arg8[%broadcast_in_dim3A_1152, %min3A_1062] : memref<32x1024xf32, #tpu.memory_space<vmem>>[vector<16xi32>, vector<16xi32>], vector<16xf32>,
        tpu.vector_store_idx %arg12[%iota3A_4, %broadcast_in_dim3A_1152], %gather3A_1153 : memref<16x128xf32, #tpu.memory_space<vmem>>[vector<16xi32>, vector<16xi32>], vector<16xf32>,
        %broadcast_in_dim3A_1154 = arith.constant 31 : i32
        %broadcast_in_dim3A_1155 = vector.broadcast %broadcast_in_dim3A_1154 : i32 to vector<16xi32>
        %gather3A_1156 = tpu.vector_load_idx %arg8[%broadcast_in_dim3A_1155, %min3A_1062] : memref<32x1024xf32, #tpu.memory_space<vmem>>[vector<16xi32>, vector<16xi32>], vector<16xf32>,
        tpu.vector_store_idx %arg12[%iota3A_4, %broadcast_in_dim3A_1155], %gather3A_1156 : memref<16x128xf32, #tpu.memory_space<vmem>>[vector<16xi32>, vector<16xi32>], vector<16xf32>,
        %dma_start3A_1157 = arith.constant 0 : i32
        %dma_start3A_1158 = arith.constant 0 : i32
        %dma_start3A_1159 = tpu.memref_slice %arg6[%dma_start3A_1157, %dma_start3A_1158] : memref<16896x128xf32, #tpu.memory_space<hbm>> -> memref<16896x128xf32, #tpu.memory_space<hbm>>
        tpu.enqueue_indirect_dma source(%arg12 : memref<16x128xf32, #tpu.memory_space<vmem>>) target(%dma_start3A_1159 : memref<16896x128xf32, #tpu.memory_space<hbm>>) offsets(%arg13 : memref<16xi32, #tpu.memory_space<vmem>>) semaphore(%arg17 : memref<!tpu.dma_semaphore, #tpu.memory_space<semaphore_mem>>)
        %dma_wait3A_1160 = arith.constant 0 : i32
        %dma_wait3A_1161 = arith.constant 0 : i32
        %dma_wait3A_1162 = tpu.memref_slice %arg6[%dma_wait3A_1160, %dma_wait3A_1161] : memref<16896x128xf32, #tpu.memory_space<hbm>> -> memref<16896x128xf32, #tpu.memory_space<hbm>>
        tpu.wait_indirect_dma semaphore(%arg17 : memref<!tpu.dma_semaphore, #tpu.memory_space<semaphore_mem>>) src(%arg12 : memref<16x128xf32, #tpu.memory_space<vmem>>) dst(%dma_wait3A_1162 : memref<16896x128xf32, #tpu.memory_space<hbm>>)
      }
      %mul3A_764 = arith.constant 2 : i32
      %mul3A_765 = arith.muli %mul3A_764, %scan3A_496 : i32
      %add3A_766 = arith.constant 2 : i32
      %add3A_767 = arith.addi %mul3A_765, %add3A_766 : i32
      %min3A_768 = arith.constant 39 : i32
      %min3A_769 = arith.minsi %add3A_767, %min3A_768 : i32
      %mul3A_770 = arith.constant 781 : i32
      %mul3A_771 = arith.muli %min3A_769, %mul3A_770 : i32
      %min3A_772 = arith.constant 10 : i32
      %min3A_773 = arith.minsi %min3A_769, %min3A_772 : i32
      %add3A_774 = arith.addi %mul3A_771, %min3A_773 : i32
      %lt3A_775 = arith.constant 10 : i32
      %lt3A_776 = arith.cmpi slt, %min3A_769, %lt3A_775 : i32
      %convert_element_type3A_777 = arith.extui %lt3A_776 : i1 to i32
      %add3A_778 = arith.constant 781 : i32
      %add3A_779 = arith.addi %add3A_778, %convert_element_type3A_777 : i32
      %add3A_780 = arith.addi %mul3A_6, %add3A_774 : i32
      %shift_right_logical3A_781 = arith.constant 7 : i32
      %shift_right_logical3A_782 = arith.shrui %add3A_780, %shift_right_logical3A_781 : i32
      %min3A_783 = arith.constant 7804 : i32
      %min3A_784 = arith.minsi %shift_right_logical3A_782, %min3A_783 : i32
      %mul3A_785 = arith.constant 128 : i32
      %mul3A_786 = arith.muli %min3A_784, %mul3A_785 : i32
      %add3A_787 = arith.constant 0 : i32
      %add3A_788 = arith.addi %mul3A_786, %add3A_787 : i32
      %multiple_of3A_789 = tpu.assume_multiple %add3A_788, 128 : i32
      %dma_start3A_790 = arith.constant 0 : i32
      %dma_start3A_791 = arith.constant 0 : i32
      %dma_start3A_792 = tpu.memref_slice %arg8[%dma_start3A_790, %dma_start3A_791] : memref<32x1024xf32, #tpu.memory_space<vmem>> -> memref<32x128xf32, #tpu.memory_space<vmem>>
      %dma_start3A_793 = arith.constant 0 : i32
      %dma_start3A_794 = tpu.memref_slice %arg4[%dma_start3A_793, %multiple_of3A_789] : memref<32x1000000xf32, #tpu.memory_space<hbm>> -> memref<32x128xf32, #tpu.memory_space<hbm>>
      %dma_start3A_795 = arith.constant 0 : i32
      %dma_start3A_796 = arith.constant 0 : i32
      %dma_start3A_797 = tpu.memref_slice %arg8[%dma_start3A_795, %dma_start3A_796] : memref<32x1024xf32, #tpu.memory_space<vmem>> -> memref<32x128xf32, #tpu.memory_space<vmem>>
      %dma_start3A_798 = arith.constant 0 : i32
      %dma_start3A_799 = tpu.memref_slice %arg4[%dma_start3A_798, %multiple_of3A_789] : memref<32x1000000xf32, #tpu.memory_space<hbm>> -> memref<32x128xf32, #tpu.memory_space<hbm>>
      tpu.enqueue_dma source(%dma_start3A_799 : memref<32x128xf32, #tpu.memory_space<hbm>>) target(%dma_start3A_797 : memref<32x128xf32, #tpu.memory_space<vmem>>) target_semaphore(%arg15 : memref<!tpu.dma_semaphore, #tpu.memory_space<semaphore_mem>>)
      %add3A_800 = arith.constant 128 : i32
      %add3A_801 = arith.addi %mul3A_786, %add3A_800 : i32
      %multiple_of3A_802 = tpu.assume_multiple %add3A_801, 128 : i32
      %dma_start3A_803 = arith.constant 0 : i32
      %dma_start3A_804 = arith.constant 128 : i32
      %dma_start3A_805 = tpu.memref_slice %arg8[%dma_start3A_803, %dma_start3A_804] : memref<32x1024xf32, #tpu.memory_space<vmem>> -> memref<32x128xf32, #tpu.memory_space<vmem>>
      %dma_start3A_806 = arith.constant 0 : i32
      %dma_start3A_807 = tpu.memref_slice %arg4[%dma_start3A_806, %multiple_of3A_802] : memref<32x1000000xf32, #tpu.memory_space<hbm>> -> memref<32x128xf32, #tpu.memory_space<hbm>>
      %dma_start3A_808 = arith.constant 0 : i32
      %dma_start3A_809 = arith.constant 128 : i32
      %dma_start3A_810 = tpu.memref_slice %arg8[%dma_start3A_808, %dma_start3A_809] : memref<32x1024xf32, #tpu.memory_space<vmem>> -> memref<32x128xf32, #tpu.memory_space<vmem>>
      %dma_start3A_811 = arith.constant 0 : i32
      %dma_start3A_812 = tpu.memref_slice %arg4[%dma_start3A_811, %multiple_of3A_802] : memref<32x1000000xf32, #tpu.memory_space<hbm>> -> memref<32x128xf32, #tpu.memory_space<hbm>>
      tpu.enqueue_dma source(%dma_start3A_812 : memref<32x128xf32, #tpu.memory_space<hbm>>) target(%dma_start3A_810 : memref<32x128xf32, #tpu.memory_space<vmem>>) target_semaphore(%arg15 : memref<!tpu.dma_semaphore, #tpu.memory_space<semaphore_mem>>)
      %add3A_813 = arith.constant 256 : i32
      %add3A_814 = arith.addi %mul3A_786, %add3A_813 : i32
      %multiple_of3A_815 = tpu.assume_multiple %add3A_814, 128 : i32
      %dma_start3A_816 = arith.constant 0 : i32
      %dma_start3A_817 = arith.constant 256 : i32
      %dma_start3A_818 = tpu.memref_slice %arg8[%dma_start3A_816, %dma_start3A_817] : memref<32x1024xf32, #tpu.memory_space<vmem>> -> memref<32x128xf32, #tpu.memory_space<vmem>>
      %dma_start3A_819 = arith.constant 0 : i32
      %dma_start3A_820 = tpu.memref_slice %arg4[%dma_start3A_819, %multiple_of3A_815] : memref<32x1000000xf32, #tpu.memory_space<hbm>> -> memref<32x128xf32, #tpu.memory_space<hbm>>
      %dma_start3A_821 = arith.constant 0 : i32
      %dma_start3A_822 = arith.constant 256 : i32
      %dma_start3A_823 = tpu.memref_slice %arg8[%dma_start3A_821, %dma_start3A_822] : memref<32x1024xf32, #tpu.memory_space<vmem>> -> memref<32x128xf32, #tpu.memory_space<vmem>>
      %dma_start3A_824 = arith.constant 0 : i32
      %dma_start3A_825 = tpu.memref_slice %arg4[%dma_start3A_824, %multiple_of3A_815] : memref<32x1000000xf32, #tpu.memory_space<hbm>> -> memref<32x128xf32, #tpu.memory_space<hbm>>
      tpu.enqueue_dma source(%dma_start3A_825 : memref<32x128xf32, #tpu.memory_space<hbm>>) target(%dma_start3A_823 : memref<32x128xf32, #tpu.memory_space<vmem>>) target_semaphore(%arg15 : memref<!tpu.dma_semaphore, #tpu.memory_space<semaphore_mem>>)
      %add3A_826 = arith.constant 384 : i32
      %add3A_827 = arith.addi %mul3A_786, %add3A_826 : i32
      %multiple_of3A_828 = tpu.assume_multiple %add3A_827, 128 : i32
      %dma_start3A_829 = arith.constant 0 : i32
      %dma_start3A_830 = arith.constant 384 : i32
      %dma_start3A_831 = tpu.memref_slice %arg8[%dma_start3A_829, %dma_start3A_830] : memref<32x1024xf32, #tpu.memory_space<vmem>> -> memref<32x128xf32, #tpu.memory_space<vmem>>
      %dma_start3A_832 = arith.constant 0 : i32
      %dma_start3A_833 = tpu.memref_slice %arg4[%dma_start3A_832, %multiple_of3A_828] : memref<32x1000000xf32, #tpu.memory_space<hbm>> -> memref<32x128xf32, #tpu.memory_space<hbm>>
      %dma_start3A_834 = arith.constant 0 : i32
      %dma_start3A_835 = arith.constant 384 : i32
      %dma_start3A_836 = tpu.memref_slice %arg8[%dma_start3A_834, %dma_start3A_835] : memref<32x1024xf32, #tpu.memory_space<vmem>> -> memref<32x128xf32, #tpu.memory_space<vmem>>
      %dma_start3A_837 = arith.constant 0 : i32
      %dma_start3A_838 = tpu.memref_slice %arg4[%dma_start3A_837, %multiple_of3A_828] : memref<32x1000000xf32, #tpu.memory_space<hbm>> -> memref<32x128xf32, #tpu.memory_space<hbm>>
      tpu.enqueue_dma source(%dma_start3A_838 : memref<32x128xf32, #tpu.memory_space<hbm>>) target(%dma_start3A_836 : memref<32x128xf32, #tpu.memory_space<vmem>>) target_semaphore(%arg15 : memref<!tpu.dma_semaphore, #tpu.memory_space<semaphore_mem>>)
      %add3A_839 = arith.constant 512 : i32
      %add3A_840 = arith.addi %mul3A_786, %add3A_839 : i32
      %multiple_of3A_841 = tpu.assume_multiple %add3A_840, 128 : i32
      %dma_start3A_842 = arith.constant 0 : i32
      %dma_start3A_843 = arith.constant 512 : i32
      %dma_start3A_844 = tpu.memref_slice %arg8[%dma_start3A_842, %dma_start3A_843] : memref<32x1024xf32, #tpu.memory_space<vmem>> -> memref<32x128xf32, #tpu.memory_space<vmem>>
      %dma_start3A_845 = arith.constant 0 : i32
      %dma_start3A_846 = tpu.memref_slice %arg4[%dma_start3A_845, %multiple_of3A_841] : memref<32x1000000xf32, #tpu.memory_space<hbm>> -> memref<32x128xf32, #tpu.memory_space<hbm>>
      %dma_start3A_847 = arith.constant 0 : i32
      %dma_start3A_848 = arith.constant 512 : i32
      %dma_start3A_849 = tpu.memref_slice %arg8[%dma_start3A_847, %dma_start3A_848] : memref<32x1024xf32, #tpu.memory_space<vmem>> -> memref<32x128xf32, #tpu.memory_space<vmem>>
      %dma_start3A_850 = arith.constant 0 : i32
      %dma_start3A_851 = tpu.memref_slice %arg4[%dma_start3A_850, %multiple_of3A_841] : memref<32x1000000xf32, #tpu.memory_space<hbm>> -> memref<32x128xf32, #tpu.memory_space<hbm>>
      tpu.enqueue_dma source(%dma_start3A_851 : memref<32x128xf32, #tpu.memory_space<hbm>>) target(%dma_start3A_849 : memref<32x128xf32, #tpu.memory_space<vmem>>) target_semaphore(%arg15 : memref<!tpu.dma_semaphore, #tpu.memory_space<semaphore_mem>>)
      %add3A_852 = arith.constant 640 : i32
      %add3A_853 = arith.addi %mul3A_786, %add3A_852 : i32
      %multiple_of3A_854 = tpu.assume_multiple %add3A_853, 128 : i32
      %dma_start3A_855 = arith.constant 0 : i32
      %dma_start3A_856 = arith.constant 640 : i32
      %dma_start3A_857 = tpu.memref_slice %arg8[%dma_start3A_855, %dma_start3A_856] : memref<32x1024xf32, #tpu.memory_space<vmem>> -> memref<32x128xf32, #tpu.memory_space<vmem>>
      %dma_start3A_858 = arith.constant 0 : i32
      %dma_start3A_859 = tpu.memref_slice %arg4[%dma_start3A_858, %multiple_of3A_854] : memref<32x1000000xf32, #tpu.memory_space<hbm>> -> memref<32x128xf32, #tpu.memory_space<hbm>>
      %dma_start3A_860 = arith.constant 0 : i32
      %dma_start3A_861 = arith.constant 640 : i32
      %dma_start3A_862 = tpu.memref_slice %arg8[%dma_start3A_860, %dma_start3A_861] : memref<32x1024xf32, #tpu.memory_space<vmem>> -> memref<32x128xf32, #tpu.memory_space<vmem>>
      %dma_start3A_863 = arith.constant 0 : i32
      %dma_start3A_864 = tpu.memref_slice %arg4[%dma_start3A_863, %multiple_of3A_854] : memref<32x1000000xf32, #tpu.memory_space<hbm>> -> memref<32x128xf32, #tpu.memory_space<hbm>>
      tpu.enqueue_dma source(%dma_start3A_864 : memref<32x128xf32, #tpu.memory_space<hbm>>) target(%dma_start3A_862 : memref<32x128xf32, #tpu.memory_space<vmem>>) target_semaphore(%arg15 : memref<!tpu.dma_semaphore, #tpu.memory_space<semaphore_mem>>)
      %add3A_865 = arith.constant 768 : i32
      %add3A_866 = arith.addi %mul3A_786, %add3A_865 : i32
      %multiple_of3A_867 = tpu.assume_multiple %add3A_866, 128 : i32
      %dma_start3A_868 = arith.constant 0 : i32
      %dma_start3A_869 = arith.constant 768 : i32
      %dma_start3A_870 = tpu.memref_slice %arg8[%dma_start3A_868, %dma_start3A_869] : memref<32x1024xf32, #tpu.memory_space<vmem>> -> memref<32x128xf32, #tpu.memory_space<vmem>>
      %dma_start3A_871 = arith.constant 0 : i32
      %dma_start3A_872 = tpu.memref_slice %arg4[%dma_start3A_871, %multiple_of3A_867] : memref<32x1000000xf32, #tpu.memory_space<hbm>> -> memref<32x128xf32, #tpu.memory_space<hbm>>
      %dma_start3A_873 = arith.constant 0 : i32
      %dma_start3A_874 = arith.constant 768 : i32
      %dma_start3A_875 = tpu.memref_slice %arg8[%dma_start3A_873, %dma_start3A_874] : memref<32x1024xf32, #tpu.memory_space<vmem>> -> memref<32x128xf32, #tpu.memory_space<vmem>>
      %dma_start3A_876 = arith.constant 0 : i32
      %dma_start3A_877 = tpu.memref_slice %arg4[%dma_start3A_876, %multiple_of3A_867] : memref<32x1000000xf32, #tpu.memory_space<hbm>> -> memref<32x128xf32, #tpu.memory_space<hbm>>
      tpu.enqueue_dma source(%dma_start3A_877 : memref<32x128xf32, #tpu.memory_space<hbm>>) target(%dma_start3A_875 : memref<32x128xf32, #tpu.memory_space<vmem>>) target_semaphore(%arg15 : memref<!tpu.dma_semaphore, #tpu.memory_space<semaphore_mem>>)
      %add3A_878 = arith.constant 896 : i32
      %add3A_879 = arith.addi %mul3A_786, %add3A_878 : i32
      %multiple_of3A_880 = tpu.assume_multiple %add3A_879, 128 : i32
      %dma_start3A_881 = arith.constant 0 : i32
      %dma_start3A_882 = arith.constant 896 : i32
      %dma_start3A_883 = tpu.memref_slice %arg8[%dma_start3A_881, %dma_start3A_882] : memref<32x1024xf32, #tpu.memory_space<vmem>> -> memref<32x128xf32, #tpu.memory_space<vmem>>
      %dma_start3A_884 = arith.constant 0 : i32
      %dma_start3A_885 = tpu.memref_slice %arg4[%dma_start3A_884, %multiple_of3A_880] : memref<32x1000000xf32, #tpu.memory_space<hbm>> -> memref<32x128xf32, #tpu.memory_space<hbm>>
      %dma_start3A_886 = arith.constant 0 : i32
      %dma_start3A_887 = arith.constant 896 : i32
      %dma_start3A_888 = tpu.memref_slice %arg8[%dma_start3A_886, %dma_start3A_887] : memref<32x1024xf32, #tpu.memory_space<vmem>> -> memref<32x128xf32, #tpu.memory_space<vmem>>
      %dma_start3A_889 = arith.constant 0 : i32
      %dma_start3A_890 = tpu.memref_slice %arg4[%dma_start3A_889, %multiple_of3A_880] : memref<32x1000000xf32, #tpu.memory_space<hbm>> -> memref<32x128xf32, #tpu.memory_space<hbm>>
      tpu.enqueue_dma source(%dma_start3A_890 : memref<32x128xf32, #tpu.memory_space<hbm>>) target(%dma_start3A_888 : memref<32x128xf32, #tpu.memory_space<vmem>>) target_semaphore(%arg15 : memref<!tpu.dma_semaphore, #tpu.memory_space<semaphore_mem>>)
      %dma_wait3A_891 = arith.constant 0 : i32
      %dma_wait3A_892 = arith.constant 0 : i32
      %dma_wait3A_893 = tpu.memref_slice %arg9[%dma_wait3A_891, %dma_wait3A_892] : memref<32x1024xf32, #tpu.memory_space<vmem>> -> memref<32x128xf32, #tpu.memory_space<vmem>>
      %dma_wait3A_894 = arith.constant 0 : i32
      %dma_wait3A_895 = arith.constant 0 : i32
      %dma_wait3A_896 = tpu.memref_slice %arg4[%dma_wait3A_894, %dma_wait3A_895] : memref<32x1000000xf32, #tpu.memory_space<hbm>> -> memref<32x128xf32, #tpu.memory_space<hbm>>
      %dma_wait3A_897 = arith.constant 0 : i32
      %dma_wait3A_898 = arith.constant 0 : i32
      %dma_wait3A_899 = tpu.memref_slice %arg9[%dma_wait3A_897, %dma_wait3A_898] : memref<32x1024xf32, #tpu.memory_space<vmem>> -> memref<32x128xf32, #tpu.memory_space<vmem>>
      %dma_wait3A_900 = arith.constant 0 : i32
      %dma_wait3A_901 = arith.constant 0 : i32
      %dma_wait3A_902 = tpu.memref_slice %arg4[%dma_wait3A_900, %dma_wait3A_901] : memref<32x1000000xf32, #tpu.memory_space<hbm>> -> memref<32x128xf32, #tpu.memory_space<hbm>>
      tpu.wait_dma2 semaphore(%arg16 : memref<!tpu.dma_semaphore, #tpu.memory_space<semaphore_mem>>) src(%dma_wait3A_902 : memref<32x128xf32, #tpu.memory_space<hbm>>) dst(%dma_wait3A_899 : memref<32x128xf32, #tpu.memory_space<vmem>>)
      %dma_wait3A_903 = arith.constant 0 : i32
      %dma_wait3A_904 = arith.constant 128 : i32
      %dma_wait3A_905 = tpu.memref_slice %arg9[%dma_wait3A_903, %dma_wait3A_904] : memref<32x1024xf32, #tpu.memory_space<vmem>> -> memref<32x128xf32, #tpu.memory_space<vmem>>
      %dma_wait3A_906 = arith.constant 0 : i32
      %dma_wait3A_907 = arith.constant 0 : i32
      %dma_wait3A_908 = tpu.memref_slice %arg4[%dma_wait3A_906, %dma_wait3A_907] : memref<32x1000000xf32, #tpu.memory_space<hbm>> -> memref<32x128xf32, #tpu.memory_space<hbm>>
      %dma_wait3A_909 = arith.constant 0 : i32
      %dma_wait3A_910 = arith.constant 128 : i32
      %dma_wait3A_911 = tpu.memref_slice %arg9[%dma_wait3A_909, %dma_wait3A_910] : memref<32x1024xf32, #tpu.memory_space<vmem>> -> memref<32x128xf32, #tpu.memory_space<vmem>>
      %dma_wait3A_912 = arith.constant 0 : i32
      %dma_wait3A_913 = arith.constant 0 : i32
      %dma_wait3A_914 = tpu.memref_slice %arg4[%dma_wait3A_912, %dma_wait3A_913] : memref<32x1000000xf32, #tpu.memory_space<hbm>> -> memref<32x128xf32, #tpu.memory_space<hbm>>
      tpu.wait_dma2 semaphore(%arg16 : memref<!tpu.dma_semaphore, #tpu.memory_space<semaphore_mem>>) src(%dma_wait3A_914 : memref<32x128xf32, #tpu.memory_space<hbm>>) dst(%dma_wait3A_911 : memref<32x128xf32, #tpu.memory_space<vmem>>)
      %dma_wait3A_915 = arith.constant 0 : i32
      %dma_wait3A_916 = arith.constant 256 : i32
      %dma_wait3A_917 = tpu.memref_slice %arg9[%dma_wait3A_915, %dma_wait3A_916] : memref<32x1024xf32, #tpu.memory_space<vmem>> -> memref<32x128xf32, #tpu.memory_space<vmem>>
      %dma_wait3A_918 = arith.constant 0 : i32
      %dma_wait3A_919 = arith.constant 0 : i32
      %dma_wait3A_920 = tpu.memref_slice %arg4[%dma_wait3A_918, %dma_wait3A_919] : memref<32x1000000xf32, #tpu.memory_space<hbm>> -> memref<32x128xf32, #tpu.memory_space<hbm>>
      %dma_wait3A_921 = arith.constant 0 : i32
      %dma_wait3A_922 = arith.constant 256 : i32
      %dma_wait3A_923 = tpu.memref_slice %arg9[%dma_wait3A_921, %dma_wait3A_922] : memref<32x1024xf32, #tpu.memory_space<vmem>> -> memref<32x128xf32, #tpu.memory_space<vmem>>
      %dma_wait3A_924 = arith.constant 0 : i32
      %dma_wait3A_925 = arith.constant 0 : i32
      %dma_wait3A_926 = tpu.memref_slice %arg4[%dma_wait3A_924, %dma_wait3A_925] : memref<32x1000000xf32, #tpu.memory_space<hbm>> -> memref<32x128xf32, #tpu.memory_space<hbm>>
      tpu.wait_dma2 semaphore(%arg16 : memref<!tpu.dma_semaphore, #tpu.memory_space<semaphore_mem>>) src(%dma_wait3A_926 : memref<32x128xf32, #tpu.memory_space<hbm>>) dst(%dma_wait3A_923 : memref<32x128xf32, #tpu.memory_space<vmem>>)
      %dma_wait3A_927 = arith.constant 0 : i32
      %dma_wait3A_928 = arith.constant 384 : i32
      %dma_wait3A_929 = tpu.memref_slice %arg9[%dma_wait3A_927, %dma_wait3A_928] : memref<32x1024xf32, #tpu.memory_space<vmem>> -> memref<32x128xf32, #tpu.memory_space<vmem>>
      %dma_wait3A_930 = arith.constant 0 : i32
      %dma_wait3A_931 = arith.constant 0 : i32
      %dma_wait3A_932 = tpu.memref_slice %arg4[%dma_wait3A_930, %dma_wait3A_931] : memref<32x1000000xf32, #tpu.memory_space<hbm>> -> memref<32x128xf32, #tpu.memory_space<hbm>>
      %dma_wait3A_933 = arith.constant 0 : i32
      %dma_wait3A_934 = arith.constant 384 : i32
      %dma_wait3A_935 = tpu.memref_slice %arg9[%dma_wait3A_933, %dma_wait3A_934] : memref<32x1024xf32, #tpu.memory_space<vmem>> -> memref<32x128xf32, #tpu.memory_space<vmem>>
      %dma_wait3A_936 = arith.constant 0 : i32
      %dma_wait3A_937 = arith.constant 0 : i32
      %dma_wait3A_938 = tpu.memref_slice %arg4[%dma_wait3A_936, %dma_wait3A_937] : memref<32x1000000xf32, #tpu.memory_space<hbm>> -> memref<32x128xf32, #tpu.memory_space<hbm>>
      tpu.wait_dma2 semaphore(%arg16 : memref<!tpu.dma_semaphore, #tpu.memory_space<semaphore_mem>>) src(%dma_wait3A_938 : memref<32x128xf32, #tpu.memory_space<hbm>>) dst(%dma_wait3A_935 : memref<32x128xf32, #tpu.memory_space<vmem>>)
      %dma_wait3A_939 = arith.constant 0 : i32
      %dma_wait3A_940 = arith.constant 512 : i32
      %dma_wait3A_941 = tpu.memref_slice %arg9[%dma_wait3A_939, %dma_wait3A_940] : memref<32x1024xf32, #tpu.memory_space<vmem>> -> memref<32x128xf32, #tpu.memory_space<vmem>>
      %dma_wait3A_942 = arith.constant 0 : i32
      %dma_wait3A_943 = arith.constant 0 : i32
      %dma_wait3A_944 = tpu.memref_slice %arg4[%dma_wait3A_942, %dma_wait3A_943] : memref<32x1000000xf32, #tpu.memory_space<hbm>> -> memref<32x128xf32, #tpu.memory_space<hbm>>
      %dma_wait3A_945 = arith.constant 0 : i32
      %dma_wait3A_946 = arith.constant 512 : i32
      %dma_wait3A_947 = tpu.memref_slice %arg9[%dma_wait3A_945, %dma_wait3A_946] : memref<32x1024xf32, #tpu.memory_space<vmem>> -> memref<32x128xf32, #tpu.memory_space<vmem>>
      %dma_wait3A_948 = arith.constant 0 : i32
      %dma_wait3A_949 = arith.constant 0 : i32
      %dma_wait3A_950 = tpu.memref_slice %arg4[%dma_wait3A_948, %dma_wait3A_949] : memref<32x1000000xf32, #tpu.memory_space<hbm>> -> memref<32x128xf32, #tpu.memory_space<hbm>>
      tpu.wait_dma2 semaphore(%arg16 : memref<!tpu.dma_semaphore, #tpu.memory_space<semaphore_mem>>) src(%dma_wait3A_950 : memref<32x128xf32, #tpu.memory_space<hbm>>) dst(%dma_wait3A_947 : memref<32x128xf32, #tpu.memory_space<vmem>>)
      %dma_wait3A_951 = arith.constant 0 : i32
      %dma_wait3A_952 = arith.constant 640 : i32
      %dma_wait3A_953 = tpu.memref_slice %arg9[%dma_wait3A_951, %dma_wait3A_952] : memref<32x1024xf32, #tpu.memory_space<vmem>> -> memref<32x128xf32, #tpu.memory_space<vmem>>
      %dma_wait3A_954 = arith.constant 0 : i32
      %dma_wait3A_955 = arith.constant 0 : i32
      %dma_wait3A_956 = tpu.memref_slice %arg4[%dma_wait3A_954, %dma_wait3A_955] : memref<32x1000000xf32, #tpu.memory_space<hbm>> -> memref<32x128xf32, #tpu.memory_space<hbm>>
      %dma_wait3A_957 = arith.constant 0 : i32
      %dma_wait3A_958 = arith.constant 640 : i32
      %dma_wait3A_959 = tpu.memref_slice %arg9[%dma_wait3A_957, %dma_wait3A_958] : memref<32x1024xf32, #tpu.memory_space<vmem>> -> memref<32x128xf32, #tpu.memory_space<vmem>>
      %dma_wait3A_960 = arith.constant 0 : i32
      %dma_wait3A_961 = arith.constant 0 : i32
      %dma_wait3A_962 = tpu.memref_slice %arg4[%dma_wait3A_960, %dma_wait3A_961] : memref<32x1000000xf32, #tpu.memory_space<hbm>> -> memref<32x128xf32, #tpu.memory_space<hbm>>
      tpu.wait_dma2 semaphore(%arg16 : memref<!tpu.dma_semaphore, #tpu.memory_space<semaphore_mem>>) src(%dma_wait3A_962 : memref<32x128xf32, #tpu.memory_space<hbm>>) dst(%dma_wait3A_959 : memref<32x128xf32, #tpu.memory_space<vmem>>)
      %dma_wait3A_963 = arith.constant 0 : i32
      %dma_wait3A_964 = arith.constant 768 : i32
      %dma_wait3A_965 = tpu.memref_slice %arg9[%dma_wait3A_963, %dma_wait3A_964] : memref<32x1024xf32, #tpu.memory_space<vmem>> -> memref<32x128xf32, #tpu.memory_space<vmem>>
      %dma_wait3A_966 = arith.constant 0 : i32
      %dma_wait3A_967 = arith.constant 0 : i32
      %dma_wait3A_968 = tpu.memref_slice %arg4[%dma_wait3A_966, %dma_wait3A_967] : memref<32x1000000xf32, #tpu.memory_space<hbm>> -> memref<32x128xf32, #tpu.memory_space<hbm>>
      %dma_wait3A_969 = arith.constant 0 : i32
      %dma_wait3A_970 = arith.constant 768 : i32
      %dma_wait3A_971 = tpu.memref_slice %arg9[%dma_wait3A_969, %dma_wait3A_970] : memref<32x1024xf32, #tpu.memory_space<vmem>> -> memref<32x128xf32, #tpu.memory_space<vmem>>
      %dma_wait3A_972 = arith.constant 0 : i32
      %dma_wait3A_973 = arith.constant 0 : i32
      %dma_wait3A_974 = tpu.memref_slice %arg4[%dma_wait3A_972, %dma_wait3A_973] : memref<32x1000000xf32, #tpu.memory_space<hbm>> -> memref<32x128xf32, #tpu.memory_space<hbm>>
      tpu.wait_dma2 semaphore(%arg16 : memref<!tpu.dma_semaphore, #tpu.memory_space<semaphore_mem>>) src(%dma_wait3A_974 : memref<32x128xf32, #tpu.memory_space<hbm>>) dst(%dma_wait3A_971 : memref<32x128xf32, #tpu.memory_space<vmem>>)
      %dma_wait3A_975 = arith.constant 0 : i32
      %dma_wait3A_976 = arith.constant 896 : i32
      %dma_wait3A_977 = tpu.memref_slice %arg9[%dma_wait3A_975, %dma_wait3A_976] : memref<32x1024xf32, #tpu.memory_space<vmem>> -> memref<32x128xf32, #tpu.memory_space<vmem>>
      %dma_wait3A_978 = arith.constant 0 : i32
      %dma_wait3A_979 = arith.constant 0 : i32
      %dma_wait3A_980 = tpu.memref_slice %arg4[%dma_wait3A_978, %dma_wait3A_979] : memref<32x1000000xf32, #tpu.memory_space<hbm>> -> memref<32x128xf32, #tpu.memory_space<hbm>>
      %dma_wait3A_981 = arith.constant 0 : i32
      %dma_wait3A_982 = arith.constant 896 : i32
      %dma_wait3A_983 = tpu.memref_slice %arg9[%dma_wait3A_981, %dma_wait3A_982] : memref<32x1024xf32, #tpu.memory_space<vmem>> -> memref<32x128xf32, #tpu.memory_space<vmem>>
      %dma_wait3A_984 = arith.constant 0 : i32
      %dma_wait3A_985 = arith.constant 0 : i32
      %dma_wait3A_986 = tpu.memref_slice %arg4[%dma_wait3A_984, %dma_wait3A_985] : memref<32x1000000xf32, #tpu.memory_space<hbm>> -> memref<32x128xf32, #tpu.memory_space<hbm>>
      tpu.wait_dma2 semaphore(%arg16 : memref<!tpu.dma_semaphore, #tpu.memory_space<semaphore_mem>>) src(%dma_wait3A_986 : memref<32x128xf32, #tpu.memory_space<hbm>>) dst(%dma_wait3A_983 : memref<32x128xf32, #tpu.memory_space<vmem>>)
      %mul3A_987 = arith.constant 2 : i32
      %mul3A_988 = arith.muli %mul3A_987, %scan3A_496 : i32
      %add3A_989 = arith.constant 1 : i32
      %add3A_990 = arith.addi %mul3A_988, %add3A_989 : i32
      %mul3A_991 = arith.constant 781 : i32
      %mul3A_992 = arith.muli %add3A_990, %mul3A_991 : i32
      %min3A_993 = arith.constant 10 : i32
      %min3A_994 = arith.minsi %add3A_990, %min3A_993 : i32
      %add3A_995 = arith.addi %mul3A_992, %min3A_994 : i32
      %lt3A_996 = arith.constant 10 : i32
      %lt3A_997 = arith.cmpi slt, %add3A_990, %lt3A_996 : i32
      %convert_element_type3A_998 = arith.extui %lt3A_997 : i1 to i32
      %add3A_999 = arith.constant 781 : i32
      %add3A_1000 = arith.addi %add3A_999, %convert_element_type3A_998 : i32
      %add3A_1001 = arith.addi %mul3A_6, %add3A_995 : i32
      %shift_right_logical3A_1002 = arith.constant 7 : i32
      %shift_right_logical3A_1003 = arith.shrui %add3A_1001, %shift_right_logical3A_1002 : i32
      %min3A_1004 = arith.constant 7804 : i32
      %min3A_1005 = arith.minsi %shift_right_logical3A_1003, %min3A_1004 : i32
      %mul3A_1006 = arith.constant 128 : i32
      %mul3A_1007 = arith.muli %min3A_1005, %mul3A_1006 : i32
      %add3A_1008 = arith.addi %add3A_995, %add3A_1000 : i32
      %sub3A_1009 = arith.subi %min3A_9, %mul3A_6 : i32
      %min3A_1010 = arith.minsi %add3A_1008, %sub3A_1009 : i32
      %while3A_1011 = arith.constant 0 : i32
      %while3A_1012 = arith.constant 0 : i32
      %while3A_1013 = arith.subi %shift_right_logical3A_22, %while3A_1011 : i32
      %while3A_1014 = arith.addi %while3A_1011, %while3A_1013 : i32
      %while3A_1015 = arith.constant 1 : i32
      %while3A_1016 = arith.divsi %while3A_1013, %while3A_1015 : i32
      %while3A_1017 = arith.muli %while3A_1016, %while3A_1015 : i32
      %while3A_1018 = arith.addi %while3A_1011, %while3A_1017 : i32
      %while3A_1019 = arith.constant 1 : i32
      %while3A_1020 = scf.for %while3A_1037 = %while3A_1011 to %while3A_1018 step %while3A_1019 iter_args(%while3A_1038 = %while3A_1012) -> (i32)  : i32 {
        %mul3A_1039 = arith.constant 16 : i32
        %mul3A_1040 = arith.muli %while3A_1037, %mul3A_1039 : i32
        %get3A = arith.index_cast %mul3A_1040 : i32 to index
        %get3A_1041 = tpu.vector_load %arg10[%get3A] {strides = array<i32>} : memref<16400xi32, #tpu.memory_space<vmem>>, vector<16xi32>,
        %shift_right_logical3A_1042 = arith.constant 14 : i32
        %shift_right_logical3A_1043 = vector.broadcast %shift_right_logical3A_1042 : i32 to vector<16xi32>
        %shift_right_logical3A_1044 = arith.shrui %get3A_1041, %shift_right_logical3A_1043 : vector<16xi32>
        %mul3A_1045 = arith.constant 16 : i32
        %mul3A_1046 = arith.muli %while3A_1037, %mul3A_1045 : i32
        %add3A_1047 = vector.broadcast %mul3A_1046 : i32 to vector<16xi32>
        %add3A_1048 = arith.addi %add3A_1047, %iota3A_4 : vector<16xi32>
        %lt3A_1049 = vector.broadcast %scan3A_18 : i32 to vector<16xi32>
        %lt3A_1050 = arith.cmpi slt, %add3A_1048, %lt3A_1049 : vector<16xi32>
        %ge3A = vector.broadcast %add3A_995 : i32 to vector<16xi32>
        %ge3A_1051 = arith.cmpi sge, %shift_right_logical3A_1044, %ge3A : vector<16xi32>
        %and3A = arith.andi %lt3A_1050, %ge3A_1051 : vector<16xi1>
        %lt3A_1052 = vector.broadcast %min3A_1010 : i32 to vector<16xi32>
        %lt3A_1053 = arith.cmpi slt, %shift_right_logical3A_1044, %lt3A_1052 : vector<16xi32>
        %and3A_1054 = arith.andi %and3A, %lt3A_1053 : vector<16xi1>
        %swap3A = arith.index_cast %while3A_1038 : i32 to index
        %swap3A_1055 = tpu.vector_load %arg11[%swap3A] masked %and3A_1054 {strides = array<i32>} : memref<16400xi32, #tpu.memory_space<vmem>>, vector<16xi32>, vector<16xi1>
        tpu.vector_store %arg11[%swap3A], %get3A_1041 masked %and3A_1054 {strides = array<i32>} : memref<16400xi32, #tpu.memory_space<vmem>>, vector<16xi32>, vector<16xi1>
        %all_reduce_population_count3A = tpu.all_reduce %and3A_1054 {dim = 0 : i64, kind = #tpu.reduction_kind<sum>} : vector<16xi1> -> vector<16xi32>
        %slice3A = vector.extract_strided_slice %all_reduce_population_count3A {offsets = [0], sizes = [1], strides = [1]} : vector<16xi32> to vector<1xi32>
        %squeeze3A = vector.extract %slice3A[0] : i32 from vector<1xi32>
        %add3A_1056 = arith.addi %while3A_1038, %squeeze3A : i32
        scf.yield %add3A_1056 : i32
      }
      %while3A_1021 = arith.constant 1 : i32
      %while3A_1022 = scf.for %while3A_1037 = %while3A_1018 to %while3A_1014 step %while3A_1021 iter_args(%while3A_1038 = %while3A_1020) -> (i32)  : i32 {
        %mul3A_1039 = arith.constant 16 : i32
        %mul3A_1040 = arith.muli %while3A_1037, %mul3A_1039 : i32
        %get3A = arith.index_cast %mul3A_1040 : i32 to index
        %get3A_1041 = tpu.vector_load %arg10[%get3A] {strides = array<i32>} : memref<16400xi32, #tpu.memory_space<vmem>>, vector<16xi32>,
        %shift_right_logical3A_1042 = arith.constant 14 : i32
        %shift_right_logical3A_1043 = vector.broadcast %shift_right_logical3A_1042 : i32 to vector<16xi32>
        %shift_right_logical3A_1044 = arith.shrui %get3A_1041, %shift_right_logical3A_1043 : vector<16xi32>
        %mul3A_1045 = arith.constant 16 : i32
        %mul3A_1046 = arith.muli %while3A_1037, %mul3A_1045 : i32
        %add3A_1047 = vector.broadcast %mul3A_1046 : i32 to vector<16xi32>
        %add3A_1048 = arith.addi %add3A_1047, %iota3A_4 : vector<16xi32>
        %lt3A_1049 = vector.broadcast %scan3A_18 : i32 to vector<16xi32>
        %lt3A_1050 = arith.cmpi slt, %add3A_1048, %lt3A_1049 : vector<16xi32>
        %ge3A = vector.broadcast %add3A_995 : i32 to vector<16xi32>
        %ge3A_1051 = arith.cmpi sge, %shift_right_logical3A_1044, %ge3A : vector<16xi32>
        %and3A = arith.andi %lt3A_1050, %ge3A_1051 : vector<16xi1>
        %lt3A_1052 = vector.broadcast %min3A_1010 : i32 to vector<16xi32>
        %lt3A_1053 = arith.cmpi slt, %shift_right_logical3A_1044, %lt3A_1052 : vector<16xi32>
        %and3A_1054 = arith.andi %and3A, %lt3A_1053 : vector<16xi1>
        %swap3A = arith.index_cast %while3A_1038 : i32 to index
        %swap3A_1055 = tpu.vector_load %arg11[%swap3A] masked %and3A_1054 {strides = array<i32>} : memref<16400xi32, #tpu.memory_space<vmem>>, vector<16xi32>, vector<16xi1>
        tpu.vector_store %arg11[%swap3A], %get3A_1041 masked %and3A_1054 {strides = array<i32>} : memref<16400xi32, #tpu.memory_space<vmem>>, vector<16xi32>, vector<16xi1>
        %all_reduce_population_count3A = tpu.all_reduce %and3A_1054 {dim = 0 : i64, kind = #tpu.reduction_kind<sum>} : vector<16xi1> -> vector<16xi32>
        %slice3A = vector.extract_strided_slice %all_reduce_population_count3A {offsets = [0], sizes = [1], strides = [1]} : vector<16xi32> to vector<1xi32>
        %squeeze3A = vector.extract %slice3A[0] : i32 from vector<1xi32>
        %add3A_1056 = arith.addi %while3A_1038, %squeeze3A : i32
        scf.yield %add3A_1056 : i32
      }
      %add3A_1023 = arith.constant 15 : i32
      %add3A_1024 = arith.addi %while3A_1022, %add3A_1023 : i32
      %shift_right_logical3A_1025 = arith.constant 4 : i32
      %shift_right_logical3A_1026 = arith.shrui %add3A_1024, %shift_right_logical3A_1025 : i32
      %while3A_1027 = arith.constant 0 : i32
      %while3A_1028 = arith.constant 0 : i32
      %while3A_1029 = arith.subi %shift_right_logical3A_1026, %while3A_1028 : i32
      %while3A_1030 = arith.addi %while3A_1028, %while3A_1029 : i32
      %while3A_1031 = arith.constant 1 : i32
      %while3A_1032 = arith.divsi %while3A_1029, %while3A_1031 : i32
      %while3A_1033 = arith.muli %while3A_1032, %while3A_1031 : i32
      %while3A_1034 = arith.addi %while3A_1028, %while3A_1033 : i32
      %while3A_1035 = arith.constant 1 : i32
      scf.for %while3A_1037 = %while3A_1028 to %while3A_1034 step %while3A_1035  : i32 {
        %mul3A_1038 = arith.constant 16 : i32
        %mul3A_1039 = arith.muli %while3A_1037, %mul3A_1038 : i32
        %get3A = arith.index_cast %mul3A_1039 : i32 to index
        %get3A_1040 = tpu.vector_load %arg11[%get3A] {strides = array<i32>} : memref<16400xi32, #tpu.memory_space<vmem>>, vector<16xi32>,
        %and3A = arith.constant 16383 : i32
        %and3A_1041 = vector.broadcast %and3A : i32 to vector<16xi32>
        %and3A_1042 = arith.andi %get3A_1040, %and3A_1041 : vector<16xi32>
        %mul3A_1043 = arith.constant 16 : i32
        %mul3A_1044 = arith.muli %while3A_1037, %mul3A_1043 : i32
        %add3A_1045 = vector.broadcast %mul3A_1044 : i32 to vector<16xi32>
        %add3A_1046 = arith.addi %add3A_1045, %iota3A_4 : vector<16xi32>
        %lt3A_1047 = vector.broadcast %while3A_1022 : i32 to vector<16xi32>
        %lt3A_1048 = arith.cmpi slt, %add3A_1046, %lt3A_1047 : vector<16xi32>
        %add3A_1049 = vector.broadcast %add3A_13 : i32 to vector<16xi32>
        %add3A_1050 = arith.addi %add3A_1049, %iota3A_4 : vector<16xi32>
        %select_n3A = arith.select %lt3A_1048, %and3A_1042, %add3A_1050 : vector<16xi1>, vector<16xi32>
        %swap3A = arith.constant 0 : index
        %swap3A_1051 = tpu.vector_load %arg13[%swap3A] {strides = array<i32>} : memref<16xi32, #tpu.memory_space<vmem>>, vector<16xi32>,
        tpu.vector_store %arg13[%swap3A], %select_n3A {strides = array<i32>} : memref<16xi32, #tpu.memory_space<vmem>>, vector<16xi32>,
        %shift_right_logical3A_1052 = arith.constant 14 : i32
        %shift_right_logical3A_1053 = vector.broadcast %shift_right_logical3A_1052 : i32 to vector<16xi32>
        %shift_right_logical3A_1054 = arith.shrui %get3A_1040, %shift_right_logical3A_1053 : vector<16xi32>
        %add3A_1055 = vector.broadcast %mul3A_6 : i32 to vector<16xi32>
        %add3A_1056 = arith.addi %add3A_1055, %shift_right_logical3A_1054 : vector<16xi32>
        %sub3A_1057 = vector.broadcast %mul3A_1007 : i32 to vector<16xi32>
        %sub3A_1058 = arith.subi %add3A_1056, %sub3A_1057 : vector<16xi32>
        %jit3A = arith.constant 0 : i32
        %jit3A_1059 = arith.constant 1023 : i32
        %max3A = vector.broadcast %jit3A : i32 to vector<16xi32>
        %max3A_1060 = arith.maxsi %max3A, %sub3A_1058 : vector<16xi32>
        %min3A_1061 = vector.broadcast %jit3A_1059 : i32 to vector<16xi32>
        %min3A_1062 = arith.minsi %min3A_1061, %max3A_1060 : vector<16xi32>
        %broadcast_in_dim3A = arith.constant 0 : i32
        %broadcast_in_dim3A_1063 = vector.broadcast %broadcast_in_dim3A : i32 to vector<16xi32>
        %gather3A = tpu.vector_load_idx %arg9[%broadcast_in_dim3A_1063, %min3A_1062] : memref<32x1024xf32, #tpu.memory_space<vmem>>[vector<16xi32>, vector<16xi32>], vector<16xf32>,
        tpu.vector_store_idx %arg12[%iota3A_4, %broadcast_in_dim3A_1063], %gather3A : memref<16x128xf32, #tpu.memory_space<vmem>>[vector<16xi32>, vector<16xi32>], vector<16xf32>,
        %broadcast_in_dim3A_1064 = arith.constant 1 : i32
        %broadcast_in_dim3A_1065 = vector.broadcast %broadcast_in_dim3A_1064 : i32 to vector<16xi32>
        %gather3A_1066 = tpu.vector_load_idx %arg9[%broadcast_in_dim3A_1065, %min3A_1062] : memref<32x1024xf32, #tpu.memory_space<vmem>>[vector<16xi32>, vector<16xi32>], vector<16xf32>,
        tpu.vector_store_idx %arg12[%iota3A_4, %broadcast_in_dim3A_1065], %gather3A_1066 : memref<16x128xf32, #tpu.memory_space<vmem>>[vector<16xi32>, vector<16xi32>], vector<16xf32>,
        %broadcast_in_dim3A_1067 = arith.constant 2 : i32
        %broadcast_in_dim3A_1068 = vector.broadcast %broadcast_in_dim3A_1067 : i32 to vector<16xi32>
        %gather3A_1069 = tpu.vector_load_idx %arg9[%broadcast_in_dim3A_1068, %min3A_1062] : memref<32x1024xf32, #tpu.memory_space<vmem>>[vector<16xi32>, vector<16xi32>], vector<16xf32>,
        tpu.vector_store_idx %arg12[%iota3A_4, %broadcast_in_dim3A_1068], %gather3A_1069 : memref<16x128xf32, #tpu.memory_space<vmem>>[vector<16xi32>, vector<16xi32>], vector<16xf32>,
        %broadcast_in_dim3A_1070 = arith.constant 3 : i32
        %broadcast_in_dim3A_1071 = vector.broadcast %broadcast_in_dim3A_1070 : i32 to vector<16xi32>
        %gather3A_1072 = tpu.vector_load_idx %arg9[%broadcast_in_dim3A_1071, %min3A_1062] : memref<32x1024xf32, #tpu.memory_space<vmem>>[vector<16xi32>, vector<16xi32>], vector<16xf32>,
        tpu.vector_store_idx %arg12[%iota3A_4, %broadcast_in_dim3A_1071], %gather3A_1072 : memref<16x128xf32, #tpu.memory_space<vmem>>[vector<16xi32>, vector<16xi32>], vector<16xf32>,
        %broadcast_in_dim3A_1073 = arith.constant 4 : i32
        %broadcast_in_dim3A_1074 = vector.broadcast %broadcast_in_dim3A_1073 : i32 to vector<16xi32>
        %gather3A_1075 = tpu.vector_load_idx %arg9[%broadcast_in_dim3A_1074, %min3A_1062] : memref<32x1024xf32, #tpu.memory_space<vmem>>[vector<16xi32>, vector<16xi32>], vector<16xf32>,
        tpu.vector_store_idx %arg12[%iota3A_4, %broadcast_in_dim3A_1074], %gather3A_1075 : memref<16x128xf32, #tpu.memory_space<vmem>>[vector<16xi32>, vector<16xi32>], vector<16xf32>,
        %broadcast_in_dim3A_1076 = arith.constant 5 : i32
        %broadcast_in_dim3A_1077 = vector.broadcast %broadcast_in_dim3A_1076 : i32 to vector<16xi32>
        %gather3A_1078 = tpu.vector_load_idx %arg9[%broadcast_in_dim3A_1077, %min3A_1062] : memref<32x1024xf32, #tpu.memory_space<vmem>>[vector<16xi32>, vector<16xi32>], vector<16xf32>,
        tpu.vector_store_idx %arg12[%iota3A_4, %broadcast_in_dim3A_1077], %gather3A_1078 : memref<16x128xf32, #tpu.memory_space<vmem>>[vector<16xi32>, vector<16xi32>], vector<16xf32>,
        %broadcast_in_dim3A_1079 = arith.constant 6 : i32
        %broadcast_in_dim3A_1080 = vector.broadcast %broadcast_in_dim3A_1079 : i32 to vector<16xi32>
        %gather3A_1081 = tpu.vector_load_idx %arg9[%broadcast_in_dim3A_1080, %min3A_1062] : memref<32x1024xf32, #tpu.memory_space<vmem>>[vector<16xi32>, vector<16xi32>], vector<16xf32>,
        tpu.vector_store_idx %arg12[%iota3A_4, %broadcast_in_dim3A_1080], %gather3A_1081 : memref<16x128xf32, #tpu.memory_space<vmem>>[vector<16xi32>, vector<16xi32>], vector<16xf32>,
        %broadcast_in_dim3A_1082 = arith.constant 7 : i32
        %broadcast_in_dim3A_1083 = vector.broadcast %broadcast_in_dim3A_1082 : i32 to vector<16xi32>
        %gather3A_1084 = tpu.vector_load_idx %arg9[%broadcast_in_dim3A_1083, %min3A_1062] : memref<32x1024xf32, #tpu.memory_space<vmem>>[vector<16xi32>, vector<16xi32>], vector<16xf32>,
        tpu.vector_store_idx %arg12[%iota3A_4, %broadcast_in_dim3A_1083], %gather3A_1084 : memref<16x128xf32, #tpu.memory_space<vmem>>[vector<16xi32>, vector<16xi32>], vector<16xf32>,
        %broadcast_in_dim3A_1085 = arith.constant 8 : i32
        %broadcast_in_dim3A_1086 = vector.broadcast %broadcast_in_dim3A_1085 : i32 to vector<16xi32>
        %gather3A_1087 = tpu.vector_load_idx %arg9[%broadcast_in_dim3A_1086, %min3A_1062] : memref<32x1024xf32, #tpu.memory_space<vmem>>[vector<16xi32>, vector<16xi32>], vector<16xf32>,
        tpu.vector_store_idx %arg12[%iota3A_4, %broadcast_in_dim3A_1086], %gather3A_1087 : memref<16x128xf32, #tpu.memory_space<vmem>>[vector<16xi32>, vector<16xi32>], vector<16xf32>,
        %broadcast_in_dim3A_1088 = arith.constant 9 : i32
        %broadcast_in_dim3A_1089 = vector.broadcast %broadcast_in_dim3A_1088 : i32 to vector<16xi32>
        %gather3A_1090 = tpu.vector_load_idx %arg9[%broadcast_in_dim3A_1089, %min3A_1062] : memref<32x1024xf32, #tpu.memory_space<vmem>>[vector<16xi32>, vector<16xi32>], vector<16xf32>,
        tpu.vector_store_idx %arg12[%iota3A_4, %broadcast_in_dim3A_1089], %gather3A_1090 : memref<16x128xf32, #tpu.memory_space<vmem>>[vector<16xi32>, vector<16xi32>], vector<16xf32>,
        %broadcast_in_dim3A_1091 = arith.constant 10 : i32
        %broadcast_in_dim3A_1092 = vector.broadcast %broadcast_in_dim3A_1091 : i32 to vector<16xi32>
        %gather3A_1093 = tpu.vector_load_idx %arg9[%broadcast_in_dim3A_1092, %min3A_1062] : memref<32x1024xf32, #tpu.memory_space<vmem>>[vector<16xi32>, vector<16xi32>], vector<16xf32>,
        tpu.vector_store_idx %arg12[%iota3A_4, %broadcast_in_dim3A_1092], %gather3A_1093 : memref<16x128xf32, #tpu.memory_space<vmem>>[vector<16xi32>, vector<16xi32>], vector<16xf32>,
        %broadcast_in_dim3A_1094 = arith.constant 11 : i32
        %broadcast_in_dim3A_1095 = vector.broadcast %broadcast_in_dim3A_1094 : i32 to vector<16xi32>
        %gather3A_1096 = tpu.vector_load_idx %arg9[%broadcast_in_dim3A_1095, %min3A_1062] : memref<32x1024xf32, #tpu.memory_space<vmem>>[vector<16xi32>, vector<16xi32>], vector<16xf32>,
        tpu.vector_store_idx %arg12[%iota3A_4, %broadcast_in_dim3A_1095], %gather3A_1096 : memref<16x128xf32, #tpu.memory_space<vmem>>[vector<16xi32>, vector<16xi32>], vector<16xf32>,
        %broadcast_in_dim3A_1097 = arith.constant 12 : i32
        %broadcast_in_dim3A_1098 = vector.broadcast %broadcast_in_dim3A_1097 : i32 to vector<16xi32>
        %gather3A_1099 = tpu.vector_load_idx %arg9[%broadcast_in_dim3A_1098, %min3A_1062] : memref<32x1024xf32, #tpu.memory_space<vmem>>[vector<16xi32>, vector<16xi32>], vector<16xf32>,
        tpu.vector_store_idx %arg12[%iota3A_4, %broadcast_in_dim3A_1098], %gather3A_1099 : memref<16x128xf32, #tpu.memory_space<vmem>>[vector<16xi32>, vector<16xi32>], vector<16xf32>,
        %broadcast_in_dim3A_1100 = arith.constant 13 : i32
        %broadcast_in_dim3A_1101 = vector.broadcast %broadcast_in_dim3A_1100 : i32 to vector<16xi32>
        %gather3A_1102 = tpu.vector_load_idx %arg9[%broadcast_in_dim3A_1101, %min3A_1062] : memref<32x1024xf32, #tpu.memory_space<vmem>>[vector<16xi32>, vector<16xi32>], vector<16xf32>,
        tpu.vector_store_idx %arg12[%iota3A_4, %broadcast_in_dim3A_1101], %gather3A_1102 : memref<16x128xf32, #tpu.memory_space<vmem>>[vector<16xi32>, vector<16xi32>], vector<16xf32>,
        %broadcast_in_dim3A_1103 = arith.constant 14 : i32
        %broadcast_in_dim3A_1104 = vector.broadcast %broadcast_in_dim3A_1103 : i32 to vector<16xi32>
        %gather3A_1105 = tpu.vector_load_idx %arg9[%broadcast_in_dim3A_1104, %min3A_1062] : memref<32x1024xf32, #tpu.memory_space<vmem>>[vector<16xi32>, vector<16xi32>], vector<16xf32>,
        tpu.vector_store_idx %arg12[%iota3A_4, %broadcast_in_dim3A_1104], %gather3A_1105 : memref<16x128xf32, #tpu.memory_space<vmem>>[vector<16xi32>, vector<16xi32>], vector<16xf32>,
        %broadcast_in_dim3A_1106 = arith.constant 15 : i32
        %broadcast_in_dim3A_1107 = vector.broadcast %broadcast_in_dim3A_1106 : i32 to vector<16xi32>
        %gather3A_1108 = tpu.vector_load_idx %arg9[%broadcast_in_dim3A_1107, %min3A_1062] : memref<32x1024xf32, #tpu.memory_space<vmem>>[vector<16xi32>, vector<16xi32>], vector<16xf32>,
        tpu.vector_store_idx %arg12[%iota3A_4, %broadcast_in_dim3A_1107], %gather3A_1108 : memref<16x128xf32, #tpu.memory_space<vmem>>[vector<16xi32>, vector<16xi32>], vector<16xf32>,
        %broadcast_in_dim3A_1109 = arith.constant 16 : i32
        %broadcast_in_dim3A_1110 = vector.broadcast %broadcast_in_dim3A_1109 : i32 to vector<16xi32>
        %gather3A_1111 = tpu.vector_load_idx %arg9[%broadcast_in_dim3A_1110, %min3A_1062] : memref<32x1024xf32, #tpu.memory_space<vmem>>[vector<16xi32>, vector<16xi32>], vector<16xf32>,
        tpu.vector_store_idx %arg12[%iota3A_4, %broadcast_in_dim3A_1110], %gather3A_1111 : memref<16x128xf32, #tpu.memory_space<vmem>>[vector<16xi32>, vector<16xi32>], vector<16xf32>,
        %broadcast_in_dim3A_1112 = arith.constant 17 : i32
        %broadcast_in_dim3A_1113 = vector.broadcast %broadcast_in_dim3A_1112 : i32 to vector<16xi32>
        %gather3A_1114 = tpu.vector_load_idx %arg9[%broadcast_in_dim3A_1113, %min3A_1062] : memref<32x1024xf32, #tpu.memory_space<vmem>>[vector<16xi32>, vector<16xi32>], vector<16xf32>,
        tpu.vector_store_idx %arg12[%iota3A_4, %broadcast_in_dim3A_1113], %gather3A_1114 : memref<16x128xf32, #tpu.memory_space<vmem>>[vector<16xi32>, vector<16xi32>], vector<16xf32>,
        %broadcast_in_dim3A_1115 = arith.constant 18 : i32
        %broadcast_in_dim3A_1116 = vector.broadcast %broadcast_in_dim3A_1115 : i32 to vector<16xi32>
        %gather3A_1117 = tpu.vector_load_idx %arg9[%broadcast_in_dim3A_1116, %min3A_1062] : memref<32x1024xf32, #tpu.memory_space<vmem>>[vector<16xi32>, vector<16xi32>], vector<16xf32>,
        tpu.vector_store_idx %arg12[%iota3A_4, %broadcast_in_dim3A_1116], %gather3A_1117 : memref<16x128xf32, #tpu.memory_space<vmem>>[vector<16xi32>, vector<16xi32>], vector<16xf32>,
        %broadcast_in_dim3A_1118 = arith.constant 19 : i32
        %broadcast_in_dim3A_1119 = vector.broadcast %broadcast_in_dim3A_1118 : i32 to vector<16xi32>
        %gather3A_1120 = tpu.vector_load_idx %arg9[%broadcast_in_dim3A_1119, %min3A_1062] : memref<32x1024xf32, #tpu.memory_space<vmem>>[vector<16xi32>, vector<16xi32>], vector<16xf32>,
        tpu.vector_store_idx %arg12[%iota3A_4, %broadcast_in_dim3A_1119], %gather3A_1120 : memref<16x128xf32, #tpu.memory_space<vmem>>[vector<16xi32>, vector<16xi32>], vector<16xf32>,
        %broadcast_in_dim3A_1121 = arith.constant 20 : i32
        %broadcast_in_dim3A_1122 = vector.broadcast %broadcast_in_dim3A_1121 : i32 to vector<16xi32>
        %gather3A_1123 = tpu.vector_load_idx %arg9[%broadcast_in_dim3A_1122, %min3A_1062] : memref<32x1024xf32, #tpu.memory_space<vmem>>[vector<16xi32>, vector<16xi32>], vector<16xf32>,
        tpu.vector_store_idx %arg12[%iota3A_4, %broadcast_in_dim3A_1122], %gather3A_1123 : memref<16x128xf32, #tpu.memory_space<vmem>>[vector<16xi32>, vector<16xi32>], vector<16xf32>,
        %broadcast_in_dim3A_1124 = arith.constant 21 : i32
        %broadcast_in_dim3A_1125 = vector.broadcast %broadcast_in_dim3A_1124 : i32 to vector<16xi32>
        %gather3A_1126 = tpu.vector_load_idx %arg9[%broadcast_in_dim3A_1125, %min3A_1062] : memref<32x1024xf32, #tpu.memory_space<vmem>>[vector<16xi32>, vector<16xi32>], vector<16xf32>,
        tpu.vector_store_idx %arg12[%iota3A_4, %broadcast_in_dim3A_1125], %gather3A_1126 : memref<16x128xf32, #tpu.memory_space<vmem>>[vector<16xi32>, vector<16xi32>], vector<16xf32>,
        %broadcast_in_dim3A_1127 = arith.constant 22 : i32
        %broadcast_in_dim3A_1128 = vector.broadcast %broadcast_in_dim3A_1127 : i32 to vector<16xi32>
        %gather3A_1129 = tpu.vector_load_idx %arg9[%broadcast_in_dim3A_1128, %min3A_1062] : memref<32x1024xf32, #tpu.memory_space<vmem>>[vector<16xi32>, vector<16xi32>], vector<16xf32>,
        tpu.vector_store_idx %arg12[%iota3A_4, %broadcast_in_dim3A_1128], %gather3A_1129 : memref<16x128xf32, #tpu.memory_space<vmem>>[vector<16xi32>, vector<16xi32>], vector<16xf32>,
        %broadcast_in_dim3A_1130 = arith.constant 23 : i32
        %broadcast_in_dim3A_1131 = vector.broadcast %broadcast_in_dim3A_1130 : i32 to vector<16xi32>
        %gather3A_1132 = tpu.vector_load_idx %arg9[%broadcast_in_dim3A_1131, %min3A_1062] : memref<32x1024xf32, #tpu.memory_space<vmem>>[vector<16xi32>, vector<16xi32>], vector<16xf32>,
        tpu.vector_store_idx %arg12[%iota3A_4, %broadcast_in_dim3A_1131], %gather3A_1132 : memref<16x128xf32, #tpu.memory_space<vmem>>[vector<16xi32>, vector<16xi32>], vector<16xf32>,
        %broadcast_in_dim3A_1133 = arith.constant 24 : i32
        %broadcast_in_dim3A_1134 = vector.broadcast %broadcast_in_dim3A_1133 : i32 to vector<16xi32>
        %gather3A_1135 = tpu.vector_load_idx %arg9[%broadcast_in_dim3A_1134, %min3A_1062] : memref<32x1024xf32, #tpu.memory_space<vmem>>[vector<16xi32>, vector<16xi32>], vector<16xf32>,
        tpu.vector_store_idx %arg12[%iota3A_4, %broadcast_in_dim3A_1134], %gather3A_1135 : memref<16x128xf32, #tpu.memory_space<vmem>>[vector<16xi32>, vector<16xi32>], vector<16xf32>,
        %broadcast_in_dim3A_1136 = arith.constant 25 : i32
        %broadcast_in_dim3A_1137 = vector.broadcast %broadcast_in_dim3A_1136 : i32 to vector<16xi32>
        %gather3A_1138 = tpu.vector_load_idx %arg9[%broadcast_in_dim3A_1137, %min3A_1062] : memref<32x1024xf32, #tpu.memory_space<vmem>>[vector<16xi32>, vector<16xi32>], vector<16xf32>,
        tpu.vector_store_idx %arg12[%iota3A_4, %broadcast_in_dim3A_1137], %gather3A_1138 : memref<16x128xf32, #tpu.memory_space<vmem>>[vector<16xi32>, vector<16xi32>], vector<16xf32>,
        %broadcast_in_dim3A_1139 = arith.constant 26 : i32
        %broadcast_in_dim3A_1140 = vector.broadcast %broadcast_in_dim3A_1139 : i32 to vector<16xi32>
        %gather3A_1141 = tpu.vector_load_idx %arg9[%broadcast_in_dim3A_1140, %min3A_1062] : memref<32x1024xf32, #tpu.memory_space<vmem>>[vector<16xi32>, vector<16xi32>], vector<16xf32>,
        tpu.vector_store_idx %arg12[%iota3A_4, %broadcast_in_dim3A_1140], %gather3A_1141 : memref<16x128xf32, #tpu.memory_space<vmem>>[vector<16xi32>, vector<16xi32>], vector<16xf32>,
        %broadcast_in_dim3A_1142 = arith.constant 27 : i32
        %broadcast_in_dim3A_1143 = vector.broadcast %broadcast_in_dim3A_1142 : i32 to vector<16xi32>
        %gather3A_1144 = tpu.vector_load_idx %arg9[%broadcast_in_dim3A_1143, %min3A_1062] : memref<32x1024xf32, #tpu.memory_space<vmem>>[vector<16xi32>, vector<16xi32>], vector<16xf32>,
        tpu.vector_store_idx %arg12[%iota3A_4, %broadcast_in_dim3A_1143], %gather3A_1144 : memref<16x128xf32, #tpu.memory_space<vmem>>[vector<16xi32>, vector<16xi32>], vector<16xf32>,
        %broadcast_in_dim3A_1145 = arith.constant 28 : i32
        %broadcast_in_dim3A_1146 = vector.broadcast %broadcast_in_dim3A_1145 : i32 to vector<16xi32>
        %gather3A_1147 = tpu.vector_load_idx %arg9[%broadcast_in_dim3A_1146, %min3A_1062] : memref<32x1024xf32, #tpu.memory_space<vmem>>[vector<16xi32>, vector<16xi32>], vector<16xf32>,
        tpu.vector_store_idx %arg12[%iota3A_4, %broadcast_in_dim3A_1146], %gather3A_1147 : memref<16x128xf32, #tpu.memory_space<vmem>>[vector<16xi32>, vector<16xi32>], vector<16xf32>,
        %broadcast_in_dim3A_1148 = arith.constant 29 : i32
        %broadcast_in_dim3A_1149 = vector.broadcast %broadcast_in_dim3A_1148 : i32 to vector<16xi32>
        %gather3A_1150 = tpu.vector_load_idx %arg9[%broadcast_in_dim3A_1149, %min3A_1062] : memref<32x1024xf32, #tpu.memory_space<vmem>>[vector<16xi32>, vector<16xi32>], vector<16xf32>,
        tpu.vector_store_idx %arg12[%iota3A_4, %broadcast_in_dim3A_1149], %gather3A_1150 : memref<16x128xf32, #tpu.memory_space<vmem>>[vector<16xi32>, vector<16xi32>], vector<16xf32>,
        %broadcast_in_dim3A_1151 = arith.constant 30 : i32
        %broadcast_in_dim3A_1152 = vector.broadcast %broadcast_in_dim3A_1151 : i32 to vector<16xi32>
        %gather3A_1153 = tpu.vector_load_idx %arg9[%broadcast_in_dim3A_1152, %min3A_1062] : memref<32x1024xf32, #tpu.memory_space<vmem>>[vector<16xi32>, vector<16xi32>], vector<16xf32>,
        tpu.vector_store_idx %arg12[%iota3A_4, %broadcast_in_dim3A_1152], %gather3A_1153 : memref<16x128xf32, #tpu.memory_space<vmem>>[vector<16xi32>, vector<16xi32>], vector<16xf32>,
        %broadcast_in_dim3A_1154 = arith.constant 31 : i32
        %broadcast_in_dim3A_1155 = vector.broadcast %broadcast_in_dim3A_1154 : i32 to vector<16xi32>
        %gather3A_1156 = tpu.vector_load_idx %arg9[%broadcast_in_dim3A_1155, %min3A_1062] : memref<32x1024xf32, #tpu.memory_space<vmem>>[vector<16xi32>, vector<16xi32>], vector<16xf32>,
        tpu.vector_store_idx %arg12[%iota3A_4, %broadcast_in_dim3A_1155], %gather3A_1156 : memref<16x128xf32, #tpu.memory_space<vmem>>[vector<16xi32>, vector<16xi32>], vector<16xf32>,
        %dma_start3A_1157 = arith.constant 0 : i32
        %dma_start3A_1158 = arith.constant 0 : i32
        %dma_start3A_1159 = tpu.memref_slice %arg6[%dma_start3A_1157, %dma_start3A_1158] : memref<16896x128xf32, #tpu.memory_space<hbm>> -> memref<16896x128xf32, #tpu.memory_space<hbm>>
        tpu.enqueue_indirect_dma source(%arg12 : memref<16x128xf32, #tpu.memory_space<vmem>>) target(%dma_start3A_1159 : memref<16896x128xf32, #tpu.memory_space<hbm>>) offsets(%arg13 : memref<16xi32, #tpu.memory_space<vmem>>) semaphore(%arg17 : memref<!tpu.dma_semaphore, #tpu.memory_space<semaphore_mem>>)
        %dma_wait3A_1160 = arith.constant 0 : i32
        %dma_wait3A_1161 = arith.constant 0 : i32
        %dma_wait3A_1162 = tpu.memref_slice %arg6[%dma_wait3A_1160, %dma_wait3A_1161] : memref<16896x128xf32, #tpu.memory_space<hbm>> -> memref<16896x128xf32, #tpu.memory_space<hbm>>
        tpu.wait_indirect_dma semaphore(%arg17 : memref<!tpu.dma_semaphore, #tpu.memory_space<semaphore_mem>>) src(%arg12 : memref<16x128xf32, #tpu.memory_space<vmem>>) dst(%dma_wait3A_1162 : memref<16896x128xf32, #tpu.memory_space<hbm>>)
      }
      %while3A_1036 = arith.constant 1 : i32
      scf.for %while3A_1037 = %while3A_1034 to %while3A_1030 step %while3A_1036  : i32 {
        %mul3A_1038 = arith.constant 16 : i32
        %mul3A_1039 = arith.muli %while3A_1037, %mul3A_1038 : i32
        %get3A = arith.index_cast %mul3A_1039 : i32 to index
        %get3A_1040 = tpu.vector_load %arg11[%get3A] {strides = array<i32>} : memref<16400xi32, #tpu.memory_space<vmem>>, vector<16xi32>,
        %and3A = arith.constant 16383 : i32
        %and3A_1041 = vector.broadcast %and3A : i32 to vector<16xi32>
        %and3A_1042 = arith.andi %get3A_1040, %and3A_1041 : vector<16xi32>
        %mul3A_1043 = arith.constant 16 : i32
        %mul3A_1044 = arith.muli %while3A_1037, %mul3A_1043 : i32
        %add3A_1045 = vector.broadcast %mul3A_1044 : i32 to vector<16xi32>
        %add3A_1046 = arith.addi %add3A_1045, %iota3A_4 : vector<16xi32>
        %lt3A_1047 = vector.broadcast %while3A_1022 : i32 to vector<16xi32>
        %lt3A_1048 = arith.cmpi slt, %add3A_1046, %lt3A_1047 : vector<16xi32>
        %add3A_1049 = vector.broadcast %add3A_13 : i32 to vector<16xi32>
        %add3A_1050 = arith.addi %add3A_1049, %iota3A_4 : vector<16xi32>
        %select_n3A = arith.select %lt3A_1048, %and3A_1042, %add3A_1050 : vector<16xi1>, vector<16xi32>
        %swap3A = arith.constant 0 : index
        %swap3A_1051 = tpu.vector_load %arg13[%swap3A] {strides = array<i32>} : memref<16xi32, #tpu.memory_space<vmem>>, vector<16xi32>,
        tpu.vector_store %arg13[%swap3A], %select_n3A {strides = array<i32>} : memref<16xi32, #tpu.memory_space<vmem>>, vector<16xi32>,
        %shift_right_logical3A_1052 = arith.constant 14 : i32
        %shift_right_logical3A_1053 = vector.broadcast %shift_right_logical3A_1052 : i32 to vector<16xi32>
        %shift_right_logical3A_1054 = arith.shrui %get3A_1040, %shift_right_logical3A_1053 : vector<16xi32>
        %add3A_1055 = vector.broadcast %mul3A_6 : i32 to vector<16xi32>
        %add3A_1056 = arith.addi %add3A_1055, %shift_right_logical3A_1054 : vector<16xi32>
        %sub3A_1057 = vector.broadcast %mul3A_1007 : i32 to vector<16xi32>
        %sub3A_1058 = arith.subi %add3A_1056, %sub3A_1057 : vector<16xi32>
        %jit3A = arith.constant 0 : i32
        %jit3A_1059 = arith.constant 1023 : i32
        %max3A = vector.broadcast %jit3A : i32 to vector<16xi32>
        %max3A_1060 = arith.maxsi %max3A, %sub3A_1058 : vector<16xi32>
        %min3A_1061 = vector.broadcast %jit3A_1059 : i32 to vector<16xi32>
        %min3A_1062 = arith.minsi %min3A_1061, %max3A_1060 : vector<16xi32>
        %broadcast_in_dim3A = arith.constant 0 : i32
        %broadcast_in_dim3A_1063 = vector.broadcast %broadcast_in_dim3A : i32 to vector<16xi32>
        %gather3A = tpu.vector_load_idx %arg9[%broadcast_in_dim3A_1063, %min3A_1062] : memref<32x1024xf32, #tpu.memory_space<vmem>>[vector<16xi32>, vector<16xi32>], vector<16xf32>,
        tpu.vector_store_idx %arg12[%iota3A_4, %broadcast_in_dim3A_1063], %gather3A : memref<16x128xf32, #tpu.memory_space<vmem>>[vector<16xi32>, vector<16xi32>], vector<16xf32>,
        %broadcast_in_dim3A_1064 = arith.constant 1 : i32
        %broadcast_in_dim3A_1065 = vector.broadcast %broadcast_in_dim3A_1064 : i32 to vector<16xi32>
        %gather3A_1066 = tpu.vector_load_idx %arg9[%broadcast_in_dim3A_1065, %min3A_1062] : memref<32x1024xf32, #tpu.memory_space<vmem>>[vector<16xi32>, vector<16xi32>], vector<16xf32>,
        tpu.vector_store_idx %arg12[%iota3A_4, %broadcast_in_dim3A_1065], %gather3A_1066 : memref<16x128xf32, #tpu.memory_space<vmem>>[vector<16xi32>, vector<16xi32>], vector<16xf32>,
        %broadcast_in_dim3A_1067 = arith.constant 2 : i32
        %broadcast_in_dim3A_1068 = vector.broadcast %broadcast_in_dim3A_1067 : i32 to vector<16xi32>
        %gather3A_1069 = tpu.vector_load_idx %arg9[%broadcast_in_dim3A_1068, %min3A_1062] : memref<32x1024xf32, #tpu.memory_space<vmem>>[vector<16xi32>, vector<16xi32>], vector<16xf32>,
        tpu.vector_store_idx %arg12[%iota3A_4, %broadcast_in_dim3A_1068], %gather3A_1069 : memref<16x128xf32, #tpu.memory_space<vmem>>[vector<16xi32>, vector<16xi32>], vector<16xf32>,
        %broadcast_in_dim3A_1070 = arith.constant 3 : i32
        %broadcast_in_dim3A_1071 = vector.broadcast %broadcast_in_dim3A_1070 : i32 to vector<16xi32>
        %gather3A_1072 = tpu.vector_load_idx %arg9[%broadcast_in_dim3A_1071, %min3A_1062] : memref<32x1024xf32, #tpu.memory_space<vmem>>[vector<16xi32>, vector<16xi32>], vector<16xf32>,
        tpu.vector_store_idx %arg12[%iota3A_4, %broadcast_in_dim3A_1071], %gather3A_1072 : memref<16x128xf32, #tpu.memory_space<vmem>>[vector<16xi32>, vector<16xi32>], vector<16xf32>,
        %broadcast_in_dim3A_1073 = arith.constant 4 : i32
        %broadcast_in_dim3A_1074 = vector.broadcast %broadcast_in_dim3A_1073 : i32 to vector<16xi32>
        %gather3A_1075 = tpu.vector_load_idx %arg9[%broadcast_in_dim3A_1074, %min3A_1062] : memref<32x1024xf32, #tpu.memory_space<vmem>>[vector<16xi32>, vector<16xi32>], vector<16xf32>,
        tpu.vector_store_idx %arg12[%iota3A_4, %broadcast_in_dim3A_1074], %gather3A_1075 : memref<16x128xf32, #tpu.memory_space<vmem>>[vector<16xi32>, vector<16xi32>], vector<16xf32>,
        %broadcast_in_dim3A_1076 = arith.constant 5 : i32
        %broadcast_in_dim3A_1077 = vector.broadcast %broadcast_in_dim3A_1076 : i32 to vector<16xi32>
        %gather3A_1078 = tpu.vector_load_idx %arg9[%broadcast_in_dim3A_1077, %min3A_1062] : memref<32x1024xf32, #tpu.memory_space<vmem>>[vector<16xi32>, vector<16xi32>], vector<16xf32>,
        tpu.vector_store_idx %arg12[%iota3A_4, %broadcast_in_dim3A_1077], %gather3A_1078 : memref<16x128xf32, #tpu.memory_space<vmem>>[vector<16xi32>, vector<16xi32>], vector<16xf32>,
        %broadcast_in_dim3A_1079 = arith.constant 6 : i32
        %broadcast_in_dim3A_1080 = vector.broadcast %broadcast_in_dim3A_1079 : i32 to vector<16xi32>
        %gather3A_1081 = tpu.vector_load_idx %arg9[%broadcast_in_dim3A_1080, %min3A_1062] : memref<32x1024xf32, #tpu.memory_space<vmem>>[vector<16xi32>, vector<16xi32>], vector<16xf32>,
        tpu.vector_store_idx %arg12[%iota3A_4, %broadcast_in_dim3A_1080], %gather3A_1081 : memref<16x128xf32, #tpu.memory_space<vmem>>[vector<16xi32>, vector<16xi32>], vector<16xf32>,
        %broadcast_in_dim3A_1082 = arith.constant 7 : i32
        %broadcast_in_dim3A_1083 = vector.broadcast %broadcast_in_dim3A_1082 : i32 to vector<16xi32>
        %gather3A_1084 = tpu.vector_load_idx %arg9[%broadcast_in_dim3A_1083, %min3A_1062] : memref<32x1024xf32, #tpu.memory_space<vmem>>[vector<16xi32>, vector<16xi32>], vector<16xf32>,
        tpu.vector_store_idx %arg12[%iota3A_4, %broadcast_in_dim3A_1083], %gather3A_1084 : memref<16x128xf32, #tpu.memory_space<vmem>>[vector<16xi32>, vector<16xi32>], vector<16xf32>,
        %broadcast_in_dim3A_1085 = arith.constant 8 : i32
        %broadcast_in_dim3A_1086 = vector.broadcast %broadcast_in_dim3A_1085 : i32 to vector<16xi32>
        %gather3A_1087 = tpu.vector_load_idx %arg9[%broadcast_in_dim3A_1086, %min3A_1062] : memref<32x1024xf32, #tpu.memory_space<vmem>>[vector<16xi32>, vector<16xi32>], vector<16xf32>,
        tpu.vector_store_idx %arg12[%iota3A_4, %broadcast_in_dim3A_1086], %gather3A_1087 : memref<16x128xf32, #tpu.memory_space<vmem>>[vector<16xi32>, vector<16xi32>], vector<16xf32>,
        %broadcast_in_dim3A_1088 = arith.constant 9 : i32
        %broadcast_in_dim3A_1089 = vector.broadcast %broadcast_in_dim3A_1088 : i32 to vector<16xi32>
        %gather3A_1090 = tpu.vector_load_idx %arg9[%broadcast_in_dim3A_1089, %min3A_1062] : memref<32x1024xf32, #tpu.memory_space<vmem>>[vector<16xi32>, vector<16xi32>], vector<16xf32>,
        tpu.vector_store_idx %arg12[%iota3A_4, %broadcast_in_dim3A_1089], %gather3A_1090 : memref<16x128xf32, #tpu.memory_space<vmem>>[vector<16xi32>, vector<16xi32>], vector<16xf32>,
        %broadcast_in_dim3A_1091 = arith.constant 10 : i32
        %broadcast_in_dim3A_1092 = vector.broadcast %broadcast_in_dim3A_1091 : i32 to vector<16xi32>
        %gather3A_1093 = tpu.vector_load_idx %arg9[%broadcast_in_dim3A_1092, %min3A_1062] : memref<32x1024xf32, #tpu.memory_space<vmem>>[vector<16xi32>, vector<16xi32>], vector<16xf32>,
        tpu.vector_store_idx %arg12[%iota3A_4, %broadcast_in_dim3A_1092], %gather3A_1093 : memref<16x128xf32, #tpu.memory_space<vmem>>[vector<16xi32>, vector<16xi32>], vector<16xf32>,
        %broadcast_in_dim3A_1094 = arith.constant 11 : i32
        %broadcast_in_dim3A_1095 = vector.broadcast %broadcast_in_dim3A_1094 : i32 to vector<16xi32>
        %gather3A_1096 = tpu.vector_load_idx %arg9[%broadcast_in_dim3A_1095, %min3A_1062] : memref<32x1024xf32, #tpu.memory_space<vmem>>[vector<16xi32>, vector<16xi32>], vector<16xf32>,
        tpu.vector_store_idx %arg12[%iota3A_4, %broadcast_in_dim3A_1095], %gather3A_1096 : memref<16x128xf32, #tpu.memory_space<vmem>>[vector<16xi32>, vector<16xi32>], vector<16xf32>,
        %broadcast_in_dim3A_1097 = arith.constant 12 : i32
        %broadcast_in_dim3A_1098 = vector.broadcast %broadcast_in_dim3A_1097 : i32 to vector<16xi32>
        %gather3A_1099 = tpu.vector_load_idx %arg9[%broadcast_in_dim3A_1098, %min3A_1062] : memref<32x1024xf32, #tpu.memory_space<vmem>>[vector<16xi32>, vector<16xi32>], vector<16xf32>,
        tpu.vector_store_idx %arg12[%iota3A_4, %broadcast_in_dim3A_1098], %gather3A_1099 : memref<16x128xf32, #tpu.memory_space<vmem>>[vector<16xi32>, vector<16xi32>], vector<16xf32>,
        %broadcast_in_dim3A_1100 = arith.constant 13 : i32
        %broadcast_in_dim3A_1101 = vector.broadcast %broadcast_in_dim3A_1100 : i32 to vector<16xi32>
        %gather3A_1102 = tpu.vector_load_idx %arg9[%broadcast_in_dim3A_1101, %min3A_1062] : memref<32x1024xf32, #tpu.memory_space<vmem>>[vector<16xi32>, vector<16xi32>], vector<16xf32>,
        tpu.vector_store_idx %arg12[%iota3A_4, %broadcast_in_dim3A_1101], %gather3A_1102 : memref<16x128xf32, #tpu.memory_space<vmem>>[vector<16xi32>, vector<16xi32>], vector<16xf32>,
        %broadcast_in_dim3A_1103 = arith.constant 14 : i32
        %broadcast_in_dim3A_1104 = vector.broadcast %broadcast_in_dim3A_1103 : i32 to vector<16xi32>
        %gather3A_1105 = tpu.vector_load_idx %arg9[%broadcast_in_dim3A_1104, %min3A_1062] : memref<32x1024xf32, #tpu.memory_space<vmem>>[vector<16xi32>, vector<16xi32>], vector<16xf32>,
        tpu.vector_store_idx %arg12[%iota3A_4, %broadcast_in_dim3A_1104], %gather3A_1105 : memref<16x128xf32, #tpu.memory_space<vmem>>[vector<16xi32>, vector<16xi32>], vector<16xf32>,
        %broadcast_in_dim3A_1106 = arith.constant 15 : i32
        %broadcast_in_dim3A_1107 = vector.broadcast %broadcast_in_dim3A_1106 : i32 to vector<16xi32>
        %gather3A_1108 = tpu.vector_load_idx %arg9[%broadcast_in_dim3A_1107, %min3A_1062] : memref<32x1024xf32, #tpu.memory_space<vmem>>[vector<16xi32>, vector<16xi32>], vector<16xf32>,
        tpu.vector_store_idx %arg12[%iota3A_4, %broadcast_in_dim3A_1107], %gather3A_1108 : memref<16x128xf32, #tpu.memory_space<vmem>>[vector<16xi32>, vector<16xi32>], vector<16xf32>,
        %broadcast_in_dim3A_1109 = arith.constant 16 : i32
        %broadcast_in_dim3A_1110 = vector.broadcast %broadcast_in_dim3A_1109 : i32 to vector<16xi32>
        %gather3A_1111 = tpu.vector_load_idx %arg9[%broadcast_in_dim3A_1110, %min3A_1062] : memref<32x1024xf32, #tpu.memory_space<vmem>>[vector<16xi32>, vector<16xi32>], vector<16xf32>,
        tpu.vector_store_idx %arg12[%iota3A_4, %broadcast_in_dim3A_1110], %gather3A_1111 : memref<16x128xf32, #tpu.memory_space<vmem>>[vector<16xi32>, vector<16xi32>], vector<16xf32>,
        %broadcast_in_dim3A_1112 = arith.constant 17 : i32
        %broadcast_in_dim3A_1113 = vector.broadcast %broadcast_in_dim3A_1112 : i32 to vector<16xi32>
        %gather3A_1114 = tpu.vector_load_idx %arg9[%broadcast_in_dim3A_1113, %min3A_1062] : memref<32x1024xf32, #tpu.memory_space<vmem>>[vector<16xi32>, vector<16xi32>], vector<16xf32>,
        tpu.vector_store_idx %arg12[%iota3A_4, %broadcast_in_dim3A_1113], %gather3A_1114 : memref<16x128xf32, #tpu.memory_space<vmem>>[vector<16xi32>, vector<16xi32>], vector<16xf32>,
        %broadcast_in_dim3A_1115 = arith.constant 18 : i32
        %broadcast_in_dim3A_1116 = vector.broadcast %broadcast_in_dim3A_1115 : i32 to vector<16xi32>
        %gather3A_1117 = tpu.vector_load_idx %arg9[%broadcast_in_dim3A_1116, %min3A_1062] : memref<32x1024xf32, #tpu.memory_space<vmem>>[vector<16xi32>, vector<16xi32>], vector<16xf32>,
        tpu.vector_store_idx %arg12[%iota3A_4, %broadcast_in_dim3A_1116], %gather3A_1117 : memref<16x128xf32, #tpu.memory_space<vmem>>[vector<16xi32>, vector<16xi32>], vector<16xf32>,
        %broadcast_in_dim3A_1118 = arith.constant 19 : i32
        %broadcast_in_dim3A_1119 = vector.broadcast %broadcast_in_dim3A_1118 : i32 to vector<16xi32>
        %gather3A_1120 = tpu.vector_load_idx %arg9[%broadcast_in_dim3A_1119, %min3A_1062] : memref<32x1024xf32, #tpu.memory_space<vmem>>[vector<16xi32>, vector<16xi32>], vector<16xf32>,
        tpu.vector_store_idx %arg12[%iota3A_4, %broadcast_in_dim3A_1119], %gather3A_1120 : memref<16x128xf32, #tpu.memory_space<vmem>>[vector<16xi32>, vector<16xi32>], vector<16xf32>,
        %broadcast_in_dim3A_1121 = arith.constant 20 : i32
        %broadcast_in_dim3A_1122 = vector.broadcast %broadcast_in_dim3A_1121 : i32 to vector<16xi32>
        %gather3A_1123 = tpu.vector_load_idx %arg9[%broadcast_in_dim3A_1122, %min3A_1062] : memref<32x1024xf32, #tpu.memory_space<vmem>>[vector<16xi32>, vector<16xi32>], vector<16xf32>,
        tpu.vector_store_idx %arg12[%iota3A_4, %broadcast_in_dim3A_1122], %gather3A_1123 : memref<16x128xf32, #tpu.memory_space<vmem>>[vector<16xi32>, vector<16xi32>], vector<16xf32>,
        %broadcast_in_dim3A_1124 = arith.constant 21 : i32
        %broadcast_in_dim3A_1125 = vector.broadcast %broadcast_in_dim3A_1124 : i32 to vector<16xi32>
        %gather3A_1126 = tpu.vector_load_idx %arg9[%broadcast_in_dim3A_1125, %min3A_1062] : memref<32x1024xf32, #tpu.memory_space<vmem>>[vector<16xi32>, vector<16xi32>], vector<16xf32>,
        tpu.vector_store_idx %arg12[%iota3A_4, %broadcast_in_dim3A_1125], %gather3A_1126 : memref<16x128xf32, #tpu.memory_space<vmem>>[vector<16xi32>, vector<16xi32>], vector<16xf32>,
        %broadcast_in_dim3A_1127 = arith.constant 22 : i32
        %broadcast_in_dim3A_1128 = vector.broadcast %broadcast_in_dim3A_1127 : i32 to vector<16xi32>
        %gather3A_1129 = tpu.vector_load_idx %arg9[%broadcast_in_dim3A_1128, %min3A_1062] : memref<32x1024xf32, #tpu.memory_space<vmem>>[vector<16xi32>, vector<16xi32>], vector<16xf32>,
        tpu.vector_store_idx %arg12[%iota3A_4, %broadcast_in_dim3A_1128], %gather3A_1129 : memref<16x128xf32, #tpu.memory_space<vmem>>[vector<16xi32>, vector<16xi32>], vector<16xf32>,
        %broadcast_in_dim3A_1130 = arith.constant 23 : i32
        %broadcast_in_dim3A_1131 = vector.broadcast %broadcast_in_dim3A_1130 : i32 to vector<16xi32>
        %gather3A_1132 = tpu.vector_load_idx %arg9[%broadcast_in_dim3A_1131, %min3A_1062] : memref<32x1024xf32, #tpu.memory_space<vmem>>[vector<16xi32>, vector<16xi32>], vector<16xf32>,
        tpu.vector_store_idx %arg12[%iota3A_4, %broadcast_in_dim3A_1131], %gather3A_1132 : memref<16x128xf32, #tpu.memory_space<vmem>>[vector<16xi32>, vector<16xi32>], vector<16xf32>,
        %broadcast_in_dim3A_1133 = arith.constant 24 : i32
        %broadcast_in_dim3A_1134 = vector.broadcast %broadcast_in_dim3A_1133 : i32 to vector<16xi32>
        %gather3A_1135 = tpu.vector_load_idx %arg9[%broadcast_in_dim3A_1134, %min3A_1062] : memref<32x1024xf32, #tpu.memory_space<vmem>>[vector<16xi32>, vector<16xi32>], vector<16xf32>,
        tpu.vector_store_idx %arg12[%iota3A_4, %broadcast_in_dim3A_1134], %gather3A_1135 : memref<16x128xf32, #tpu.memory_space<vmem>>[vector<16xi32>, vector<16xi32>], vector<16xf32>,
        %broadcast_in_dim3A_1136 = arith.constant 25 : i32
        %broadcast_in_dim3A_1137 = vector.broadcast %broadcast_in_dim3A_1136 : i32 to vector<16xi32>
        %gather3A_1138 = tpu.vector_load_idx %arg9[%broadcast_in_dim3A_1137, %min3A_1062] : memref<32x1024xf32, #tpu.memory_space<vmem>>[vector<16xi32>, vector<16xi32>], vector<16xf32>,
        tpu.vector_store_idx %arg12[%iota3A_4, %broadcast_in_dim3A_1137], %gather3A_1138 : memref<16x128xf32, #tpu.memory_space<vmem>>[vector<16xi32>, vector<16xi32>], vector<16xf32>,
        %broadcast_in_dim3A_1139 = arith.constant 26 : i32
        %broadcast_in_dim3A_1140 = vector.broadcast %broadcast_in_dim3A_1139 : i32 to vector<16xi32>
        %gather3A_1141 = tpu.vector_load_idx %arg9[%broadcast_in_dim3A_1140, %min3A_1062] : memref<32x1024xf32, #tpu.memory_space<vmem>>[vector<16xi32>, vector<16xi32>], vector<16xf32>,
        tpu.vector_store_idx %arg12[%iota3A_4, %broadcast_in_dim3A_1140], %gather3A_1141 : memref<16x128xf32, #tpu.memory_space<vmem>>[vector<16xi32>, vector<16xi32>], vector<16xf32>,
        %broadcast_in_dim3A_1142 = arith.constant 27 : i32
        %broadcast_in_dim3A_1143 = vector.broadcast %broadcast_in_dim3A_1142 : i32 to vector<16xi32>
        %gather3A_1144 = tpu.vector_load_idx %arg9[%broadcast_in_dim3A_1143, %min3A_1062] : memref<32x1024xf32, #tpu.memory_space<vmem>>[vector<16xi32>, vector<16xi32>], vector<16xf32>,
        tpu.vector_store_idx %arg12[%iota3A_4, %broadcast_in_dim3A_1143], %gather3A_1144 : memref<16x128xf32, #tpu.memory_space<vmem>>[vector<16xi32>, vector<16xi32>], vector<16xf32>,
        %broadcast_in_dim3A_1145 = arith.constant 28 : i32
        %broadcast_in_dim3A_1146 = vector.broadcast %broadcast_in_dim3A_1145 : i32 to vector<16xi32>
        %gather3A_1147 = tpu.vector_load_idx %arg9[%broadcast_in_dim3A_1146, %min3A_1062] : memref<32x1024xf32, #tpu.memory_space<vmem>>[vector<16xi32>, vector<16xi32>], vector<16xf32>,
        tpu.vector_store_idx %arg12[%iota3A_4, %broadcast_in_dim3A_1146], %gather3A_1147 : memref<16x128xf32, #tpu.memory_space<vmem>>[vector<16xi32>, vector<16xi32>], vector<16xf32>,
        %broadcast_in_dim3A_1148 = arith.constant 29 : i32
        %broadcast_in_dim3A_1149 = vector.broadcast %broadcast_in_dim3A_1148 : i32 to vector<16xi32>
        %gather3A_1150 = tpu.vector_load_idx %arg9[%broadcast_in_dim3A_1149, %min3A_1062] : memref<32x1024xf32, #tpu.memory_space<vmem>>[vector<16xi32>, vector<16xi32>], vector<16xf32>,
        tpu.vector_store_idx %arg12[%iota3A_4, %broadcast_in_dim3A_1149], %gather3A_1150 : memref<16x128xf32, #tpu.memory_space<vmem>>[vector<16xi32>, vector<16xi32>], vector<16xf32>,
        %broadcast_in_dim3A_1151 = arith.constant 30 : i32
        %broadcast_in_dim3A_1152 = vector.broadcast %broadcast_in_dim3A_1151 : i32 to vector<16xi32>
        %gather3A_1153 = tpu.vector_load_idx %arg9[%broadcast_in_dim3A_1152, %min3A_1062] : memref<32x1024xf32, #tpu.memory_space<vmem>>[vector<16xi32>, vector<16xi32>], vector<16xf32>,
        tpu.vector_store_idx %arg12[%iota3A_4, %broadcast_in_dim3A_1152], %gather3A_1153 : memref<16x128xf32, #tpu.memory_space<vmem>>[vector<16xi32>, vector<16xi32>], vector<16xf32>,
        %broadcast_in_dim3A_1154 = arith.constant 31 : i32
        %broadcast_in_dim3A_1155 = vector.broadcast %broadcast_in_dim3A_1154 : i32 to vector<16xi32>
        %gather3A_1156 = tpu.vector_load_idx %arg9[%broadcast_in_dim3A_1155, %min3A_1062] : memref<32x1024xf32, #tpu.memory_space<vmem>>[vector<16xi32>, vector<16xi32>], vector<16xf32>,
        tpu.vector_store_idx %arg12[%iota3A_4, %broadcast_in_dim3A_1155], %gather3A_1156 : memref<16x128xf32, #tpu.memory_space<vmem>>[vector<16xi32>, vector<16xi32>], vector<16xf32>,
        %dma_start3A_1157 = arith.constant 0 : i32
        %dma_start3A_1158 = arith.constant 0 : i32
        %dma_start3A_1159 = tpu.memref_slice %arg6[%dma_start3A_1157, %dma_start3A_1158] : memref<16896x128xf32, #tpu.memory_space<hbm>> -> memref<16896x128xf32, #tpu.memory_space<hbm>>
        tpu.enqueue_indirect_dma source(%arg12 : memref<16x128xf32, #tpu.memory_space<vmem>>) target(%dma_start3A_1159 : memref<16896x128xf32, #tpu.memory_space<hbm>>) offsets(%arg13 : memref<16xi32, #tpu.memory_space<vmem>>) semaphore(%arg17 : memref<!tpu.dma_semaphore, #tpu.memory_space<semaphore_mem>>)
        %dma_wait3A_1160 = arith.constant 0 : i32
        %dma_wait3A_1161 = arith.constant 0 : i32
        %dma_wait3A_1162 = tpu.memref_slice %arg6[%dma_wait3A_1160, %dma_wait3A_1161] : memref<16896x128xf32, #tpu.memory_space<hbm>> -> memref<16896x128xf32, #tpu.memory_space<hbm>>
        tpu.wait_indirect_dma semaphore(%arg17 : memref<!tpu.dma_semaphore, #tpu.memory_space<semaphore_mem>>) src(%arg12 : memref<16x128xf32, #tpu.memory_space<vmem>>) dst(%dma_wait3A_1162 : memref<16896x128xf32, #tpu.memory_space<hbm>>)
      }
    }
    %scan3A_148 = arith.constant 20 : i32
    %dma_wait3A = arith.constant 0 : i32
    %dma_wait3A_149 = arith.constant 0 : i32
    %dma_wait3A_150 = tpu.memref_slice %arg8[%dma_wait3A, %dma_wait3A_149] : memref<32x1024xf32, #tpu.memory_space<vmem>> -> memref<32x128xf32, #tpu.memory_space<vmem>>
    %dma_wait3A_151 = arith.constant 0 : i32
    %dma_wait3A_152 = arith.constant 0 : i32
    %dma_wait3A_153 = tpu.memref_slice %arg4[%dma_wait3A_151, %dma_wait3A_152] : memref<32x1000000xf32, #tpu.memory_space<hbm>> -> memref<32x128xf32, #tpu.memory_space<hbm>>
    %dma_wait3A_154 = arith.constant 0 : i32
    %dma_wait3A_155 = arith.constant 0 : i32
    %dma_wait3A_156 = tpu.memref_slice %arg8[%dma_wait3A_154, %dma_wait3A_155] : memref<32x1024xf32, #tpu.memory_space<vmem>> -> memref<32x128xf32, #tpu.memory_space<vmem>>
    %dma_wait3A_157 = arith.constant 0 : i32
    %dma_wait3A_158 = arith.constant 0 : i32
    %dma_wait3A_159 = tpu.memref_slice %arg4[%dma_wait3A_157, %dma_wait3A_158] : memref<32x1000000xf32, #tpu.memory_space<hbm>> -> memref<32x128xf32, #tpu.memory_space<hbm>>
    tpu.wait_dma2 semaphore(%arg15 : memref<!tpu.dma_semaphore, #tpu.memory_space<semaphore_mem>>) src(%dma_wait3A_159 : memref<32x128xf32, #tpu.memory_space<hbm>>) dst(%dma_wait3A_156 : memref<32x128xf32, #tpu.memory_space<vmem>>)
    %dma_wait3A_160 = arith.constant 0 : i32
    %dma_wait3A_161 = arith.constant 128 : i32
    %dma_wait3A_162 = tpu.memref_slice %arg8[%dma_wait3A_160, %dma_wait3A_161] : memref<32x1024xf32, #tpu.memory_space<vmem>> -> memref<32x128xf32, #tpu.memory_space<vmem>>
    %dma_wait3A_163 = arith.constant 0 : i32
    %dma_wait3A_164 = arith.constant 0 : i32
    %dma_wait3A_165 = tpu.memref_slice %arg4[%dma_wait3A_163, %dma_wait3A_164] : memref<32x1000000xf32, #tpu.memory_space<hbm>> -> memref<32x128xf32, #tpu.memory_space<hbm>>
    %dma_wait3A_166 = arith.constant 0 : i32
    %dma_wait3A_167 = arith.constant 128 : i32
    %dma_wait3A_168 = tpu.memref_slice %arg8[%dma_wait3A_166, %dma_wait3A_167] : memref<32x1024xf32, #tpu.memory_space<vmem>> -> memref<32x128xf32, #tpu.memory_space<vmem>>
    %dma_wait3A_169 = arith.constant 0 : i32
    %dma_wait3A_170 = arith.constant 0 : i32
    %dma_wait3A_171 = tpu.memref_slice %arg4[%dma_wait3A_169, %dma_wait3A_170] : memref<32x1000000xf32, #tpu.memory_space<hbm>> -> memref<32x128xf32, #tpu.memory_space<hbm>>
    tpu.wait_dma2 semaphore(%arg15 : memref<!tpu.dma_semaphore, #tpu.memory_space<semaphore_mem>>) src(%dma_wait3A_171 : memref<32x128xf32, #tpu.memory_space<hbm>>) dst(%dma_wait3A_168 : memref<32x128xf32, #tpu.memory_space<vmem>>)
    %dma_wait3A_172 = arith.constant 0 : i32
    %dma_wait3A_173 = arith.constant 256 : i32
    %dma_wait3A_174 = tpu.memref_slice %arg8[%dma_wait3A_172, %dma_wait3A_173] : memref<32x1024xf32, #tpu.memory_space<vmem>> -> memref<32x128xf32, #tpu.memory_space<vmem>>
    %dma_wait3A_175 = arith.constant 0 : i32
    %dma_wait3A_176 = arith.constant 0 : i32
    %dma_wait3A_177 = tpu.memref_slice %arg4[%dma_wait3A_175, %dma_wait3A_176] : memref<32x1000000xf32, #tpu.memory_space<hbm>> -> memref<32x128xf32, #tpu.memory_space<hbm>>
    %dma_wait3A_178 = arith.constant 0 : i32
    %dma_wait3A_179 = arith.constant 256 : i32
    %dma_wait3A_180 = tpu.memref_slice %arg8[%dma_wait3A_178, %dma_wait3A_179] : memref<32x1024xf32, #tpu.memory_space<vmem>> -> memref<32x128xf32, #tpu.memory_space<vmem>>
    %dma_wait3A_181 = arith.constant 0 : i32
    %dma_wait3A_182 = arith.constant 0 : i32
    %dma_wait3A_183 = tpu.memref_slice %arg4[%dma_wait3A_181, %dma_wait3A_182] : memref<32x1000000xf32, #tpu.memory_space<hbm>> -> memref<32x128xf32, #tpu.memory_space<hbm>>
    tpu.wait_dma2 semaphore(%arg15 : memref<!tpu.dma_semaphore, #tpu.memory_space<semaphore_mem>>) src(%dma_wait3A_183 : memref<32x128xf32, #tpu.memory_space<hbm>>) dst(%dma_wait3A_180 : memref<32x128xf32, #tpu.memory_space<vmem>>)
    %dma_wait3A_184 = arith.constant 0 : i32
    %dma_wait3A_185 = arith.constant 384 : i32
    %dma_wait3A_186 = tpu.memref_slice %arg8[%dma_wait3A_184, %dma_wait3A_185] : memref<32x1024xf32, #tpu.memory_space<vmem>> -> memref<32x128xf32, #tpu.memory_space<vmem>>
    %dma_wait3A_187 = arith.constant 0 : i32
    %dma_wait3A_188 = arith.constant 0 : i32
    %dma_wait3A_189 = tpu.memref_slice %arg4[%dma_wait3A_187, %dma_wait3A_188] : memref<32x1000000xf32, #tpu.memory_space<hbm>> -> memref<32x128xf32, #tpu.memory_space<hbm>>
    %dma_wait3A_190 = arith.constant 0 : i32
    %dma_wait3A_191 = arith.constant 384 : i32
    %dma_wait3A_192 = tpu.memref_slice %arg8[%dma_wait3A_190, %dma_wait3A_191] : memref<32x1024xf32, #tpu.memory_space<vmem>> -> memref<32x128xf32, #tpu.memory_space<vmem>>
    %dma_wait3A_193 = arith.constant 0 : i32
    %dma_wait3A_194 = arith.constant 0 : i32
    %dma_wait3A_195 = tpu.memref_slice %arg4[%dma_wait3A_193, %dma_wait3A_194] : memref<32x1000000xf32, #tpu.memory_space<hbm>> -> memref<32x128xf32, #tpu.memory_space<hbm>>
    tpu.wait_dma2 semaphore(%arg15 : memref<!tpu.dma_semaphore, #tpu.memory_space<semaphore_mem>>) src(%dma_wait3A_195 : memref<32x128xf32, #tpu.memory_space<hbm>>) dst(%dma_wait3A_192 : memref<32x128xf32, #tpu.memory_space<vmem>>)
    %dma_wait3A_196 = arith.constant 0 : i32
    %dma_wait3A_197 = arith.constant 512 : i32
    %dma_wait3A_198 = tpu.memref_slice %arg8[%dma_wait3A_196, %dma_wait3A_197] : memref<32x1024xf32, #tpu.memory_space<vmem>> -> memref<32x128xf32, #tpu.memory_space<vmem>>
    %dma_wait3A_199 = arith.constant 0 : i32
    %dma_wait3A_200 = arith.constant 0 : i32
    %dma_wait3A_201 = tpu.memref_slice %arg4[%dma_wait3A_199, %dma_wait3A_200] : memref<32x1000000xf32, #tpu.memory_space<hbm>> -> memref<32x128xf32, #tpu.memory_space<hbm>>
    %dma_wait3A_202 = arith.constant 0 : i32
    %dma_wait3A_203 = arith.constant 512 : i32
    %dma_wait3A_204 = tpu.memref_slice %arg8[%dma_wait3A_202, %dma_wait3A_203] : memref<32x1024xf32, #tpu.memory_space<vmem>> -> memref<32x128xf32, #tpu.memory_space<vmem>>
    %dma_wait3A_205 = arith.constant 0 : i32
    %dma_wait3A_206 = arith.constant 0 : i32
    %dma_wait3A_207 = tpu.memref_slice %arg4[%dma_wait3A_205, %dma_wait3A_206] : memref<32x1000000xf32, #tpu.memory_space<hbm>> -> memref<32x128xf32, #tpu.memory_space<hbm>>
    tpu.wait_dma2 semaphore(%arg15 : memref<!tpu.dma_semaphore, #tpu.memory_space<semaphore_mem>>) src(%dma_wait3A_207 : memref<32x128xf32, #tpu.memory_space<hbm>>) dst(%dma_wait3A_204 : memref<32x128xf32, #tpu.memory_space<vmem>>)
    %dma_wait3A_208 = arith.constant 0 : i32
    %dma_wait3A_209 = arith.constant 640 : i32
    %dma_wait3A_210 = tpu.memref_slice %arg8[%dma_wait3A_208, %dma_wait3A_209] : memref<32x1024xf32, #tpu.memory_space<vmem>> -> memref<32x128xf32, #tpu.memory_space<vmem>>
    %dma_wait3A_211 = arith.constant 0 : i32
    %dma_wait3A_212 = arith.constant 0 : i32
    %dma_wait3A_213 = tpu.memref_slice %arg4[%dma_wait3A_211, %dma_wait3A_212] : memref<32x1000000xf32, #tpu.memory_space<hbm>> -> memref<32x128xf32, #tpu.memory_space<hbm>>
    %dma_wait3A_214 = arith.constant 0 : i32
    %dma_wait3A_215 = arith.constant 640 : i32
    %dma_wait3A_216 = tpu.memref_slice %arg8[%dma_wait3A_214, %dma_wait3A_215] : memref<32x1024xf32, #tpu.memory_space<vmem>> -> memref<32x128xf32, #tpu.memory_space<vmem>>
    %dma_wait3A_217 = arith.constant 0 : i32
    %dma_wait3A_218 = arith.constant 0 : i32
    %dma_wait3A_219 = tpu.memref_slice %arg4[%dma_wait3A_217, %dma_wait3A_218] : memref<32x1000000xf32, #tpu.memory_space<hbm>> -> memref<32x128xf32, #tpu.memory_space<hbm>>
    tpu.wait_dma2 semaphore(%arg15 : memref<!tpu.dma_semaphore, #tpu.memory_space<semaphore_mem>>) src(%dma_wait3A_219 : memref<32x128xf32, #tpu.memory_space<hbm>>) dst(%dma_wait3A_216 : memref<32x128xf32, #tpu.memory_space<vmem>>)
    %dma_wait3A_220 = arith.constant 0 : i32
    %dma_wait3A_221 = arith.constant 768 : i32
    %dma_wait3A_222 = tpu.memref_slice %arg8[%dma_wait3A_220, %dma_wait3A_221] : memref<32x1024xf32, #tpu.memory_space<vmem>> -> memref<32x128xf32, #tpu.memory_space<vmem>>
    %dma_wait3A_223 = arith.constant 0 : i32
    %dma_wait3A_224 = arith.constant 0 : i32
    %dma_wait3A_225 = tpu.memref_slice %arg4[%dma_wait3A_223, %dma_wait3A_224] : memref<32x1000000xf32, #tpu.memory_space<hbm>> -> memref<32x128xf32, #tpu.memory_space<hbm>>
    %dma_wait3A_226 = arith.constant 0 : i32
    %dma_wait3A_227 = arith.constant 768 : i32
    %dma_wait3A_228 = tpu.memref_slice %arg8[%dma_wait3A_226, %dma_wait3A_227] : memref<32x1024xf32, #tpu.memory_space<vmem>> -> memref<32x128xf32, #tpu.memory_space<vmem>>
    %dma_wait3A_229 = arith.constant 0 : i32
    %dma_wait3A_230 = arith.constant 0 : i32
    %dma_wait3A_231 = tpu.memref_slice %arg4[%dma_wait3A_229, %dma_wait3A_230] : memref<32x1000000xf32, #tpu.memory_space<hbm>> -> memref<32x128xf32, #tpu.memory_space<hbm>>
    tpu.wait_dma2 semaphore(%arg15 : memref<!tpu.dma_semaphore, #tpu.memory_space<semaphore_mem>>) src(%dma_wait3A_231 : memref<32x128xf32, #tpu.memory_space<hbm>>) dst(%dma_wait3A_228 : memref<32x128xf32, #tpu.memory_space<vmem>>)
    %dma_wait3A_232 = arith.constant 0 : i32
    %dma_wait3A_233 = arith.constant 896 : i32
    %dma_wait3A_234 = tpu.memref_slice %arg8[%dma_wait3A_232, %dma_wait3A_233] : memref<32x1024xf32, #tpu.memory_space<vmem>> -> memref<32x128xf32, #tpu.memory_space<vmem>>
    %dma_wait3A_235 = arith.constant 0 : i32
    %dma_wait3A_236 = arith.constant 0 : i32
    %dma_wait3A_237 = tpu.memref_slice %arg4[%dma_wait3A_235, %dma_wait3A_236] : memref<32x1000000xf32, #tpu.memory_space<hbm>> -> memref<32x128xf32, #tpu.memory_space<hbm>>
    %dma_wait3A_238 = arith.constant 0 : i32
    %dma_wait3A_239 = arith.constant 896 : i32
    %dma_wait3A_240 = tpu.memref_slice %arg8[%dma_wait3A_238, %dma_wait3A_239] : memref<32x1024xf32, #tpu.memory_space<vmem>> -> memref<32x128xf32, #tpu.memory_space<vmem>>
    %dma_wait3A_241 = arith.constant 0 : i32
    %dma_wait3A_242 = arith.constant 0 : i32
    %dma_wait3A_243 = tpu.memref_slice %arg4[%dma_wait3A_241, %dma_wait3A_242] : memref<32x1000000xf32, #tpu.memory_space<hbm>> -> memref<32x128xf32, #tpu.memory_space<hbm>>
    tpu.wait_dma2 semaphore(%arg15 : memref<!tpu.dma_semaphore, #tpu.memory_space<semaphore_mem>>) src(%dma_wait3A_243 : memref<32x128xf32, #tpu.memory_space<hbm>>) dst(%dma_wait3A_240 : memref<32x128xf32, #tpu.memory_space<vmem>>)
    %iota3A_244 = tpu.iota {dimensions = array<i32: 0>} : vector<16xi32>
    %add3A_245 = arith.constant 16 : i32
    %add3A_246 = vector.broadcast %add3A_245 : i32 to vector<16xi32>
    %add3A_247 = arith.addi %iota3A_244, %add3A_246 : vector<16xi32>
    %iota3A_248 = tpu.iota {dimensions = array<i32: 0>} : vector<16xi32>
    %mul3A_249 = arith.constant 3125 : i32
    %mul3A_250 = arith.muli %add3A, %mul3A_249 : i32
    %add3A_251 = arith.constant 3125 : i32
    %add3A_252 = arith.addi %mul3A_250, %add3A_251 : i32
    %min3A_253 = arith.constant 99968 : i32
    %min3A_254 = arith.minsi %add3A_252, %min3A_253 : i32
    %mul3A_255 = arith.constant 16 : i32
    %mul3A_256 = arith.muli %add3A, %mul3A_255 : i32
    %add3A_257 = arith.constant 16384 : i32
    %add3A_258 = arith.addi %add3A_257, %mul3A_256 : i32
    "tpu.region"() ({
      %run_scoped3A = tpu.sem_alloc : memref<!tpu.dma_semaphore, #tpu.memory_space<semaphore_mem>>
      tpu.enqueue_dma source(%arg3 : memref<16384xi32, #tpu.memory_space<hbm>>) target(%arg14 : memref<16384xi32, #tpu.memory_space<vmem>>) target_semaphore(%run_scoped3A : memref<!tpu.dma_semaphore, #tpu.memory_space<semaphore_mem>>)
      tpu.wait_dma2 semaphore(%run_scoped3A : memref<!tpu.dma_semaphore, #tpu.memory_space<semaphore_mem>>) src(%arg3 : memref<16384xi32, #tpu.memory_space<hbm>>) dst(%arg14 : memref<16384xi32, #tpu.memory_space<vmem>>)
      tpu.yield
    }) : () -> ()
    %scan3A_259 = arith.constant 0 : i32
    %scan3A_260 = arith.constant 0 : i32
    %scan3A_261 = arith.constant 1024 : i32
    %scan3A_262 = arith.addi %scan3A_260, %scan3A_261 : i32
    %scan3A_263 = arith.constant 1 : i32
    %scan3A_264 = scf.for %scan3A_496 = %scan3A_260 to %scan3A_262 step %scan3A_263 iter_args(%scan3A_497 = %scan3A_259) -> (i32)  : i32 {
      %mul3A_498 = arith.constant 16 : i32
      %mul3A_499 = arith.muli %scan3A_496, %mul3A_498 : i32
      %get3A = arith.index_cast %mul3A_499 : i32 to index
      %get3A_500 = tpu.vector_load %arg14[%get3A] {strides = array<i32>} : memref<16384xi32, #tpu.memory_space<vmem>>, vector<16xi32>,
      %ge3A = vector.broadcast %mul3A_250 : i32 to vector<16xi32>
      %ge3A_501 = arith.cmpi sge, %get3A_500, %ge3A : vector<16xi32>
      %lt3A_502 = vector.broadcast %min3A_254 : i32 to vector<16xi32>
      %lt3A_503 = arith.cmpi slt, %get3A_500, %lt3A_502 : vector<16xi32>
      %and3A = arith.andi %ge3A_501, %lt3A_503 : vector<16xi1>
      %mul3A_504 = arith.constant 16 : i32
      %mul3A_505 = arith.muli %scan3A_496, %mul3A_504 : i32
      %add3A_506 = vector.broadcast %mul3A_505 : i32 to vector<16xi32>
      %add3A_507 = arith.addi %add3A_506, %iota3A_248 : vector<16xi32>
      %sub3A = vector.broadcast %mul3A_250 : i32 to vector<16xi32>
      %sub3A_508 = arith.subi %get3A_500, %sub3A : vector<16xi32>
      %shift_left3A = arith.constant 14 : i32
      %shift_left3A_509 = vector.broadcast %shift_left3A : i32 to vector<16xi32>
      %shift_left3A_510 = arith.shli %sub3A_508, %shift_left3A_509 : vector<16xi32>
      %or3A = arith.ori %shift_left3A_510, %add3A_507 : vector<16xi32>
      %swap3A = arith.index_cast %scan3A_497 : i32 to index
      %swap3A_511 = tpu.vector_load %arg10[%swap3A] masked %and3A {strides = array<i32>} : memref<16400xi32, #tpu.memory_space<vmem>>, vector<16xi32>, vector<16xi1>
      tpu.vector_store %arg10[%swap3A], %or3A masked %and3A {strides = array<i32>} : memref<16400xi32, #tpu.memory_space<vmem>>, vector<16xi32>, vector<16xi1>
      %all_reduce_population_count3A = tpu.all_reduce %and3A {dim = 0 : i64, kind = #tpu.reduction_kind<sum>} : vector<16xi1> -> vector<16xi32>
      %slice3A = vector.extract_strided_slice %all_reduce_population_count3A {offsets = [0], sizes = [1], strides = [1]} : vector<16xi32> to vector<1xi32>
      %squeeze3A = vector.extract %slice3A[0] : i32 from vector<1xi32>
      %add3A_512 = arith.addi %scan3A_497, %squeeze3A : i32
      scf.yield %add3A_512 : i32
    }
    %scan3A_265 = arith.constant 1024 : i32
    %add3A_266 = arith.constant 15 : i32
    %add3A_267 = arith.addi %scan3A_264, %add3A_266 : i32
    %shift_right_logical3A_268 = arith.constant 4 : i32
    %shift_right_logical3A_269 = arith.shrui %add3A_267, %shift_right_logical3A_268 : i32
    %mul3A_270 = arith.constant 0 : i32
    %mul3A_271 = arith.constant 781 : i32
    %mul3A_272 = arith.muli %mul3A_270, %mul3A_271 : i32
    %min3A_273 = arith.constant 0 : i32
    %min3A_274 = arith.constant 1 : i32
    %min3A_275 = arith.minsi %min3A_273, %min3A_274 : i32
    %add3A_276 = arith.addi %mul3A_272, %min3A_275 : i32
    %lt3A_277 = arith.constant 0 : i32
    %lt3A_278 = arith.constant 1 : i32
    %lt3A_279 = arith.cmpi slt, %lt3A_277, %lt3A_278 : i32
    %convert_element_type3A_280 = arith.extui %lt3A_279 : i1 to i32
    %add3A_281 = arith.constant 781 : i32
    %add3A_282 = arith.addi %add3A_281, %convert_element_type3A_280 : i32
    %add3A_283 = arith.addi %mul3A_250, %add3A_276 : i32
    %shift_right_logical3A_284 = arith.constant 7 : i32
    %shift_right_logical3A_285 = arith.shrui %add3A_283, %shift_right_logical3A_284 : i32
    %min3A_286 = arith.constant 773 : i32
    %min3A_287 = arith.minsi %shift_right_logical3A_285, %min3A_286 : i32
    %mul3A_288 = arith.constant 128 : i32
    %mul3A_289 = arith.muli %min3A_287, %mul3A_288 : i32
    %add3A_290 = arith.constant 0 : i32
    %add3A_291 = arith.addi %mul3A_289, %add3A_290 : i32
    %multiple_of3A_292 = tpu.assume_multiple %add3A_291, 128 : i32
    %dma_start3A_293 = arith.constant 0 : i32
    %dma_start3A_294 = arith.constant 0 : i32
    %dma_start3A_295 = tpu.memref_slice %arg8[%dma_start3A_293, %dma_start3A_294] : memref<32x1024xf32, #tpu.memory_space<vmem>> -> memref<32x128xf32, #tpu.memory_space<vmem>>
    %dma_start3A_296 = arith.constant 0 : i32
    %dma_start3A_297 = tpu.memref_slice %arg5[%dma_start3A_296, %multiple_of3A_292] : memref<32x100000xf32, #tpu.memory_space<hbm>> -> memref<32x128xf32, #tpu.memory_space<hbm>>
    %dma_start3A_298 = arith.constant 0 : i32
    %dma_start3A_299 = arith.constant 0 : i32
    %dma_start3A_300 = tpu.memref_slice %arg8[%dma_start3A_298, %dma_start3A_299] : memref<32x1024xf32, #tpu.memory_space<vmem>> -> memref<32x128xf32, #tpu.memory_space<vmem>>
    %dma_start3A_301 = arith.constant 0 : i32
    %dma_start3A_302 = tpu.memref_slice %arg5[%dma_start3A_301, %multiple_of3A_292] : memref<32x100000xf32, #tpu.memory_space<hbm>> -> memref<32x128xf32, #tpu.memory_space<hbm>>
    tpu.enqueue_dma source(%dma_start3A_302 : memref<32x128xf32, #tpu.memory_space<hbm>>) target(%dma_start3A_300 : memref<32x128xf32, #tpu.memory_space<vmem>>) target_semaphore(%arg15 : memref<!tpu.dma_semaphore, #tpu.memory_space<semaphore_mem>>)
    %add3A_303 = arith.constant 128 : i32
    %add3A_304 = arith.addi %mul3A_289, %add3A_303 : i32
    %multiple_of3A_305 = tpu.assume_multiple %add3A_304, 128 : i32
    %dma_start3A_306 = arith.constant 0 : i32
    %dma_start3A_307 = arith.constant 128 : i32
    %dma_start3A_308 = tpu.memref_slice %arg8[%dma_start3A_306, %dma_start3A_307] : memref<32x1024xf32, #tpu.memory_space<vmem>> -> memref<32x128xf32, #tpu.memory_space<vmem>>
    %dma_start3A_309 = arith.constant 0 : i32
    %dma_start3A_310 = tpu.memref_slice %arg5[%dma_start3A_309, %multiple_of3A_305] : memref<32x100000xf32, #tpu.memory_space<hbm>> -> memref<32x128xf32, #tpu.memory_space<hbm>>
    %dma_start3A_311 = arith.constant 0 : i32
    %dma_start3A_312 = arith.constant 128 : i32
    %dma_start3A_313 = tpu.memref_slice %arg8[%dma_start3A_311, %dma_start3A_312] : memref<32x1024xf32, #tpu.memory_space<vmem>> -> memref<32x128xf32, #tpu.memory_space<vmem>>
    %dma_start3A_314 = arith.constant 0 : i32
    %dma_start3A_315 = tpu.memref_slice %arg5[%dma_start3A_314, %multiple_of3A_305] : memref<32x100000xf32, #tpu.memory_space<hbm>> -> memref<32x128xf32, #tpu.memory_space<hbm>>
    tpu.enqueue_dma source(%dma_start3A_315 : memref<32x128xf32, #tpu.memory_space<hbm>>) target(%dma_start3A_313 : memref<32x128xf32, #tpu.memory_space<vmem>>) target_semaphore(%arg15 : memref<!tpu.dma_semaphore, #tpu.memory_space<semaphore_mem>>)
    %add3A_316 = arith.constant 256 : i32
    %add3A_317 = arith.addi %mul3A_289, %add3A_316 : i32
    %multiple_of3A_318 = tpu.assume_multiple %add3A_317, 128 : i32
    %dma_start3A_319 = arith.constant 0 : i32
    %dma_start3A_320 = arith.constant 256 : i32
    %dma_start3A_321 = tpu.memref_slice %arg8[%dma_start3A_319, %dma_start3A_320] : memref<32x1024xf32, #tpu.memory_space<vmem>> -> memref<32x128xf32, #tpu.memory_space<vmem>>
    %dma_start3A_322 = arith.constant 0 : i32
    %dma_start3A_323 = tpu.memref_slice %arg5[%dma_start3A_322, %multiple_of3A_318] : memref<32x100000xf32, #tpu.memory_space<hbm>> -> memref<32x128xf32, #tpu.memory_space<hbm>>
    %dma_start3A_324 = arith.constant 0 : i32
    %dma_start3A_325 = arith.constant 256 : i32
    %dma_start3A_326 = tpu.memref_slice %arg8[%dma_start3A_324, %dma_start3A_325] : memref<32x1024xf32, #tpu.memory_space<vmem>> -> memref<32x128xf32, #tpu.memory_space<vmem>>
    %dma_start3A_327 = arith.constant 0 : i32
    %dma_start3A_328 = tpu.memref_slice %arg5[%dma_start3A_327, %multiple_of3A_318] : memref<32x100000xf32, #tpu.memory_space<hbm>> -> memref<32x128xf32, #tpu.memory_space<hbm>>
    tpu.enqueue_dma source(%dma_start3A_328 : memref<32x128xf32, #tpu.memory_space<hbm>>) target(%dma_start3A_326 : memref<32x128xf32, #tpu.memory_space<vmem>>) target_semaphore(%arg15 : memref<!tpu.dma_semaphore, #tpu.memory_space<semaphore_mem>>)
    %add3A_329 = arith.constant 384 : i32
    %add3A_330 = arith.addi %mul3A_289, %add3A_329 : i32
    %multiple_of3A_331 = tpu.assume_multiple %add3A_330, 128 : i32
    %dma_start3A_332 = arith.constant 0 : i32
    %dma_start3A_333 = arith.constant 384 : i32
    %dma_start3A_334 = tpu.memref_slice %arg8[%dma_start3A_332, %dma_start3A_333] : memref<32x1024xf32, #tpu.memory_space<vmem>> -> memref<32x128xf32, #tpu.memory_space<vmem>>
    %dma_start3A_335 = arith.constant 0 : i32
    %dma_start3A_336 = tpu.memref_slice %arg5[%dma_start3A_335, %multiple_of3A_331] : memref<32x100000xf32, #tpu.memory_space<hbm>> -> memref<32x128xf32, #tpu.memory_space<hbm>>
    %dma_start3A_337 = arith.constant 0 : i32
    %dma_start3A_338 = arith.constant 384 : i32
    %dma_start3A_339 = tpu.memref_slice %arg8[%dma_start3A_337, %dma_start3A_338] : memref<32x1024xf32, #tpu.memory_space<vmem>> -> memref<32x128xf32, #tpu.memory_space<vmem>>
    %dma_start3A_340 = arith.constant 0 : i32
    %dma_start3A_341 = tpu.memref_slice %arg5[%dma_start3A_340, %multiple_of3A_331] : memref<32x100000xf32, #tpu.memory_space<hbm>> -> memref<32x128xf32, #tpu.memory_space<hbm>>
    tpu.enqueue_dma source(%dma_start3A_341 : memref<32x128xf32, #tpu.memory_space<hbm>>) target(%dma_start3A_339 : memref<32x128xf32, #tpu.memory_space<vmem>>) target_semaphore(%arg15 : memref<!tpu.dma_semaphore, #tpu.memory_space<semaphore_mem>>)
    %add3A_342 = arith.constant 512 : i32
    %add3A_343 = arith.addi %mul3A_289, %add3A_342 : i32
    %multiple_of3A_344 = tpu.assume_multiple %add3A_343, 128 : i32
    %dma_start3A_345 = arith.constant 0 : i32
    %dma_start3A_346 = arith.constant 512 : i32
    %dma_start3A_347 = tpu.memref_slice %arg8[%dma_start3A_345, %dma_start3A_346] : memref<32x1024xf32, #tpu.memory_space<vmem>> -> memref<32x128xf32, #tpu.memory_space<vmem>>
    %dma_start3A_348 = arith.constant 0 : i32
    %dma_start3A_349 = tpu.memref_slice %arg5[%dma_start3A_348, %multiple_of3A_344] : memref<32x100000xf32, #tpu.memory_space<hbm>> -> memref<32x128xf32, #tpu.memory_space<hbm>>
    %dma_start3A_350 = arith.constant 0 : i32
    %dma_start3A_351 = arith.constant 512 : i32
    %dma_start3A_352 = tpu.memref_slice %arg8[%dma_start3A_350, %dma_start3A_351] : memref<32x1024xf32, #tpu.memory_space<vmem>> -> memref<32x128xf32, #tpu.memory_space<vmem>>
    %dma_start3A_353 = arith.constant 0 : i32
    %dma_start3A_354 = tpu.memref_slice %arg5[%dma_start3A_353, %multiple_of3A_344] : memref<32x100000xf32, #tpu.memory_space<hbm>> -> memref<32x128xf32, #tpu.memory_space<hbm>>
    tpu.enqueue_dma source(%dma_start3A_354 : memref<32x128xf32, #tpu.memory_space<hbm>>) target(%dma_start3A_352 : memref<32x128xf32, #tpu.memory_space<vmem>>) target_semaphore(%arg15 : memref<!tpu.dma_semaphore, #tpu.memory_space<semaphore_mem>>)
    %add3A_355 = arith.constant 640 : i32
    %add3A_356 = arith.addi %mul3A_289, %add3A_355 : i32
    %multiple_of3A_357 = tpu.assume_multiple %add3A_356, 128 : i32
    %dma_start3A_358 = arith.constant 0 : i32
    %dma_start3A_359 = arith.constant 640 : i32
    %dma_start3A_360 = tpu.memref_slice %arg8[%dma_start3A_358, %dma_start3A_359] : memref<32x1024xf32, #tpu.memory_space<vmem>> -> memref<32x128xf32, #tpu.memory_space<vmem>>
    %dma_start3A_361 = arith.constant 0 : i32
    %dma_start3A_362 = tpu.memref_slice %arg5[%dma_start3A_361, %multiple_of3A_357] : memref<32x100000xf32, #tpu.memory_space<hbm>> -> memref<32x128xf32, #tpu.memory_space<hbm>>
    %dma_start3A_363 = arith.constant 0 : i32
    %dma_start3A_364 = arith.constant 640 : i32
    %dma_start3A_365 = tpu.memref_slice %arg8[%dma_start3A_363, %dma_start3A_364] : memref<32x1024xf32, #tpu.memory_space<vmem>> -> memref<32x128xf32, #tpu.memory_space<vmem>>
    %dma_start3A_366 = arith.constant 0 : i32
    %dma_start3A_367 = tpu.memref_slice %arg5[%dma_start3A_366, %multiple_of3A_357] : memref<32x100000xf32, #tpu.memory_space<hbm>> -> memref<32x128xf32, #tpu.memory_space<hbm>>
    tpu.enqueue_dma source(%dma_start3A_367 : memref<32x128xf32, #tpu.memory_space<hbm>>) target(%dma_start3A_365 : memref<32x128xf32, #tpu.memory_space<vmem>>) target_semaphore(%arg15 : memref<!tpu.dma_semaphore, #tpu.memory_space<semaphore_mem>>)
    %add3A_368 = arith.constant 768 : i32
    %add3A_369 = arith.addi %mul3A_289, %add3A_368 : i32
    %multiple_of3A_370 = tpu.assume_multiple %add3A_369, 128 : i32
    %dma_start3A_371 = arith.constant 0 : i32
    %dma_start3A_372 = arith.constant 768 : i32
    %dma_start3A_373 = tpu.memref_slice %arg8[%dma_start3A_371, %dma_start3A_372] : memref<32x1024xf32, #tpu.memory_space<vmem>> -> memref<32x128xf32, #tpu.memory_space<vmem>>
    %dma_start3A_374 = arith.constant 0 : i32
    %dma_start3A_375 = tpu.memref_slice %arg5[%dma_start3A_374, %multiple_of3A_370] : memref<32x100000xf32, #tpu.memory_space<hbm>> -> memref<32x128xf32, #tpu.memory_space<hbm>>
    %dma_start3A_376 = arith.constant 0 : i32
    %dma_start3A_377 = arith.constant 768 : i32
    %dma_start3A_378 = tpu.memref_slice %arg8[%dma_start3A_376, %dma_start3A_377] : memref<32x1024xf32, #tpu.memory_space<vmem>> -> memref<32x128xf32, #tpu.memory_space<vmem>>
    %dma_start3A_379 = arith.constant 0 : i32
    %dma_start3A_380 = tpu.memref_slice %arg5[%dma_start3A_379, %multiple_of3A_370] : memref<32x100000xf32, #tpu.memory_space<hbm>> -> memref<32x128xf32, #tpu.memory_space<hbm>>
    tpu.enqueue_dma source(%dma_start3A_380 : memref<32x128xf32, #tpu.memory_space<hbm>>) target(%dma_start3A_378 : memref<32x128xf32, #tpu.memory_space<vmem>>) target_semaphore(%arg15 : memref<!tpu.dma_semaphore, #tpu.memory_space<semaphore_mem>>)
    %add3A_381 = arith.constant 896 : i32
    %add3A_382 = arith.addi %mul3A_289, %add3A_381 : i32
    %multiple_of3A_383 = tpu.assume_multiple %add3A_382, 128 : i32
    %dma_start3A_384 = arith.constant 0 : i32
    %dma_start3A_385 = arith.constant 896 : i32
    %dma_start3A_386 = tpu.memref_slice %arg8[%dma_start3A_384, %dma_start3A_385] : memref<32x1024xf32, #tpu.memory_space<vmem>> -> memref<32x128xf32, #tpu.memory_space<vmem>>
    %dma_start3A_387 = arith.constant 0 : i32
    %dma_start3A_388 = tpu.memref_slice %arg5[%dma_start3A_387, %multiple_of3A_383] : memref<32x100000xf32, #tpu.memory_space<hbm>> -> memref<32x128xf32, #tpu.memory_space<hbm>>
    %dma_start3A_389 = arith.constant 0 : i32
    %dma_start3A_390 = arith.constant 896 : i32
    %dma_start3A_391 = tpu.memref_slice %arg8[%dma_start3A_389, %dma_start3A_390] : memref<32x1024xf32, #tpu.memory_space<vmem>> -> memref<32x128xf32, #tpu.memory_space<vmem>>
    %dma_start3A_392 = arith.constant 0 : i32
    %dma_start3A_393 = tpu.memref_slice %arg5[%dma_start3A_392, %multiple_of3A_383] : memref<32x100000xf32, #tpu.memory_space<hbm>> -> memref<32x128xf32, #tpu.memory_space<hbm>>
    tpu.enqueue_dma source(%dma_start3A_393 : memref<32x128xf32, #tpu.memory_space<hbm>>) target(%dma_start3A_391 : memref<32x128xf32, #tpu.memory_space<vmem>>) target_semaphore(%arg15 : memref<!tpu.dma_semaphore, #tpu.memory_space<semaphore_mem>>)
    %scan3A_394 = arith.constant 0 : i32
    %scan3A_395 = arith.constant 0 : i32
    %scan3A_396 = arith.constant 2 : i32
    %scan3A_397 = arith.addi %scan3A_395, %scan3A_396 : i32
    %scan3A_398 = arith.constant 1 : i32
    scf.for %scan3A_496 = %scan3A_395 to %scan3A_397 step %scan3A_398  : i32 {
      %mul3A_497 = arith.constant 2 : i32
      %mul3A_498 = arith.muli %mul3A_497, %scan3A_496 : i32
      %add3A_499 = arith.constant 1 : i32
      %add3A_500 = arith.addi %mul3A_498, %add3A_499 : i32
      %mul3A_501 = arith.constant 781 : i32
      %mul3A_502 = arith.muli %add3A_500, %mul3A_501 : i32
      %min3A_503 = arith.constant 1 : i32
      %min3A_504 = arith.minsi %add3A_500, %min3A_503 : i32
      %add3A_505 = arith.addi %mul3A_502, %min3A_504 : i32
      %lt3A_506 = arith.constant 1 : i32
      %lt3A_507 = arith.cmpi slt, %add3A_500, %lt3A_506 : i32
      %convert_element_type3A_508 = arith.extui %lt3A_507 : i1 to i32
      %add3A_509 = arith.constant 781 : i32
      %add3A_510 = arith.addi %add3A_509, %convert_element_type3A_508 : i32
      %add3A_511 = arith.addi %mul3A_250, %add3A_505 : i32
      %shift_right_logical3A_512 = arith.constant 7 : i32
      %shift_right_logical3A_513 = arith.shrui %add3A_511, %shift_right_logical3A_512 : i32
      %min3A_514 = arith.constant 773 : i32
      %min3A_515 = arith.minsi %shift_right_logical3A_513, %min3A_514 : i32
      %mul3A_516 = arith.constant 128 : i32
      %mul3A_517 = arith.muli %min3A_515, %mul3A_516 : i32
      %add3A_518 = arith.constant 0 : i32
      %add3A_519 = arith.addi %mul3A_517, %add3A_518 : i32
      %multiple_of3A_520 = tpu.assume_multiple %add3A_519, 128 : i32
      %dma_start3A_521 = arith.constant 0 : i32
      %dma_start3A_522 = arith.constant 0 : i32
      %dma_start3A_523 = tpu.memref_slice %arg9[%dma_start3A_521, %dma_start3A_522] : memref<32x1024xf32, #tpu.memory_space<vmem>> -> memref<32x128xf32, #tpu.memory_space<vmem>>
      %dma_start3A_524 = arith.constant 0 : i32
      %dma_start3A_525 = tpu.memref_slice %arg5[%dma_start3A_524, %multiple_of3A_520] : memref<32x100000xf32, #tpu.memory_space<hbm>> -> memref<32x128xf32, #tpu.memory_space<hbm>>
      %dma_start3A_526 = arith.constant 0 : i32
      %dma_start3A_527 = arith.constant 0 : i32
      %dma_start3A_528 = tpu.memref_slice %arg9[%dma_start3A_526, %dma_start3A_527] : memref<32x1024xf32, #tpu.memory_space<vmem>> -> memref<32x128xf32, #tpu.memory_space<vmem>>
      %dma_start3A_529 = arith.constant 0 : i32
      %dma_start3A_530 = tpu.memref_slice %arg5[%dma_start3A_529, %multiple_of3A_520] : memref<32x100000xf32, #tpu.memory_space<hbm>> -> memref<32x128xf32, #tpu.memory_space<hbm>>
      tpu.enqueue_dma source(%dma_start3A_530 : memref<32x128xf32, #tpu.memory_space<hbm>>) target(%dma_start3A_528 : memref<32x128xf32, #tpu.memory_space<vmem>>) target_semaphore(%arg16 : memref<!tpu.dma_semaphore, #tpu.memory_space<semaphore_mem>>)
      %add3A_531 = arith.constant 128 : i32
      %add3A_532 = arith.addi %mul3A_517, %add3A_531 : i32
      %multiple_of3A_533 = tpu.assume_multiple %add3A_532, 128 : i32
      %dma_start3A_534 = arith.constant 0 : i32
      %dma_start3A_535 = arith.constant 128 : i32
      %dma_start3A_536 = tpu.memref_slice %arg9[%dma_start3A_534, %dma_start3A_535] : memref<32x1024xf32, #tpu.memory_space<vmem>> -> memref<32x128xf32, #tpu.memory_space<vmem>>
      %dma_start3A_537 = arith.constant 0 : i32
      %dma_start3A_538 = tpu.memref_slice %arg5[%dma_start3A_537, %multiple_of3A_533] : memref<32x100000xf32, #tpu.memory_space<hbm>> -> memref<32x128xf32, #tpu.memory_space<hbm>>
      %dma_start3A_539 = arith.constant 0 : i32
      %dma_start3A_540 = arith.constant 128 : i32
      %dma_start3A_541 = tpu.memref_slice %arg9[%dma_start3A_539, %dma_start3A_540] : memref<32x1024xf32, #tpu.memory_space<vmem>> -> memref<32x128xf32, #tpu.memory_space<vmem>>
      %dma_start3A_542 = arith.constant 0 : i32
      %dma_start3A_543 = tpu.memref_slice %arg5[%dma_start3A_542, %multiple_of3A_533] : memref<32x100000xf32, #tpu.memory_space<hbm>> -> memref<32x128xf32, #tpu.memory_space<hbm>>
      tpu.enqueue_dma source(%dma_start3A_543 : memref<32x128xf32, #tpu.memory_space<hbm>>) target(%dma_start3A_541 : memref<32x128xf32, #tpu.memory_space<vmem>>) target_semaphore(%arg16 : memref<!tpu.dma_semaphore, #tpu.memory_space<semaphore_mem>>)
      %add3A_544 = arith.constant 256 : i32
      %add3A_545 = arith.addi %mul3A_517, %add3A_544 : i32
      %multiple_of3A_546 = tpu.assume_multiple %add3A_545, 128 : i32
      %dma_start3A_547 = arith.constant 0 : i32
      %dma_start3A_548 = arith.constant 256 : i32
      %dma_start3A_549 = tpu.memref_slice %arg9[%dma_start3A_547, %dma_start3A_548] : memref<32x1024xf32, #tpu.memory_space<vmem>> -> memref<32x128xf32, #tpu.memory_space<vmem>>
      %dma_start3A_550 = arith.constant 0 : i32
      %dma_start3A_551 = tpu.memref_slice %arg5[%dma_start3A_550, %multiple_of3A_546] : memref<32x100000xf32, #tpu.memory_space<hbm>> -> memref<32x128xf32, #tpu.memory_space<hbm>>
      %dma_start3A_552 = arith.constant 0 : i32
      %dma_start3A_553 = arith.constant 256 : i32
      %dma_start3A_554 = tpu.memref_slice %arg9[%dma_start3A_552, %dma_start3A_553] : memref<32x1024xf32, #tpu.memory_space<vmem>> -> memref<32x128xf32, #tpu.memory_space<vmem>>
      %dma_start3A_555 = arith.constant 0 : i32
      %dma_start3A_556 = tpu.memref_slice %arg5[%dma_start3A_555, %multiple_of3A_546] : memref<32x100000xf32, #tpu.memory_space<hbm>> -> memref<32x128xf32, #tpu.memory_space<hbm>>
      tpu.enqueue_dma source(%dma_start3A_556 : memref<32x128xf32, #tpu.memory_space<hbm>>) target(%dma_start3A_554 : memref<32x128xf32, #tpu.memory_space<vmem>>) target_semaphore(%arg16 : memref<!tpu.dma_semaphore, #tpu.memory_space<semaphore_mem>>)
      %add3A_557 = arith.constant 384 : i32
      %add3A_558 = arith.addi %mul3A_517, %add3A_557 : i32
      %multiple_of3A_559 = tpu.assume_multiple %add3A_558, 128 : i32
      %dma_start3A_560 = arith.constant 0 : i32
      %dma_start3A_561 = arith.constant 384 : i32
      %dma_start3A_562 = tpu.memref_slice %arg9[%dma_start3A_560, %dma_start3A_561] : memref<32x1024xf32, #tpu.memory_space<vmem>> -> memref<32x128xf32, #tpu.memory_space<vmem>>
      %dma_start3A_563 = arith.constant 0 : i32
      %dma_start3A_564 = tpu.memref_slice %arg5[%dma_start3A_563, %multiple_of3A_559] : memref<32x100000xf32, #tpu.memory_space<hbm>> -> memref<32x128xf32, #tpu.memory_space<hbm>>
      %dma_start3A_565 = arith.constant 0 : i32
      %dma_start3A_566 = arith.constant 384 : i32
      %dma_start3A_567 = tpu.memref_slice %arg9[%dma_start3A_565, %dma_start3A_566] : memref<32x1024xf32, #tpu.memory_space<vmem>> -> memref<32x128xf32, #tpu.memory_space<vmem>>
      %dma_start3A_568 = arith.constant 0 : i32
      %dma_start3A_569 = tpu.memref_slice %arg5[%dma_start3A_568, %multiple_of3A_559] : memref<32x100000xf32, #tpu.memory_space<hbm>> -> memref<32x128xf32, #tpu.memory_space<hbm>>
      tpu.enqueue_dma source(%dma_start3A_569 : memref<32x128xf32, #tpu.memory_space<hbm>>) target(%dma_start3A_567 : memref<32x128xf32, #tpu.memory_space<vmem>>) target_semaphore(%arg16 : memref<!tpu.dma_semaphore, #tpu.memory_space<semaphore_mem>>)
      %add3A_570 = arith.constant 512 : i32
      %add3A_571 = arith.addi %mul3A_517, %add3A_570 : i32
      %multiple_of3A_572 = tpu.assume_multiple %add3A_571, 128 : i32
      %dma_start3A_573 = arith.constant 0 : i32
      %dma_start3A_574 = arith.constant 512 : i32
      %dma_start3A_575 = tpu.memref_slice %arg9[%dma_start3A_573, %dma_start3A_574] : memref<32x1024xf32, #tpu.memory_space<vmem>> -> memref<32x128xf32, #tpu.memory_space<vmem>>
      %dma_start3A_576 = arith.constant 0 : i32
      %dma_start3A_577 = tpu.memref_slice %arg5[%dma_start3A_576, %multiple_of3A_572] : memref<32x100000xf32, #tpu.memory_space<hbm>> -> memref<32x128xf32, #tpu.memory_space<hbm>>
      %dma_start3A_578 = arith.constant 0 : i32
      %dma_start3A_579 = arith.constant 512 : i32
      %dma_start3A_580 = tpu.memref_slice %arg9[%dma_start3A_578, %dma_start3A_579] : memref<32x1024xf32, #tpu.memory_space<vmem>> -> memref<32x128xf32, #tpu.memory_space<vmem>>
      %dma_start3A_581 = arith.constant 0 : i32
      %dma_start3A_582 = tpu.memref_slice %arg5[%dma_start3A_581, %multiple_of3A_572] : memref<32x100000xf32, #tpu.memory_space<hbm>> -> memref<32x128xf32, #tpu.memory_space<hbm>>
      tpu.enqueue_dma source(%dma_start3A_582 : memref<32x128xf32, #tpu.memory_space<hbm>>) target(%dma_start3A_580 : memref<32x128xf32, #tpu.memory_space<vmem>>) target_semaphore(%arg16 : memref<!tpu.dma_semaphore, #tpu.memory_space<semaphore_mem>>)
      %add3A_583 = arith.constant 640 : i32
      %add3A_584 = arith.addi %mul3A_517, %add3A_583 : i32
      %multiple_of3A_585 = tpu.assume_multiple %add3A_584, 128 : i32
      %dma_start3A_586 = arith.constant 0 : i32
      %dma_start3A_587 = arith.constant 640 : i32
      %dma_start3A_588 = tpu.memref_slice %arg9[%dma_start3A_586, %dma_start3A_587] : memref<32x1024xf32, #tpu.memory_space<vmem>> -> memref<32x128xf32, #tpu.memory_space<vmem>>
      %dma_start3A_589 = arith.constant 0 : i32
      %dma_start3A_590 = tpu.memref_slice %arg5[%dma_start3A_589, %multiple_of3A_585] : memref<32x100000xf32, #tpu.memory_space<hbm>> -> memref<32x128xf32, #tpu.memory_space<hbm>>
      %dma_start3A_591 = arith.constant 0 : i32
      %dma_start3A_592 = arith.constant 640 : i32
      %dma_start3A_593 = tpu.memref_slice %arg9[%dma_start3A_591, %dma_start3A_592] : memref<32x1024xf32, #tpu.memory_space<vmem>> -> memref<32x128xf32, #tpu.memory_space<vmem>>
      %dma_start3A_594 = arith.constant 0 : i32
      %dma_start3A_595 = tpu.memref_slice %arg5[%dma_start3A_594, %multiple_of3A_585] : memref<32x100000xf32, #tpu.memory_space<hbm>> -> memref<32x128xf32, #tpu.memory_space<hbm>>
      tpu.enqueue_dma source(%dma_start3A_595 : memref<32x128xf32, #tpu.memory_space<hbm>>) target(%dma_start3A_593 : memref<32x128xf32, #tpu.memory_space<vmem>>) target_semaphore(%arg16 : memref<!tpu.dma_semaphore, #tpu.memory_space<semaphore_mem>>)
      %add3A_596 = arith.constant 768 : i32
      %add3A_597 = arith.addi %mul3A_517, %add3A_596 : i32
      %multiple_of3A_598 = tpu.assume_multiple %add3A_597, 128 : i32
      %dma_start3A_599 = arith.constant 0 : i32
      %dma_start3A_600 = arith.constant 768 : i32
      %dma_start3A_601 = tpu.memref_slice %arg9[%dma_start3A_599, %dma_start3A_600] : memref<32x1024xf32, #tpu.memory_space<vmem>> -> memref<32x128xf32, #tpu.memory_space<vmem>>
      %dma_start3A_602 = arith.constant 0 : i32
      %dma_start3A_603 = tpu.memref_slice %arg5[%dma_start3A_602, %multiple_of3A_598] : memref<32x100000xf32, #tpu.memory_space<hbm>> -> memref<32x128xf32, #tpu.memory_space<hbm>>
      %dma_start3A_604 = arith.constant 0 : i32
      %dma_start3A_605 = arith.constant 768 : i32
      %dma_start3A_606 = tpu.memref_slice %arg9[%dma_start3A_604, %dma_start3A_605] : memref<32x1024xf32, #tpu.memory_space<vmem>> -> memref<32x128xf32, #tpu.memory_space<vmem>>
      %dma_start3A_607 = arith.constant 0 : i32
      %dma_start3A_608 = tpu.memref_slice %arg5[%dma_start3A_607, %multiple_of3A_598] : memref<32x100000xf32, #tpu.memory_space<hbm>> -> memref<32x128xf32, #tpu.memory_space<hbm>>
      tpu.enqueue_dma source(%dma_start3A_608 : memref<32x128xf32, #tpu.memory_space<hbm>>) target(%dma_start3A_606 : memref<32x128xf32, #tpu.memory_space<vmem>>) target_semaphore(%arg16 : memref<!tpu.dma_semaphore, #tpu.memory_space<semaphore_mem>>)
      %add3A_609 = arith.constant 896 : i32
      %add3A_610 = arith.addi %mul3A_517, %add3A_609 : i32
      %multiple_of3A_611 = tpu.assume_multiple %add3A_610, 128 : i32
      %dma_start3A_612 = arith.constant 0 : i32
      %dma_start3A_613 = arith.constant 896 : i32
      %dma_start3A_614 = tpu.memref_slice %arg9[%dma_start3A_612, %dma_start3A_613] : memref<32x1024xf32, #tpu.memory_space<vmem>> -> memref<32x128xf32, #tpu.memory_space<vmem>>
      %dma_start3A_615 = arith.constant 0 : i32
      %dma_start3A_616 = tpu.memref_slice %arg5[%dma_start3A_615, %multiple_of3A_611] : memref<32x100000xf32, #tpu.memory_space<hbm>> -> memref<32x128xf32, #tpu.memory_space<hbm>>
      %dma_start3A_617 = arith.constant 0 : i32
      %dma_start3A_618 = arith.constant 896 : i32
      %dma_start3A_619 = tpu.memref_slice %arg9[%dma_start3A_617, %dma_start3A_618] : memref<32x1024xf32, #tpu.memory_space<vmem>> -> memref<32x128xf32, #tpu.memory_space<vmem>>
      %dma_start3A_620 = arith.constant 0 : i32
      %dma_start3A_621 = tpu.memref_slice %arg5[%dma_start3A_620, %multiple_of3A_611] : memref<32x100000xf32, #tpu.memory_space<hbm>> -> memref<32x128xf32, #tpu.memory_space<hbm>>
      tpu.enqueue_dma source(%dma_start3A_621 : memref<32x128xf32, #tpu.memory_space<hbm>>) target(%dma_start3A_619 : memref<32x128xf32, #tpu.memory_space<vmem>>) target_semaphore(%arg16 : memref<!tpu.dma_semaphore, #tpu.memory_space<semaphore_mem>>)
      %dma_wait3A_622 = arith.constant 0 : i32
      %dma_wait3A_623 = arith.constant 0 : i32
      %dma_wait3A_624 = tpu.memref_slice %arg8[%dma_wait3A_622, %dma_wait3A_623] : memref<32x1024xf32, #tpu.memory_space<vmem>> -> memref<32x128xf32, #tpu.memory_space<vmem>>
      %dma_wait3A_625 = arith.constant 0 : i32
      %dma_wait3A_626 = arith.constant 0 : i32
      %dma_wait3A_627 = tpu.memref_slice %arg5[%dma_wait3A_625, %dma_wait3A_626] : memref<32x100000xf32, #tpu.memory_space<hbm>> -> memref<32x128xf32, #tpu.memory_space<hbm>>
      %dma_wait3A_628 = arith.constant 0 : i32
      %dma_wait3A_629 = arith.constant 0 : i32
      %dma_wait3A_630 = tpu.memref_slice %arg8[%dma_wait3A_628, %dma_wait3A_629] : memref<32x1024xf32, #tpu.memory_space<vmem>> -> memref<32x128xf32, #tpu.memory_space<vmem>>
      %dma_wait3A_631 = arith.constant 0 : i32
      %dma_wait3A_632 = arith.constant 0 : i32
      %dma_wait3A_633 = tpu.memref_slice %arg5[%dma_wait3A_631, %dma_wait3A_632] : memref<32x100000xf32, #tpu.memory_space<hbm>> -> memref<32x128xf32, #tpu.memory_space<hbm>>
      tpu.wait_dma2 semaphore(%arg15 : memref<!tpu.dma_semaphore, #tpu.memory_space<semaphore_mem>>) src(%dma_wait3A_633 : memref<32x128xf32, #tpu.memory_space<hbm>>) dst(%dma_wait3A_630 : memref<32x128xf32, #tpu.memory_space<vmem>>)
      %dma_wait3A_634 = arith.constant 0 : i32
      %dma_wait3A_635 = arith.constant 128 : i32
      %dma_wait3A_636 = tpu.memref_slice %arg8[%dma_wait3A_634, %dma_wait3A_635] : memref<32x1024xf32, #tpu.memory_space<vmem>> -> memref<32x128xf32, #tpu.memory_space<vmem>>
      %dma_wait3A_637 = arith.constant 0 : i32
      %dma_wait3A_638 = arith.constant 0 : i32
      %dma_wait3A_639 = tpu.memref_slice %arg5[%dma_wait3A_637, %dma_wait3A_638] : memref<32x100000xf32, #tpu.memory_space<hbm>> -> memref<32x128xf32, #tpu.memory_space<hbm>>
      %dma_wait3A_640 = arith.constant 0 : i32
      %dma_wait3A_641 = arith.constant 128 : i32
      %dma_wait3A_642 = tpu.memref_slice %arg8[%dma_wait3A_640, %dma_wait3A_641] : memref<32x1024xf32, #tpu.memory_space<vmem>> -> memref<32x128xf32, #tpu.memory_space<vmem>>
      %dma_wait3A_643 = arith.constant 0 : i32
      %dma_wait3A_644 = arith.constant 0 : i32
      %dma_wait3A_645 = tpu.memref_slice %arg5[%dma_wait3A_643, %dma_wait3A_644] : memref<32x100000xf32, #tpu.memory_space<hbm>> -> memref<32x128xf32, #tpu.memory_space<hbm>>
      tpu.wait_dma2 semaphore(%arg15 : memref<!tpu.dma_semaphore, #tpu.memory_space<semaphore_mem>>) src(%dma_wait3A_645 : memref<32x128xf32, #tpu.memory_space<hbm>>) dst(%dma_wait3A_642 : memref<32x128xf32, #tpu.memory_space<vmem>>)
      %dma_wait3A_646 = arith.constant 0 : i32
      %dma_wait3A_647 = arith.constant 256 : i32
      %dma_wait3A_648 = tpu.memref_slice %arg8[%dma_wait3A_646, %dma_wait3A_647] : memref<32x1024xf32, #tpu.memory_space<vmem>> -> memref<32x128xf32, #tpu.memory_space<vmem>>
      %dma_wait3A_649 = arith.constant 0 : i32
      %dma_wait3A_650 = arith.constant 0 : i32
      %dma_wait3A_651 = tpu.memref_slice %arg5[%dma_wait3A_649, %dma_wait3A_650] : memref<32x100000xf32, #tpu.memory_space<hbm>> -> memref<32x128xf32, #tpu.memory_space<hbm>>
      %dma_wait3A_652 = arith.constant 0 : i32
      %dma_wait3A_653 = arith.constant 256 : i32
      %dma_wait3A_654 = tpu.memref_slice %arg8[%dma_wait3A_652, %dma_wait3A_653] : memref<32x1024xf32, #tpu.memory_space<vmem>> -> memref<32x128xf32, #tpu.memory_space<vmem>>
      %dma_wait3A_655 = arith.constant 0 : i32
      %dma_wait3A_656 = arith.constant 0 : i32
      %dma_wait3A_657 = tpu.memref_slice %arg5[%dma_wait3A_655, %dma_wait3A_656] : memref<32x100000xf32, #tpu.memory_space<hbm>> -> memref<32x128xf32, #tpu.memory_space<hbm>>
      tpu.wait_dma2 semaphore(%arg15 : memref<!tpu.dma_semaphore, #tpu.memory_space<semaphore_mem>>) src(%dma_wait3A_657 : memref<32x128xf32, #tpu.memory_space<hbm>>) dst(%dma_wait3A_654 : memref<32x128xf32, #tpu.memory_space<vmem>>)
      %dma_wait3A_658 = arith.constant 0 : i32
      %dma_wait3A_659 = arith.constant 384 : i32
      %dma_wait3A_660 = tpu.memref_slice %arg8[%dma_wait3A_658, %dma_wait3A_659] : memref<32x1024xf32, #tpu.memory_space<vmem>> -> memref<32x128xf32, #tpu.memory_space<vmem>>
      %dma_wait3A_661 = arith.constant 0 : i32
      %dma_wait3A_662 = arith.constant 0 : i32
      %dma_wait3A_663 = tpu.memref_slice %arg5[%dma_wait3A_661, %dma_wait3A_662] : memref<32x100000xf32, #tpu.memory_space<hbm>> -> memref<32x128xf32, #tpu.memory_space<hbm>>
      %dma_wait3A_664 = arith.constant 0 : i32
      %dma_wait3A_665 = arith.constant 384 : i32
      %dma_wait3A_666 = tpu.memref_slice %arg8[%dma_wait3A_664, %dma_wait3A_665] : memref<32x1024xf32, #tpu.memory_space<vmem>> -> memref<32x128xf32, #tpu.memory_space<vmem>>
      %dma_wait3A_667 = arith.constant 0 : i32
      %dma_wait3A_668 = arith.constant 0 : i32
      %dma_wait3A_669 = tpu.memref_slice %arg5[%dma_wait3A_667, %dma_wait3A_668] : memref<32x100000xf32, #tpu.memory_space<hbm>> -> memref<32x128xf32, #tpu.memory_space<hbm>>
      tpu.wait_dma2 semaphore(%arg15 : memref<!tpu.dma_semaphore, #tpu.memory_space<semaphore_mem>>) src(%dma_wait3A_669 : memref<32x128xf32, #tpu.memory_space<hbm>>) dst(%dma_wait3A_666 : memref<32x128xf32, #tpu.memory_space<vmem>>)
      %dma_wait3A_670 = arith.constant 0 : i32
      %dma_wait3A_671 = arith.constant 512 : i32
      %dma_wait3A_672 = tpu.memref_slice %arg8[%dma_wait3A_670, %dma_wait3A_671] : memref<32x1024xf32, #tpu.memory_space<vmem>> -> memref<32x128xf32, #tpu.memory_space<vmem>>
      %dma_wait3A_673 = arith.constant 0 : i32
      %dma_wait3A_674 = arith.constant 0 : i32
      %dma_wait3A_675 = tpu.memref_slice %arg5[%dma_wait3A_673, %dma_wait3A_674] : memref<32x100000xf32, #tpu.memory_space<hbm>> -> memref<32x128xf32, #tpu.memory_space<hbm>>
      %dma_wait3A_676 = arith.constant 0 : i32
      %dma_wait3A_677 = arith.constant 512 : i32
      %dma_wait3A_678 = tpu.memref_slice %arg8[%dma_wait3A_676, %dma_wait3A_677] : memref<32x1024xf32, #tpu.memory_space<vmem>> -> memref<32x128xf32, #tpu.memory_space<vmem>>
      %dma_wait3A_679 = arith.constant 0 : i32
      %dma_wait3A_680 = arith.constant 0 : i32
      %dma_wait3A_681 = tpu.memref_slice %arg5[%dma_wait3A_679, %dma_wait3A_680] : memref<32x100000xf32, #tpu.memory_space<hbm>> -> memref<32x128xf32, #tpu.memory_space<hbm>>
      tpu.wait_dma2 semaphore(%arg15 : memref<!tpu.dma_semaphore, #tpu.memory_space<semaphore_mem>>) src(%dma_wait3A_681 : memref<32x128xf32, #tpu.memory_space<hbm>>) dst(%dma_wait3A_678 : memref<32x128xf32, #tpu.memory_space<vmem>>)
      %dma_wait3A_682 = arith.constant 0 : i32
      %dma_wait3A_683 = arith.constant 640 : i32
      %dma_wait3A_684 = tpu.memref_slice %arg8[%dma_wait3A_682, %dma_wait3A_683] : memref<32x1024xf32, #tpu.memory_space<vmem>> -> memref<32x128xf32, #tpu.memory_space<vmem>>
      %dma_wait3A_685 = arith.constant 0 : i32
      %dma_wait3A_686 = arith.constant 0 : i32
      %dma_wait3A_687 = tpu.memref_slice %arg5[%dma_wait3A_685, %dma_wait3A_686] : memref<32x100000xf32, #tpu.memory_space<hbm>> -> memref<32x128xf32, #tpu.memory_space<hbm>>
      %dma_wait3A_688 = arith.constant 0 : i32
      %dma_wait3A_689 = arith.constant 640 : i32
      %dma_wait3A_690 = tpu.memref_slice %arg8[%dma_wait3A_688, %dma_wait3A_689] : memref<32x1024xf32, #tpu.memory_space<vmem>> -> memref<32x128xf32, #tpu.memory_space<vmem>>
      %dma_wait3A_691 = arith.constant 0 : i32
      %dma_wait3A_692 = arith.constant 0 : i32
      %dma_wait3A_693 = tpu.memref_slice %arg5[%dma_wait3A_691, %dma_wait3A_692] : memref<32x100000xf32, #tpu.memory_space<hbm>> -> memref<32x128xf32, #tpu.memory_space<hbm>>
      tpu.wait_dma2 semaphore(%arg15 : memref<!tpu.dma_semaphore, #tpu.memory_space<semaphore_mem>>) src(%dma_wait3A_693 : memref<32x128xf32, #tpu.memory_space<hbm>>) dst(%dma_wait3A_690 : memref<32x128xf32, #tpu.memory_space<vmem>>)
      %dma_wait3A_694 = arith.constant 0 : i32
      %dma_wait3A_695 = arith.constant 768 : i32
      %dma_wait3A_696 = tpu.memref_slice %arg8[%dma_wait3A_694, %dma_wait3A_695] : memref<32x1024xf32, #tpu.memory_space<vmem>> -> memref<32x128xf32, #tpu.memory_space<vmem>>
      %dma_wait3A_697 = arith.constant 0 : i32
      %dma_wait3A_698 = arith.constant 0 : i32
      %dma_wait3A_699 = tpu.memref_slice %arg5[%dma_wait3A_697, %dma_wait3A_698] : memref<32x100000xf32, #tpu.memory_space<hbm>> -> memref<32x128xf32, #tpu.memory_space<hbm>>
      %dma_wait3A_700 = arith.constant 0 : i32
      %dma_wait3A_701 = arith.constant 768 : i32
      %dma_wait3A_702 = tpu.memref_slice %arg8[%dma_wait3A_700, %dma_wait3A_701] : memref<32x1024xf32, #tpu.memory_space<vmem>> -> memref<32x128xf32, #tpu.memory_space<vmem>>
      %dma_wait3A_703 = arith.constant 0 : i32
      %dma_wait3A_704 = arith.constant 0 : i32
      %dma_wait3A_705 = tpu.memref_slice %arg5[%dma_wait3A_703, %dma_wait3A_704] : memref<32x100000xf32, #tpu.memory_space<hbm>> -> memref<32x128xf32, #tpu.memory_space<hbm>>
      tpu.wait_dma2 semaphore(%arg15 : memref<!tpu.dma_semaphore, #tpu.memory_space<semaphore_mem>>) src(%dma_wait3A_705 : memref<32x128xf32, #tpu.memory_space<hbm>>) dst(%dma_wait3A_702 : memref<32x128xf32, #tpu.memory_space<vmem>>)
      %dma_wait3A_706 = arith.constant 0 : i32
      %dma_wait3A_707 = arith.constant 896 : i32
      %dma_wait3A_708 = tpu.memref_slice %arg8[%dma_wait3A_706, %dma_wait3A_707] : memref<32x1024xf32, #tpu.memory_space<vmem>> -> memref<32x128xf32, #tpu.memory_space<vmem>>
      %dma_wait3A_709 = arith.constant 0 : i32
      %dma_wait3A_710 = arith.constant 0 : i32
      %dma_wait3A_711 = tpu.memref_slice %arg5[%dma_wait3A_709, %dma_wait3A_710] : memref<32x100000xf32, #tpu.memory_space<hbm>> -> memref<32x128xf32, #tpu.memory_space<hbm>>
      %dma_wait3A_712 = arith.constant 0 : i32
      %dma_wait3A_713 = arith.constant 896 : i32
      %dma_wait3A_714 = tpu.memref_slice %arg8[%dma_wait3A_712, %dma_wait3A_713] : memref<32x1024xf32, #tpu.memory_space<vmem>> -> memref<32x128xf32, #tpu.memory_space<vmem>>
      %dma_wait3A_715 = arith.constant 0 : i32
      %dma_wait3A_716 = arith.constant 0 : i32
      %dma_wait3A_717 = tpu.memref_slice %arg5[%dma_wait3A_715, %dma_wait3A_716] : memref<32x100000xf32, #tpu.memory_space<hbm>> -> memref<32x128xf32, #tpu.memory_space<hbm>>
      tpu.wait_dma2 semaphore(%arg15 : memref<!tpu.dma_semaphore, #tpu.memory_space<semaphore_mem>>) src(%dma_wait3A_717 : memref<32x128xf32, #tpu.memory_space<hbm>>) dst(%dma_wait3A_714 : memref<32x128xf32, #tpu.memory_space<vmem>>)
      %mul3A_718 = arith.constant 2 : i32
      %mul3A_719 = arith.muli %mul3A_718, %scan3A_496 : i32
      %mul3A_720 = arith.constant 781 : i32
      %mul3A_721 = arith.muli %mul3A_719, %mul3A_720 : i32
      %min3A_722 = arith.constant 1 : i32
      %min3A_723 = arith.minsi %mul3A_719, %min3A_722 : i32
      %add3A_724 = arith.addi %mul3A_721, %min3A_723 : i32
      %lt3A_725 = arith.constant 1 : i32
      %lt3A_726 = arith.cmpi slt, %mul3A_719, %lt3A_725 : i32
      %convert_element_type3A_727 = arith.extui %lt3A_726 : i1 to i32
      %add3A_728 = arith.constant 781 : i32
      %add3A_729 = arith.addi %add3A_728, %convert_element_type3A_727 : i32
      %add3A_730 = arith.addi %mul3A_250, %add3A_724 : i32
      %shift_right_logical3A_731 = arith.constant 7 : i32
      %shift_right_logical3A_732 = arith.shrui %add3A_730, %shift_right_logical3A_731 : i32
      %min3A_733 = arith.constant 773 : i32
      %min3A_734 = arith.minsi %shift_right_logical3A_732, %min3A_733 : i32
      %mul3A_735 = arith.constant 128 : i32
      %mul3A_736 = arith.muli %min3A_734, %mul3A_735 : i32
      %add3A_737 = arith.addi %add3A_724, %add3A_729 : i32
      %sub3A = arith.subi %min3A_254, %mul3A_250 : i32
      %min3A_738 = arith.minsi %add3A_737, %sub3A : i32
      %while3A = arith.constant 0 : i32
      %while3A_739 = arith.constant 0 : i32
      %while3A_740 = arith.subi %shift_right_logical3A_269, %while3A : i32
      %while3A_741 = arith.addi %while3A, %while3A_740 : i32
      %while3A_742 = arith.constant 1 : i32
      %while3A_743 = arith.divsi %while3A_740, %while3A_742 : i32
      %while3A_744 = arith.muli %while3A_743, %while3A_742 : i32
      %while3A_745 = arith.addi %while3A, %while3A_744 : i32
      %while3A_746 = arith.constant 1 : i32
      %while3A_747 = scf.for %while3A_1037 = %while3A to %while3A_745 step %while3A_746 iter_args(%while3A_1038 = %while3A_739) -> (i32)  : i32 {
        %mul3A_1039 = arith.constant 16 : i32
        %mul3A_1040 = arith.muli %while3A_1037, %mul3A_1039 : i32
        %get3A = arith.index_cast %mul3A_1040 : i32 to index
        %get3A_1041 = tpu.vector_load %arg10[%get3A] {strides = array<i32>} : memref<16400xi32, #tpu.memory_space<vmem>>, vector<16xi32>,
        %shift_right_logical3A_1042 = arith.constant 14 : i32
        %shift_right_logical3A_1043 = vector.broadcast %shift_right_logical3A_1042 : i32 to vector<16xi32>
        %shift_right_logical3A_1044 = arith.shrui %get3A_1041, %shift_right_logical3A_1043 : vector<16xi32>
        %mul3A_1045 = arith.constant 16 : i32
        %mul3A_1046 = arith.muli %while3A_1037, %mul3A_1045 : i32
        %add3A_1047 = vector.broadcast %mul3A_1046 : i32 to vector<16xi32>
        %add3A_1048 = arith.addi %add3A_1047, %iota3A_248 : vector<16xi32>
        %lt3A_1049 = vector.broadcast %scan3A_264 : i32 to vector<16xi32>
        %lt3A_1050 = arith.cmpi slt, %add3A_1048, %lt3A_1049 : vector<16xi32>
        %ge3A = vector.broadcast %add3A_724 : i32 to vector<16xi32>
        %ge3A_1051 = arith.cmpi sge, %shift_right_logical3A_1044, %ge3A : vector<16xi32>
        %and3A = arith.andi %lt3A_1050, %ge3A_1051 : vector<16xi1>
        %lt3A_1052 = vector.broadcast %min3A_738 : i32 to vector<16xi32>
        %lt3A_1053 = arith.cmpi slt, %shift_right_logical3A_1044, %lt3A_1052 : vector<16xi32>
        %and3A_1054 = arith.andi %and3A, %lt3A_1053 : vector<16xi1>
        %swap3A = arith.index_cast %while3A_1038 : i32 to index
        %swap3A_1055 = tpu.vector_load %arg11[%swap3A] masked %and3A_1054 {strides = array<i32>} : memref<16400xi32, #tpu.memory_space<vmem>>, vector<16xi32>, vector<16xi1>
        tpu.vector_store %arg11[%swap3A], %get3A_1041 masked %and3A_1054 {strides = array<i32>} : memref<16400xi32, #tpu.memory_space<vmem>>, vector<16xi32>, vector<16xi1>
        %all_reduce_population_count3A = tpu.all_reduce %and3A_1054 {dim = 0 : i64, kind = #tpu.reduction_kind<sum>} : vector<16xi1> -> vector<16xi32>
        %slice3A = vector.extract_strided_slice %all_reduce_population_count3A {offsets = [0], sizes = [1], strides = [1]} : vector<16xi32> to vector<1xi32>
        %squeeze3A = vector.extract %slice3A[0] : i32 from vector<1xi32>
        %add3A_1056 = arith.addi %while3A_1038, %squeeze3A : i32
        scf.yield %add3A_1056 : i32
      }
      %while3A_748 = arith.constant 1 : i32
      %while3A_749 = scf.for %while3A_1037 = %while3A_745 to %while3A_741 step %while3A_748 iter_args(%while3A_1038 = %while3A_747) -> (i32)  : i32 {
        %mul3A_1039 = arith.constant 16 : i32
        %mul3A_1040 = arith.muli %while3A_1037, %mul3A_1039 : i32
        %get3A = arith.index_cast %mul3A_1040 : i32 to index
        %get3A_1041 = tpu.vector_load %arg10[%get3A] {strides = array<i32>} : memref<16400xi32, #tpu.memory_space<vmem>>, vector<16xi32>,
        %shift_right_logical3A_1042 = arith.constant 14 : i32
        %shift_right_logical3A_1043 = vector.broadcast %shift_right_logical3A_1042 : i32 to vector<16xi32>
        %shift_right_logical3A_1044 = arith.shrui %get3A_1041, %shift_right_logical3A_1043 : vector<16xi32>
        %mul3A_1045 = arith.constant 16 : i32
        %mul3A_1046 = arith.muli %while3A_1037, %mul3A_1045 : i32
        %add3A_1047 = vector.broadcast %mul3A_1046 : i32 to vector<16xi32>
        %add3A_1048 = arith.addi %add3A_1047, %iota3A_248 : vector<16xi32>
        %lt3A_1049 = vector.broadcast %scan3A_264 : i32 to vector<16xi32>
        %lt3A_1050 = arith.cmpi slt, %add3A_1048, %lt3A_1049 : vector<16xi32>
        %ge3A = vector.broadcast %add3A_724 : i32 to vector<16xi32>
        %ge3A_1051 = arith.cmpi sge, %shift_right_logical3A_1044, %ge3A : vector<16xi32>
        %and3A = arith.andi %lt3A_1050, %ge3A_1051 : vector<16xi1>
        %lt3A_1052 = vector.broadcast %min3A_738 : i32 to vector<16xi32>
        %lt3A_1053 = arith.cmpi slt, %shift_right_logical3A_1044, %lt3A_1052 : vector<16xi32>
        %and3A_1054 = arith.andi %and3A, %lt3A_1053 : vector<16xi1>
        %swap3A = arith.index_cast %while3A_1038 : i32 to index
        %swap3A_1055 = tpu.vector_load %arg11[%swap3A] masked %and3A_1054 {strides = array<i32>} : memref<16400xi32, #tpu.memory_space<vmem>>, vector<16xi32>, vector<16xi1>
        tpu.vector_store %arg11[%swap3A], %get3A_1041 masked %and3A_1054 {strides = array<i32>} : memref<16400xi32, #tpu.memory_space<vmem>>, vector<16xi32>, vector<16xi1>
        %all_reduce_population_count3A = tpu.all_reduce %and3A_1054 {dim = 0 : i64, kind = #tpu.reduction_kind<sum>} : vector<16xi1> -> vector<16xi32>
        %slice3A = vector.extract_strided_slice %all_reduce_population_count3A {offsets = [0], sizes = [1], strides = [1]} : vector<16xi32> to vector<1xi32>
        %squeeze3A = vector.extract %slice3A[0] : i32 from vector<1xi32>
        %add3A_1056 = arith.addi %while3A_1038, %squeeze3A : i32
        scf.yield %add3A_1056 : i32
      }
      %add3A_750 = arith.constant 15 : i32
      %add3A_751 = arith.addi %while3A_749, %add3A_750 : i32
      %shift_right_logical3A_752 = arith.constant 4 : i32
      %shift_right_logical3A_753 = arith.shrui %add3A_751, %shift_right_logical3A_752 : i32
      %while3A_754 = arith.constant 0 : i32
      %while3A_755 = arith.constant 0 : i32
      %while3A_756 = arith.subi %shift_right_logical3A_753, %while3A_755 : i32
      %while3A_757 = arith.addi %while3A_755, %while3A_756 : i32
      %while3A_758 = arith.constant 1 : i32
      %while3A_759 = arith.divsi %while3A_756, %while3A_758 : i32
      %while3A_760 = arith.muli %while3A_759, %while3A_758 : i32
      %while3A_761 = arith.addi %while3A_755, %while3A_760 : i32
      %while3A_762 = arith.constant 1 : i32
      scf.for %while3A_1037 = %while3A_755 to %while3A_761 step %while3A_762  : i32 {
        %mul3A_1038 = arith.constant 16 : i32
        %mul3A_1039 = arith.muli %while3A_1037, %mul3A_1038 : i32
        %get3A = arith.index_cast %mul3A_1039 : i32 to index
        %get3A_1040 = tpu.vector_load %arg11[%get3A] {strides = array<i32>} : memref<16400xi32, #tpu.memory_space<vmem>>, vector<16xi32>,
        %and3A = arith.constant 16383 : i32
        %and3A_1041 = vector.broadcast %and3A : i32 to vector<16xi32>
        %and3A_1042 = arith.andi %get3A_1040, %and3A_1041 : vector<16xi32>
        %mul3A_1043 = arith.constant 16 : i32
        %mul3A_1044 = arith.muli %while3A_1037, %mul3A_1043 : i32
        %add3A_1045 = vector.broadcast %mul3A_1044 : i32 to vector<16xi32>
        %add3A_1046 = arith.addi %add3A_1045, %iota3A_248 : vector<16xi32>
        %lt3A_1047 = vector.broadcast %while3A_749 : i32 to vector<16xi32>
        %lt3A_1048 = arith.cmpi slt, %add3A_1046, %lt3A_1047 : vector<16xi32>
        %add3A_1049 = vector.broadcast %add3A_258 : i32 to vector<16xi32>
        %add3A_1050 = arith.addi %add3A_1049, %iota3A_248 : vector<16xi32>
        %select_n3A = arith.select %lt3A_1048, %and3A_1042, %add3A_1050 : vector<16xi1>, vector<16xi32>
        %swap3A = arith.constant 0 : index
        %swap3A_1051 = tpu.vector_load %arg13[%swap3A] {strides = array<i32>} : memref<16xi32, #tpu.memory_space<vmem>>, vector<16xi32>,
        tpu.vector_store %arg13[%swap3A], %select_n3A {strides = array<i32>} : memref<16xi32, #tpu.memory_space<vmem>>, vector<16xi32>,
        %shift_right_logical3A_1052 = arith.constant 14 : i32
        %shift_right_logical3A_1053 = vector.broadcast %shift_right_logical3A_1052 : i32 to vector<16xi32>
        %shift_right_logical3A_1054 = arith.shrui %get3A_1040, %shift_right_logical3A_1053 : vector<16xi32>
        %add3A_1055 = vector.broadcast %mul3A_250 : i32 to vector<16xi32>
        %add3A_1056 = arith.addi %add3A_1055, %shift_right_logical3A_1054 : vector<16xi32>
        %sub3A_1057 = vector.broadcast %mul3A_736 : i32 to vector<16xi32>
        %sub3A_1058 = arith.subi %add3A_1056, %sub3A_1057 : vector<16xi32>
        %jit3A = arith.constant 0 : i32
        %jit3A_1059 = arith.constant 1023 : i32
        %max3A = vector.broadcast %jit3A : i32 to vector<16xi32>
        %max3A_1060 = arith.maxsi %max3A, %sub3A_1058 : vector<16xi32>
        %min3A_1061 = vector.broadcast %jit3A_1059 : i32 to vector<16xi32>
        %min3A_1062 = arith.minsi %min3A_1061, %max3A_1060 : vector<16xi32>
        %broadcast_in_dim3A = arith.constant 0 : i32
        %broadcast_in_dim3A_1063 = vector.broadcast %broadcast_in_dim3A : i32 to vector<16xi32>
        %gather3A = tpu.vector_load_idx %arg8[%broadcast_in_dim3A_1063, %min3A_1062] : memref<32x1024xf32, #tpu.memory_space<vmem>>[vector<16xi32>, vector<16xi32>], vector<16xf32>,
        tpu.vector_store_idx %arg12[%iota3A_248, %broadcast_in_dim3A_1063], %gather3A : memref<16x128xf32, #tpu.memory_space<vmem>>[vector<16xi32>, vector<16xi32>], vector<16xf32>,
        %broadcast_in_dim3A_1064 = arith.constant 1 : i32
        %broadcast_in_dim3A_1065 = vector.broadcast %broadcast_in_dim3A_1064 : i32 to vector<16xi32>
        %gather3A_1066 = tpu.vector_load_idx %arg8[%broadcast_in_dim3A_1065, %min3A_1062] : memref<32x1024xf32, #tpu.memory_space<vmem>>[vector<16xi32>, vector<16xi32>], vector<16xf32>,
        tpu.vector_store_idx %arg12[%iota3A_248, %broadcast_in_dim3A_1065], %gather3A_1066 : memref<16x128xf32, #tpu.memory_space<vmem>>[vector<16xi32>, vector<16xi32>], vector<16xf32>,
        %broadcast_in_dim3A_1067 = arith.constant 2 : i32
        %broadcast_in_dim3A_1068 = vector.broadcast %broadcast_in_dim3A_1067 : i32 to vector<16xi32>
        %gather3A_1069 = tpu.vector_load_idx %arg8[%broadcast_in_dim3A_1068, %min3A_1062] : memref<32x1024xf32, #tpu.memory_space<vmem>>[vector<16xi32>, vector<16xi32>], vector<16xf32>,
        tpu.vector_store_idx %arg12[%iota3A_248, %broadcast_in_dim3A_1068], %gather3A_1069 : memref<16x128xf32, #tpu.memory_space<vmem>>[vector<16xi32>, vector<16xi32>], vector<16xf32>,
        %broadcast_in_dim3A_1070 = arith.constant 3 : i32
        %broadcast_in_dim3A_1071 = vector.broadcast %broadcast_in_dim3A_1070 : i32 to vector<16xi32>
        %gather3A_1072 = tpu.vector_load_idx %arg8[%broadcast_in_dim3A_1071, %min3A_1062] : memref<32x1024xf32, #tpu.memory_space<vmem>>[vector<16xi32>, vector<16xi32>], vector<16xf32>,
        tpu.vector_store_idx %arg12[%iota3A_248, %broadcast_in_dim3A_1071], %gather3A_1072 : memref<16x128xf32, #tpu.memory_space<vmem>>[vector<16xi32>, vector<16xi32>], vector<16xf32>,
        %broadcast_in_dim3A_1073 = arith.constant 4 : i32
        %broadcast_in_dim3A_1074 = vector.broadcast %broadcast_in_dim3A_1073 : i32 to vector<16xi32>
        %gather3A_1075 = tpu.vector_load_idx %arg8[%broadcast_in_dim3A_1074, %min3A_1062] : memref<32x1024xf32, #tpu.memory_space<vmem>>[vector<16xi32>, vector<16xi32>], vector<16xf32>,
        tpu.vector_store_idx %arg12[%iota3A_248, %broadcast_in_dim3A_1074], %gather3A_1075 : memref<16x128xf32, #tpu.memory_space<vmem>>[vector<16xi32>, vector<16xi32>], vector<16xf32>,
        %broadcast_in_dim3A_1076 = arith.constant 5 : i32
        %broadcast_in_dim3A_1077 = vector.broadcast %broadcast_in_dim3A_1076 : i32 to vector<16xi32>
        %gather3A_1078 = tpu.vector_load_idx %arg8[%broadcast_in_dim3A_1077, %min3A_1062] : memref<32x1024xf32, #tpu.memory_space<vmem>>[vector<16xi32>, vector<16xi32>], vector<16xf32>,
        tpu.vector_store_idx %arg12[%iota3A_248, %broadcast_in_dim3A_1077], %gather3A_1078 : memref<16x128xf32, #tpu.memory_space<vmem>>[vector<16xi32>, vector<16xi32>], vector<16xf32>,
        %broadcast_in_dim3A_1079 = arith.constant 6 : i32
        %broadcast_in_dim3A_1080 = vector.broadcast %broadcast_in_dim3A_1079 : i32 to vector<16xi32>
        %gather3A_1081 = tpu.vector_load_idx %arg8[%broadcast_in_dim3A_1080, %min3A_1062] : memref<32x1024xf32, #tpu.memory_space<vmem>>[vector<16xi32>, vector<16xi32>], vector<16xf32>,
        tpu.vector_store_idx %arg12[%iota3A_248, %broadcast_in_dim3A_1080], %gather3A_1081 : memref<16x128xf32, #tpu.memory_space<vmem>>[vector<16xi32>, vector<16xi32>], vector<16xf32>,
        %broadcast_in_dim3A_1082 = arith.constant 7 : i32
        %broadcast_in_dim3A_1083 = vector.broadcast %broadcast_in_dim3A_1082 : i32 to vector<16xi32>
        %gather3A_1084 = tpu.vector_load_idx %arg8[%broadcast_in_dim3A_1083, %min3A_1062] : memref<32x1024xf32, #tpu.memory_space<vmem>>[vector<16xi32>, vector<16xi32>], vector<16xf32>,
        tpu.vector_store_idx %arg12[%iota3A_248, %broadcast_in_dim3A_1083], %gather3A_1084 : memref<16x128xf32, #tpu.memory_space<vmem>>[vector<16xi32>, vector<16xi32>], vector<16xf32>,
        %broadcast_in_dim3A_1085 = arith.constant 8 : i32
        %broadcast_in_dim3A_1086 = vector.broadcast %broadcast_in_dim3A_1085 : i32 to vector<16xi32>
        %gather3A_1087 = tpu.vector_load_idx %arg8[%broadcast_in_dim3A_1086, %min3A_1062] : memref<32x1024xf32, #tpu.memory_space<vmem>>[vector<16xi32>, vector<16xi32>], vector<16xf32>,
        tpu.vector_store_idx %arg12[%iota3A_248, %broadcast_in_dim3A_1086], %gather3A_1087 : memref<16x128xf32, #tpu.memory_space<vmem>>[vector<16xi32>, vector<16xi32>], vector<16xf32>,
        %broadcast_in_dim3A_1088 = arith.constant 9 : i32
        %broadcast_in_dim3A_1089 = vector.broadcast %broadcast_in_dim3A_1088 : i32 to vector<16xi32>
        %gather3A_1090 = tpu.vector_load_idx %arg8[%broadcast_in_dim3A_1089, %min3A_1062] : memref<32x1024xf32, #tpu.memory_space<vmem>>[vector<16xi32>, vector<16xi32>], vector<16xf32>,
        tpu.vector_store_idx %arg12[%iota3A_248, %broadcast_in_dim3A_1089], %gather3A_1090 : memref<16x128xf32, #tpu.memory_space<vmem>>[vector<16xi32>, vector<16xi32>], vector<16xf32>,
        %broadcast_in_dim3A_1091 = arith.constant 10 : i32
        %broadcast_in_dim3A_1092 = vector.broadcast %broadcast_in_dim3A_1091 : i32 to vector<16xi32>
        %gather3A_1093 = tpu.vector_load_idx %arg8[%broadcast_in_dim3A_1092, %min3A_1062] : memref<32x1024xf32, #tpu.memory_space<vmem>>[vector<16xi32>, vector<16xi32>], vector<16xf32>,
        tpu.vector_store_idx %arg12[%iota3A_248, %broadcast_in_dim3A_1092], %gather3A_1093 : memref<16x128xf32, #tpu.memory_space<vmem>>[vector<16xi32>, vector<16xi32>], vector<16xf32>,
        %broadcast_in_dim3A_1094 = arith.constant 11 : i32
        %broadcast_in_dim3A_1095 = vector.broadcast %broadcast_in_dim3A_1094 : i32 to vector<16xi32>
        %gather3A_1096 = tpu.vector_load_idx %arg8[%broadcast_in_dim3A_1095, %min3A_1062] : memref<32x1024xf32, #tpu.memory_space<vmem>>[vector<16xi32>, vector<16xi32>], vector<16xf32>,
        tpu.vector_store_idx %arg12[%iota3A_248, %broadcast_in_dim3A_1095], %gather3A_1096 : memref<16x128xf32, #tpu.memory_space<vmem>>[vector<16xi32>, vector<16xi32>], vector<16xf32>,
        %broadcast_in_dim3A_1097 = arith.constant 12 : i32
        %broadcast_in_dim3A_1098 = vector.broadcast %broadcast_in_dim3A_1097 : i32 to vector<16xi32>
        %gather3A_1099 = tpu.vector_load_idx %arg8[%broadcast_in_dim3A_1098, %min3A_1062] : memref<32x1024xf32, #tpu.memory_space<vmem>>[vector<16xi32>, vector<16xi32>], vector<16xf32>,
        tpu.vector_store_idx %arg12[%iota3A_248, %broadcast_in_dim3A_1098], %gather3A_1099 : memref<16x128xf32, #tpu.memory_space<vmem>>[vector<16xi32>, vector<16xi32>], vector<16xf32>,
        %broadcast_in_dim3A_1100 = arith.constant 13 : i32
        %broadcast_in_dim3A_1101 = vector.broadcast %broadcast_in_dim3A_1100 : i32 to vector<16xi32>
        %gather3A_1102 = tpu.vector_load_idx %arg8[%broadcast_in_dim3A_1101, %min3A_1062] : memref<32x1024xf32, #tpu.memory_space<vmem>>[vector<16xi32>, vector<16xi32>], vector<16xf32>,
        tpu.vector_store_idx %arg12[%iota3A_248, %broadcast_in_dim3A_1101], %gather3A_1102 : memref<16x128xf32, #tpu.memory_space<vmem>>[vector<16xi32>, vector<16xi32>], vector<16xf32>,
        %broadcast_in_dim3A_1103 = arith.constant 14 : i32
        %broadcast_in_dim3A_1104 = vector.broadcast %broadcast_in_dim3A_1103 : i32 to vector<16xi32>
        %gather3A_1105 = tpu.vector_load_idx %arg8[%broadcast_in_dim3A_1104, %min3A_1062] : memref<32x1024xf32, #tpu.memory_space<vmem>>[vector<16xi32>, vector<16xi32>], vector<16xf32>,
        tpu.vector_store_idx %arg12[%iota3A_248, %broadcast_in_dim3A_1104], %gather3A_1105 : memref<16x128xf32, #tpu.memory_space<vmem>>[vector<16xi32>, vector<16xi32>], vector<16xf32>,
        %broadcast_in_dim3A_1106 = arith.constant 15 : i32
        %broadcast_in_dim3A_1107 = vector.broadcast %broadcast_in_dim3A_1106 : i32 to vector<16xi32>
        %gather3A_1108 = tpu.vector_load_idx %arg8[%broadcast_in_dim3A_1107, %min3A_1062] : memref<32x1024xf32, #tpu.memory_space<vmem>>[vector<16xi32>, vector<16xi32>], vector<16xf32>,
        tpu.vector_store_idx %arg12[%iota3A_248, %broadcast_in_dim3A_1107], %gather3A_1108 : memref<16x128xf32, #tpu.memory_space<vmem>>[vector<16xi32>, vector<16xi32>], vector<16xf32>,
        %broadcast_in_dim3A_1109 = arith.constant 16 : i32
        %broadcast_in_dim3A_1110 = vector.broadcast %broadcast_in_dim3A_1109 : i32 to vector<16xi32>
        %gather3A_1111 = tpu.vector_load_idx %arg8[%broadcast_in_dim3A_1110, %min3A_1062] : memref<32x1024xf32, #tpu.memory_space<vmem>>[vector<16xi32>, vector<16xi32>], vector<16xf32>,
        tpu.vector_store_idx %arg12[%iota3A_248, %broadcast_in_dim3A_1110], %gather3A_1111 : memref<16x128xf32, #tpu.memory_space<vmem>>[vector<16xi32>, vector<16xi32>], vector<16xf32>,
        %broadcast_in_dim3A_1112 = arith.constant 17 : i32
        %broadcast_in_dim3A_1113 = vector.broadcast %broadcast_in_dim3A_1112 : i32 to vector<16xi32>
        %gather3A_1114 = tpu.vector_load_idx %arg8[%broadcast_in_dim3A_1113, %min3A_1062] : memref<32x1024xf32, #tpu.memory_space<vmem>>[vector<16xi32>, vector<16xi32>], vector<16xf32>,
        tpu.vector_store_idx %arg12[%iota3A_248, %broadcast_in_dim3A_1113], %gather3A_1114 : memref<16x128xf32, #tpu.memory_space<vmem>>[vector<16xi32>, vector<16xi32>], vector<16xf32>,
        %broadcast_in_dim3A_1115 = arith.constant 18 : i32
        %broadcast_in_dim3A_1116 = vector.broadcast %broadcast_in_dim3A_1115 : i32 to vector<16xi32>
        %gather3A_1117 = tpu.vector_load_idx %arg8[%broadcast_in_dim3A_1116, %min3A_1062] : memref<32x1024xf32, #tpu.memory_space<vmem>>[vector<16xi32>, vector<16xi32>], vector<16xf32>,
        tpu.vector_store_idx %arg12[%iota3A_248, %broadcast_in_dim3A_1116], %gather3A_1117 : memref<16x128xf32, #tpu.memory_space<vmem>>[vector<16xi32>, vector<16xi32>], vector<16xf32>,
        %broadcast_in_dim3A_1118 = arith.constant 19 : i32
        %broadcast_in_dim3A_1119 = vector.broadcast %broadcast_in_dim3A_1118 : i32 to vector<16xi32>
        %gather3A_1120 = tpu.vector_load_idx %arg8[%broadcast_in_dim3A_1119, %min3A_1062] : memref<32x1024xf32, #tpu.memory_space<vmem>>[vector<16xi32>, vector<16xi32>], vector<16xf32>,
        tpu.vector_store_idx %arg12[%iota3A_248, %broadcast_in_dim3A_1119], %gather3A_1120 : memref<16x128xf32, #tpu.memory_space<vmem>>[vector<16xi32>, vector<16xi32>], vector<16xf32>,
        %broadcast_in_dim3A_1121 = arith.constant 20 : i32
        %broadcast_in_dim3A_1122 = vector.broadcast %broadcast_in_dim3A_1121 : i32 to vector<16xi32>
        %gather3A_1123 = tpu.vector_load_idx %arg8[%broadcast_in_dim3A_1122, %min3A_1062] : memref<32x1024xf32, #tpu.memory_space<vmem>>[vector<16xi32>, vector<16xi32>], vector<16xf32>,
        tpu.vector_store_idx %arg12[%iota3A_248, %broadcast_in_dim3A_1122], %gather3A_1123 : memref<16x128xf32, #tpu.memory_space<vmem>>[vector<16xi32>, vector<16xi32>], vector<16xf32>,
        %broadcast_in_dim3A_1124 = arith.constant 21 : i32
        %broadcast_in_dim3A_1125 = vector.broadcast %broadcast_in_dim3A_1124 : i32 to vector<16xi32>
        %gather3A_1126 = tpu.vector_load_idx %arg8[%broadcast_in_dim3A_1125, %min3A_1062] : memref<32x1024xf32, #tpu.memory_space<vmem>>[vector<16xi32>, vector<16xi32>], vector<16xf32>,
        tpu.vector_store_idx %arg12[%iota3A_248, %broadcast_in_dim3A_1125], %gather3A_1126 : memref<16x128xf32, #tpu.memory_space<vmem>>[vector<16xi32>, vector<16xi32>], vector<16xf32>,
        %broadcast_in_dim3A_1127 = arith.constant 22 : i32
        %broadcast_in_dim3A_1128 = vector.broadcast %broadcast_in_dim3A_1127 : i32 to vector<16xi32>
        %gather3A_1129 = tpu.vector_load_idx %arg8[%broadcast_in_dim3A_1128, %min3A_1062] : memref<32x1024xf32, #tpu.memory_space<vmem>>[vector<16xi32>, vector<16xi32>], vector<16xf32>,
        tpu.vector_store_idx %arg12[%iota3A_248, %broadcast_in_dim3A_1128], %gather3A_1129 : memref<16x128xf32, #tpu.memory_space<vmem>>[vector<16xi32>, vector<16xi32>], vector<16xf32>,
        %broadcast_in_dim3A_1130 = arith.constant 23 : i32
        %broadcast_in_dim3A_1131 = vector.broadcast %broadcast_in_dim3A_1130 : i32 to vector<16xi32>
        %gather3A_1132 = tpu.vector_load_idx %arg8[%broadcast_in_dim3A_1131, %min3A_1062] : memref<32x1024xf32, #tpu.memory_space<vmem>>[vector<16xi32>, vector<16xi32>], vector<16xf32>,
        tpu.vector_store_idx %arg12[%iota3A_248, %broadcast_in_dim3A_1131], %gather3A_1132 : memref<16x128xf32, #tpu.memory_space<vmem>>[vector<16xi32>, vector<16xi32>], vector<16xf32>,
        %broadcast_in_dim3A_1133 = arith.constant 24 : i32
        %broadcast_in_dim3A_1134 = vector.broadcast %broadcast_in_dim3A_1133 : i32 to vector<16xi32>
        %gather3A_1135 = tpu.vector_load_idx %arg8[%broadcast_in_dim3A_1134, %min3A_1062] : memref<32x1024xf32, #tpu.memory_space<vmem>>[vector<16xi32>, vector<16xi32>], vector<16xf32>,
        tpu.vector_store_idx %arg12[%iota3A_248, %broadcast_in_dim3A_1134], %gather3A_1135 : memref<16x128xf32, #tpu.memory_space<vmem>>[vector<16xi32>, vector<16xi32>], vector<16xf32>,
        %broadcast_in_dim3A_1136 = arith.constant 25 : i32
        %broadcast_in_dim3A_1137 = vector.broadcast %broadcast_in_dim3A_1136 : i32 to vector<16xi32>
        %gather3A_1138 = tpu.vector_load_idx %arg8[%broadcast_in_dim3A_1137, %min3A_1062] : memref<32x1024xf32, #tpu.memory_space<vmem>>[vector<16xi32>, vector<16xi32>], vector<16xf32>,
        tpu.vector_store_idx %arg12[%iota3A_248, %broadcast_in_dim3A_1137], %gather3A_1138 : memref<16x128xf32, #tpu.memory_space<vmem>>[vector<16xi32>, vector<16xi32>], vector<16xf32>,
        %broadcast_in_dim3A_1139 = arith.constant 26 : i32
        %broadcast_in_dim3A_1140 = vector.broadcast %broadcast_in_dim3A_1139 : i32 to vector<16xi32>
        %gather3A_1141 = tpu.vector_load_idx %arg8[%broadcast_in_dim3A_1140, %min3A_1062] : memref<32x1024xf32, #tpu.memory_space<vmem>>[vector<16xi32>, vector<16xi32>], vector<16xf32>,
        tpu.vector_store_idx %arg12[%iota3A_248, %broadcast_in_dim3A_1140], %gather3A_1141 : memref<16x128xf32, #tpu.memory_space<vmem>>[vector<16xi32>, vector<16xi32>], vector<16xf32>,
        %broadcast_in_dim3A_1142 = arith.constant 27 : i32
        %broadcast_in_dim3A_1143 = vector.broadcast %broadcast_in_dim3A_1142 : i32 to vector<16xi32>
        %gather3A_1144 = tpu.vector_load_idx %arg8[%broadcast_in_dim3A_1143, %min3A_1062] : memref<32x1024xf32, #tpu.memory_space<vmem>>[vector<16xi32>, vector<16xi32>], vector<16xf32>,
        tpu.vector_store_idx %arg12[%iota3A_248, %broadcast_in_dim3A_1143], %gather3A_1144 : memref<16x128xf32, #tpu.memory_space<vmem>>[vector<16xi32>, vector<16xi32>], vector<16xf32>,
        %broadcast_in_dim3A_1145 = arith.constant 28 : i32
        %broadcast_in_dim3A_1146 = vector.broadcast %broadcast_in_dim3A_1145 : i32 to vector<16xi32>
        %gather3A_1147 = tpu.vector_load_idx %arg8[%broadcast_in_dim3A_1146, %min3A_1062] : memref<32x1024xf32, #tpu.memory_space<vmem>>[vector<16xi32>, vector<16xi32>], vector<16xf32>,
        tpu.vector_store_idx %arg12[%iota3A_248, %broadcast_in_dim3A_1146], %gather3A_1147 : memref<16x128xf32, #tpu.memory_space<vmem>>[vector<16xi32>, vector<16xi32>], vector<16xf32>,
        %broadcast_in_dim3A_1148 = arith.constant 29 : i32
        %broadcast_in_dim3A_1149 = vector.broadcast %broadcast_in_dim3A_1148 : i32 to vector<16xi32>
        %gather3A_1150 = tpu.vector_load_idx %arg8[%broadcast_in_dim3A_1149, %min3A_1062] : memref<32x1024xf32, #tpu.memory_space<vmem>>[vector<16xi32>, vector<16xi32>], vector<16xf32>,
        tpu.vector_store_idx %arg12[%iota3A_248, %broadcast_in_dim3A_1149], %gather3A_1150 : memref<16x128xf32, #tpu.memory_space<vmem>>[vector<16xi32>, vector<16xi32>], vector<16xf32>,
        %broadcast_in_dim3A_1151 = arith.constant 30 : i32
        %broadcast_in_dim3A_1152 = vector.broadcast %broadcast_in_dim3A_1151 : i32 to vector<16xi32>
        %gather3A_1153 = tpu.vector_load_idx %arg8[%broadcast_in_dim3A_1152, %min3A_1062] : memref<32x1024xf32, #tpu.memory_space<vmem>>[vector<16xi32>, vector<16xi32>], vector<16xf32>,
        tpu.vector_store_idx %arg12[%iota3A_248, %broadcast_in_dim3A_1152], %gather3A_1153 : memref<16x128xf32, #tpu.memory_space<vmem>>[vector<16xi32>, vector<16xi32>], vector<16xf32>,
        %broadcast_in_dim3A_1154 = arith.constant 31 : i32
        %broadcast_in_dim3A_1155 = vector.broadcast %broadcast_in_dim3A_1154 : i32 to vector<16xi32>
        %gather3A_1156 = tpu.vector_load_idx %arg8[%broadcast_in_dim3A_1155, %min3A_1062] : memref<32x1024xf32, #tpu.memory_space<vmem>>[vector<16xi32>, vector<16xi32>], vector<16xf32>,
        tpu.vector_store_idx %arg12[%iota3A_248, %broadcast_in_dim3A_1155], %gather3A_1156 : memref<16x128xf32, #tpu.memory_space<vmem>>[vector<16xi32>, vector<16xi32>], vector<16xf32>,
        %dma_start3A_1157 = arith.constant 0 : i32
        %dma_start3A_1158 = arith.constant 0 : i32
        %dma_start3A_1159 = tpu.memref_slice %arg7[%dma_start3A_1157, %dma_start3A_1158] : memref<16896x128xf32, #tpu.memory_space<hbm>> -> memref<16896x128xf32, #tpu.memory_space<hbm>>
        tpu.enqueue_indirect_dma source(%arg12 : memref<16x128xf32, #tpu.memory_space<vmem>>) target(%dma_start3A_1159 : memref<16896x128xf32, #tpu.memory_space<hbm>>) offsets(%arg13 : memref<16xi32, #tpu.memory_space<vmem>>) semaphore(%arg17 : memref<!tpu.dma_semaphore, #tpu.memory_space<semaphore_mem>>)
        %dma_wait3A_1160 = arith.constant 0 : i32
        %dma_wait3A_1161 = arith.constant 0 : i32
        %dma_wait3A_1162 = tpu.memref_slice %arg7[%dma_wait3A_1160, %dma_wait3A_1161] : memref<16896x128xf32, #tpu.memory_space<hbm>> -> memref<16896x128xf32, #tpu.memory_space<hbm>>
        tpu.wait_indirect_dma semaphore(%arg17 : memref<!tpu.dma_semaphore, #tpu.memory_space<semaphore_mem>>) src(%arg12 : memref<16x128xf32, #tpu.memory_space<vmem>>) dst(%dma_wait3A_1162 : memref<16896x128xf32, #tpu.memory_space<hbm>>)
      }
      %while3A_763 = arith.constant 1 : i32
      scf.for %while3A_1037 = %while3A_761 to %while3A_757 step %while3A_763  : i32 {
        %mul3A_1038 = arith.constant 16 : i32
        %mul3A_1039 = arith.muli %while3A_1037, %mul3A_1038 : i32
        %get3A = arith.index_cast %mul3A_1039 : i32 to index
        %get3A_1040 = tpu.vector_load %arg11[%get3A] {strides = array<i32>} : memref<16400xi32, #tpu.memory_space<vmem>>, vector<16xi32>,
        %and3A = arith.constant 16383 : i32
        %and3A_1041 = vector.broadcast %and3A : i32 to vector<16xi32>
        %and3A_1042 = arith.andi %get3A_1040, %and3A_1041 : vector<16xi32>
        %mul3A_1043 = arith.constant 16 : i32
        %mul3A_1044 = arith.muli %while3A_1037, %mul3A_1043 : i32
        %add3A_1045 = vector.broadcast %mul3A_1044 : i32 to vector<16xi32>
        %add3A_1046 = arith.addi %add3A_1045, %iota3A_248 : vector<16xi32>
        %lt3A_1047 = vector.broadcast %while3A_749 : i32 to vector<16xi32>
        %lt3A_1048 = arith.cmpi slt, %add3A_1046, %lt3A_1047 : vector<16xi32>
        %add3A_1049 = vector.broadcast %add3A_258 : i32 to vector<16xi32>
        %add3A_1050 = arith.addi %add3A_1049, %iota3A_248 : vector<16xi32>
        %select_n3A = arith.select %lt3A_1048, %and3A_1042, %add3A_1050 : vector<16xi1>, vector<16xi32>
        %swap3A = arith.constant 0 : index
        %swap3A_1051 = tpu.vector_load %arg13[%swap3A] {strides = array<i32>} : memref<16xi32, #tpu.memory_space<vmem>>, vector<16xi32>,
        tpu.vector_store %arg13[%swap3A], %select_n3A {strides = array<i32>} : memref<16xi32, #tpu.memory_space<vmem>>, vector<16xi32>,
        %shift_right_logical3A_1052 = arith.constant 14 : i32
        %shift_right_logical3A_1053 = vector.broadcast %shift_right_logical3A_1052 : i32 to vector<16xi32>
        %shift_right_logical3A_1054 = arith.shrui %get3A_1040, %shift_right_logical3A_1053 : vector<16xi32>
        %add3A_1055 = vector.broadcast %mul3A_250 : i32 to vector<16xi32>
        %add3A_1056 = arith.addi %add3A_1055, %shift_right_logical3A_1054 : vector<16xi32>
        %sub3A_1057 = vector.broadcast %mul3A_736 : i32 to vector<16xi32>
        %sub3A_1058 = arith.subi %add3A_1056, %sub3A_1057 : vector<16xi32>
        %jit3A = arith.constant 0 : i32
        %jit3A_1059 = arith.constant 1023 : i32
        %max3A = vector.broadcast %jit3A : i32 to vector<16xi32>
        %max3A_1060 = arith.maxsi %max3A, %sub3A_1058 : vector<16xi32>
        %min3A_1061 = vector.broadcast %jit3A_1059 : i32 to vector<16xi32>
        %min3A_1062 = arith.minsi %min3A_1061, %max3A_1060 : vector<16xi32>
        %broadcast_in_dim3A = arith.constant 0 : i32
        %broadcast_in_dim3A_1063 = vector.broadcast %broadcast_in_dim3A : i32 to vector<16xi32>
        %gather3A = tpu.vector_load_idx %arg8[%broadcast_in_dim3A_1063, %min3A_1062] : memref<32x1024xf32, #tpu.memory_space<vmem>>[vector<16xi32>, vector<16xi32>], vector<16xf32>,
        tpu.vector_store_idx %arg12[%iota3A_248, %broadcast_in_dim3A_1063], %gather3A : memref<16x128xf32, #tpu.memory_space<vmem>>[vector<16xi32>, vector<16xi32>], vector<16xf32>,
        %broadcast_in_dim3A_1064 = arith.constant 1 : i32
        %broadcast_in_dim3A_1065 = vector.broadcast %broadcast_in_dim3A_1064 : i32 to vector<16xi32>
        %gather3A_1066 = tpu.vector_load_idx %arg8[%broadcast_in_dim3A_1065, %min3A_1062] : memref<32x1024xf32, #tpu.memory_space<vmem>>[vector<16xi32>, vector<16xi32>], vector<16xf32>,
        tpu.vector_store_idx %arg12[%iota3A_248, %broadcast_in_dim3A_1065], %gather3A_1066 : memref<16x128xf32, #tpu.memory_space<vmem>>[vector<16xi32>, vector<16xi32>], vector<16xf32>,
        %broadcast_in_dim3A_1067 = arith.constant 2 : i32
        %broadcast_in_dim3A_1068 = vector.broadcast %broadcast_in_dim3A_1067 : i32 to vector<16xi32>
        %gather3A_1069 = tpu.vector_load_idx %arg8[%broadcast_in_dim3A_1068, %min3A_1062] : memref<32x1024xf32, #tpu.memory_space<vmem>>[vector<16xi32>, vector<16xi32>], vector<16xf32>,
        tpu.vector_store_idx %arg12[%iota3A_248, %broadcast_in_dim3A_1068], %gather3A_1069 : memref<16x128xf32, #tpu.memory_space<vmem>>[vector<16xi32>, vector<16xi32>], vector<16xf32>,
        %broadcast_in_dim3A_1070 = arith.constant 3 : i32
        %broadcast_in_dim3A_1071 = vector.broadcast %broadcast_in_dim3A_1070 : i32 to vector<16xi32>
        %gather3A_1072 = tpu.vector_load_idx %arg8[%broadcast_in_dim3A_1071, %min3A_1062] : memref<32x1024xf32, #tpu.memory_space<vmem>>[vector<16xi32>, vector<16xi32>], vector<16xf32>,
        tpu.vector_store_idx %arg12[%iota3A_248, %broadcast_in_dim3A_1071], %gather3A_1072 : memref<16x128xf32, #tpu.memory_space<vmem>>[vector<16xi32>, vector<16xi32>], vector<16xf32>,
        %broadcast_in_dim3A_1073 = arith.constant 4 : i32
        %broadcast_in_dim3A_1074 = vector.broadcast %broadcast_in_dim3A_1073 : i32 to vector<16xi32>
        %gather3A_1075 = tpu.vector_load_idx %arg8[%broadcast_in_dim3A_1074, %min3A_1062] : memref<32x1024xf32, #tpu.memory_space<vmem>>[vector<16xi32>, vector<16xi32>], vector<16xf32>,
        tpu.vector_store_idx %arg12[%iota3A_248, %broadcast_in_dim3A_1074], %gather3A_1075 : memref<16x128xf32, #tpu.memory_space<vmem>>[vector<16xi32>, vector<16xi32>], vector<16xf32>,
        %broadcast_in_dim3A_1076 = arith.constant 5 : i32
        %broadcast_in_dim3A_1077 = vector.broadcast %broadcast_in_dim3A_1076 : i32 to vector<16xi32>
        %gather3A_1078 = tpu.vector_load_idx %arg8[%broadcast_in_dim3A_1077, %min3A_1062] : memref<32x1024xf32, #tpu.memory_space<vmem>>[vector<16xi32>, vector<16xi32>], vector<16xf32>,
        tpu.vector_store_idx %arg12[%iota3A_248, %broadcast_in_dim3A_1077], %gather3A_1078 : memref<16x128xf32, #tpu.memory_space<vmem>>[vector<16xi32>, vector<16xi32>], vector<16xf32>,
        %broadcast_in_dim3A_1079 = arith.constant 6 : i32
        %broadcast_in_dim3A_1080 = vector.broadcast %broadcast_in_dim3A_1079 : i32 to vector<16xi32>
        %gather3A_1081 = tpu.vector_load_idx %arg8[%broadcast_in_dim3A_1080, %min3A_1062] : memref<32x1024xf32, #tpu.memory_space<vmem>>[vector<16xi32>, vector<16xi32>], vector<16xf32>,
        tpu.vector_store_idx %arg12[%iota3A_248, %broadcast_in_dim3A_1080], %gather3A_1081 : memref<16x128xf32, #tpu.memory_space<vmem>>[vector<16xi32>, vector<16xi32>], vector<16xf32>,
        %broadcast_in_dim3A_1082 = arith.constant 7 : i32
        %broadcast_in_dim3A_1083 = vector.broadcast %broadcast_in_dim3A_1082 : i32 to vector<16xi32>
        %gather3A_1084 = tpu.vector_load_idx %arg8[%broadcast_in_dim3A_1083, %min3A_1062] : memref<32x1024xf32, #tpu.memory_space<vmem>>[vector<16xi32>, vector<16xi32>], vector<16xf32>,
        tpu.vector_store_idx %arg12[%iota3A_248, %broadcast_in_dim3A_1083], %gather3A_1084 : memref<16x128xf32, #tpu.memory_space<vmem>>[vector<16xi32>, vector<16xi32>], vector<16xf32>,
        %broadcast_in_dim3A_1085 = arith.constant 8 : i32
        %broadcast_in_dim3A_1086 = vector.broadcast %broadcast_in_dim3A_1085 : i32 to vector<16xi32>
        %gather3A_1087 = tpu.vector_load_idx %arg8[%broadcast_in_dim3A_1086, %min3A_1062] : memref<32x1024xf32, #tpu.memory_space<vmem>>[vector<16xi32>, vector<16xi32>], vector<16xf32>,
        tpu.vector_store_idx %arg12[%iota3A_248, %broadcast_in_dim3A_1086], %gather3A_1087 : memref<16x128xf32, #tpu.memory_space<vmem>>[vector<16xi32>, vector<16xi32>], vector<16xf32>,
        %broadcast_in_dim3A_1088 = arith.constant 9 : i32
        %broadcast_in_dim3A_1089 = vector.broadcast %broadcast_in_dim3A_1088 : i32 to vector<16xi32>
        %gather3A_1090 = tpu.vector_load_idx %arg8[%broadcast_in_dim3A_1089, %min3A_1062] : memref<32x1024xf32, #tpu.memory_space<vmem>>[vector<16xi32>, vector<16xi32>], vector<16xf32>,
        tpu.vector_store_idx %arg12[%iota3A_248, %broadcast_in_dim3A_1089], %gather3A_1090 : memref<16x128xf32, #tpu.memory_space<vmem>>[vector<16xi32>, vector<16xi32>], vector<16xf32>,
        %broadcast_in_dim3A_1091 = arith.constant 10 : i32
        %broadcast_in_dim3A_1092 = vector.broadcast %broadcast_in_dim3A_1091 : i32 to vector<16xi32>
        %gather3A_1093 = tpu.vector_load_idx %arg8[%broadcast_in_dim3A_1092, %min3A_1062] : memref<32x1024xf32, #tpu.memory_space<vmem>>[vector<16xi32>, vector<16xi32>], vector<16xf32>,
        tpu.vector_store_idx %arg12[%iota3A_248, %broadcast_in_dim3A_1092], %gather3A_1093 : memref<16x128xf32, #tpu.memory_space<vmem>>[vector<16xi32>, vector<16xi32>], vector<16xf32>,
        %broadcast_in_dim3A_1094 = arith.constant 11 : i32
        %broadcast_in_dim3A_1095 = vector.broadcast %broadcast_in_dim3A_1094 : i32 to vector<16xi32>
        %gather3A_1096 = tpu.vector_load_idx %arg8[%broadcast_in_dim3A_1095, %min3A_1062] : memref<32x1024xf32, #tpu.memory_space<vmem>>[vector<16xi32>, vector<16xi32>], vector<16xf32>,
        tpu.vector_store_idx %arg12[%iota3A_248, %broadcast_in_dim3A_1095], %gather3A_1096 : memref<16x128xf32, #tpu.memory_space<vmem>>[vector<16xi32>, vector<16xi32>], vector<16xf32>,
        %broadcast_in_dim3A_1097 = arith.constant 12 : i32
        %broadcast_in_dim3A_1098 = vector.broadcast %broadcast_in_dim3A_1097 : i32 to vector<16xi32>
        %gather3A_1099 = tpu.vector_load_idx %arg8[%broadcast_in_dim3A_1098, %min3A_1062] : memref<32x1024xf32, #tpu.memory_space<vmem>>[vector<16xi32>, vector<16xi32>], vector<16xf32>,
        tpu.vector_store_idx %arg12[%iota3A_248, %broadcast_in_dim3A_1098], %gather3A_1099 : memref<16x128xf32, #tpu.memory_space<vmem>>[vector<16xi32>, vector<16xi32>], vector<16xf32>,
        %broadcast_in_dim3A_1100 = arith.constant 13 : i32
        %broadcast_in_dim3A_1101 = vector.broadcast %broadcast_in_dim3A_1100 : i32 to vector<16xi32>
        %gather3A_1102 = tpu.vector_load_idx %arg8[%broadcast_in_dim3A_1101, %min3A_1062] : memref<32x1024xf32, #tpu.memory_space<vmem>>[vector<16xi32>, vector<16xi32>], vector<16xf32>,
        tpu.vector_store_idx %arg12[%iota3A_248, %broadcast_in_dim3A_1101], %gather3A_1102 : memref<16x128xf32, #tpu.memory_space<vmem>>[vector<16xi32>, vector<16xi32>], vector<16xf32>,
        %broadcast_in_dim3A_1103 = arith.constant 14 : i32
        %broadcast_in_dim3A_1104 = vector.broadcast %broadcast_in_dim3A_1103 : i32 to vector<16xi32>
        %gather3A_1105 = tpu.vector_load_idx %arg8[%broadcast_in_dim3A_1104, %min3A_1062] : memref<32x1024xf32, #tpu.memory_space<vmem>>[vector<16xi32>, vector<16xi32>], vector<16xf32>,
        tpu.vector_store_idx %arg12[%iota3A_248, %broadcast_in_dim3A_1104], %gather3A_1105 : memref<16x128xf32, #tpu.memory_space<vmem>>[vector<16xi32>, vector<16xi32>], vector<16xf32>,
        %broadcast_in_dim3A_1106 = arith.constant 15 : i32
        %broadcast_in_dim3A_1107 = vector.broadcast %broadcast_in_dim3A_1106 : i32 to vector<16xi32>
        %gather3A_1108 = tpu.vector_load_idx %arg8[%broadcast_in_dim3A_1107, %min3A_1062] : memref<32x1024xf32, #tpu.memory_space<vmem>>[vector<16xi32>, vector<16xi32>], vector<16xf32>,
        tpu.vector_store_idx %arg12[%iota3A_248, %broadcast_in_dim3A_1107], %gather3A_1108 : memref<16x128xf32, #tpu.memory_space<vmem>>[vector<16xi32>, vector<16xi32>], vector<16xf32>,
        %broadcast_in_dim3A_1109 = arith.constant 16 : i32
        %broadcast_in_dim3A_1110 = vector.broadcast %broadcast_in_dim3A_1109 : i32 to vector<16xi32>
        %gather3A_1111 = tpu.vector_load_idx %arg8[%broadcast_in_dim3A_1110, %min3A_1062] : memref<32x1024xf32, #tpu.memory_space<vmem>>[vector<16xi32>, vector<16xi32>], vector<16xf32>,
        tpu.vector_store_idx %arg12[%iota3A_248, %broadcast_in_dim3A_1110], %gather3A_1111 : memref<16x128xf32, #tpu.memory_space<vmem>>[vector<16xi32>, vector<16xi32>], vector<16xf32>,
        %broadcast_in_dim3A_1112 = arith.constant 17 : i32
        %broadcast_in_dim3A_1113 = vector.broadcast %broadcast_in_dim3A_1112 : i32 to vector<16xi32>
        %gather3A_1114 = tpu.vector_load_idx %arg8[%broadcast_in_dim3A_1113, %min3A_1062] : memref<32x1024xf32, #tpu.memory_space<vmem>>[vector<16xi32>, vector<16xi32>], vector<16xf32>,
        tpu.vector_store_idx %arg12[%iota3A_248, %broadcast_in_dim3A_1113], %gather3A_1114 : memref<16x128xf32, #tpu.memory_space<vmem>>[vector<16xi32>, vector<16xi32>], vector<16xf32>,
        %broadcast_in_dim3A_1115 = arith.constant 18 : i32
        %broadcast_in_dim3A_1116 = vector.broadcast %broadcast_in_dim3A_1115 : i32 to vector<16xi32>
        %gather3A_1117 = tpu.vector_load_idx %arg8[%broadcast_in_dim3A_1116, %min3A_1062] : memref<32x1024xf32, #tpu.memory_space<vmem>>[vector<16xi32>, vector<16xi32>], vector<16xf32>,
        tpu.vector_store_idx %arg12[%iota3A_248, %broadcast_in_dim3A_1116], %gather3A_1117 : memref<16x128xf32, #tpu.memory_space<vmem>>[vector<16xi32>, vector<16xi32>], vector<16xf32>,
        %broadcast_in_dim3A_1118 = arith.constant 19 : i32
        %broadcast_in_dim3A_1119 = vector.broadcast %broadcast_in_dim3A_1118 : i32 to vector<16xi32>
        %gather3A_1120 = tpu.vector_load_idx %arg8[%broadcast_in_dim3A_1119, %min3A_1062] : memref<32x1024xf32, #tpu.memory_space<vmem>>[vector<16xi32>, vector<16xi32>], vector<16xf32>,
        tpu.vector_store_idx %arg12[%iota3A_248, %broadcast_in_dim3A_1119], %gather3A_1120 : memref<16x128xf32, #tpu.memory_space<vmem>>[vector<16xi32>, vector<16xi32>], vector<16xf32>,
        %broadcast_in_dim3A_1121 = arith.constant 20 : i32
        %broadcast_in_dim3A_1122 = vector.broadcast %broadcast_in_dim3A_1121 : i32 to vector<16xi32>
        %gather3A_1123 = tpu.vector_load_idx %arg8[%broadcast_in_dim3A_1122, %min3A_1062] : memref<32x1024xf32, #tpu.memory_space<vmem>>[vector<16xi32>, vector<16xi32>], vector<16xf32>,
        tpu.vector_store_idx %arg12[%iota3A_248, %broadcast_in_dim3A_1122], %gather3A_1123 : memref<16x128xf32, #tpu.memory_space<vmem>>[vector<16xi32>, vector<16xi32>], vector<16xf32>,
        %broadcast_in_dim3A_1124 = arith.constant 21 : i32
        %broadcast_in_dim3A_1125 = vector.broadcast %broadcast_in_dim3A_1124 : i32 to vector<16xi32>
        %gather3A_1126 = tpu.vector_load_idx %arg8[%broadcast_in_dim3A_1125, %min3A_1062] : memref<32x1024xf32, #tpu.memory_space<vmem>>[vector<16xi32>, vector<16xi32>], vector<16xf32>,
        tpu.vector_store_idx %arg12[%iota3A_248, %broadcast_in_dim3A_1125], %gather3A_1126 : memref<16x128xf32, #tpu.memory_space<vmem>>[vector<16xi32>, vector<16xi32>], vector<16xf32>,
        %broadcast_in_dim3A_1127 = arith.constant 22 : i32
        %broadcast_in_dim3A_1128 = vector.broadcast %broadcast_in_dim3A_1127 : i32 to vector<16xi32>
        %gather3A_1129 = tpu.vector_load_idx %arg8[%broadcast_in_dim3A_1128, %min3A_1062] : memref<32x1024xf32, #tpu.memory_space<vmem>>[vector<16xi32>, vector<16xi32>], vector<16xf32>,
        tpu.vector_store_idx %arg12[%iota3A_248, %broadcast_in_dim3A_1128], %gather3A_1129 : memref<16x128xf32, #tpu.memory_space<vmem>>[vector<16xi32>, vector<16xi32>], vector<16xf32>,
        %broadcast_in_dim3A_1130 = arith.constant 23 : i32
        %broadcast_in_dim3A_1131 = vector.broadcast %broadcast_in_dim3A_1130 : i32 to vector<16xi32>
        %gather3A_1132 = tpu.vector_load_idx %arg8[%broadcast_in_dim3A_1131, %min3A_1062] : memref<32x1024xf32, #tpu.memory_space<vmem>>[vector<16xi32>, vector<16xi32>], vector<16xf32>,
        tpu.vector_store_idx %arg12[%iota3A_248, %broadcast_in_dim3A_1131], %gather3A_1132 : memref<16x128xf32, #tpu.memory_space<vmem>>[vector<16xi32>, vector<16xi32>], vector<16xf32>,
        %broadcast_in_dim3A_1133 = arith.constant 24 : i32
        %broadcast_in_dim3A_1134 = vector.broadcast %broadcast_in_dim3A_1133 : i32 to vector<16xi32>
        %gather3A_1135 = tpu.vector_load_idx %arg8[%broadcast_in_dim3A_1134, %min3A_1062] : memref<32x1024xf32, #tpu.memory_space<vmem>>[vector<16xi32>, vector<16xi32>], vector<16xf32>,
        tpu.vector_store_idx %arg12[%iota3A_248, %broadcast_in_dim3A_1134], %gather3A_1135 : memref<16x128xf32, #tpu.memory_space<vmem>>[vector<16xi32>, vector<16xi32>], vector<16xf32>,
        %broadcast_in_dim3A_1136 = arith.constant 25 : i32
        %broadcast_in_dim3A_1137 = vector.broadcast %broadcast_in_dim3A_1136 : i32 to vector<16xi32>
        %gather3A_1138 = tpu.vector_load_idx %arg8[%broadcast_in_dim3A_1137, %min3A_1062] : memref<32x1024xf32, #tpu.memory_space<vmem>>[vector<16xi32>, vector<16xi32>], vector<16xf32>,
        tpu.vector_store_idx %arg12[%iota3A_248, %broadcast_in_dim3A_1137], %gather3A_1138 : memref<16x128xf32, #tpu.memory_space<vmem>>[vector<16xi32>, vector<16xi32>], vector<16xf32>,
        %broadcast_in_dim3A_1139 = arith.constant 26 : i32
        %broadcast_in_dim3A_1140 = vector.broadcast %broadcast_in_dim3A_1139 : i32 to vector<16xi32>
        %gather3A_1141 = tpu.vector_load_idx %arg8[%broadcast_in_dim3A_1140, %min3A_1062] : memref<32x1024xf32, #tpu.memory_space<vmem>>[vector<16xi32>, vector<16xi32>], vector<16xf32>,
        tpu.vector_store_idx %arg12[%iota3A_248, %broadcast_in_dim3A_1140], %gather3A_1141 : memref<16x128xf32, #tpu.memory_space<vmem>>[vector<16xi32>, vector<16xi32>], vector<16xf32>,
        %broadcast_in_dim3A_1142 = arith.constant 27 : i32
        %broadcast_in_dim3A_1143 = vector.broadcast %broadcast_in_dim3A_1142 : i32 to vector<16xi32>
        %gather3A_1144 = tpu.vector_load_idx %arg8[%broadcast_in_dim3A_1143, %min3A_1062] : memref<32x1024xf32, #tpu.memory_space<vmem>>[vector<16xi32>, vector<16xi32>], vector<16xf32>,
        tpu.vector_store_idx %arg12[%iota3A_248, %broadcast_in_dim3A_1143], %gather3A_1144 : memref<16x128xf32, #tpu.memory_space<vmem>>[vector<16xi32>, vector<16xi32>], vector<16xf32>,
        %broadcast_in_dim3A_1145 = arith.constant 28 : i32
        %broadcast_in_dim3A_1146 = vector.broadcast %broadcast_in_dim3A_1145 : i32 to vector<16xi32>
        %gather3A_1147 = tpu.vector_load_idx %arg8[%broadcast_in_dim3A_1146, %min3A_1062] : memref<32x1024xf32, #tpu.memory_space<vmem>>[vector<16xi32>, vector<16xi32>], vector<16xf32>,
        tpu.vector_store_idx %arg12[%iota3A_248, %broadcast_in_dim3A_1146], %gather3A_1147 : memref<16x128xf32, #tpu.memory_space<vmem>>[vector<16xi32>, vector<16xi32>], vector<16xf32>,
        %broadcast_in_dim3A_1148 = arith.constant 29 : i32
        %broadcast_in_dim3A_1149 = vector.broadcast %broadcast_in_dim3A_1148 : i32 to vector<16xi32>
        %gather3A_1150 = tpu.vector_load_idx %arg8[%broadcast_in_dim3A_1149, %min3A_1062] : memref<32x1024xf32, #tpu.memory_space<vmem>>[vector<16xi32>, vector<16xi32>], vector<16xf32>,
        tpu.vector_store_idx %arg12[%iota3A_248, %broadcast_in_dim3A_1149], %gather3A_1150 : memref<16x128xf32, #tpu.memory_space<vmem>>[vector<16xi32>, vector<16xi32>], vector<16xf32>,
        %broadcast_in_dim3A_1151 = arith.constant 30 : i32
        %broadcast_in_dim3A_1152 = vector.broadcast %broadcast_in_dim3A_1151 : i32 to vector<16xi32>
        %gather3A_1153 = tpu.vector_load_idx %arg8[%broadcast_in_dim3A_1152, %min3A_1062] : memref<32x1024xf32, #tpu.memory_space<vmem>>[vector<16xi32>, vector<16xi32>], vector<16xf32>,
        tpu.vector_store_idx %arg12[%iota3A_248, %broadcast_in_dim3A_1152], %gather3A_1153 : memref<16x128xf32, #tpu.memory_space<vmem>>[vector<16xi32>, vector<16xi32>], vector<16xf32>,
        %broadcast_in_dim3A_1154 = arith.constant 31 : i32
        %broadcast_in_dim3A_1155 = vector.broadcast %broadcast_in_dim3A_1154 : i32 to vector<16xi32>
        %gather3A_1156 = tpu.vector_load_idx %arg8[%broadcast_in_dim3A_1155, %min3A_1062] : memref<32x1024xf32, #tpu.memory_space<vmem>>[vector<16xi32>, vector<16xi32>], vector<16xf32>,
        tpu.vector_store_idx %arg12[%iota3A_248, %broadcast_in_dim3A_1155], %gather3A_1156 : memref<16x128xf32, #tpu.memory_space<vmem>>[vector<16xi32>, vector<16xi32>], vector<16xf32>,
        %dma_start3A_1157 = arith.constant 0 : i32
        %dma_start3A_1158 = arith.constant 0 : i32
        %dma_start3A_1159 = tpu.memref_slice %arg7[%dma_start3A_1157, %dma_start3A_1158] : memref<16896x128xf32, #tpu.memory_space<hbm>> -> memref<16896x128xf32, #tpu.memory_space<hbm>>
        tpu.enqueue_indirect_dma source(%arg12 : memref<16x128xf32, #tpu.memory_space<vmem>>) target(%dma_start3A_1159 : memref<16896x128xf32, #tpu.memory_space<hbm>>) offsets(%arg13 : memref<16xi32, #tpu.memory_space<vmem>>) semaphore(%arg17 : memref<!tpu.dma_semaphore, #tpu.memory_space<semaphore_mem>>)
        %dma_wait3A_1160 = arith.constant 0 : i32
        %dma_wait3A_1161 = arith.constant 0 : i32
        %dma_wait3A_1162 = tpu.memref_slice %arg7[%dma_wait3A_1160, %dma_wait3A_1161] : memref<16896x128xf32, #tpu.memory_space<hbm>> -> memref<16896x128xf32, #tpu.memory_space<hbm>>
        tpu.wait_indirect_dma semaphore(%arg17 : memref<!tpu.dma_semaphore, #tpu.memory_space<semaphore_mem>>) src(%arg12 : memref<16x128xf32, #tpu.memory_space<vmem>>) dst(%dma_wait3A_1162 : memref<16896x128xf32, #tpu.memory_space<hbm>>)
      }
      %mul3A_764 = arith.constant 2 : i32
      %mul3A_765 = arith.muli %mul3A_764, %scan3A_496 : i32
      %add3A_766 = arith.constant 2 : i32
      %add3A_767 = arith.addi %mul3A_765, %add3A_766 : i32
      %min3A_768 = arith.constant 3 : i32
      %min3A_769 = arith.minsi %add3A_767, %min3A_768 : i32
      %mul3A_770 = arith.constant 781 : i32
      %mul3A_771 = arith.muli %min3A_769, %mul3A_770 : i32
      %min3A_772 = arith.constant 1 : i32
      %min3A_773 = arith.minsi %min3A_769, %min3A_772 : i32
      %add3A_774 = arith.addi %mul3A_771, %min3A_773 : i32
      %lt3A_775 = arith.constant 1 : i32
      %lt3A_776 = arith.cmpi slt, %min3A_769, %lt3A_775 : i32
      %convert_element_type3A_777 = arith.extui %lt3A_776 : i1 to i32
      %add3A_778 = arith.constant 781 : i32
      %add3A_779 = arith.addi %add3A_778, %convert_element_type3A_777 : i32
      %add3A_780 = arith.addi %mul3A_250, %add3A_774 : i32
      %shift_right_logical3A_781 = arith.constant 7 : i32
      %shift_right_logical3A_782 = arith.shrui %add3A_780, %shift_right_logical3A_781 : i32
      %min3A_783 = arith.constant 773 : i32
      %min3A_784 = arith.minsi %shift_right_logical3A_782, %min3A_783 : i32
      %mul3A_785 = arith.constant 128 : i32
      %mul3A_786 = arith.muli %min3A_784, %mul3A_785 : i32
      %add3A_787 = arith.constant 0 : i32
      %add3A_788 = arith.addi %mul3A_786, %add3A_787 : i32
      %multiple_of3A_789 = tpu.assume_multiple %add3A_788, 128 : i32
      %dma_start3A_790 = arith.constant 0 : i32
      %dma_start3A_791 = arith.constant 0 : i32
      %dma_start3A_792 = tpu.memref_slice %arg8[%dma_start3A_790, %dma_start3A_791] : memref<32x1024xf32, #tpu.memory_space<vmem>> -> memref<32x128xf32, #tpu.memory_space<vmem>>
      %dma_start3A_793 = arith.constant 0 : i32
      %dma_start3A_794 = tpu.memref_slice %arg5[%dma_start3A_793, %multiple_of3A_789] : memref<32x100000xf32, #tpu.memory_space<hbm>> -> memref<32x128xf32, #tpu.memory_space<hbm>>
      %dma_start3A_795 = arith.constant 0 : i32
      %dma_start3A_796 = arith.constant 0 : i32
      %dma_start3A_797 = tpu.memref_slice %arg8[%dma_start3A_795, %dma_start3A_796] : memref<32x1024xf32, #tpu.memory_space<vmem>> -> memref<32x128xf32, #tpu.memory_space<vmem>>
      %dma_start3A_798 = arith.constant 0 : i32
      %dma_start3A_799 = tpu.memref_slice %arg5[%dma_start3A_798, %multiple_of3A_789] : memref<32x100000xf32, #tpu.memory_space<hbm>> -> memref<32x128xf32, #tpu.memory_space<hbm>>
      tpu.enqueue_dma source(%dma_start3A_799 : memref<32x128xf32, #tpu.memory_space<hbm>>) target(%dma_start3A_797 : memref<32x128xf32, #tpu.memory_space<vmem>>) target_semaphore(%arg15 : memref<!tpu.dma_semaphore, #tpu.memory_space<semaphore_mem>>)
      %add3A_800 = arith.constant 128 : i32
      %add3A_801 = arith.addi %mul3A_786, %add3A_800 : i32
      %multiple_of3A_802 = tpu.assume_multiple %add3A_801, 128 : i32
      %dma_start3A_803 = arith.constant 0 : i32
      %dma_start3A_804 = arith.constant 128 : i32
      %dma_start3A_805 = tpu.memref_slice %arg8[%dma_start3A_803, %dma_start3A_804] : memref<32x1024xf32, #tpu.memory_space<vmem>> -> memref<32x128xf32, #tpu.memory_space<vmem>>
      %dma_start3A_806 = arith.constant 0 : i32
      %dma_start3A_807 = tpu.memref_slice %arg5[%dma_start3A_806, %multiple_of3A_802] : memref<32x100000xf32, #tpu.memory_space<hbm>> -> memref<32x128xf32, #tpu.memory_space<hbm>>
      %dma_start3A_808 = arith.constant 0 : i32
      %dma_start3A_809 = arith.constant 128 : i32
      %dma_start3A_810 = tpu.memref_slice %arg8[%dma_start3A_808, %dma_start3A_809] : memref<32x1024xf32, #tpu.memory_space<vmem>> -> memref<32x128xf32, #tpu.memory_space<vmem>>
      %dma_start3A_811 = arith.constant 0 : i32
      %dma_start3A_812 = tpu.memref_slice %arg5[%dma_start3A_811, %multiple_of3A_802] : memref<32x100000xf32, #tpu.memory_space<hbm>> -> memref<32x128xf32, #tpu.memory_space<hbm>>
      tpu.enqueue_dma source(%dma_start3A_812 : memref<32x128xf32, #tpu.memory_space<hbm>>) target(%dma_start3A_810 : memref<32x128xf32, #tpu.memory_space<vmem>>) target_semaphore(%arg15 : memref<!tpu.dma_semaphore, #tpu.memory_space<semaphore_mem>>)
      %add3A_813 = arith.constant 256 : i32
      %add3A_814 = arith.addi %mul3A_786, %add3A_813 : i32
      %multiple_of3A_815 = tpu.assume_multiple %add3A_814, 128 : i32
      %dma_start3A_816 = arith.constant 0 : i32
      %dma_start3A_817 = arith.constant 256 : i32
      %dma_start3A_818 = tpu.memref_slice %arg8[%dma_start3A_816, %dma_start3A_817] : memref<32x1024xf32, #tpu.memory_space<vmem>> -> memref<32x128xf32, #tpu.memory_space<vmem>>
      %dma_start3A_819 = arith.constant 0 : i32
      %dma_start3A_820 = tpu.memref_slice %arg5[%dma_start3A_819, %multiple_of3A_815] : memref<32x100000xf32, #tpu.memory_space<hbm>> -> memref<32x128xf32, #tpu.memory_space<hbm>>
      %dma_start3A_821 = arith.constant 0 : i32
      %dma_start3A_822 = arith.constant 256 : i32
      %dma_start3A_823 = tpu.memref_slice %arg8[%dma_start3A_821, %dma_start3A_822] : memref<32x1024xf32, #tpu.memory_space<vmem>> -> memref<32x128xf32, #tpu.memory_space<vmem>>
      %dma_start3A_824 = arith.constant 0 : i32
      %dma_start3A_825 = tpu.memref_slice %arg5[%dma_start3A_824, %multiple_of3A_815] : memref<32x100000xf32, #tpu.memory_space<hbm>> -> memref<32x128xf32, #tpu.memory_space<hbm>>
      tpu.enqueue_dma source(%dma_start3A_825 : memref<32x128xf32, #tpu.memory_space<hbm>>) target(%dma_start3A_823 : memref<32x128xf32, #tpu.memory_space<vmem>>) target_semaphore(%arg15 : memref<!tpu.dma_semaphore, #tpu.memory_space<semaphore_mem>>)
      %add3A_826 = arith.constant 384 : i32
      %add3A_827 = arith.addi %mul3A_786, %add3A_826 : i32
      %multiple_of3A_828 = tpu.assume_multiple %add3A_827, 128 : i32
      %dma_start3A_829 = arith.constant 0 : i32
      %dma_start3A_830 = arith.constant 384 : i32
      %dma_start3A_831 = tpu.memref_slice %arg8[%dma_start3A_829, %dma_start3A_830] : memref<32x1024xf32, #tpu.memory_space<vmem>> -> memref<32x128xf32, #tpu.memory_space<vmem>>
      %dma_start3A_832 = arith.constant 0 : i32
      %dma_start3A_833 = tpu.memref_slice %arg5[%dma_start3A_832, %multiple_of3A_828] : memref<32x100000xf32, #tpu.memory_space<hbm>> -> memref<32x128xf32, #tpu.memory_space<hbm>>
      %dma_start3A_834 = arith.constant 0 : i32
      %dma_start3A_835 = arith.constant 384 : i32
      %dma_start3A_836 = tpu.memref_slice %arg8[%dma_start3A_834, %dma_start3A_835] : memref<32x1024xf32, #tpu.memory_space<vmem>> -> memref<32x128xf32, #tpu.memory_space<vmem>>
      %dma_start3A_837 = arith.constant 0 : i32
      %dma_start3A_838 = tpu.memref_slice %arg5[%dma_start3A_837, %multiple_of3A_828] : memref<32x100000xf32, #tpu.memory_space<hbm>> -> memref<32x128xf32, #tpu.memory_space<hbm>>
      tpu.enqueue_dma source(%dma_start3A_838 : memref<32x128xf32, #tpu.memory_space<hbm>>) target(%dma_start3A_836 : memref<32x128xf32, #tpu.memory_space<vmem>>) target_semaphore(%arg15 : memref<!tpu.dma_semaphore, #tpu.memory_space<semaphore_mem>>)
      %add3A_839 = arith.constant 512 : i32
      %add3A_840 = arith.addi %mul3A_786, %add3A_839 : i32
      %multiple_of3A_841 = tpu.assume_multiple %add3A_840, 128 : i32
      %dma_start3A_842 = arith.constant 0 : i32
      %dma_start3A_843 = arith.constant 512 : i32
      %dma_start3A_844 = tpu.memref_slice %arg8[%dma_start3A_842, %dma_start3A_843] : memref<32x1024xf32, #tpu.memory_space<vmem>> -> memref<32x128xf32, #tpu.memory_space<vmem>>
      %dma_start3A_845 = arith.constant 0 : i32
      %dma_start3A_846 = tpu.memref_slice %arg5[%dma_start3A_845, %multiple_of3A_841] : memref<32x100000xf32, #tpu.memory_space<hbm>> -> memref<32x128xf32, #tpu.memory_space<hbm>>
      %dma_start3A_847 = arith.constant 0 : i32
      %dma_start3A_848 = arith.constant 512 : i32
      %dma_start3A_849 = tpu.memref_slice %arg8[%dma_start3A_847, %dma_start3A_848] : memref<32x1024xf32, #tpu.memory_space<vmem>> -> memref<32x128xf32, #tpu.memory_space<vmem>>
      %dma_start3A_850 = arith.constant 0 : i32
      %dma_start3A_851 = tpu.memref_slice %arg5[%dma_start3A_850, %multiple_of3A_841] : memref<32x100000xf32, #tpu.memory_space<hbm>> -> memref<32x128xf32, #tpu.memory_space<hbm>>
      tpu.enqueue_dma source(%dma_start3A_851 : memref<32x128xf32, #tpu.memory_space<hbm>>) target(%dma_start3A_849 : memref<32x128xf32, #tpu.memory_space<vmem>>) target_semaphore(%arg15 : memref<!tpu.dma_semaphore, #tpu.memory_space<semaphore_mem>>)
      %add3A_852 = arith.constant 640 : i32
      %add3A_853 = arith.addi %mul3A_786, %add3A_852 : i32
      %multiple_of3A_854 = tpu.assume_multiple %add3A_853, 128 : i32
      %dma_start3A_855 = arith.constant 0 : i32
      %dma_start3A_856 = arith.constant 640 : i32
      %dma_start3A_857 = tpu.memref_slice %arg8[%dma_start3A_855, %dma_start3A_856] : memref<32x1024xf32, #tpu.memory_space<vmem>> -> memref<32x128xf32, #tpu.memory_space<vmem>>
      %dma_start3A_858 = arith.constant 0 : i32
      %dma_start3A_859 = tpu.memref_slice %arg5[%dma_start3A_858, %multiple_of3A_854] : memref<32x100000xf32, #tpu.memory_space<hbm>> -> memref<32x128xf32, #tpu.memory_space<hbm>>
      %dma_start3A_860 = arith.constant 0 : i32
      %dma_start3A_861 = arith.constant 640 : i32
      %dma_start3A_862 = tpu.memref_slice %arg8[%dma_start3A_860, %dma_start3A_861] : memref<32x1024xf32, #tpu.memory_space<vmem>> -> memref<32x128xf32, #tpu.memory_space<vmem>>
      %dma_start3A_863 = arith.constant 0 : i32
      %dma_start3A_864 = tpu.memref_slice %arg5[%dma_start3A_863, %multiple_of3A_854] : memref<32x100000xf32, #tpu.memory_space<hbm>> -> memref<32x128xf32, #tpu.memory_space<hbm>>
      tpu.enqueue_dma source(%dma_start3A_864 : memref<32x128xf32, #tpu.memory_space<hbm>>) target(%dma_start3A_862 : memref<32x128xf32, #tpu.memory_space<vmem>>) target_semaphore(%arg15 : memref<!tpu.dma_semaphore, #tpu.memory_space<semaphore_mem>>)
      %add3A_865 = arith.constant 768 : i32
      %add3A_866 = arith.addi %mul3A_786, %add3A_865 : i32
      %multiple_of3A_867 = tpu.assume_multiple %add3A_866, 128 : i32
      %dma_start3A_868 = arith.constant 0 : i32
      %dma_start3A_869 = arith.constant 768 : i32
      %dma_start3A_870 = tpu.memref_slice %arg8[%dma_start3A_868, %dma_start3A_869] : memref<32x1024xf32, #tpu.memory_space<vmem>> -> memref<32x128xf32, #tpu.memory_space<vmem>>
      %dma_start3A_871 = arith.constant 0 : i32
      %dma_start3A_872 = tpu.memref_slice %arg5[%dma_start3A_871, %multiple_of3A_867] : memref<32x100000xf32, #tpu.memory_space<hbm>> -> memref<32x128xf32, #tpu.memory_space<hbm>>
      %dma_start3A_873 = arith.constant 0 : i32
      %dma_start3A_874 = arith.constant 768 : i32
      %dma_start3A_875 = tpu.memref_slice %arg8[%dma_start3A_873, %dma_start3A_874] : memref<32x1024xf32, #tpu.memory_space<vmem>> -> memref<32x128xf32, #tpu.memory_space<vmem>>
      %dma_start3A_876 = arith.constant 0 : i32
      %dma_start3A_877 = tpu.memref_slice %arg5[%dma_start3A_876, %multiple_of3A_867] : memref<32x100000xf32, #tpu.memory_space<hbm>> -> memref<32x128xf32, #tpu.memory_space<hbm>>
      tpu.enqueue_dma source(%dma_start3A_877 : memref<32x128xf32, #tpu.memory_space<hbm>>) target(%dma_start3A_875 : memref<32x128xf32, #tpu.memory_space<vmem>>) target_semaphore(%arg15 : memref<!tpu.dma_semaphore, #tpu.memory_space<semaphore_mem>>)
      %add3A_878 = arith.constant 896 : i32
      %add3A_879 = arith.addi %mul3A_786, %add3A_878 : i32
      %multiple_of3A_880 = tpu.assume_multiple %add3A_879, 128 : i32
      %dma_start3A_881 = arith.constant 0 : i32
      %dma_start3A_882 = arith.constant 896 : i32
      %dma_start3A_883 = tpu.memref_slice %arg8[%dma_start3A_881, %dma_start3A_882] : memref<32x1024xf32, #tpu.memory_space<vmem>> -> memref<32x128xf32, #tpu.memory_space<vmem>>
      %dma_start3A_884 = arith.constant 0 : i32
      %dma_start3A_885 = tpu.memref_slice %arg5[%dma_start3A_884, %multiple_of3A_880] : memref<32x100000xf32, #tpu.memory_space<hbm>> -> memref<32x128xf32, #tpu.memory_space<hbm>>
      %dma_start3A_886 = arith.constant 0 : i32
      %dma_start3A_887 = arith.constant 896 : i32
      %dma_start3A_888 = tpu.memref_slice %arg8[%dma_start3A_886, %dma_start3A_887] : memref<32x1024xf32, #tpu.memory_space<vmem>> -> memref<32x128xf32, #tpu.memory_space<vmem>>
      %dma_start3A_889 = arith.constant 0 : i32
      %dma_start3A_890 = tpu.memref_slice %arg5[%dma_start3A_889, %multiple_of3A_880] : memref<32x100000xf32, #tpu.memory_space<hbm>> -> memref<32x128xf32, #tpu.memory_space<hbm>>
      tpu.enqueue_dma source(%dma_start3A_890 : memref<32x128xf32, #tpu.memory_space<hbm>>) target(%dma_start3A_888 : memref<32x128xf32, #tpu.memory_space<vmem>>) target_semaphore(%arg15 : memref<!tpu.dma_semaphore, #tpu.memory_space<semaphore_mem>>)
      %dma_wait3A_891 = arith.constant 0 : i32
      %dma_wait3A_892 = arith.constant 0 : i32
      %dma_wait3A_893 = tpu.memref_slice %arg9[%dma_wait3A_891, %dma_wait3A_892] : memref<32x1024xf32, #tpu.memory_space<vmem>> -> memref<32x128xf32, #tpu.memory_space<vmem>>
      %dma_wait3A_894 = arith.constant 0 : i32
      %dma_wait3A_895 = arith.constant 0 : i32
      %dma_wait3A_896 = tpu.memref_slice %arg5[%dma_wait3A_894, %dma_wait3A_895] : memref<32x100000xf32, #tpu.memory_space<hbm>> -> memref<32x128xf32, #tpu.memory_space<hbm>>
      %dma_wait3A_897 = arith.constant 0 : i32
      %dma_wait3A_898 = arith.constant 0 : i32
      %dma_wait3A_899 = tpu.memref_slice %arg9[%dma_wait3A_897, %dma_wait3A_898] : memref<32x1024xf32, #tpu.memory_space<vmem>> -> memref<32x128xf32, #tpu.memory_space<vmem>>
      %dma_wait3A_900 = arith.constant 0 : i32
      %dma_wait3A_901 = arith.constant 0 : i32
      %dma_wait3A_902 = tpu.memref_slice %arg5[%dma_wait3A_900, %dma_wait3A_901] : memref<32x100000xf32, #tpu.memory_space<hbm>> -> memref<32x128xf32, #tpu.memory_space<hbm>>
      tpu.wait_dma2 semaphore(%arg16 : memref<!tpu.dma_semaphore, #tpu.memory_space<semaphore_mem>>) src(%dma_wait3A_902 : memref<32x128xf32, #tpu.memory_space<hbm>>) dst(%dma_wait3A_899 : memref<32x128xf32, #tpu.memory_space<vmem>>)
      %dma_wait3A_903 = arith.constant 0 : i32
      %dma_wait3A_904 = arith.constant 128 : i32
      %dma_wait3A_905 = tpu.memref_slice %arg9[%dma_wait3A_903, %dma_wait3A_904] : memref<32x1024xf32, #tpu.memory_space<vmem>> -> memref<32x128xf32, #tpu.memory_space<vmem>>
      %dma_wait3A_906 = arith.constant 0 : i32
      %dma_wait3A_907 = arith.constant 0 : i32
      %dma_wait3A_908 = tpu.memref_slice %arg5[%dma_wait3A_906, %dma_wait3A_907] : memref<32x100000xf32, #tpu.memory_space<hbm>> -> memref<32x128xf32, #tpu.memory_space<hbm>>
      %dma_wait3A_909 = arith.constant 0 : i32
      %dma_wait3A_910 = arith.constant 128 : i32
      %dma_wait3A_911 = tpu.memref_slice %arg9[%dma_wait3A_909, %dma_wait3A_910] : memref<32x1024xf32, #tpu.memory_space<vmem>> -> memref<32x128xf32, #tpu.memory_space<vmem>>
      %dma_wait3A_912 = arith.constant 0 : i32
      %dma_wait3A_913 = arith.constant 0 : i32
      %dma_wait3A_914 = tpu.memref_slice %arg5[%dma_wait3A_912, %dma_wait3A_913] : memref<32x100000xf32, #tpu.memory_space<hbm>> -> memref<32x128xf32, #tpu.memory_space<hbm>>
      tpu.wait_dma2 semaphore(%arg16 : memref<!tpu.dma_semaphore, #tpu.memory_space<semaphore_mem>>) src(%dma_wait3A_914 : memref<32x128xf32, #tpu.memory_space<hbm>>) dst(%dma_wait3A_911 : memref<32x128xf32, #tpu.memory_space<vmem>>)
      %dma_wait3A_915 = arith.constant 0 : i32
      %dma_wait3A_916 = arith.constant 256 : i32
      %dma_wait3A_917 = tpu.memref_slice %arg9[%dma_wait3A_915, %dma_wait3A_916] : memref<32x1024xf32, #tpu.memory_space<vmem>> -> memref<32x128xf32, #tpu.memory_space<vmem>>
      %dma_wait3A_918 = arith.constant 0 : i32
      %dma_wait3A_919 = arith.constant 0 : i32
      %dma_wait3A_920 = tpu.memref_slice %arg5[%dma_wait3A_918, %dma_wait3A_919] : memref<32x100000xf32, #tpu.memory_space<hbm>> -> memref<32x128xf32, #tpu.memory_space<hbm>>
      %dma_wait3A_921 = arith.constant 0 : i32
      %dma_wait3A_922 = arith.constant 256 : i32
      %dma_wait3A_923 = tpu.memref_slice %arg9[%dma_wait3A_921, %dma_wait3A_922] : memref<32x1024xf32, #tpu.memory_space<vmem>> -> memref<32x128xf32, #tpu.memory_space<vmem>>
      %dma_wait3A_924 = arith.constant 0 : i32
      %dma_wait3A_925 = arith.constant 0 : i32
      %dma_wait3A_926 = tpu.memref_slice %arg5[%dma_wait3A_924, %dma_wait3A_925] : memref<32x100000xf32, #tpu.memory_space<hbm>> -> memref<32x128xf32, #tpu.memory_space<hbm>>
      tpu.wait_dma2 semaphore(%arg16 : memref<!tpu.dma_semaphore, #tpu.memory_space<semaphore_mem>>) src(%dma_wait3A_926 : memref<32x128xf32, #tpu.memory_space<hbm>>) dst(%dma_wait3A_923 : memref<32x128xf32, #tpu.memory_space<vmem>>)
      %dma_wait3A_927 = arith.constant 0 : i32
      %dma_wait3A_928 = arith.constant 384 : i32
      %dma_wait3A_929 = tpu.memref_slice %arg9[%dma_wait3A_927, %dma_wait3A_928] : memref<32x1024xf32, #tpu.memory_space<vmem>> -> memref<32x128xf32, #tpu.memory_space<vmem>>
      %dma_wait3A_930 = arith.constant 0 : i32
      %dma_wait3A_931 = arith.constant 0 : i32
      %dma_wait3A_932 = tpu.memref_slice %arg5[%dma_wait3A_930, %dma_wait3A_931] : memref<32x100000xf32, #tpu.memory_space<hbm>> -> memref<32x128xf32, #tpu.memory_space<hbm>>
      %dma_wait3A_933 = arith.constant 0 : i32
      %dma_wait3A_934 = arith.constant 384 : i32
      %dma_wait3A_935 = tpu.memref_slice %arg9[%dma_wait3A_933, %dma_wait3A_934] : memref<32x1024xf32, #tpu.memory_space<vmem>> -> memref<32x128xf32, #tpu.memory_space<vmem>>
      %dma_wait3A_936 = arith.constant 0 : i32
      %dma_wait3A_937 = arith.constant 0 : i32
      %dma_wait3A_938 = tpu.memref_slice %arg5[%dma_wait3A_936, %dma_wait3A_937] : memref<32x100000xf32, #tpu.memory_space<hbm>> -> memref<32x128xf32, #tpu.memory_space<hbm>>
      tpu.wait_dma2 semaphore(%arg16 : memref<!tpu.dma_semaphore, #tpu.memory_space<semaphore_mem>>) src(%dma_wait3A_938 : memref<32x128xf32, #tpu.memory_space<hbm>>) dst(%dma_wait3A_935 : memref<32x128xf32, #tpu.memory_space<vmem>>)
      %dma_wait3A_939 = arith.constant 0 : i32
      %dma_wait3A_940 = arith.constant 512 : i32
      %dma_wait3A_941 = tpu.memref_slice %arg9[%dma_wait3A_939, %dma_wait3A_940] : memref<32x1024xf32, #tpu.memory_space<vmem>> -> memref<32x128xf32, #tpu.memory_space<vmem>>
      %dma_wait3A_942 = arith.constant 0 : i32
      %dma_wait3A_943 = arith.constant 0 : i32
      %dma_wait3A_944 = tpu.memref_slice %arg5[%dma_wait3A_942, %dma_wait3A_943] : memref<32x100000xf32, #tpu.memory_space<hbm>> -> memref<32x128xf32, #tpu.memory_space<hbm>>
      %dma_wait3A_945 = arith.constant 0 : i32
      %dma_wait3A_946 = arith.constant 512 : i32
      %dma_wait3A_947 = tpu.memref_slice %arg9[%dma_wait3A_945, %dma_wait3A_946] : memref<32x1024xf32, #tpu.memory_space<vmem>> -> memref<32x128xf32, #tpu.memory_space<vmem>>
      %dma_wait3A_948 = arith.constant 0 : i32
      %dma_wait3A_949 = arith.constant 0 : i32
      %dma_wait3A_950 = tpu.memref_slice %arg5[%dma_wait3A_948, %dma_wait3A_949] : memref<32x100000xf32, #tpu.memory_space<hbm>> -> memref<32x128xf32, #tpu.memory_space<hbm>>
      tpu.wait_dma2 semaphore(%arg16 : memref<!tpu.dma_semaphore, #tpu.memory_space<semaphore_mem>>) src(%dma_wait3A_950 : memref<32x128xf32, #tpu.memory_space<hbm>>) dst(%dma_wait3A_947 : memref<32x128xf32, #tpu.memory_space<vmem>>)
      %dma_wait3A_951 = arith.constant 0 : i32
      %dma_wait3A_952 = arith.constant 640 : i32
      %dma_wait3A_953 = tpu.memref_slice %arg9[%dma_wait3A_951, %dma_wait3A_952] : memref<32x1024xf32, #tpu.memory_space<vmem>> -> memref<32x128xf32, #tpu.memory_space<vmem>>
      %dma_wait3A_954 = arith.constant 0 : i32
      %dma_wait3A_955 = arith.constant 0 : i32
      %dma_wait3A_956 = tpu.memref_slice %arg5[%dma_wait3A_954, %dma_wait3A_955] : memref<32x100000xf32, #tpu.memory_space<hbm>> -> memref<32x128xf32, #tpu.memory_space<hbm>>
      %dma_wait3A_957 = arith.constant 0 : i32
      %dma_wait3A_958 = arith.constant 640 : i32
      %dma_wait3A_959 = tpu.memref_slice %arg9[%dma_wait3A_957, %dma_wait3A_958] : memref<32x1024xf32, #tpu.memory_space<vmem>> -> memref<32x128xf32, #tpu.memory_space<vmem>>
      %dma_wait3A_960 = arith.constant 0 : i32
      %dma_wait3A_961 = arith.constant 0 : i32
      %dma_wait3A_962 = tpu.memref_slice %arg5[%dma_wait3A_960, %dma_wait3A_961] : memref<32x100000xf32, #tpu.memory_space<hbm>> -> memref<32x128xf32, #tpu.memory_space<hbm>>
      tpu.wait_dma2 semaphore(%arg16 : memref<!tpu.dma_semaphore, #tpu.memory_space<semaphore_mem>>) src(%dma_wait3A_962 : memref<32x128xf32, #tpu.memory_space<hbm>>) dst(%dma_wait3A_959 : memref<32x128xf32, #tpu.memory_space<vmem>>)
      %dma_wait3A_963 = arith.constant 0 : i32
      %dma_wait3A_964 = arith.constant 768 : i32
      %dma_wait3A_965 = tpu.memref_slice %arg9[%dma_wait3A_963, %dma_wait3A_964] : memref<32x1024xf32, #tpu.memory_space<vmem>> -> memref<32x128xf32, #tpu.memory_space<vmem>>
      %dma_wait3A_966 = arith.constant 0 : i32
      %dma_wait3A_967 = arith.constant 0 : i32
      %dma_wait3A_968 = tpu.memref_slice %arg5[%dma_wait3A_966, %dma_wait3A_967] : memref<32x100000xf32, #tpu.memory_space<hbm>> -> memref<32x128xf32, #tpu.memory_space<hbm>>
      %dma_wait3A_969 = arith.constant 0 : i32
      %dma_wait3A_970 = arith.constant 768 : i32
      %dma_wait3A_971 = tpu.memref_slice %arg9[%dma_wait3A_969, %dma_wait3A_970] : memref<32x1024xf32, #tpu.memory_space<vmem>> -> memref<32x128xf32, #tpu.memory_space<vmem>>
      %dma_wait3A_972 = arith.constant 0 : i32
      %dma_wait3A_973 = arith.constant 0 : i32
      %dma_wait3A_974 = tpu.memref_slice %arg5[%dma_wait3A_972, %dma_wait3A_973] : memref<32x100000xf32, #tpu.memory_space<hbm>> -> memref<32x128xf32, #tpu.memory_space<hbm>>
      tpu.wait_dma2 semaphore(%arg16 : memref<!tpu.dma_semaphore, #tpu.memory_space<semaphore_mem>>) src(%dma_wait3A_974 : memref<32x128xf32, #tpu.memory_space<hbm>>) dst(%dma_wait3A_971 : memref<32x128xf32, #tpu.memory_space<vmem>>)
      %dma_wait3A_975 = arith.constant 0 : i32
      %dma_wait3A_976 = arith.constant 896 : i32
      %dma_wait3A_977 = tpu.memref_slice %arg9[%dma_wait3A_975, %dma_wait3A_976] : memref<32x1024xf32, #tpu.memory_space<vmem>> -> memref<32x128xf32, #tpu.memory_space<vmem>>
      %dma_wait3A_978 = arith.constant 0 : i32
      %dma_wait3A_979 = arith.constant 0 : i32
      %dma_wait3A_980 = tpu.memref_slice %arg5[%dma_wait3A_978, %dma_wait3A_979] : memref<32x100000xf32, #tpu.memory_space<hbm>> -> memref<32x128xf32, #tpu.memory_space<hbm>>
      %dma_wait3A_981 = arith.constant 0 : i32
      %dma_wait3A_982 = arith.constant 896 : i32
      %dma_wait3A_983 = tpu.memref_slice %arg9[%dma_wait3A_981, %dma_wait3A_982] : memref<32x1024xf32, #tpu.memory_space<vmem>> -> memref<32x128xf32, #tpu.memory_space<vmem>>
      %dma_wait3A_984 = arith.constant 0 : i32
      %dma_wait3A_985 = arith.constant 0 : i32
      %dma_wait3A_986 = tpu.memref_slice %arg5[%dma_wait3A_984, %dma_wait3A_985] : memref<32x100000xf32, #tpu.memory_space<hbm>> -> memref<32x128xf32, #tpu.memory_space<hbm>>
      tpu.wait_dma2 semaphore(%arg16 : memref<!tpu.dma_semaphore, #tpu.memory_space<semaphore_mem>>) src(%dma_wait3A_986 : memref<32x128xf32, #tpu.memory_space<hbm>>) dst(%dma_wait3A_983 : memref<32x128xf32, #tpu.memory_space<vmem>>)
      %mul3A_987 = arith.constant 2 : i32
      %mul3A_988 = arith.muli %mul3A_987, %scan3A_496 : i32
      %add3A_989 = arith.constant 1 : i32
      %add3A_990 = arith.addi %mul3A_988, %add3A_989 : i32
      %mul3A_991 = arith.constant 781 : i32
      %mul3A_992 = arith.muli %add3A_990, %mul3A_991 : i32
      %min3A_993 = arith.constant 1 : i32
      %min3A_994 = arith.minsi %add3A_990, %min3A_993 : i32
      %add3A_995 = arith.addi %mul3A_992, %min3A_994 : i32
      %lt3A_996 = arith.constant 1 : i32
      %lt3A_997 = arith.cmpi slt, %add3A_990, %lt3A_996 : i32
      %convert_element_type3A_998 = arith.extui %lt3A_997 : i1 to i32
      %add3A_999 = arith.constant 781 : i32
      %add3A_1000 = arith.addi %add3A_999, %convert_element_type3A_998 : i32
      %add3A_1001 = arith.addi %mul3A_250, %add3A_995 : i32
      %shift_right_logical3A_1002 = arith.constant 7 : i32
      %shift_right_logical3A_1003 = arith.shrui %add3A_1001, %shift_right_logical3A_1002 : i32
      %min3A_1004 = arith.constant 773 : i32
      %min3A_1005 = arith.minsi %shift_right_logical3A_1003, %min3A_1004 : i32
      %mul3A_1006 = arith.constant 128 : i32
      %mul3A_1007 = arith.muli %min3A_1005, %mul3A_1006 : i32
      %add3A_1008 = arith.addi %add3A_995, %add3A_1000 : i32
      %sub3A_1009 = arith.subi %min3A_254, %mul3A_250 : i32
      %min3A_1010 = arith.minsi %add3A_1008, %sub3A_1009 : i32
      %while3A_1011 = arith.constant 0 : i32
      %while3A_1012 = arith.constant 0 : i32
      %while3A_1013 = arith.subi %shift_right_logical3A_269, %while3A_1011 : i32
      %while3A_1014 = arith.addi %while3A_1011, %while3A_1013 : i32
      %while3A_1015 = arith.constant 1 : i32
      %while3A_1016 = arith.divsi %while3A_1013, %while3A_1015 : i32
      %while3A_1017 = arith.muli %while3A_1016, %while3A_1015 : i32
      %while3A_1018 = arith.addi %while3A_1011, %while3A_1017 : i32
      %while3A_1019 = arith.constant 1 : i32
      %while3A_1020 = scf.for %while3A_1037 = %while3A_1011 to %while3A_1018 step %while3A_1019 iter_args(%while3A_1038 = %while3A_1012) -> (i32)  : i32 {
        %mul3A_1039 = arith.constant 16 : i32
        %mul3A_1040 = arith.muli %while3A_1037, %mul3A_1039 : i32
        %get3A = arith.index_cast %mul3A_1040 : i32 to index
        %get3A_1041 = tpu.vector_load %arg10[%get3A] {strides = array<i32>} : memref<16400xi32, #tpu.memory_space<vmem>>, vector<16xi32>,
        %shift_right_logical3A_1042 = arith.constant 14 : i32
        %shift_right_logical3A_1043 = vector.broadcast %shift_right_logical3A_1042 : i32 to vector<16xi32>
        %shift_right_logical3A_1044 = arith.shrui %get3A_1041, %shift_right_logical3A_1043 : vector<16xi32>
        %mul3A_1045 = arith.constant 16 : i32
        %mul3A_1046 = arith.muli %while3A_1037, %mul3A_1045 : i32
        %add3A_1047 = vector.broadcast %mul3A_1046 : i32 to vector<16xi32>
        %add3A_1048 = arith.addi %add3A_1047, %iota3A_248 : vector<16xi32>
        %lt3A_1049 = vector.broadcast %scan3A_264 : i32 to vector<16xi32>
        %lt3A_1050 = arith.cmpi slt, %add3A_1048, %lt3A_1049 : vector<16xi32>
        %ge3A = vector.broadcast %add3A_995 : i32 to vector<16xi32>
        %ge3A_1051 = arith.cmpi sge, %shift_right_logical3A_1044, %ge3A : vector<16xi32>
        %and3A = arith.andi %lt3A_1050, %ge3A_1051 : vector<16xi1>
        %lt3A_1052 = vector.broadcast %min3A_1010 : i32 to vector<16xi32>
        %lt3A_1053 = arith.cmpi slt, %shift_right_logical3A_1044, %lt3A_1052 : vector<16xi32>
        %and3A_1054 = arith.andi %and3A, %lt3A_1053 : vector<16xi1>
        %swap3A = arith.index_cast %while3A_1038 : i32 to index
        %swap3A_1055 = tpu.vector_load %arg11[%swap3A] masked %and3A_1054 {strides = array<i32>} : memref<16400xi32, #tpu.memory_space<vmem>>, vector<16xi32>, vector<16xi1>
        tpu.vector_store %arg11[%swap3A], %get3A_1041 masked %and3A_1054 {strides = array<i32>} : memref<16400xi32, #tpu.memory_space<vmem>>, vector<16xi32>, vector<16xi1>
        %all_reduce_population_count3A = tpu.all_reduce %and3A_1054 {dim = 0 : i64, kind = #tpu.reduction_kind<sum>} : vector<16xi1> -> vector<16xi32>
        %slice3A = vector.extract_strided_slice %all_reduce_population_count3A {offsets = [0], sizes = [1], strides = [1]} : vector<16xi32> to vector<1xi32>
        %squeeze3A = vector.extract %slice3A[0] : i32 from vector<1xi32>
        %add3A_1056 = arith.addi %while3A_1038, %squeeze3A : i32
        scf.yield %add3A_1056 : i32
      }
      %while3A_1021 = arith.constant 1 : i32
      %while3A_1022 = scf.for %while3A_1037 = %while3A_1018 to %while3A_1014 step %while3A_1021 iter_args(%while3A_1038 = %while3A_1020) -> (i32)  : i32 {
        %mul3A_1039 = arith.constant 16 : i32
        %mul3A_1040 = arith.muli %while3A_1037, %mul3A_1039 : i32
        %get3A = arith.index_cast %mul3A_1040 : i32 to index
        %get3A_1041 = tpu.vector_load %arg10[%get3A] {strides = array<i32>} : memref<16400xi32, #tpu.memory_space<vmem>>, vector<16xi32>,
        %shift_right_logical3A_1042 = arith.constant 14 : i32
        %shift_right_logical3A_1043 = vector.broadcast %shift_right_logical3A_1042 : i32 to vector<16xi32>
        %shift_right_logical3A_1044 = arith.shrui %get3A_1041, %shift_right_logical3A_1043 : vector<16xi32>
        %mul3A_1045 = arith.constant 16 : i32
        %mul3A_1046 = arith.muli %while3A_1037, %mul3A_1045 : i32
        %add3A_1047 = vector.broadcast %mul3A_1046 : i32 to vector<16xi32>
        %add3A_1048 = arith.addi %add3A_1047, %iota3A_248 : vector<16xi32>
        %lt3A_1049 = vector.broadcast %scan3A_264 : i32 to vector<16xi32>
        %lt3A_1050 = arith.cmpi slt, %add3A_1048, %lt3A_1049 : vector<16xi32>
        %ge3A = vector.broadcast %add3A_995 : i32 to vector<16xi32>
        %ge3A_1051 = arith.cmpi sge, %shift_right_logical3A_1044, %ge3A : vector<16xi32>
        %and3A = arith.andi %lt3A_1050, %ge3A_1051 : vector<16xi1>
        %lt3A_1052 = vector.broadcast %min3A_1010 : i32 to vector<16xi32>
        %lt3A_1053 = arith.cmpi slt, %shift_right_logical3A_1044, %lt3A_1052 : vector<16xi32>
        %and3A_1054 = arith.andi %and3A, %lt3A_1053 : vector<16xi1>
        %swap3A = arith.index_cast %while3A_1038 : i32 to index
        %swap3A_1055 = tpu.vector_load %arg11[%swap3A] masked %and3A_1054 {strides = array<i32>} : memref<16400xi32, #tpu.memory_space<vmem>>, vector<16xi32>, vector<16xi1>
        tpu.vector_store %arg11[%swap3A], %get3A_1041 masked %and3A_1054 {strides = array<i32>} : memref<16400xi32, #tpu.memory_space<vmem>>, vector<16xi32>, vector<16xi1>
        %all_reduce_population_count3A = tpu.all_reduce %and3A_1054 {dim = 0 : i64, kind = #tpu.reduction_kind<sum>} : vector<16xi1> -> vector<16xi32>
        %slice3A = vector.extract_strided_slice %all_reduce_population_count3A {offsets = [0], sizes = [1], strides = [1]} : vector<16xi32> to vector<1xi32>
        %squeeze3A = vector.extract %slice3A[0] : i32 from vector<1xi32>
        %add3A_1056 = arith.addi %while3A_1038, %squeeze3A : i32
        scf.yield %add3A_1056 : i32
      }
      %add3A_1023 = arith.constant 15 : i32
      %add3A_1024 = arith.addi %while3A_1022, %add3A_1023 : i32
      %shift_right_logical3A_1025 = arith.constant 4 : i32
      %shift_right_logical3A_1026 = arith.shrui %add3A_1024, %shift_right_logical3A_1025 : i32
      %while3A_1027 = arith.constant 0 : i32
      %while3A_1028 = arith.constant 0 : i32
      %while3A_1029 = arith.subi %shift_right_logical3A_1026, %while3A_1028 : i32
      %while3A_1030 = arith.addi %while3A_1028, %while3A_1029 : i32
      %while3A_1031 = arith.constant 1 : i32
      %while3A_1032 = arith.divsi %while3A_1029, %while3A_1031 : i32
      %while3A_1033 = arith.muli %while3A_1032, %while3A_1031 : i32
      %while3A_1034 = arith.addi %while3A_1028, %while3A_1033 : i32
      %while3A_1035 = arith.constant 1 : i32
      scf.for %while3A_1037 = %while3A_1028 to %while3A_1034 step %while3A_1035  : i32 {
        %mul3A_1038 = arith.constant 16 : i32
        %mul3A_1039 = arith.muli %while3A_1037, %mul3A_1038 : i32
        %get3A = arith.index_cast %mul3A_1039 : i32 to index
        %get3A_1040 = tpu.vector_load %arg11[%get3A] {strides = array<i32>} : memref<16400xi32, #tpu.memory_space<vmem>>, vector<16xi32>,
        %and3A = arith.constant 16383 : i32
        %and3A_1041 = vector.broadcast %and3A : i32 to vector<16xi32>
        %and3A_1042 = arith.andi %get3A_1040, %and3A_1041 : vector<16xi32>
        %mul3A_1043 = arith.constant 16 : i32
        %mul3A_1044 = arith.muli %while3A_1037, %mul3A_1043 : i32
        %add3A_1045 = vector.broadcast %mul3A_1044 : i32 to vector<16xi32>
        %add3A_1046 = arith.addi %add3A_1045, %iota3A_248 : vector<16xi32>
        %lt3A_1047 = vector.broadcast %while3A_1022 : i32 to vector<16xi32>
        %lt3A_1048 = arith.cmpi slt, %add3A_1046, %lt3A_1047 : vector<16xi32>
        %add3A_1049 = vector.broadcast %add3A_258 : i32 to vector<16xi32>
        %add3A_1050 = arith.addi %add3A_1049, %iota3A_248 : vector<16xi32>
        %select_n3A = arith.select %lt3A_1048, %and3A_1042, %add3A_1050 : vector<16xi1>, vector<16xi32>
        %swap3A = arith.constant 0 : index
        %swap3A_1051 = tpu.vector_load %arg13[%swap3A] {strides = array<i32>} : memref<16xi32, #tpu.memory_space<vmem>>, vector<16xi32>,
        tpu.vector_store %arg13[%swap3A], %select_n3A {strides = array<i32>} : memref<16xi32, #tpu.memory_space<vmem>>, vector<16xi32>,
        %shift_right_logical3A_1052 = arith.constant 14 : i32
        %shift_right_logical3A_1053 = vector.broadcast %shift_right_logical3A_1052 : i32 to vector<16xi32>
        %shift_right_logical3A_1054 = arith.shrui %get3A_1040, %shift_right_logical3A_1053 : vector<16xi32>
        %add3A_1055 = vector.broadcast %mul3A_250 : i32 to vector<16xi32>
        %add3A_1056 = arith.addi %add3A_1055, %shift_right_logical3A_1054 : vector<16xi32>
        %sub3A_1057 = vector.broadcast %mul3A_1007 : i32 to vector<16xi32>
        %sub3A_1058 = arith.subi %add3A_1056, %sub3A_1057 : vector<16xi32>
        %jit3A = arith.constant 0 : i32
        %jit3A_1059 = arith.constant 1023 : i32
        %max3A = vector.broadcast %jit3A : i32 to vector<16xi32>
        %max3A_1060 = arith.maxsi %max3A, %sub3A_1058 : vector<16xi32>
        %min3A_1061 = vector.broadcast %jit3A_1059 : i32 to vector<16xi32>
        %min3A_1062 = arith.minsi %min3A_1061, %max3A_1060 : vector<16xi32>
        %broadcast_in_dim3A = arith.constant 0 : i32
        %broadcast_in_dim3A_1063 = vector.broadcast %broadcast_in_dim3A : i32 to vector<16xi32>
        %gather3A = tpu.vector_load_idx %arg9[%broadcast_in_dim3A_1063, %min3A_1062] : memref<32x1024xf32, #tpu.memory_space<vmem>>[vector<16xi32>, vector<16xi32>], vector<16xf32>,
        tpu.vector_store_idx %arg12[%iota3A_248, %broadcast_in_dim3A_1063], %gather3A : memref<16x128xf32, #tpu.memory_space<vmem>>[vector<16xi32>, vector<16xi32>], vector<16xf32>,
        %broadcast_in_dim3A_1064 = arith.constant 1 : i32
        %broadcast_in_dim3A_1065 = vector.broadcast %broadcast_in_dim3A_1064 : i32 to vector<16xi32>
        %gather3A_1066 = tpu.vector_load_idx %arg9[%broadcast_in_dim3A_1065, %min3A_1062] : memref<32x1024xf32, #tpu.memory_space<vmem>>[vector<16xi32>, vector<16xi32>], vector<16xf32>,
        tpu.vector_store_idx %arg12[%iota3A_248, %broadcast_in_dim3A_1065], %gather3A_1066 : memref<16x128xf32, #tpu.memory_space<vmem>>[vector<16xi32>, vector<16xi32>], vector<16xf32>,
        %broadcast_in_dim3A_1067 = arith.constant 2 : i32
        %broadcast_in_dim3A_1068 = vector.broadcast %broadcast_in_dim3A_1067 : i32 to vector<16xi32>
        %gather3A_1069 = tpu.vector_load_idx %arg9[%broadcast_in_dim3A_1068, %min3A_1062] : memref<32x1024xf32, #tpu.memory_space<vmem>>[vector<16xi32>, vector<16xi32>], vector<16xf32>,
        tpu.vector_store_idx %arg12[%iota3A_248, %broadcast_in_dim3A_1068], %gather3A_1069 : memref<16x128xf32, #tpu.memory_space<vmem>>[vector<16xi32>, vector<16xi32>], vector<16xf32>,
        %broadcast_in_dim3A_1070 = arith.constant 3 : i32
        %broadcast_in_dim3A_1071 = vector.broadcast %broadcast_in_dim3A_1070 : i32 to vector<16xi32>
        %gather3A_1072 = tpu.vector_load_idx %arg9[%broadcast_in_dim3A_1071, %min3A_1062] : memref<32x1024xf32, #tpu.memory_space<vmem>>[vector<16xi32>, vector<16xi32>], vector<16xf32>,
        tpu.vector_store_idx %arg12[%iota3A_248, %broadcast_in_dim3A_1071], %gather3A_1072 : memref<16x128xf32, #tpu.memory_space<vmem>>[vector<16xi32>, vector<16xi32>], vector<16xf32>,
        %broadcast_in_dim3A_1073 = arith.constant 4 : i32
        %broadcast_in_dim3A_1074 = vector.broadcast %broadcast_in_dim3A_1073 : i32 to vector<16xi32>
        %gather3A_1075 = tpu.vector_load_idx %arg9[%broadcast_in_dim3A_1074, %min3A_1062] : memref<32x1024xf32, #tpu.memory_space<vmem>>[vector<16xi32>, vector<16xi32>], vector<16xf32>,
        tpu.vector_store_idx %arg12[%iota3A_248, %broadcast_in_dim3A_1074], %gather3A_1075 : memref<16x128xf32, #tpu.memory_space<vmem>>[vector<16xi32>, vector<16xi32>], vector<16xf32>,
        %broadcast_in_dim3A_1076 = arith.constant 5 : i32
        %broadcast_in_dim3A_1077 = vector.broadcast %broadcast_in_dim3A_1076 : i32 to vector<16xi32>
        %gather3A_1078 = tpu.vector_load_idx %arg9[%broadcast_in_dim3A_1077, %min3A_1062] : memref<32x1024xf32, #tpu.memory_space<vmem>>[vector<16xi32>, vector<16xi32>], vector<16xf32>,
        tpu.vector_store_idx %arg12[%iota3A_248, %broadcast_in_dim3A_1077], %gather3A_1078 : memref<16x128xf32, #tpu.memory_space<vmem>>[vector<16xi32>, vector<16xi32>], vector<16xf32>,
        %broadcast_in_dim3A_1079 = arith.constant 6 : i32
        %broadcast_in_dim3A_1080 = vector.broadcast %broadcast_in_dim3A_1079 : i32 to vector<16xi32>
        %gather3A_1081 = tpu.vector_load_idx %arg9[%broadcast_in_dim3A_1080, %min3A_1062] : memref<32x1024xf32, #tpu.memory_space<vmem>>[vector<16xi32>, vector<16xi32>], vector<16xf32>,
        tpu.vector_store_idx %arg12[%iota3A_248, %broadcast_in_dim3A_1080], %gather3A_1081 : memref<16x128xf32, #tpu.memory_space<vmem>>[vector<16xi32>, vector<16xi32>], vector<16xf32>,
        %broadcast_in_dim3A_1082 = arith.constant 7 : i32
        %broadcast_in_dim3A_1083 = vector.broadcast %broadcast_in_dim3A_1082 : i32 to vector<16xi32>
        %gather3A_1084 = tpu.vector_load_idx %arg9[%broadcast_in_dim3A_1083, %min3A_1062] : memref<32x1024xf32, #tpu.memory_space<vmem>>[vector<16xi32>, vector<16xi32>], vector<16xf32>,
        tpu.vector_store_idx %arg12[%iota3A_248, %broadcast_in_dim3A_1083], %gather3A_1084 : memref<16x128xf32, #tpu.memory_space<vmem>>[vector<16xi32>, vector<16xi32>], vector<16xf32>,
        %broadcast_in_dim3A_1085 = arith.constant 8 : i32
        %broadcast_in_dim3A_1086 = vector.broadcast %broadcast_in_dim3A_1085 : i32 to vector<16xi32>
        %gather3A_1087 = tpu.vector_load_idx %arg9[%broadcast_in_dim3A_1086, %min3A_1062] : memref<32x1024xf32, #tpu.memory_space<vmem>>[vector<16xi32>, vector<16xi32>], vector<16xf32>,
        tpu.vector_store_idx %arg12[%iota3A_248, %broadcast_in_dim3A_1086], %gather3A_1087 : memref<16x128xf32, #tpu.memory_space<vmem>>[vector<16xi32>, vector<16xi32>], vector<16xf32>,
        %broadcast_in_dim3A_1088 = arith.constant 9 : i32
        %broadcast_in_dim3A_1089 = vector.broadcast %broadcast_in_dim3A_1088 : i32 to vector<16xi32>
        %gather3A_1090 = tpu.vector_load_idx %arg9[%broadcast_in_dim3A_1089, %min3A_1062] : memref<32x1024xf32, #tpu.memory_space<vmem>>[vector<16xi32>, vector<16xi32>], vector<16xf32>,
        tpu.vector_store_idx %arg12[%iota3A_248, %broadcast_in_dim3A_1089], %gather3A_1090 : memref<16x128xf32, #tpu.memory_space<vmem>>[vector<16xi32>, vector<16xi32>], vector<16xf32>,
        %broadcast_in_dim3A_1091 = arith.constant 10 : i32
        %broadcast_in_dim3A_1092 = vector.broadcast %broadcast_in_dim3A_1091 : i32 to vector<16xi32>
        %gather3A_1093 = tpu.vector_load_idx %arg9[%broadcast_in_dim3A_1092, %min3A_1062] : memref<32x1024xf32, #tpu.memory_space<vmem>>[vector<16xi32>, vector<16xi32>], vector<16xf32>,
        tpu.vector_store_idx %arg12[%iota3A_248, %broadcast_in_dim3A_1092], %gather3A_1093 : memref<16x128xf32, #tpu.memory_space<vmem>>[vector<16xi32>, vector<16xi32>], vector<16xf32>,
        %broadcast_in_dim3A_1094 = arith.constant 11 : i32
        %broadcast_in_dim3A_1095 = vector.broadcast %broadcast_in_dim3A_1094 : i32 to vector<16xi32>
        %gather3A_1096 = tpu.vector_load_idx %arg9[%broadcast_in_dim3A_1095, %min3A_1062] : memref<32x1024xf32, #tpu.memory_space<vmem>>[vector<16xi32>, vector<16xi32>], vector<16xf32>,
        tpu.vector_store_idx %arg12[%iota3A_248, %broadcast_in_dim3A_1095], %gather3A_1096 : memref<16x128xf32, #tpu.memory_space<vmem>>[vector<16xi32>, vector<16xi32>], vector<16xf32>,
        %broadcast_in_dim3A_1097 = arith.constant 12 : i32
        %broadcast_in_dim3A_1098 = vector.broadcast %broadcast_in_dim3A_1097 : i32 to vector<16xi32>
        %gather3A_1099 = tpu.vector_load_idx %arg9[%broadcast_in_dim3A_1098, %min3A_1062] : memref<32x1024xf32, #tpu.memory_space<vmem>>[vector<16xi32>, vector<16xi32>], vector<16xf32>,
        tpu.vector_store_idx %arg12[%iota3A_248, %broadcast_in_dim3A_1098], %gather3A_1099 : memref<16x128xf32, #tpu.memory_space<vmem>>[vector<16xi32>, vector<16xi32>], vector<16xf32>,
        %broadcast_in_dim3A_1100 = arith.constant 13 : i32
        %broadcast_in_dim3A_1101 = vector.broadcast %broadcast_in_dim3A_1100 : i32 to vector<16xi32>
        %gather3A_1102 = tpu.vector_load_idx %arg9[%broadcast_in_dim3A_1101, %min3A_1062] : memref<32x1024xf32, #tpu.memory_space<vmem>>[vector<16xi32>, vector<16xi32>], vector<16xf32>,
        tpu.vector_store_idx %arg12[%iota3A_248, %broadcast_in_dim3A_1101], %gather3A_1102 : memref<16x128xf32, #tpu.memory_space<vmem>>[vector<16xi32>, vector<16xi32>], vector<16xf32>,
        %broadcast_in_dim3A_1103 = arith.constant 14 : i32
        %broadcast_in_dim3A_1104 = vector.broadcast %broadcast_in_dim3A_1103 : i32 to vector<16xi32>
        %gather3A_1105 = tpu.vector_load_idx %arg9[%broadcast_in_dim3A_1104, %min3A_1062] : memref<32x1024xf32, #tpu.memory_space<vmem>>[vector<16xi32>, vector<16xi32>], vector<16xf32>,
        tpu.vector_store_idx %arg12[%iota3A_248, %broadcast_in_dim3A_1104], %gather3A_1105 : memref<16x128xf32, #tpu.memory_space<vmem>>[vector<16xi32>, vector<16xi32>], vector<16xf32>,
        %broadcast_in_dim3A_1106 = arith.constant 15 : i32
        %broadcast_in_dim3A_1107 = vector.broadcast %broadcast_in_dim3A_1106 : i32 to vector<16xi32>
        %gather3A_1108 = tpu.vector_load_idx %arg9[%broadcast_in_dim3A_1107, %min3A_1062] : memref<32x1024xf32, #tpu.memory_space<vmem>>[vector<16xi32>, vector<16xi32>], vector<16xf32>,
        tpu.vector_store_idx %arg12[%iota3A_248, %broadcast_in_dim3A_1107], %gather3A_1108 : memref<16x128xf32, #tpu.memory_space<vmem>>[vector<16xi32>, vector<16xi32>], vector<16xf32>,
        %broadcast_in_dim3A_1109 = arith.constant 16 : i32
        %broadcast_in_dim3A_1110 = vector.broadcast %broadcast_in_dim3A_1109 : i32 to vector<16xi32>
        %gather3A_1111 = tpu.vector_load_idx %arg9[%broadcast_in_dim3A_1110, %min3A_1062] : memref<32x1024xf32, #tpu.memory_space<vmem>>[vector<16xi32>, vector<16xi32>], vector<16xf32>,
        tpu.vector_store_idx %arg12[%iota3A_248, %broadcast_in_dim3A_1110], %gather3A_1111 : memref<16x128xf32, #tpu.memory_space<vmem>>[vector<16xi32>, vector<16xi32>], vector<16xf32>,
        %broadcast_in_dim3A_1112 = arith.constant 17 : i32
        %broadcast_in_dim3A_1113 = vector.broadcast %broadcast_in_dim3A_1112 : i32 to vector<16xi32>
        %gather3A_1114 = tpu.vector_load_idx %arg9[%broadcast_in_dim3A_1113, %min3A_1062] : memref<32x1024xf32, #tpu.memory_space<vmem>>[vector<16xi32>, vector<16xi32>], vector<16xf32>,
        tpu.vector_store_idx %arg12[%iota3A_248, %broadcast_in_dim3A_1113], %gather3A_1114 : memref<16x128xf32, #tpu.memory_space<vmem>>[vector<16xi32>, vector<16xi32>], vector<16xf32>,
        %broadcast_in_dim3A_1115 = arith.constant 18 : i32
        %broadcast_in_dim3A_1116 = vector.broadcast %broadcast_in_dim3A_1115 : i32 to vector<16xi32>
        %gather3A_1117 = tpu.vector_load_idx %arg9[%broadcast_in_dim3A_1116, %min3A_1062] : memref<32x1024xf32, #tpu.memory_space<vmem>>[vector<16xi32>, vector<16xi32>], vector<16xf32>,
        tpu.vector_store_idx %arg12[%iota3A_248, %broadcast_in_dim3A_1116], %gather3A_1117 : memref<16x128xf32, #tpu.memory_space<vmem>>[vector<16xi32>, vector<16xi32>], vector<16xf32>,
        %broadcast_in_dim3A_1118 = arith.constant 19 : i32
        %broadcast_in_dim3A_1119 = vector.broadcast %broadcast_in_dim3A_1118 : i32 to vector<16xi32>
        %gather3A_1120 = tpu.vector_load_idx %arg9[%broadcast_in_dim3A_1119, %min3A_1062] : memref<32x1024xf32, #tpu.memory_space<vmem>>[vector<16xi32>, vector<16xi32>], vector<16xf32>,
        tpu.vector_store_idx %arg12[%iota3A_248, %broadcast_in_dim3A_1119], %gather3A_1120 : memref<16x128xf32, #tpu.memory_space<vmem>>[vector<16xi32>, vector<16xi32>], vector<16xf32>,
        %broadcast_in_dim3A_1121 = arith.constant 20 : i32
        %broadcast_in_dim3A_1122 = vector.broadcast %broadcast_in_dim3A_1121 : i32 to vector<16xi32>
        %gather3A_1123 = tpu.vector_load_idx %arg9[%broadcast_in_dim3A_1122, %min3A_1062] : memref<32x1024xf32, #tpu.memory_space<vmem>>[vector<16xi32>, vector<16xi32>], vector<16xf32>,
        tpu.vector_store_idx %arg12[%iota3A_248, %broadcast_in_dim3A_1122], %gather3A_1123 : memref<16x128xf32, #tpu.memory_space<vmem>>[vector<16xi32>, vector<16xi32>], vector<16xf32>,
        %broadcast_in_dim3A_1124 = arith.constant 21 : i32
        %broadcast_in_dim3A_1125 = vector.broadcast %broadcast_in_dim3A_1124 : i32 to vector<16xi32>
        %gather3A_1126 = tpu.vector_load_idx %arg9[%broadcast_in_dim3A_1125, %min3A_1062] : memref<32x1024xf32, #tpu.memory_space<vmem>>[vector<16xi32>, vector<16xi32>], vector<16xf32>,
        tpu.vector_store_idx %arg12[%iota3A_248, %broadcast_in_dim3A_1125], %gather3A_1126 : memref<16x128xf32, #tpu.memory_space<vmem>>[vector<16xi32>, vector<16xi32>], vector<16xf32>,
        %broadcast_in_dim3A_1127 = arith.constant 22 : i32
        %broadcast_in_dim3A_1128 = vector.broadcast %broadcast_in_dim3A_1127 : i32 to vector<16xi32>
        %gather3A_1129 = tpu.vector_load_idx %arg9[%broadcast_in_dim3A_1128, %min3A_1062] : memref<32x1024xf32, #tpu.memory_space<vmem>>[vector<16xi32>, vector<16xi32>], vector<16xf32>,
        tpu.vector_store_idx %arg12[%iota3A_248, %broadcast_in_dim3A_1128], %gather3A_1129 : memref<16x128xf32, #tpu.memory_space<vmem>>[vector<16xi32>, vector<16xi32>], vector<16xf32>,
        %broadcast_in_dim3A_1130 = arith.constant 23 : i32
        %broadcast_in_dim3A_1131 = vector.broadcast %broadcast_in_dim3A_1130 : i32 to vector<16xi32>
        %gather3A_1132 = tpu.vector_load_idx %arg9[%broadcast_in_dim3A_1131, %min3A_1062] : memref<32x1024xf32, #tpu.memory_space<vmem>>[vector<16xi32>, vector<16xi32>], vector<16xf32>,
        tpu.vector_store_idx %arg12[%iota3A_248, %broadcast_in_dim3A_1131], %gather3A_1132 : memref<16x128xf32, #tpu.memory_space<vmem>>[vector<16xi32>, vector<16xi32>], vector<16xf32>,
        %broadcast_in_dim3A_1133 = arith.constant 24 : i32
        %broadcast_in_dim3A_1134 = vector.broadcast %broadcast_in_dim3A_1133 : i32 to vector<16xi32>
        %gather3A_1135 = tpu.vector_load_idx %arg9[%broadcast_in_dim3A_1134, %min3A_1062] : memref<32x1024xf32, #tpu.memory_space<vmem>>[vector<16xi32>, vector<16xi32>], vector<16xf32>,
        tpu.vector_store_idx %arg12[%iota3A_248, %broadcast_in_dim3A_1134], %gather3A_1135 : memref<16x128xf32, #tpu.memory_space<vmem>>[vector<16xi32>, vector<16xi32>], vector<16xf32>,
        %broadcast_in_dim3A_1136 = arith.constant 25 : i32
        %broadcast_in_dim3A_1137 = vector.broadcast %broadcast_in_dim3A_1136 : i32 to vector<16xi32>
        %gather3A_1138 = tpu.vector_load_idx %arg9[%broadcast_in_dim3A_1137, %min3A_1062] : memref<32x1024xf32, #tpu.memory_space<vmem>>[vector<16xi32>, vector<16xi32>], vector<16xf32>,
        tpu.vector_store_idx %arg12[%iota3A_248, %broadcast_in_dim3A_1137], %gather3A_1138 : memref<16x128xf32, #tpu.memory_space<vmem>>[vector<16xi32>, vector<16xi32>], vector<16xf32>,
        %broadcast_in_dim3A_1139 = arith.constant 26 : i32
        %broadcast_in_dim3A_1140 = vector.broadcast %broadcast_in_dim3A_1139 : i32 to vector<16xi32>
        %gather3A_1141 = tpu.vector_load_idx %arg9[%broadcast_in_dim3A_1140, %min3A_1062] : memref<32x1024xf32, #tpu.memory_space<vmem>>[vector<16xi32>, vector<16xi32>], vector<16xf32>,
        tpu.vector_store_idx %arg12[%iota3A_248, %broadcast_in_dim3A_1140], %gather3A_1141 : memref<16x128xf32, #tpu.memory_space<vmem>>[vector<16xi32>, vector<16xi32>], vector<16xf32>,
        %broadcast_in_dim3A_1142 = arith.constant 27 : i32
        %broadcast_in_dim3A_1143 = vector.broadcast %broadcast_in_dim3A_1142 : i32 to vector<16xi32>
        %gather3A_1144 = tpu.vector_load_idx %arg9[%broadcast_in_dim3A_1143, %min3A_1062] : memref<32x1024xf32, #tpu.memory_space<vmem>>[vector<16xi32>, vector<16xi32>], vector<16xf32>,
        tpu.vector_store_idx %arg12[%iota3A_248, %broadcast_in_dim3A_1143], %gather3A_1144 : memref<16x128xf32, #tpu.memory_space<vmem>>[vector<16xi32>, vector<16xi32>], vector<16xf32>,
        %broadcast_in_dim3A_1145 = arith.constant 28 : i32
        %broadcast_in_dim3A_1146 = vector.broadcast %broadcast_in_dim3A_1145 : i32 to vector<16xi32>
        %gather3A_1147 = tpu.vector_load_idx %arg9[%broadcast_in_dim3A_1146, %min3A_1062] : memref<32x1024xf32, #tpu.memory_space<vmem>>[vector<16xi32>, vector<16xi32>], vector<16xf32>,
        tpu.vector_store_idx %arg12[%iota3A_248, %broadcast_in_dim3A_1146], %gather3A_1147 : memref<16x128xf32, #tpu.memory_space<vmem>>[vector<16xi32>, vector<16xi32>], vector<16xf32>,
        %broadcast_in_dim3A_1148 = arith.constant 29 : i32
        %broadcast_in_dim3A_1149 = vector.broadcast %broadcast_in_dim3A_1148 : i32 to vector<16xi32>
        %gather3A_1150 = tpu.vector_load_idx %arg9[%broadcast_in_dim3A_1149, %min3A_1062] : memref<32x1024xf32, #tpu.memory_space<vmem>>[vector<16xi32>, vector<16xi32>], vector<16xf32>,
        tpu.vector_store_idx %arg12[%iota3A_248, %broadcast_in_dim3A_1149], %gather3A_1150 : memref<16x128xf32, #tpu.memory_space<vmem>>[vector<16xi32>, vector<16xi32>], vector<16xf32>,
        %broadcast_in_dim3A_1151 = arith.constant 30 : i32
        %broadcast_in_dim3A_1152 = vector.broadcast %broadcast_in_dim3A_1151 : i32 to vector<16xi32>
        %gather3A_1153 = tpu.vector_load_idx %arg9[%broadcast_in_dim3A_1152, %min3A_1062] : memref<32x1024xf32, #tpu.memory_space<vmem>>[vector<16xi32>, vector<16xi32>], vector<16xf32>,
        tpu.vector_store_idx %arg12[%iota3A_248, %broadcast_in_dim3A_1152], %gather3A_1153 : memref<16x128xf32, #tpu.memory_space<vmem>>[vector<16xi32>, vector<16xi32>], vector<16xf32>,
        %broadcast_in_dim3A_1154 = arith.constant 31 : i32
        %broadcast_in_dim3A_1155 = vector.broadcast %broadcast_in_dim3A_1154 : i32 to vector<16xi32>
        %gather3A_1156 = tpu.vector_load_idx %arg9[%broadcast_in_dim3A_1155, %min3A_1062] : memref<32x1024xf32, #tpu.memory_space<vmem>>[vector<16xi32>, vector<16xi32>], vector<16xf32>,
        tpu.vector_store_idx %arg12[%iota3A_248, %broadcast_in_dim3A_1155], %gather3A_1156 : memref<16x128xf32, #tpu.memory_space<vmem>>[vector<16xi32>, vector<16xi32>], vector<16xf32>,
        %dma_start3A_1157 = arith.constant 0 : i32
        %dma_start3A_1158 = arith.constant 0 : i32
        %dma_start3A_1159 = tpu.memref_slice %arg7[%dma_start3A_1157, %dma_start3A_1158] : memref<16896x128xf32, #tpu.memory_space<hbm>> -> memref<16896x128xf32, #tpu.memory_space<hbm>>
        tpu.enqueue_indirect_dma source(%arg12 : memref<16x128xf32, #tpu.memory_space<vmem>>) target(%dma_start3A_1159 : memref<16896x128xf32, #tpu.memory_space<hbm>>) offsets(%arg13 : memref<16xi32, #tpu.memory_space<vmem>>) semaphore(%arg17 : memref<!tpu.dma_semaphore, #tpu.memory_space<semaphore_mem>>)
        %dma_wait3A_1160 = arith.constant 0 : i32
        %dma_wait3A_1161 = arith.constant 0 : i32
        %dma_wait3A_1162 = tpu.memref_slice %arg7[%dma_wait3A_1160, %dma_wait3A_1161] : memref<16896x128xf32, #tpu.memory_space<hbm>> -> memref<16896x128xf32, #tpu.memory_space<hbm>>
        tpu.wait_indirect_dma semaphore(%arg17 : memref<!tpu.dma_semaphore, #tpu.memory_space<semaphore_mem>>) src(%arg12 : memref<16x128xf32, #tpu.memory_space<vmem>>) dst(%dma_wait3A_1162 : memref<16896x128xf32, #tpu.memory_space<hbm>>)
      }
      %while3A_1036 = arith.constant 1 : i32
      scf.for %while3A_1037 = %while3A_1034 to %while3A_1030 step %while3A_1036  : i32 {
        %mul3A_1038 = arith.constant 16 : i32
        %mul3A_1039 = arith.muli %while3A_1037, %mul3A_1038 : i32
        %get3A = arith.index_cast %mul3A_1039 : i32 to index
        %get3A_1040 = tpu.vector_load %arg11[%get3A] {strides = array<i32>} : memref<16400xi32, #tpu.memory_space<vmem>>, vector<16xi32>,
        %and3A = arith.constant 16383 : i32
        %and3A_1041 = vector.broadcast %and3A : i32 to vector<16xi32>
        %and3A_1042 = arith.andi %get3A_1040, %and3A_1041 : vector<16xi32>
        %mul3A_1043 = arith.constant 16 : i32
        %mul3A_1044 = arith.muli %while3A_1037, %mul3A_1043 : i32
        %add3A_1045 = vector.broadcast %mul3A_1044 : i32 to vector<16xi32>
        %add3A_1046 = arith.addi %add3A_1045, %iota3A_248 : vector<16xi32>
        %lt3A_1047 = vector.broadcast %while3A_1022 : i32 to vector<16xi32>
        %lt3A_1048 = arith.cmpi slt, %add3A_1046, %lt3A_1047 : vector<16xi32>
        %add3A_1049 = vector.broadcast %add3A_258 : i32 to vector<16xi32>
        %add3A_1050 = arith.addi %add3A_1049, %iota3A_248 : vector<16xi32>
        %select_n3A = arith.select %lt3A_1048, %and3A_1042, %add3A_1050 : vector<16xi1>, vector<16xi32>
        %swap3A = arith.constant 0 : index
        %swap3A_1051 = tpu.vector_load %arg13[%swap3A] {strides = array<i32>} : memref<16xi32, #tpu.memory_space<vmem>>, vector<16xi32>,
        tpu.vector_store %arg13[%swap3A], %select_n3A {strides = array<i32>} : memref<16xi32, #tpu.memory_space<vmem>>, vector<16xi32>,
        %shift_right_logical3A_1052 = arith.constant 14 : i32
        %shift_right_logical3A_1053 = vector.broadcast %shift_right_logical3A_1052 : i32 to vector<16xi32>
        %shift_right_logical3A_1054 = arith.shrui %get3A_1040, %shift_right_logical3A_1053 : vector<16xi32>
        %add3A_1055 = vector.broadcast %mul3A_250 : i32 to vector<16xi32>
        %add3A_1056 = arith.addi %add3A_1055, %shift_right_logical3A_1054 : vector<16xi32>
        %sub3A_1057 = vector.broadcast %mul3A_1007 : i32 to vector<16xi32>
        %sub3A_1058 = arith.subi %add3A_1056, %sub3A_1057 : vector<16xi32>
        %jit3A = arith.constant 0 : i32
        %jit3A_1059 = arith.constant 1023 : i32
        %max3A = vector.broadcast %jit3A : i32 to vector<16xi32>
        %max3A_1060 = arith.maxsi %max3A, %sub3A_1058 : vector<16xi32>
        %min3A_1061 = vector.broadcast %jit3A_1059 : i32 to vector<16xi32>
        %min3A_1062 = arith.minsi %min3A_1061, %max3A_1060 : vector<16xi32>
        %broadcast_in_dim3A = arith.constant 0 : i32
        %broadcast_in_dim3A_1063 = vector.broadcast %broadcast_in_dim3A : i32 to vector<16xi32>
        %gather3A = tpu.vector_load_idx %arg9[%broadcast_in_dim3A_1063, %min3A_1062] : memref<32x1024xf32, #tpu.memory_space<vmem>>[vector<16xi32>, vector<16xi32>], vector<16xf32>,
        tpu.vector_store_idx %arg12[%iota3A_248, %broadcast_in_dim3A_1063], %gather3A : memref<16x128xf32, #tpu.memory_space<vmem>>[vector<16xi32>, vector<16xi32>], vector<16xf32>,
        %broadcast_in_dim3A_1064 = arith.constant 1 : i32
        %broadcast_in_dim3A_1065 = vector.broadcast %broadcast_in_dim3A_1064 : i32 to vector<16xi32>
        %gather3A_1066 = tpu.vector_load_idx %arg9[%broadcast_in_dim3A_1065, %min3A_1062] : memref<32x1024xf32, #tpu.memory_space<vmem>>[vector<16xi32>, vector<16xi32>], vector<16xf32>,
        tpu.vector_store_idx %arg12[%iota3A_248, %broadcast_in_dim3A_1065], %gather3A_1066 : memref<16x128xf32, #tpu.memory_space<vmem>>[vector<16xi32>, vector<16xi32>], vector<16xf32>,
        %broadcast_in_dim3A_1067 = arith.constant 2 : i32
        %broadcast_in_dim3A_1068 = vector.broadcast %broadcast_in_dim3A_1067 : i32 to vector<16xi32>
        %gather3A_1069 = tpu.vector_load_idx %arg9[%broadcast_in_dim3A_1068, %min3A_1062] : memref<32x1024xf32, #tpu.memory_space<vmem>>[vector<16xi32>, vector<16xi32>], vector<16xf32>,
        tpu.vector_store_idx %arg12[%iota3A_248, %broadcast_in_dim3A_1068], %gather3A_1069 : memref<16x128xf32, #tpu.memory_space<vmem>>[vector<16xi32>, vector<16xi32>], vector<16xf32>,
        %broadcast_in_dim3A_1070 = arith.constant 3 : i32
        %broadcast_in_dim3A_1071 = vector.broadcast %broadcast_in_dim3A_1070 : i32 to vector<16xi32>
        %gather3A_1072 = tpu.vector_load_idx %arg9[%broadcast_in_dim3A_1071, %min3A_1062] : memref<32x1024xf32, #tpu.memory_space<vmem>>[vector<16xi32>, vector<16xi32>], vector<16xf32>,
        tpu.vector_store_idx %arg12[%iota3A_248, %broadcast_in_dim3A_1071], %gather3A_1072 : memref<16x128xf32, #tpu.memory_space<vmem>>[vector<16xi32>, vector<16xi32>], vector<16xf32>,
        %broadcast_in_dim3A_1073 = arith.constant 4 : i32
        %broadcast_in_dim3A_1074 = vector.broadcast %broadcast_in_dim3A_1073 : i32 to vector<16xi32>
        %gather3A_1075 = tpu.vector_load_idx %arg9[%broadcast_in_dim3A_1074, %min3A_1062] : memref<32x1024xf32, #tpu.memory_space<vmem>>[vector<16xi32>, vector<16xi32>], vector<16xf32>,
        tpu.vector_store_idx %arg12[%iota3A_248, %broadcast_in_dim3A_1074], %gather3A_1075 : memref<16x128xf32, #tpu.memory_space<vmem>>[vector<16xi32>, vector<16xi32>], vector<16xf32>,
        %broadcast_in_dim3A_1076 = arith.constant 5 : i32
        %broadcast_in_dim3A_1077 = vector.broadcast %broadcast_in_dim3A_1076 : i32 to vector<16xi32>
        %gather3A_1078 = tpu.vector_load_idx %arg9[%broadcast_in_dim3A_1077, %min3A_1062] : memref<32x1024xf32, #tpu.memory_space<vmem>>[vector<16xi32>, vector<16xi32>], vector<16xf32>,
        tpu.vector_store_idx %arg12[%iota3A_248, %broadcast_in_dim3A_1077], %gather3A_1078 : memref<16x128xf32, #tpu.memory_space<vmem>>[vector<16xi32>, vector<16xi32>], vector<16xf32>,
        %broadcast_in_dim3A_1079 = arith.constant 6 : i32
        %broadcast_in_dim3A_1080 = vector.broadcast %broadcast_in_dim3A_1079 : i32 to vector<16xi32>
        %gather3A_1081 = tpu.vector_load_idx %arg9[%broadcast_in_dim3A_1080, %min3A_1062] : memref<32x1024xf32, #tpu.memory_space<vmem>>[vector<16xi32>, vector<16xi32>], vector<16xf32>,
        tpu.vector_store_idx %arg12[%iota3A_248, %broadcast_in_dim3A_1080], %gather3A_1081 : memref<16x128xf32, #tpu.memory_space<vmem>>[vector<16xi32>, vector<16xi32>], vector<16xf32>,
        %broadcast_in_dim3A_1082 = arith.constant 7 : i32
        %broadcast_in_dim3A_1083 = vector.broadcast %broadcast_in_dim3A_1082 : i32 to vector<16xi32>
        %gather3A_1084 = tpu.vector_load_idx %arg9[%broadcast_in_dim3A_1083, %min3A_1062] : memref<32x1024xf32, #tpu.memory_space<vmem>>[vector<16xi32>, vector<16xi32>], vector<16xf32>,
        tpu.vector_store_idx %arg12[%iota3A_248, %broadcast_in_dim3A_1083], %gather3A_1084 : memref<16x128xf32, #tpu.memory_space<vmem>>[vector<16xi32>, vector<16xi32>], vector<16xf32>,
        %broadcast_in_dim3A_1085 = arith.constant 8 : i32
        %broadcast_in_dim3A_1086 = vector.broadcast %broadcast_in_dim3A_1085 : i32 to vector<16xi32>
        %gather3A_1087 = tpu.vector_load_idx %arg9[%broadcast_in_dim3A_1086, %min3A_1062] : memref<32x1024xf32, #tpu.memory_space<vmem>>[vector<16xi32>, vector<16xi32>], vector<16xf32>,
        tpu.vector_store_idx %arg12[%iota3A_248, %broadcast_in_dim3A_1086], %gather3A_1087 : memref<16x128xf32, #tpu.memory_space<vmem>>[vector<16xi32>, vector<16xi32>], vector<16xf32>,
        %broadcast_in_dim3A_1088 = arith.constant 9 : i32
        %broadcast_in_dim3A_1089 = vector.broadcast %broadcast_in_dim3A_1088 : i32 to vector<16xi32>
        %gather3A_1090 = tpu.vector_load_idx %arg9[%broadcast_in_dim3A_1089, %min3A_1062] : memref<32x1024xf32, #tpu.memory_space<vmem>>[vector<16xi32>, vector<16xi32>], vector<16xf32>,
        tpu.vector_store_idx %arg12[%iota3A_248, %broadcast_in_dim3A_1089], %gather3A_1090 : memref<16x128xf32, #tpu.memory_space<vmem>>[vector<16xi32>, vector<16xi32>], vector<16xf32>,
        %broadcast_in_dim3A_1091 = arith.constant 10 : i32
        %broadcast_in_dim3A_1092 = vector.broadcast %broadcast_in_dim3A_1091 : i32 to vector<16xi32>
        %gather3A_1093 = tpu.vector_load_idx %arg9[%broadcast_in_dim3A_1092, %min3A_1062] : memref<32x1024xf32, #tpu.memory_space<vmem>>[vector<16xi32>, vector<16xi32>], vector<16xf32>,
        tpu.vector_store_idx %arg12[%iota3A_248, %broadcast_in_dim3A_1092], %gather3A_1093 : memref<16x128xf32, #tpu.memory_space<vmem>>[vector<16xi32>, vector<16xi32>], vector<16xf32>,
        %broadcast_in_dim3A_1094 = arith.constant 11 : i32
        %broadcast_in_dim3A_1095 = vector.broadcast %broadcast_in_dim3A_1094 : i32 to vector<16xi32>
        %gather3A_1096 = tpu.vector_load_idx %arg9[%broadcast_in_dim3A_1095, %min3A_1062] : memref<32x1024xf32, #tpu.memory_space<vmem>>[vector<16xi32>, vector<16xi32>], vector<16xf32>,
        tpu.vector_store_idx %arg12[%iota3A_248, %broadcast_in_dim3A_1095], %gather3A_1096 : memref<16x128xf32, #tpu.memory_space<vmem>>[vector<16xi32>, vector<16xi32>], vector<16xf32>,
        %broadcast_in_dim3A_1097 = arith.constant 12 : i32
        %broadcast_in_dim3A_1098 = vector.broadcast %broadcast_in_dim3A_1097 : i32 to vector<16xi32>
        %gather3A_1099 = tpu.vector_load_idx %arg9[%broadcast_in_dim3A_1098, %min3A_1062] : memref<32x1024xf32, #tpu.memory_space<vmem>>[vector<16xi32>, vector<16xi32>], vector<16xf32>,
        tpu.vector_store_idx %arg12[%iota3A_248, %broadcast_in_dim3A_1098], %gather3A_1099 : memref<16x128xf32, #tpu.memory_space<vmem>>[vector<16xi32>, vector<16xi32>], vector<16xf32>,
        %broadcast_in_dim3A_1100 = arith.constant 13 : i32
        %broadcast_in_dim3A_1101 = vector.broadcast %broadcast_in_dim3A_1100 : i32 to vector<16xi32>
        %gather3A_1102 = tpu.vector_load_idx %arg9[%broadcast_in_dim3A_1101, %min3A_1062] : memref<32x1024xf32, #tpu.memory_space<vmem>>[vector<16xi32>, vector<16xi32>], vector<16xf32>,
        tpu.vector_store_idx %arg12[%iota3A_248, %broadcast_in_dim3A_1101], %gather3A_1102 : memref<16x128xf32, #tpu.memory_space<vmem>>[vector<16xi32>, vector<16xi32>], vector<16xf32>,
        %broadcast_in_dim3A_1103 = arith.constant 14 : i32
        %broadcast_in_dim3A_1104 = vector.broadcast %broadcast_in_dim3A_1103 : i32 to vector<16xi32>
        %gather3A_1105 = tpu.vector_load_idx %arg9[%broadcast_in_dim3A_1104, %min3A_1062] : memref<32x1024xf32, #tpu.memory_space<vmem>>[vector<16xi32>, vector<16xi32>], vector<16xf32>,
        tpu.vector_store_idx %arg12[%iota3A_248, %broadcast_in_dim3A_1104], %gather3A_1105 : memref<16x128xf32, #tpu.memory_space<vmem>>[vector<16xi32>, vector<16xi32>], vector<16xf32>,
        %broadcast_in_dim3A_1106 = arith.constant 15 : i32
        %broadcast_in_dim3A_1107 = vector.broadcast %broadcast_in_dim3A_1106 : i32 to vector<16xi32>
        %gather3A_1108 = tpu.vector_load_idx %arg9[%broadcast_in_dim3A_1107, %min3A_1062] : memref<32x1024xf32, #tpu.memory_space<vmem>>[vector<16xi32>, vector<16xi32>], vector<16xf32>,
        tpu.vector_store_idx %arg12[%iota3A_248, %broadcast_in_dim3A_1107], %gather3A_1108 : memref<16x128xf32, #tpu.memory_space<vmem>>[vector<16xi32>, vector<16xi32>], vector<16xf32>,
        %broadcast_in_dim3A_1109 = arith.constant 16 : i32
        %broadcast_in_dim3A_1110 = vector.broadcast %broadcast_in_dim3A_1109 : i32 to vector<16xi32>
        %gather3A_1111 = tpu.vector_load_idx %arg9[%broadcast_in_dim3A_1110, %min3A_1062] : memref<32x1024xf32, #tpu.memory_space<vmem>>[vector<16xi32>, vector<16xi32>], vector<16xf32>,
        tpu.vector_store_idx %arg12[%iota3A_248, %broadcast_in_dim3A_1110], %gather3A_1111 : memref<16x128xf32, #tpu.memory_space<vmem>>[vector<16xi32>, vector<16xi32>], vector<16xf32>,
        %broadcast_in_dim3A_1112 = arith.constant 17 : i32
        %broadcast_in_dim3A_1113 = vector.broadcast %broadcast_in_dim3A_1112 : i32 to vector<16xi32>
        %gather3A_1114 = tpu.vector_load_idx %arg9[%broadcast_in_dim3A_1113, %min3A_1062] : memref<32x1024xf32, #tpu.memory_space<vmem>>[vector<16xi32>, vector<16xi32>], vector<16xf32>,
        tpu.vector_store_idx %arg12[%iota3A_248, %broadcast_in_dim3A_1113], %gather3A_1114 : memref<16x128xf32, #tpu.memory_space<vmem>>[vector<16xi32>, vector<16xi32>], vector<16xf32>,
        %broadcast_in_dim3A_1115 = arith.constant 18 : i32
        %broadcast_in_dim3A_1116 = vector.broadcast %broadcast_in_dim3A_1115 : i32 to vector<16xi32>
        %gather3A_1117 = tpu.vector_load_idx %arg9[%broadcast_in_dim3A_1116, %min3A_1062] : memref<32x1024xf32, #tpu.memory_space<vmem>>[vector<16xi32>, vector<16xi32>], vector<16xf32>,
        tpu.vector_store_idx %arg12[%iota3A_248, %broadcast_in_dim3A_1116], %gather3A_1117 : memref<16x128xf32, #tpu.memory_space<vmem>>[vector<16xi32>, vector<16xi32>], vector<16xf32>,
        %broadcast_in_dim3A_1118 = arith.constant 19 : i32
        %broadcast_in_dim3A_1119 = vector.broadcast %broadcast_in_dim3A_1118 : i32 to vector<16xi32>
        %gather3A_1120 = tpu.vector_load_idx %arg9[%broadcast_in_dim3A_1119, %min3A_1062] : memref<32x1024xf32, #tpu.memory_space<vmem>>[vector<16xi32>, vector<16xi32>], vector<16xf32>,
        tpu.vector_store_idx %arg12[%iota3A_248, %broadcast_in_dim3A_1119], %gather3A_1120 : memref<16x128xf32, #tpu.memory_space<vmem>>[vector<16xi32>, vector<16xi32>], vector<16xf32>,
        %broadcast_in_dim3A_1121 = arith.constant 20 : i32
        %broadcast_in_dim3A_1122 = vector.broadcast %broadcast_in_dim3A_1121 : i32 to vector<16xi32>
        %gather3A_1123 = tpu.vector_load_idx %arg9[%broadcast_in_dim3A_1122, %min3A_1062] : memref<32x1024xf32, #tpu.memory_space<vmem>>[vector<16xi32>, vector<16xi32>], vector<16xf32>,
        tpu.vector_store_idx %arg12[%iota3A_248, %broadcast_in_dim3A_1122], %gather3A_1123 : memref<16x128xf32, #tpu.memory_space<vmem>>[vector<16xi32>, vector<16xi32>], vector<16xf32>,
        %broadcast_in_dim3A_1124 = arith.constant 21 : i32
        %broadcast_in_dim3A_1125 = vector.broadcast %broadcast_in_dim3A_1124 : i32 to vector<16xi32>
        %gather3A_1126 = tpu.vector_load_idx %arg9[%broadcast_in_dim3A_1125, %min3A_1062] : memref<32x1024xf32, #tpu.memory_space<vmem>>[vector<16xi32>, vector<16xi32>], vector<16xf32>,
        tpu.vector_store_idx %arg12[%iota3A_248, %broadcast_in_dim3A_1125], %gather3A_1126 : memref<16x128xf32, #tpu.memory_space<vmem>>[vector<16xi32>, vector<16xi32>], vector<16xf32>,
        %broadcast_in_dim3A_1127 = arith.constant 22 : i32
        %broadcast_in_dim3A_1128 = vector.broadcast %broadcast_in_dim3A_1127 : i32 to vector<16xi32>
        %gather3A_1129 = tpu.vector_load_idx %arg9[%broadcast_in_dim3A_1128, %min3A_1062] : memref<32x1024xf32, #tpu.memory_space<vmem>>[vector<16xi32>, vector<16xi32>], vector<16xf32>,
        tpu.vector_store_idx %arg12[%iota3A_248, %broadcast_in_dim3A_1128], %gather3A_1129 : memref<16x128xf32, #tpu.memory_space<vmem>>[vector<16xi32>, vector<16xi32>], vector<16xf32>,
        %broadcast_in_dim3A_1130 = arith.constant 23 : i32
        %broadcast_in_dim3A_1131 = vector.broadcast %broadcast_in_dim3A_1130 : i32 to vector<16xi32>
        %gather3A_1132 = tpu.vector_load_idx %arg9[%broadcast_in_dim3A_1131, %min3A_1062] : memref<32x1024xf32, #tpu.memory_space<vmem>>[vector<16xi32>, vector<16xi32>], vector<16xf32>,
        tpu.vector_store_idx %arg12[%iota3A_248, %broadcast_in_dim3A_1131], %gather3A_1132 : memref<16x128xf32, #tpu.memory_space<vmem>>[vector<16xi32>, vector<16xi32>], vector<16xf32>,
        %broadcast_in_dim3A_1133 = arith.constant 24 : i32
        %broadcast_in_dim3A_1134 = vector.broadcast %broadcast_in_dim3A_1133 : i32 to vector<16xi32>
        %gather3A_1135 = tpu.vector_load_idx %arg9[%broadcast_in_dim3A_1134, %min3A_1062] : memref<32x1024xf32, #tpu.memory_space<vmem>>[vector<16xi32>, vector<16xi32>], vector<16xf32>,
        tpu.vector_store_idx %arg12[%iota3A_248, %broadcast_in_dim3A_1134], %gather3A_1135 : memref<16x128xf32, #tpu.memory_space<vmem>>[vector<16xi32>, vector<16xi32>], vector<16xf32>,
        %broadcast_in_dim3A_1136 = arith.constant 25 : i32
        %broadcast_in_dim3A_1137 = vector.broadcast %broadcast_in_dim3A_1136 : i32 to vector<16xi32>
        %gather3A_1138 = tpu.vector_load_idx %arg9[%broadcast_in_dim3A_1137, %min3A_1062] : memref<32x1024xf32, #tpu.memory_space<vmem>>[vector<16xi32>, vector<16xi32>], vector<16xf32>,
        tpu.vector_store_idx %arg12[%iota3A_248, %broadcast_in_dim3A_1137], %gather3A_1138 : memref<16x128xf32, #tpu.memory_space<vmem>>[vector<16xi32>, vector<16xi32>], vector<16xf32>,
        %broadcast_in_dim3A_1139 = arith.constant 26 : i32
        %broadcast_in_dim3A_1140 = vector.broadcast %broadcast_in_dim3A_1139 : i32 to vector<16xi32>
        %gather3A_1141 = tpu.vector_load_idx %arg9[%broadcast_in_dim3A_1140, %min3A_1062] : memref<32x1024xf32, #tpu.memory_space<vmem>>[vector<16xi32>, vector<16xi32>], vector<16xf32>,
        tpu.vector_store_idx %arg12[%iota3A_248, %broadcast_in_dim3A_1140], %gather3A_1141 : memref<16x128xf32, #tpu.memory_space<vmem>>[vector<16xi32>, vector<16xi32>], vector<16xf32>,
        %broadcast_in_dim3A_1142 = arith.constant 27 : i32
        %broadcast_in_dim3A_1143 = vector.broadcast %broadcast_in_dim3A_1142 : i32 to vector<16xi32>
        %gather3A_1144 = tpu.vector_load_idx %arg9[%broadcast_in_dim3A_1143, %min3A_1062] : memref<32x1024xf32, #tpu.memory_space<vmem>>[vector<16xi32>, vector<16xi32>], vector<16xf32>,
        tpu.vector_store_idx %arg12[%iota3A_248, %broadcast_in_dim3A_1143], %gather3A_1144 : memref<16x128xf32, #tpu.memory_space<vmem>>[vector<16xi32>, vector<16xi32>], vector<16xf32>,
        %broadcast_in_dim3A_1145 = arith.constant 28 : i32
        %broadcast_in_dim3A_1146 = vector.broadcast %broadcast_in_dim3A_1145 : i32 to vector<16xi32>
        %gather3A_1147 = tpu.vector_load_idx %arg9[%broadcast_in_dim3A_1146, %min3A_1062] : memref<32x1024xf32, #tpu.memory_space<vmem>>[vector<16xi32>, vector<16xi32>], vector<16xf32>,
        tpu.vector_store_idx %arg12[%iota3A_248, %broadcast_in_dim3A_1146], %gather3A_1147 : memref<16x128xf32, #tpu.memory_space<vmem>>[vector<16xi32>, vector<16xi32>], vector<16xf32>,
        %broadcast_in_dim3A_1148 = arith.constant 29 : i32
        %broadcast_in_dim3A_1149 = vector.broadcast %broadcast_in_dim3A_1148 : i32 to vector<16xi32>
        %gather3A_1150 = tpu.vector_load_idx %arg9[%broadcast_in_dim3A_1149, %min3A_1062] : memref<32x1024xf32, #tpu.memory_space<vmem>>[vector<16xi32>, vector<16xi32>], vector<16xf32>,
        tpu.vector_store_idx %arg12[%iota3A_248, %broadcast_in_dim3A_1149], %gather3A_1150 : memref<16x128xf32, #tpu.memory_space<vmem>>[vector<16xi32>, vector<16xi32>], vector<16xf32>,
        %broadcast_in_dim3A_1151 = arith.constant 30 : i32
        %broadcast_in_dim3A_1152 = vector.broadcast %broadcast_in_dim3A_1151 : i32 to vector<16xi32>
        %gather3A_1153 = tpu.vector_load_idx %arg9[%broadcast_in_dim3A_1152, %min3A_1062] : memref<32x1024xf32, #tpu.memory_space<vmem>>[vector<16xi32>, vector<16xi32>], vector<16xf32>,
        tpu.vector_store_idx %arg12[%iota3A_248, %broadcast_in_dim3A_1152], %gather3A_1153 : memref<16x128xf32, #tpu.memory_space<vmem>>[vector<16xi32>, vector<16xi32>], vector<16xf32>,
        %broadcast_in_dim3A_1154 = arith.constant 31 : i32
        %broadcast_in_dim3A_1155 = vector.broadcast %broadcast_in_dim3A_1154 : i32 to vector<16xi32>
        %gather3A_1156 = tpu.vector_load_idx %arg9[%broadcast_in_dim3A_1155, %min3A_1062] : memref<32x1024xf32, #tpu.memory_space<vmem>>[vector<16xi32>, vector<16xi32>], vector<16xf32>,
        tpu.vector_store_idx %arg12[%iota3A_248, %broadcast_in_dim3A_1155], %gather3A_1156 : memref<16x128xf32, #tpu.memory_space<vmem>>[vector<16xi32>, vector<16xi32>], vector<16xf32>,
        %dma_start3A_1157 = arith.constant 0 : i32
        %dma_start3A_1158 = arith.constant 0 : i32
        %dma_start3A_1159 = tpu.memref_slice %arg7[%dma_start3A_1157, %dma_start3A_1158] : memref<16896x128xf32, #tpu.memory_space<hbm>> -> memref<16896x128xf32, #tpu.memory_space<hbm>>
        tpu.enqueue_indirect_dma source(%arg12 : memref<16x128xf32, #tpu.memory_space<vmem>>) target(%dma_start3A_1159 : memref<16896x128xf32, #tpu.memory_space<hbm>>) offsets(%arg13 : memref<16xi32, #tpu.memory_space<vmem>>) semaphore(%arg17 : memref<!tpu.dma_semaphore, #tpu.memory_space<semaphore_mem>>)
        %dma_wait3A_1160 = arith.constant 0 : i32
        %dma_wait3A_1161 = arith.constant 0 : i32
        %dma_wait3A_1162 = tpu.memref_slice %arg7[%dma_wait3A_1160, %dma_wait3A_1161] : memref<16896x128xf32, #tpu.memory_space<hbm>> -> memref<16896x128xf32, #tpu.memory_space<hbm>>
        tpu.wait_indirect_dma semaphore(%arg17 : memref<!tpu.dma_semaphore, #tpu.memory_space<semaphore_mem>>) src(%arg12 : memref<16x128xf32, #tpu.memory_space<vmem>>) dst(%dma_wait3A_1162 : memref<16896x128xf32, #tpu.memory_space<hbm>>)
      }
    }
    %scan3A_399 = arith.constant 2 : i32
    %dma_wait3A_400 = arith.constant 0 : i32
    %dma_wait3A_401 = arith.constant 0 : i32
    %dma_wait3A_402 = tpu.memref_slice %arg8[%dma_wait3A_400, %dma_wait3A_401] : memref<32x1024xf32, #tpu.memory_space<vmem>> -> memref<32x128xf32, #tpu.memory_space<vmem>>
    %dma_wait3A_403 = arith.constant 0 : i32
    %dma_wait3A_404 = arith.constant 0 : i32
    %dma_wait3A_405 = tpu.memref_slice %arg5[%dma_wait3A_403, %dma_wait3A_404] : memref<32x100000xf32, #tpu.memory_space<hbm>> -> memref<32x128xf32, #tpu.memory_space<hbm>>
    %dma_wait3A_406 = arith.constant 0 : i32
    %dma_wait3A_407 = arith.constant 0 : i32
    %dma_wait3A_408 = tpu.memref_slice %arg8[%dma_wait3A_406, %dma_wait3A_407] : memref<32x1024xf32, #tpu.memory_space<vmem>> -> memref<32x128xf32, #tpu.memory_space<vmem>>
    %dma_wait3A_409 = arith.constant 0 : i32
    %dma_wait3A_410 = arith.constant 0 : i32
    %dma_wait3A_411 = tpu.memref_slice %arg5[%dma_wait3A_409, %dma_wait3A_410] : memref<32x100000xf32, #tpu.memory_space<hbm>> -> memref<32x128xf32, #tpu.memory_space<hbm>>
    tpu.wait_dma2 semaphore(%arg15 : memref<!tpu.dma_semaphore, #tpu.memory_space<semaphore_mem>>) src(%dma_wait3A_411 : memref<32x128xf32, #tpu.memory_space<hbm>>) dst(%dma_wait3A_408 : memref<32x128xf32, #tpu.memory_space<vmem>>)
    %dma_wait3A_412 = arith.constant 0 : i32
    %dma_wait3A_413 = arith.constant 128 : i32
    %dma_wait3A_414 = tpu.memref_slice %arg8[%dma_wait3A_412, %dma_wait3A_413] : memref<32x1024xf32, #tpu.memory_space<vmem>> -> memref<32x128xf32, #tpu.memory_space<vmem>>
    %dma_wait3A_415 = arith.constant 0 : i32
    %dma_wait3A_416 = arith.constant 0 : i32
    %dma_wait3A_417 = tpu.memref_slice %arg5[%dma_wait3A_415, %dma_wait3A_416] : memref<32x100000xf32, #tpu.memory_space<hbm>> -> memref<32x128xf32, #tpu.memory_space<hbm>>
    %dma_wait3A_418 = arith.constant 0 : i32
    %dma_wait3A_419 = arith.constant 128 : i32
    %dma_wait3A_420 = tpu.memref_slice %arg8[%dma_wait3A_418, %dma_wait3A_419] : memref<32x1024xf32, #tpu.memory_space<vmem>> -> memref<32x128xf32, #tpu.memory_space<vmem>>
    %dma_wait3A_421 = arith.constant 0 : i32
    %dma_wait3A_422 = arith.constant 0 : i32
    %dma_wait3A_423 = tpu.memref_slice %arg5[%dma_wait3A_421, %dma_wait3A_422] : memref<32x100000xf32, #tpu.memory_space<hbm>> -> memref<32x128xf32, #tpu.memory_space<hbm>>
    tpu.wait_dma2 semaphore(%arg15 : memref<!tpu.dma_semaphore, #tpu.memory_space<semaphore_mem>>) src(%dma_wait3A_423 : memref<32x128xf32, #tpu.memory_space<hbm>>) dst(%dma_wait3A_420 : memref<32x128xf32, #tpu.memory_space<vmem>>)
    %dma_wait3A_424 = arith.constant 0 : i32
    %dma_wait3A_425 = arith.constant 256 : i32
    %dma_wait3A_426 = tpu.memref_slice %arg8[%dma_wait3A_424, %dma_wait3A_425] : memref<32x1024xf32, #tpu.memory_space<vmem>> -> memref<32x128xf32, #tpu.memory_space<vmem>>
    %dma_wait3A_427 = arith.constant 0 : i32
    %dma_wait3A_428 = arith.constant 0 : i32
    %dma_wait3A_429 = tpu.memref_slice %arg5[%dma_wait3A_427, %dma_wait3A_428] : memref<32x100000xf32, #tpu.memory_space<hbm>> -> memref<32x128xf32, #tpu.memory_space<hbm>>
    %dma_wait3A_430 = arith.constant 0 : i32
    %dma_wait3A_431 = arith.constant 256 : i32
    %dma_wait3A_432 = tpu.memref_slice %arg8[%dma_wait3A_430, %dma_wait3A_431] : memref<32x1024xf32, #tpu.memory_space<vmem>> -> memref<32x128xf32, #tpu.memory_space<vmem>>
    %dma_wait3A_433 = arith.constant 0 : i32
    %dma_wait3A_434 = arith.constant 0 : i32
    %dma_wait3A_435 = tpu.memref_slice %arg5[%dma_wait3A_433, %dma_wait3A_434] : memref<32x100000xf32, #tpu.memory_space<hbm>> -> memref<32x128xf32, #tpu.memory_space<hbm>>
    tpu.wait_dma2 semaphore(%arg15 : memref<!tpu.dma_semaphore, #tpu.memory_space<semaphore_mem>>) src(%dma_wait3A_435 : memref<32x128xf32, #tpu.memory_space<hbm>>) dst(%dma_wait3A_432 : memref<32x128xf32, #tpu.memory_space<vmem>>)
    %dma_wait3A_436 = arith.constant 0 : i32
    %dma_wait3A_437 = arith.constant 384 : i32
    %dma_wait3A_438 = tpu.memref_slice %arg8[%dma_wait3A_436, %dma_wait3A_437] : memref<32x1024xf32, #tpu.memory_space<vmem>> -> memref<32x128xf32, #tpu.memory_space<vmem>>
    %dma_wait3A_439 = arith.constant 0 : i32
    %dma_wait3A_440 = arith.constant 0 : i32
    %dma_wait3A_441 = tpu.memref_slice %arg5[%dma_wait3A_439, %dma_wait3A_440] : memref<32x100000xf32, #tpu.memory_space<hbm>> -> memref<32x128xf32, #tpu.memory_space<hbm>>
    %dma_wait3A_442 = arith.constant 0 : i32
    %dma_wait3A_443 = arith.constant 384 : i32
    %dma_wait3A_444 = tpu.memref_slice %arg8[%dma_wait3A_442, %dma_wait3A_443] : memref<32x1024xf32, #tpu.memory_space<vmem>> -> memref<32x128xf32, #tpu.memory_space<vmem>>
    %dma_wait3A_445 = arith.constant 0 : i32
    %dma_wait3A_446 = arith.constant 0 : i32
    %dma_wait3A_447 = tpu.memref_slice %arg5[%dma_wait3A_445, %dma_wait3A_446] : memref<32x100000xf32, #tpu.memory_space<hbm>> -> memref<32x128xf32, #tpu.memory_space<hbm>>
    tpu.wait_dma2 semaphore(%arg15 : memref<!tpu.dma_semaphore, #tpu.memory_space<semaphore_mem>>) src(%dma_wait3A_447 : memref<32x128xf32, #tpu.memory_space<hbm>>) dst(%dma_wait3A_444 : memref<32x128xf32, #tpu.memory_space<vmem>>)
    %dma_wait3A_448 = arith.constant 0 : i32
    %dma_wait3A_449 = arith.constant 512 : i32
    %dma_wait3A_450 = tpu.memref_slice %arg8[%dma_wait3A_448, %dma_wait3A_449] : memref<32x1024xf32, #tpu.memory_space<vmem>> -> memref<32x128xf32, #tpu.memory_space<vmem>>
    %dma_wait3A_451 = arith.constant 0 : i32
    %dma_wait3A_452 = arith.constant 0 : i32
    %dma_wait3A_453 = tpu.memref_slice %arg5[%dma_wait3A_451, %dma_wait3A_452] : memref<32x100000xf32, #tpu.memory_space<hbm>> -> memref<32x128xf32, #tpu.memory_space<hbm>>
    %dma_wait3A_454 = arith.constant 0 : i32
    %dma_wait3A_455 = arith.constant 512 : i32
    %dma_wait3A_456 = tpu.memref_slice %arg8[%dma_wait3A_454, %dma_wait3A_455] : memref<32x1024xf32, #tpu.memory_space<vmem>> -> memref<32x128xf32, #tpu.memory_space<vmem>>
    %dma_wait3A_457 = arith.constant 0 : i32
    %dma_wait3A_458 = arith.constant 0 : i32
    %dma_wait3A_459 = tpu.memref_slice %arg5[%dma_wait3A_457, %dma_wait3A_458] : memref<32x100000xf32, #tpu.memory_space<hbm>> -> memref<32x128xf32, #tpu.memory_space<hbm>>
    tpu.wait_dma2 semaphore(%arg15 : memref<!tpu.dma_semaphore, #tpu.memory_space<semaphore_mem>>) src(%dma_wait3A_459 : memref<32x128xf32, #tpu.memory_space<hbm>>) dst(%dma_wait3A_456 : memref<32x128xf32, #tpu.memory_space<vmem>>)
    %dma_wait3A_460 = arith.constant 0 : i32
    %dma_wait3A_461 = arith.constant 640 : i32
    %dma_wait3A_462 = tpu.memref_slice %arg8[%dma_wait3A_460, %dma_wait3A_461] : memref<32x1024xf32, #tpu.memory_space<vmem>> -> memref<32x128xf32, #tpu.memory_space<vmem>>
    %dma_wait3A_463 = arith.constant 0 : i32
    %dma_wait3A_464 = arith.constant 0 : i32
    %dma_wait3A_465 = tpu.memref_slice %arg5[%dma_wait3A_463, %dma_wait3A_464] : memref<32x100000xf32, #tpu.memory_space<hbm>> -> memref<32x128xf32, #tpu.memory_space<hbm>>
    %dma_wait3A_466 = arith.constant 0 : i32
    %dma_wait3A_467 = arith.constant 640 : i32
    %dma_wait3A_468 = tpu.memref_slice %arg8[%dma_wait3A_466, %dma_wait3A_467] : memref<32x1024xf32, #tpu.memory_space<vmem>> -> memref<32x128xf32, #tpu.memory_space<vmem>>
    %dma_wait3A_469 = arith.constant 0 : i32
    %dma_wait3A_470 = arith.constant 0 : i32
    %dma_wait3A_471 = tpu.memref_slice %arg5[%dma_wait3A_469, %dma_wait3A_470] : memref<32x100000xf32, #tpu.memory_space<hbm>> -> memref<32x128xf32, #tpu.memory_space<hbm>>
    tpu.wait_dma2 semaphore(%arg15 : memref<!tpu.dma_semaphore, #tpu.memory_space<semaphore_mem>>) src(%dma_wait3A_471 : memref<32x128xf32, #tpu.memory_space<hbm>>) dst(%dma_wait3A_468 : memref<32x128xf32, #tpu.memory_space<vmem>>)
    %dma_wait3A_472 = arith.constant 0 : i32
    %dma_wait3A_473 = arith.constant 768 : i32
    %dma_wait3A_474 = tpu.memref_slice %arg8[%dma_wait3A_472, %dma_wait3A_473] : memref<32x1024xf32, #tpu.memory_space<vmem>> -> memref<32x128xf32, #tpu.memory_space<vmem>>
    %dma_wait3A_475 = arith.constant 0 : i32
    %dma_wait3A_476 = arith.constant 0 : i32
    %dma_wait3A_477 = tpu.memref_slice %arg5[%dma_wait3A_475, %dma_wait3A_476] : memref<32x100000xf32, #tpu.memory_space<hbm>> -> memref<32x128xf32, #tpu.memory_space<hbm>>
    %dma_wait3A_478 = arith.constant 0 : i32
    %dma_wait3A_479 = arith.constant 768 : i32
    %dma_wait3A_480 = tpu.memref_slice %arg8[%dma_wait3A_478, %dma_wait3A_479] : memref<32x1024xf32, #tpu.memory_space<vmem>> -> memref<32x128xf32, #tpu.memory_space<vmem>>
    %dma_wait3A_481 = arith.constant 0 : i32
    %dma_wait3A_482 = arith.constant 0 : i32
    %dma_wait3A_483 = tpu.memref_slice %arg5[%dma_wait3A_481, %dma_wait3A_482] : memref<32x100000xf32, #tpu.memory_space<hbm>> -> memref<32x128xf32, #tpu.memory_space<hbm>>
    tpu.wait_dma2 semaphore(%arg15 : memref<!tpu.dma_semaphore, #tpu.memory_space<semaphore_mem>>) src(%dma_wait3A_483 : memref<32x128xf32, #tpu.memory_space<hbm>>) dst(%dma_wait3A_480 : memref<32x128xf32, #tpu.memory_space<vmem>>)
    %dma_wait3A_484 = arith.constant 0 : i32
    %dma_wait3A_485 = arith.constant 896 : i32
    %dma_wait3A_486 = tpu.memref_slice %arg8[%dma_wait3A_484, %dma_wait3A_485] : memref<32x1024xf32, #tpu.memory_space<vmem>> -> memref<32x128xf32, #tpu.memory_space<vmem>>
    %dma_wait3A_487 = arith.constant 0 : i32
    %dma_wait3A_488 = arith.constant 0 : i32
    %dma_wait3A_489 = tpu.memref_slice %arg5[%dma_wait3A_487, %dma_wait3A_488] : memref<32x100000xf32, #tpu.memory_space<hbm>> -> memref<32x128xf32, #tpu.memory_space<hbm>>
    %dma_wait3A_490 = arith.constant 0 : i32
    %dma_wait3A_491 = arith.constant 896 : i32
    %dma_wait3A_492 = tpu.memref_slice %arg8[%dma_wait3A_490, %dma_wait3A_491] : memref<32x1024xf32, #tpu.memory_space<vmem>> -> memref<32x128xf32, #tpu.memory_space<vmem>>
    %dma_wait3A_493 = arith.constant 0 : i32
    %dma_wait3A_494 = arith.constant 0 : i32
    %dma_wait3A_495 = tpu.memref_slice %arg5[%dma_wait3A_493, %dma_wait3A_494] : memref<32x100000xf32, #tpu.memory_space<hbm>> -> memref<32x128xf32, #tpu.memory_space<hbm>>
    tpu.wait_dma2 semaphore(%arg15 : memref<!tpu.dma_semaphore, #tpu.memory_space<semaphore_mem>>) src(%dma_wait3A_495 : memref<32x128xf32, #tpu.memory_space<hbm>>) dst(%dma_wait3A_492 : memref<32x128xf32, #tpu.memory_space<vmem>>)
    return
  }
}

module attributes {stable_mosaic.version = 14 : i64} {
  func.func @_mlp_body(%arg0: i32, %arg1: memref<2048x128xf32, #tpu.memory_space<vmem>>, %arg2: memref<2048x128xf32, #tpu.memory_space<vmem>>, %arg3: memref<2048x1xi32, #tpu.memory_space<vmem>>, %arg4: memref<2048x1xi32, #tpu.memory_space<vmem>>, %arg5: memref<64x32xf32, #tpu.memory_space<vmem>>, %arg6: memref<32x32xf32, #tpu.memory_space<vmem>>, %arg7: memref<32x64xf32, #tpu.memory_space<vmem>>, %arg8: memref<32x64xf32, #tpu.memory_space<vmem>>, %arg9: memref<1x64xf32, #tpu.memory_space<vmem>>, %arg10: memref<64x1xf32, #tpu.memory_space<vmem>>, %arg11: memref<1x1xf32, #tpu.memory_space<vmem>>, %arg12: memref<2048x1xf32, #tpu.memory_space<vmem>>) attributes {dimension_semantics = [#tpu.dimension_semantics<arbitrary>], iteration_bounds = array<i64: 8>, scalar_prefetch = 0 : i64, scratch_operands = 0 : i64, tpu.core_type = #tpu.core_type<tc>, window_params = [{transform_indices = @transform_0, window_bounds = array<i64: 2048, 128>}, {transform_indices = @transform_1, window_bounds = array<i64: 2048, 128>}, {transform_indices = @transform_2, window_bounds = array<i64: 2048, 1>}, {transform_indices = @transform_3, window_bounds = array<i64: 2048, 1>}, {pipeline_mode = #tpu.pipeline_mode<synchronous>, transform_indices = @transform_4, window_bounds = array<i64: 64, 32>}, {pipeline_mode = #tpu.pipeline_mode<synchronous>, transform_indices = @transform_5, window_bounds = array<i64: 32, 32>}, {pipeline_mode = #tpu.pipeline_mode<synchronous>, transform_indices = @transform_6, window_bounds = array<i64: 32, 64>}, {pipeline_mode = #tpu.pipeline_mode<synchronous>, transform_indices = @transform_7, window_bounds = array<i64: 32, 64>}, {pipeline_mode = #tpu.pipeline_mode<synchronous>, transform_indices = @transform_8, window_bounds = array<i64: 1, 64>}, {pipeline_mode = #tpu.pipeline_mode<synchronous>, transform_indices = @transform_9, window_bounds = array<i64: 64, 1>}, {pipeline_mode = #tpu.pipeline_mode<synchronous>, transform_indices = @transform_10, window_bounds = array<i64: 1, 1>}, {transform_indices = @transform_11, window_bounds = array<i64: 2048, 1>}]} {
    %get3A = arith.constant 0 : index
    %get3A_0 = arith.constant 0 : index
    %get3A_1 = vector.load %arg1[%get3A, %get3A_0] : memref<2048x128xf32, #tpu.memory_space<vmem>>, vector<2048x32xf32>
    %get3A_2 = arith.constant 0 : index
    %get3A_3 = arith.constant 0 : index
    %get3A_4 = vector.load %arg2[%get3A_2, %get3A_3] : memref<2048x128xf32, #tpu.memory_space<vmem>>, vector<2048x32xf32>
    %get3A_5 = arith.constant 0 : index
    %get3A_6 = arith.constant 0 : index
    %get3A_7 = vector.load %arg3[%get3A_5, %get3A_6] : memref<2048x1xi32, #tpu.memory_space<vmem>>, vector<2048x1xi32>
    %get3A_8 = arith.constant 0 : index
    %get3A_9 = arith.constant 0 : index
    %get3A_10 = vector.load %arg4[%get3A_8, %get3A_9] : memref<2048x1xi32, #tpu.memory_space<vmem>>, vector<2048x1xi32>
    %sub3A = arith.constant 999936 : i32
    %sub3A_11 = vector.broadcast %sub3A : i32 to vector<2048x1xi32>
    %sub3A_12 = arith.subi %get3A_7, %sub3A_11 : vector<2048x1xi32>
    %iota3A = tpu.iota {dimensions = array<i32: 1>} : vector<1x64xi32>
    %eq3A = vector.broadcast %sub3A_12 : vector<2048x1xi32> to vector<2048x64xi32>
    %eq3A_13 = vector.broadcast %iota3A : vector<1x64xi32> to vector<2048x64xi32>
    %eq3A_14 = arith.cmpi eq, %eq3A, %eq3A_13 : vector<2048x64xi32>
    %convert_element_type3A = arith.extui %eq3A_14 : vector<2048x64xi1> to vector<2048x64xi32>
    %convert_element_type3A_15 = arith.sitofp %convert_element_type3A : vector<2048x64xi32> to vector<2048x64xf32>
    %ge3A = arith.constant 999936 : i32
    %ge3A_16 = vector.broadcast %ge3A : i32 to vector<2048x1xi32>
    %ge3A_17 = arith.cmpi sge, %get3A_7, %ge3A_16 : vector<2048x1xi32>
    %jit3A = arith.constant 0.000000e+00 : f32
    %broadcast_in_dim3A = vector.shape_cast %ge3A_17 : vector<2048x1xi1> to vector<2048x1xi1>
    %broadcast_in_dim3A_18 = vector.broadcast %broadcast_in_dim3A : vector<2048x1xi1> to vector<2048x32xi1>
    %broadcast_in_dim3A_19 = vector.broadcast %jit3A : f32 to vector<2048x32xf32>
    %select_n3A = arith.select %broadcast_in_dim3A_18, %broadcast_in_dim3A_19, %get3A_1 : vector<2048x32xi1>, vector<2048x32xf32>
    %get3A_20 = arith.constant 0 : index
    %get3A_21 = arith.constant 0 : index
    %get3A_22 = vector.load %arg5[%get3A_20, %get3A_21] : memref<64x32xf32, #tpu.memory_space<vmem>>, vector<64x32xf32>
    %dot_general3A = arith.constant dense<0.000000e+00> : vector<2048x32xf32>
    %dot_general3A_23 = tpu.matmul %convert_element_type3A_15, %get3A_22, %dot_general3A {dimension_numbers = #tpu.dot_dimension_numbers<[1], [0], [0], [1], [0, 0, 1, 1], [], []>, transpose_lhs_hint = false} : vector<2048x64xf32>, vector<64x32xf32>, vector<2048x32xf32> -> vector<2048x32xf32>
    %add3A = arith.addf %select_n3A, %dot_general3A_23 : vector<2048x32xf32>
    %sub3A_24 = arith.constant 99968 : i32
    %sub3A_25 = vector.broadcast %sub3A_24 : i32 to vector<2048x1xi32>
    %sub3A_26 = arith.subi %get3A_10, %sub3A_25 : vector<2048x1xi32>
    %iota3A_27 = tpu.iota {dimensions = array<i32: 1>} : vector<1x32xi32>
    %eq3A_28 = vector.broadcast %sub3A_26 : vector<2048x1xi32> to vector<2048x32xi32>
    %eq3A_29 = vector.broadcast %iota3A_27 : vector<1x32xi32> to vector<2048x32xi32>
    %eq3A_30 = arith.cmpi eq, %eq3A_28, %eq3A_29 : vector<2048x32xi32>
    %convert_element_type3A_31 = arith.extui %eq3A_30 : vector<2048x32xi1> to vector<2048x32xi32>
    %convert_element_type3A_32 = arith.sitofp %convert_element_type3A_31 : vector<2048x32xi32> to vector<2048x32xf32>
    %ge3A_33 = arith.constant 99968 : i32
    %ge3A_34 = vector.broadcast %ge3A_33 : i32 to vector<2048x1xi32>
    %ge3A_35 = arith.cmpi sge, %get3A_10, %ge3A_34 : vector<2048x1xi32>
    %jit3A_36 = arith.constant 0.000000e+00 : f32
    %broadcast_in_dim3A_37 = vector.shape_cast %ge3A_35 : vector<2048x1xi1> to vector<2048x1xi1>
    %broadcast_in_dim3A_38 = vector.broadcast %broadcast_in_dim3A_37 : vector<2048x1xi1> to vector<2048x32xi1>
    %broadcast_in_dim3A_39 = vector.broadcast %jit3A_36 : f32 to vector<2048x32xf32>
    %select_n3A_40 = arith.select %broadcast_in_dim3A_38, %broadcast_in_dim3A_39, %get3A_4 : vector<2048x32xi1>, vector<2048x32xf32>
    %get3A_41 = arith.constant 0 : index
    %get3A_42 = arith.constant 0 : index
    %get3A_43 = vector.load %arg6[%get3A_41, %get3A_42] : memref<32x32xf32, #tpu.memory_space<vmem>>, vector<32x32xf32>
    %dot_general3A_44 = arith.constant dense<0.000000e+00> : vector<2048x32xf32>
    %dot_general3A_45 = tpu.matmul %convert_element_type3A_32, %get3A_43, %dot_general3A_44 {dimension_numbers = #tpu.dot_dimension_numbers<[1], [0], [0], [1], [0, 0, 1, 1], [], []>, transpose_lhs_hint = false} : vector<2048x32xf32>, vector<32x32xf32>, vector<2048x32xf32> -> vector<2048x32xf32>
    %add3A_46 = arith.addf %select_n3A_40, %dot_general3A_45 : vector<2048x32xf32>
    %get3A_47 = arith.constant 0 : index
    %get3A_48 = arith.constant 0 : index
    %get3A_49 = vector.load %arg7[%get3A_47, %get3A_48] : memref<32x64xf32, #tpu.memory_space<vmem>>, vector<32x64xf32>
    %dot_general3A_50 = arith.constant dense<0.000000e+00> : vector<2048x64xf32>
    %dot_general3A_51 = tpu.matmul %add3A, %get3A_49, %dot_general3A_50 {dimension_numbers = #tpu.dot_dimension_numbers<[1], [0], [0], [1], [0, 0, 1, 1], [], []>, transpose_lhs_hint = false} : vector<2048x32xf32>, vector<32x64xf32>, vector<2048x64xf32> -> vector<2048x64xf32>
    %get3A_52 = arith.constant 0 : index
    %get3A_53 = arith.constant 0 : index
    %get3A_54 = vector.load %arg8[%get3A_52, %get3A_53] : memref<32x64xf32, #tpu.memory_space<vmem>>, vector<32x64xf32>
    %dot_general3A_55 = arith.constant dense<0.000000e+00> : vector<2048x64xf32>
    %dot_general3A_56 = tpu.matmul %add3A_46, %get3A_54, %dot_general3A_55 {dimension_numbers = #tpu.dot_dimension_numbers<[1], [0], [0], [1], [0, 0, 1, 1], [], []>, transpose_lhs_hint = false} : vector<2048x32xf32>, vector<32x64xf32>, vector<2048x64xf32> -> vector<2048x64xf32>
    %add3A_57 = arith.addf %dot_general3A_51, %dot_general3A_56 : vector<2048x64xf32>
    %get3A_58 = arith.constant 0 : index
    %get3A_59 = arith.constant 0 : index
    %get3A_60 = vector.load %arg9[%get3A_58, %get3A_59] : memref<1x64xf32, #tpu.memory_space<vmem>>, vector<1x64xf32>
    %add3A_61 = vector.broadcast %get3A_60 : vector<1x64xf32> to vector<2048x64xf32>
    %add3A_62 = arith.addf %add3A_57, %add3A_61 : vector<2048x64xf32>
    %max3A = arith.constant 0.000000e+00 : f32
    %max3A_63 = vector.broadcast %max3A : f32 to vector<2048x64xf32>
    %max3A_64 = arith.maximumf %add3A_62, %max3A_63 : vector<2048x64xf32>
    %get3A_65 = arith.constant 0 : index
    %get3A_66 = arith.constant 0 : index
    %get3A_67 = vector.load %arg10[%get3A_65, %get3A_66] : memref<64x1xf32, #tpu.memory_space<vmem>>, vector<64x1xf32>
    %dot_general3A_68 = arith.constant dense<0.000000e+00> : vector<2048x1xf32>
    %dot_general3A_69 = tpu.matmul %max3A_64, %get3A_67, %dot_general3A_68 {dimension_numbers = #tpu.dot_dimension_numbers<[1], [0], [0], [1], [0, 0, 1, 1], [], []>, transpose_lhs_hint = false} : vector<2048x64xf32>, vector<64x1xf32>, vector<2048x1xf32> -> vector<2048x1xf32>
    %get3A_70 = arith.constant 0 : index
    %get3A_71 = arith.constant 0 : index
    %get3A_72 = vector.load %arg11[%get3A_70, %get3A_71] : memref<1x1xf32, #tpu.memory_space<vmem>>, vector<1x1xf32>
    %add3A_73 = vector.broadcast %get3A_72 : vector<1x1xf32> to vector<2048x1xf32>
    %add3A_74 = arith.addf %dot_general3A_69, %add3A_73 : vector<2048x1xf32>
    %logistic3A = arith.negf %add3A_74 : vector<2048x1xf32>
    %logistic3A_75 = math.exp %logistic3A : vector<2048x1xf32>
    %logistic3A_76 = arith.constant 1.000000e+00 : f32
    %logistic3A_77 = vector.broadcast %logistic3A_76 : f32 to vector<2048x1xf32>
    %logistic3A_78 = arith.addf %logistic3A_77, %logistic3A_75 : vector<2048x1xf32>
    %logistic3A_79 = arith.divf %logistic3A_77, %logistic3A_78 : vector<2048x1xf32>
    %mul3A = arith.constant 5.500000e+00 : f32
    %mul3A_80 = vector.broadcast %mul3A : f32 to vector<2048x1xf32>
    %mul3A_81 = arith.mulf %logistic3A_79, %mul3A_80 : vector<2048x1xf32>
    %swap3A = arith.constant 0 : index
    %swap3A_82 = arith.constant 0 : index
    %swap3A_83 = vector.load %arg12[%swap3A, %swap3A_82] : memref<2048x1xf32, #tpu.memory_space<vmem>>, vector<2048x1xf32>
    tpu.vector_store %arg12[%swap3A, %swap3A_82], %mul3A_81 {strides = array<i32>} : memref<2048x1xf32, #tpu.memory_space<vmem>>, vector<2048x1xf32>,
    return
  }
  func.func @transform_0(%arg0: i32) -> (i32, i32) {
    %c0_i32 = arith.constant 0 : i32
    %c0_i32_0 = arith.constant 0 : i32
    return %arg0, %c0_i32 : i32, i32
  }
  func.func @transform_1(%arg0: i32) -> (i32, i32) {
    %c0_i32 = arith.constant 0 : i32
    %c0_i32_0 = arith.constant 0 : i32
    return %arg0, %c0_i32 : i32, i32
  }
  func.func @transform_2(%arg0: i32) -> (i32, i32) {
    %c0_i32 = arith.constant 0 : i32
    %c0_i32_0 = arith.constant 0 : i32
    return %arg0, %c0_i32 : i32, i32
  }
  func.func @transform_3(%arg0: i32) -> (i32, i32) {
    %c0_i32 = arith.constant 0 : i32
    %c0_i32_0 = arith.constant 0 : i32
    return %arg0, %c0_i32 : i32, i32
  }
  func.func @transform_4(%arg0: i32) -> (i32, i32) {
    %c0_i32 = arith.constant 0 : i32
    %c0_i32_0 = arith.constant 0 : i32
    %c0_i32_1 = arith.constant 0 : i32
    return %c0_i32, %c0_i32_0 : i32, i32
  }
  func.func @transform_5(%arg0: i32) -> (i32, i32) {
    %c0_i32 = arith.constant 0 : i32
    %c0_i32_0 = arith.constant 0 : i32
    %c0_i32_1 = arith.constant 0 : i32
    return %c0_i32, %c0_i32_0 : i32, i32
  }
  func.func @transform_6(%arg0: i32) -> (i32, i32) {
    %c0_i32 = arith.constant 0 : i32
    %c0_i32_0 = arith.constant 0 : i32
    %c0_i32_1 = arith.constant 0 : i32
    return %c0_i32, %c0_i32_0 : i32, i32
  }
  func.func @transform_7(%arg0: i32) -> (i32, i32) {
    %c0_i32 = arith.constant 0 : i32
    %c0_i32_0 = arith.constant 0 : i32
    %c0_i32_1 = arith.constant 0 : i32
    return %c0_i32, %c0_i32_0 : i32, i32
  }
  func.func @transform_8(%arg0: i32) -> (i32, i32) {
    %c0_i32 = arith.constant 0 : i32
    %c0_i32_0 = arith.constant 0 : i32
    %c0_i32_1 = arith.constant 0 : i32
    return %c0_i32, %c0_i32_0 : i32, i32
  }
  func.func @transform_9(%arg0: i32) -> (i32, i32) {
    %c0_i32 = arith.constant 0 : i32
    %c0_i32_0 = arith.constant 0 : i32
    %c0_i32_1 = arith.constant 0 : i32
    return %c0_i32, %c0_i32_0 : i32, i32
  }
  func.func @transform_10(%arg0: i32) -> (i32, i32) {
    %c0_i32 = arith.constant 0 : i32
    %c0_i32_0 = arith.constant 0 : i32
    %c0_i32_1 = arith.constant 0 : i32
    return %c0_i32, %c0_i32_0 : i32, i32
  }
  func.func @transform_11(%arg0: i32) -> (i32, i32) {
    %c0_i32 = arith.constant 0 : i32
    %c0_i32_0 = arith.constant 0 : i32
    return %arg0, %c0_i32 : i32, i32
  }
}

</mosaic_0001>

<sc_bundles>
// kernel: kernel.4.cloned.1.call-start
scs
__scs_entry_jumppad:
0x0: {  	(pc) =	sbr.rel $0x88, $3  }
0x1: {  	(tag) =	ssettag $0x0;
	lr =	simm.s32 $0x1  }
0x2: {  	[smem:$0x3F99] =	sst lr;
	_ =	strace $0xD0000000  }
0x3: {  	_ = 	snop  }
0x4: {  	_ = 	snop  }
0x5: {  	_ = 	snop  }
0x6: {  	_ = 	snop  }
0x7: {  	_ = 	snop  }
__scs_overlays_trampoline_lowered:
0x8: {  	[smem:$0x3FA8] =	sst s0  }
0x9: {  	[smem:$0x3FA9] =	sst s1  }
0xa: {  	[smem:$0x3FAA] =	sst s2  }
0xb: {  	[smem:$0x3FAB] =	sst s3  }
0xc: {  	[smem:$0x3FAC] =	sst s4  }
0xd: {  	[smem:$0x3FAD] =	sst s5  }
0xe: {  	[smem:$0x3FAE] =	sst s6  }
0xf: {  	[smem:$0x3FAF] =	sst s7  }
0x10: {  	[smem:$0x3FB0] =	sst s8  }
0x11: {  	[smem:$0x3FB1] =	sst s9;
	s0 =	simm.s32 @!p0 $0x0  }
0x12: {  	s1 =	sld [smem:$0x3F97];
	s0 =	simm.s32 @p0 $0x1  }
0x13: {  	[smem:$0x3FB2] =	sst s0;
	s0 =	simm.s32 @!p1 $0x0  }
0x14: {  	s2 =	sld [smem:$0x3F96];
	s0 =	simm.s32 @p1 $0x1  }
0x15: {  	[smem:$0x3FB3] =	sst s0;
	s0 =	simm.s32 @!p2 $0x0  }
0x16: {  	s3 =	sld [smem:$0x3FDB];
	s0 =	simm.s32 @p2 $0x1  }
0x17: {  	s4 =	simm.s32 $0x1BF5;
	[smem:$0x3FB5] =	sst s0  }
0x18: {  	s0 =	sld [smem:$0x3F98];
	_ =	swait.ge [sflag:s4], $0x0  }
0x19: {  	s7 =	sld [smem:$0x3F99]  }
0x1a: {  	s8 =	sadd.s32 $0xFFFFE003, lr  }
0x1b: {  	s9 =	sadd.s32 $0xFFFFFEF7, lr;
	s5 =	simm.s32 $0xFFFFFFFF;
	p2 =	slt.u32 s8, $0xFFFFF086  }
0x1c: {  	p1 =	slt.u32 s9, $0xF7A;
	s5 =	simm.s32 @!p2 $0x0  }
0x1d: {  	s5 =	simm.s32 @p1 $0x1;
	p0 =	seq.s32 s7, s2  }
0x1e: {  	s7 =	smul.u32 @!p0 $0xF7A, s2;
	p2 =	seq.s32 @!p0 s5, $0x0  }
0x1f: {  	s9 =	smul.u32 $0xF7A, s1;
	s8 =	simm.s32 @!p0 $0x1BF5;
	p2 =	por !p2, p0  }
0x20: {  	[sflag:s8] =	ssyncset.s32 @!p0 $0xFFFFF086;
	s6 =	sadd.s32 @!p0 s3, s7;
	s7 =	simm.s32 @!p0 $0x108  }
0x21: {  	s3 =	sadd.s32 s3, s9;
	s6 =	sadd.s32 @!p0 $0x88, s6;
	s7 =	simm.s32 @p2 $0x1082  }
0x22: {  	[simem:s7], [sflag:s8] =	dma.local @!p0 [hbm:s6], $0xF7A  }
0x23: {  	s9 =	sor.u32 $0xD0000000, s2;
	s6 =	simm.s32 $0x108;
	_ =	swait.ge @!p0 [sflag:s8], $0x0  }
0x24: {  	s3 =	sadd.s32 $0x88, s3;
	s6 =	simm.s32 @!p1 $0x1082;
	[sflag:s4] =	ssyncset.s32 $0xFFFFF086  }
0x25: {  	[simem:s6], [sflag:s4] =	dma.local [hbm:s3], $0xF7A  }
0x26: {  	[smem:$0x3F99] =	sst s1;
	(tag) =	ssettag s2;
	_ =	strace s9  }
0x27: {  	s1 =	sld [smem:$0x3FA9]  }
0x28: {  	s2 =	sld [smem:$0x3FAA]  }
0x29: {  	s4 =	sld [smem:$0x3FAC]  }
0x2a: {  	p0 =	seq.s32 s5, $0x0;
	s5 =	sld [smem:$0x3FAD]  }
0x2b: {  	s6 =	sld [smem:$0x3FAE]  }
0x2c: {  	s7 =	sld [smem:$0x3FAF]  }
0x2d: {  	s3 =	simm.s32 $0x108;
	s8 =	sld [smem:$0x3FB0]  }
0x2e: {  	s3 =	simm.s32 @!p0 $0x1082;
	s9 =	sld [smem:$0x3FB1]  }
0x2f: {  	lr =	sadd.s32 s0, s3;
	s0 =	sld [smem:$0x3FA8]  }
0x30: {  	s3 =	sld [smem:$0x3FAB]  }
0x31: {  	[smem:$0x3FB4] =	sst s10  }
0x32: {  	s10 =	sld [smem:$0x3FB2];
	_ =	sdelay $0x3  }
0x33: {  	p0 =	seq.s32 s10, $0x1;
	s10 =	sld [smem:$0x3FB4];
	_ =	sdelay $0x3  }
0x34: {  	[smem:$0x3FB4] =	sst s10  }
0x35: {  	s10 =	sld [smem:$0x3FB3];
	_ =	sdelay $0x3  }
0x36: {  	p1 =	seq.s32 s10, $0x1;
	s10 =	sld [smem:$0x3FB4];
	_ =	sdelay $0x3  }
0x37: {  	[smem:$0x3FB4] =	sst s10  }
0x38: {  	s10 =	sld [smem:$0x3FB5]  }
0x39: {  	_ = 	snop;
	(pc) =	sbr.ind lr, $3  }
0x3a: {  	_ = 	snop  }
0x3b: {  	_ = 	snop  }
0x3c: {  	p2 =	seq.s32 s10, $0x1;
	s10 =	sld [smem:$0x3FB4]  }
0x3d: {  	_ =	shalt  }
0x3e: {  	_ =	shalt  }
0x3f: {  	_ =	shalt  }
0x40: {  	_ =	shalt  }
0x41: {  	_ =	shalt  }
0x42: {  	_ =	shalt  }
0x43: {  	_ =	shalt  }
0x44: {  	_ =	shalt  }
0x45: {  	_ =	shalt  }
0x46: {  	_ =	shalt  }
0x47: {  	_ =	shalt  }
0x48: {  	_ =	shalt  }
0x49: {  	_ =	shalt  }
0x4a: {  	_ =	shalt  }
0x4b: {  	_ =	shalt  }
0x4c: {  	_ =	shalt  }
0x4d: {  	_ =	shalt  }
0x4e: {  	_ =	shalt  }
0x4f: {  	_ =	shalt  }
0x50: {  	_ =	shalt  }
0x51: {  	_ =	shalt  }
0x52: {  	_ =	shalt  }
0x53: {  	_ =	shalt  }
0x54: {  	_ =	shalt  }
0x55: {  	_ =	shalt  }
0x56: {  	_ =	shalt  }
0x57: {  	_ =	shalt  }
0x58: {  	_ =	shalt  }
0x59: {  	_ =	shalt  }
0x5a: {  	_ =	shalt  }
0x5b: {  	_ =	shalt  }
0x5c: {  	_ =	shalt  }
0x5d: {  	_ =	shalt  }
0x5e: {  	_ =	shalt  }
0x5f: {  	_ =	shalt  }
0x60: {  	_ =	shalt  }
0x61: {  	_ =	shalt  }
0x62: {  	_ =	shalt  }
0x63: {  	_ =	shalt  }
0x64: {  	_ =	shalt  }
0x65: {  	_ =	shalt  }
0x66: {  	_ =	shalt  }
0x67: {  	_ =	shalt  }
0x68: {  	_ =	shalt  }
0x69: {  	_ =	shalt  }
0x6a: {  	_ =	shalt  }
0x6b: {  	_ =	shalt  }
0x6c: {  	_ =	shalt  }
0x6d: {  	_ =	shalt  }
0x6e: {  	_ =	shalt  }
0x6f: {  	_ =	shalt  }
0x70: {  	_ =	shalt  }
0x71: {  	_ =	shalt  }
0x72: {  	_ =	shalt  }
0x73: {  	_ =	shalt  }
0x74: {  	_ =	shalt  }
0x75: {  	_ =	shalt  }
0x76: {  	_ =	shalt  }
0x77: {  	_ =	shalt  }
0x78: {  	_ =	shalt  }
0x79: {  	_ =	shalt  }
0x7a: {  	_ =	shalt  }
0x7b: {  	_ =	shalt  }
0x7c: {  	_ =	shalt  }
0x7d: {  	_ =	shalt  }
0x7e: {  	_ =	shalt  }
0x7f: {  	_ =	shalt  }
0x80: {  	_ =	shalt  }
0x81: {  	_ =	shalt  }
0x82: {  	_ =	shalt  }
0x83: {  	_ =	shalt  }
0x84: {  	_ =	shalt  }
0x85: {  	_ =	shalt  }
0x86: {  	_ =	shalt  }
0x87: {  	_ =	shalt  }
.Lfunc_end0:
.L_simem_size_0:
called_computation_lowered:
.L_overlay_start_0:
0x88: {  	s2 =	sld [smem:$0x3FD9]  }
0x89: {  	s3 =	sld [smem:$0x3FFE];
	_ =	sdelay $0x1  }
0x8a: {  	s1 =	srdreg.scid  }
0x8b: {  	s0 =	sand.u32 $0x1, s1  }
0x8c: {  	s17 =	sshll.u32 s0, $0xA;
	s2 =	sadd.s32 s3, s2  }
0x8d: {  	s2 =	sadd.s32 s2, s17  }
0x8e: {  	[smem:$0x3FC0] =	sst s2  }
0x8f: {  	_ = 	snop  }
0x90: {  	s2 =	sld [smem:$0x3FC9]  }
0x91: {  	s18 =	sld [smem:$0x3FC8]  }
0x92: {  	s4 =	sld [smem:$0x3FC7]  }
0x93: {  	s5 =	sld [smem:$0x3FC6];
	(tm) =	ssettm $0x1  }
0x94: {  	s6 =	sld [smem:$0x3FFB];
	_ =	sdelay $0x3  }
0x95: {  	_ =	strace s6  }
0x96: {  	s6 =	sld [smem:$0x3FFC];
	_ =	sdelay $0x3  }
0x97: {  	_ =	strace s6  }
0x98: {  	s6 =	sld [smem:$0x3FFD];
	_ =	sdelay $0x3  }
0x99: {  	_ =	strace s6  }
0x9a: {  	_ =	strace $0x8FFFFFFF  }
0x9b: {  	s19 =	sld [smem:$0x3FDB];
	_ =	sdelay $0x1  }
0x9c: {  	s7 =	simm.s32 $_scs_section_size  }
0x9d: {  	s8 =	simm.s32 $_size__tile_overlayer_lowered;
	s9 =	simm.s32 $_tile_overlayer_lowered  }
0x9e: {  	s22 =	simm.s32 $0x1BFF;
	s21 =	sshll.u32 s9, $0x1;
	s6 =	sadd.s32 s7, s19  }
0x9f: {  	s10 =	simm.s32 $0x0;
	s20 =	sshll.u32 s8, $0x1;
	s8 =	sadd.s32 s21, s6  }
0xa0: {  	[timem:s10], [sflag:s22] =	dma.local [hbm:s8], s20  }
0xa1: {  	_ =	swait.ge [sflag:s22], s20  }
0xa2: {  	s7 =	ssub.s32 $0x0, s20;
	[sflag:s22] =	ssyncset.done $0x0  }
0xa3: {  	[sflag:s22] =	ssyncadd.s32 s7;
	_ =	sdelay $0x1  }
0xa4: {  	s23 =	simm.s32 $0x1B8B  }
0xa5: {  	_ =	swait.ge [sflag:s23], $0x1  }
0xa6: {  	[sflag:s23] =	ssyncset.done $0x0  }
0xa7: {  	s25 =	simm.s32 $0x1B8E;
	s24 =	sld [smem:$0x3FFE];
	[sflag:s23] =	ssyncadd.s32 $0xFFFFFFFF  }
0xa8: {  	s26 =	simm.s32 $execute0_lowered;
	[smem:$0x3FD2] =	sst s25  }
0xa9: {  	s8 =	sshll.u32 s26, $0x1;
	_ =	strace $0x80000046;
	[dreg:$0x1] =	wrdreg $0xFFFFFFFF  }
0xaa: {  	s28 =	simm.s32 $_size_execute0_lowered;
	s6 =	sadd.s32 s6, s8;
	[dreg:$0x0] =	wrdreg $0x0  }
0xab: {  	s8 =	sshll.u32 s28, $0x1;
	[dreg:$0x2] =	wrdreg s6  }
0xac: {  	[dreg:$0x3] =	wrdreg s8  }
0xad: {  	[dreg:$0x4] =	wrdreg $0xC0  }
0xae: {  	_ =	task [dreg:s10], $0x5FFFF  }
0xaf: {  	[dreg:$0x1] =	wrdreg $0xFFFFFFFF  }
0xb0: {  	[dreg:$0x0] =	wrdreg $0x60  }
0xb1: {  	[dreg:$0x2] =	wrdreg s2  }
0xb2: {  	[dreg:$0x3] =	wrdreg s18  }
0xb3: {  	[dreg:$0x4] =	wrdreg s4  }
0xb4: {  	[dreg:$0x5] =	wrdreg s5  }
0xb5: {  	[dreg:$0x6] =	wrdreg s24  }
0xb6: {  	[dreg:$0x7] =	wrdreg $0x9  }
0xb7: {  	_ =	task.clear_ibuf [dreg:s10], $0x8FFFF;
	_ =	strace $0x90000046  }
0xb8: {  	s29 =	simm.s32 $0x9;
	_ =	strace $0x80000048  }
0xb9: {  	_ =	swait.ge [sflag:s29], $0x1  }
0xba: {  	[sflag:s29] =	ssyncadd.s32 $0xFFFFFFFF  }
0xbb: {  	_ =	strace $0x90000048  }
0xbc: {  	_ =	sfence  }
0xbd: {  	s30 =	sld [smem:$0x0];
	_ =	sdelay $0x2  }
0xbe: {  	s31 =	sshll.u32 s1, $0xD;
	s1 =	sshrl.u32 s1, $0x2  }
0xbf: {  	s3 =	sand.u32 $0x4000, s31;
	s1 =	sadd.s32 s1, s30  }
0xc0: {  	s0 =	sor.u32 s3, s0;
	s1 =	sshll.u32 s1, $0x11  }
0xc1: {  	s0 =	sor.u32 s1, s0  }
0xc2: {  	s0 =	sadd.s32 $0x8F2B, s0  }
0xc3: {  	[sflag:s0] =	ssyncadd.remote.s32 $0x1  }
0xc4: {  	_ =	sfence.sel $0xFFFF  }
0xc5: {  	[dreg:$0x0] =	wrdreg $0xFFFFFFFF;
	(pc) =	sbr.abs _section_cstart, $3  }
0xc6: {  	[dreg:$0x1] =	wrdreg $0xFFFFFFFF  }
0xc7: {  	_ =	task.clear_ibuf [dreg:s10], $0x2FFFF;
	_ =	strace $0x9FFFFFFF  }
0xc8: {  	(tm) =	ssettm $0x7FFFFFFF  }
0xc9: {  	_ =	shalt  }
tec
execute0_lowered:
.L_overlay_start_1:
0x0: {  	(tag) =	ssettag $0x1  }
0x1: {  	s31 =	rddreg [dreg:$0x2]  }
0x2: {  	s5 =	rddreg [dreg:$0x3]  }
0x3: {  	s0 =	srdreg.scid;
	s2 =	stileid.u32  }
0x4: {  	s1 =	rddreg [dreg:$0x4];
	s6 =	simm.s32 $0x0;
	s0 =	sand.u32 $0x1, s0  }
0x5: {  	s2 =	sshll.u32 s2, $0x1;
	[smem:$0x7FF] =	sst s6;
	s8 =	sadd.s32 $0x1400, s1  }
0x6: {  	s9 =	sadd.s32 $0x43400, s1;
	s26 =	sadd.s32 $0x180, s31;
	s13 =	sadd.s32 $0x200, s31  }
0x7: {  	s29 =	sadd.s32 $0x280, s31;
	_ =	strace $0x80000047;
	[dreg:$0xa] =	wrdreg s26  }
0x8: {  	s30 =	sadd.s32 $0x300, s31;
	s14 =	sadd.s32 $0x380, s31;
	[dreg:$0xd] =	wrdreg s13  }
0x9: {  	s3 =	sor.u32 s0, s2;
	s0 =	ssub.s32 $0x2, s0;
	[dreg:$0xe] =	wrdreg s29  }
0xa: {  	[dreg:$0xf] =	wrdreg s30;
	s7 =	smul.u32 $0x7A12, s3;
	s21 =	sshrl.u32 s0, $0x1  }
0xb: {  	s12 =	sadd.s32 $0x100, s31;
	[dreg:$0x13] =	wrdreg s14;
	s1 =	ssub.s32 s0, s21  }
0xc: {  	[dreg:$0x8] =	wrdreg s12;
	s4 =	sand.u32 $0xFFF80, s7;
	s1 =	smax.u32 s1, $0x1  }
0xd: {  	s11 =	sadd.s32 $0x80, s31;
	s10 =	sadd.s32 s31, s4;
	[smem:$0x7FC] =	sst s1  }
0xe: {  	s24 =	sadd.s32 s4, s11;
	[dreg:$0x6] =	wrdreg s10  }
0xf: {  	s25 =	sadd.s32 s4, s12;
	[dreg:$0x7] =	wrdreg s24  }
0x10: {  	s28 =	sadd.s32 s4, s13;
	[dreg:$0x9] =	wrdreg s25  }
0x11: {  	s21 =	smul.u32 $0xC35, s3;
	s15 =	sadd.s32 s4, s30;
	[dreg:$0xc] =	wrdreg s28  }
0x12: {  	s23 =	sshll.u32 s3, $0x4;
	s3 =	sadd.s32 s4, s14;
	[dreg:$0x11] =	wrdreg s15  }
0x13: {  	s30 =	sadd.s32 $0x61B, s21;
	[dreg:$0x12] =	wrdreg s3  }
0x14: {  	s17 =	sand.u32 $0x1FF80, s21;
	s10 =	sadd.s32 s4, s26;
	[smem:$0x7FD] =	sst s30  }
0x15: {  	[dreg:$0xb] =	wrdreg s10;
	s10 =	sadd.s32 s4, s29;
	s4 =	smov.u32 s5  }
0x16: {  	[dreg:$0x10] =	wrdreg s10;
	s19 =	sadd.s32 s4, s17  }
0x17: {  	v0 =	vlaneseq.u32;
	s2 =	sor.u32 $0x4000, s23;
	s18 =	sadd.s32 $0x80, s4;
	[dreg:$0x14] =	wrdreg s19  }
0x18: {  	v1 =	vmul.u32 $0x80, v0;
	s22 =	smin.u32 s7, $0xEC7EE;
	s20 =	sadd.s32 $0x100, s4;
	[dreg:$0x16] =	wrdreg s18  }
0x19: {  	s0 =	sadd.s32 $0x7A12, s22;
	s22 =	sadd.s32 $0x180, s4;
	[dreg:$0x17] =	wrdreg s20  }
0x1a: {  	v7 =	vor.u32 $0x1, v1;
	v8 =	vor.u32 $0x2, v1;
	v3 =	vor.u32 s2, v0;
	s2 =	simm.s32 $0x2;
	s15 =	sadd.s32 $0x200, s4;
	[dreg:$0x18] =	wrdreg s22  }
0x1b: {  	v9 =	vor.u32 $0x3, v1;
	v10 =	vor.u32 $0x4, v1;
	v11 =	vor.u32 $0x5, v1;
	s16 =	smin.u32 s21, $0x17A4B;
	s25 =	sadd.s32 $0x280, s4;
	[dreg:$0x1c] =	wrdreg s15  }
0x1c: {  	v12 =	vor.u32 $0x6, v1;
	v13 =	vor.u32 $0x7, v1;
	v14 =	vor.u32 $0x8, v1;
	s1 =	simm.s32 $0x8000;
	s26 =	sadd.s32 $0x300, s4;
	[dreg:$0x1d] =	wrdreg s25  }
0x1d: {  	v15 =	vor.u32 $0x9, v1;
	v16 =	vor.u32 $0xA, v1;
	v17 =	vor.u32 $0xB, v1;
	s3 =	sadd.s32 $0xC35, s16;
	s10 =	sadd.s32 s17, s18;
	[dreg:$0x1e] =	wrdreg s26  }
0x1e: {  	v18 =	vor.u32 $0xC, v1;
	v19 =	vor.u32 $0xD, v1;
	v20 =	vor.u32 $0xE, v1;
	s28 =	sadd.s32 $0x380, s4;
	s23 =	sadd.s32 s17, s22;
	[dreg:$0x15] =	wrdreg s10  }
0x1f: {  	v21 =	vor.u32 $0xF, v1;
	v22 =	vor.u32 $0x10, v1;
	v23 =	vor.u32 $0x11, v1;
	s24 =	sadd.s32 s17, s15;
	s29 =	sadd.s32 s17, s26;
	[dreg:$0x1a] =	wrdreg s23  }
0x20: {  	v24 =	vor.u32 $0x12, v1;
	v25 =	vor.u32 $0x13, v1;
	v26 =	vor.u32 $0x14, v1;
	s14 =	smov.u32 s28;
	s5 =	sadd.s32 s17, s28;
	[dreg:$0x1b] =	wrdreg s24  }
.Ltmp0:
0x21: {  	v27 =	vor.u32 $0x15, v1;
	v28 =	vor.u32 $0x16, v1;
	v29 =	vor.u32 $0x17, v1;
	s18 =	simm.s32 $0x10;
	[smem:$0x7FA] =	sst s29;
	(pc) =	sbr.rel .LBB2_1-.Ltmp0, $4  }
0x22: {  	v30 =	vor.u32 $0x18, v1;
	v31 =	vor.u32 $0x19, v1;
	v32 =	vor.u32 $0x1A, v1;
	s10 =	sadd.s32 s17, s20;
	[smem:$0x7FB] =	sst s5;
	s24 =	ssub.s32 s0, s7  }
0x23: {  	v33 =	vor.u32 $0x1B, v1;
	v34 =	vor.u32 $0x1C, v1;
	v2 =	vmov s0;
	s0 =	simm.s32 $0x1;
	s23 =	simm.s32 $0x18900;
	[dreg:$0x19] =	wrdreg s10  }
0x24: {  	v35 =	vor.u32 $0x1D, v1;
	v36 =	vor.u32 $0x1E, v1;
	v37 =	vor.u32 $0x1F, v1;
	s10 =	sadd.s32 s17, s25;
	s25 =	ssub.s32 s3, s21;
	s17 =	simm.s32 $0x18100  }
0x25: {  	v5 =	vmov s7;
	v6 =	vmov s21;
	v4 =	vmov s3;
	s3 =	simm.s32 $0x3;
	[dreg:$0x1f] =	wrdreg s10;
	s10 =	simm.s32 $0x0  }
.LBB2_50:
0x26: {  	_ =	swait.ge [sflag:s0], $0x1000  }
0x27: {  	[sflag:s0] =	ssyncset.done $0x0  }
0x28: {  	[sflag:s0] =	ssyncadd.s32 $0xFFFFF000  }
0x29: {  	_ =	swait.ge [sflag:s0], $0x1000  }
0x2a: {  	[sflag:s0] =	ssyncset.done $0x0  }
0x2b: {  	[sflag:s0] =	ssyncadd.s32 $0xFFFFF000  }
0x2c: {  	_ =	swait.ge [sflag:s0], $0x1000  }
0x2d: {  	[sflag:s0] =	ssyncset.done $0x0  }
0x2e: {  	[sflag:s0] =	ssyncadd.s32 $0xFFFFF000  }
0x2f: {  	_ =	swait.ge [sflag:s0], $0x1000  }
0x30: {  	[sflag:s0] =	ssyncset.done $0x0  }
0x31: {  	[sflag:s0] =	ssyncadd.s32 $0xFFFFF000  }
0x32: {  	_ =	swait.ge [sflag:s0], $0x1000  }
0x33: {  	[sflag:s0] =	ssyncset.done $0x0  }
0x34: {  	[sflag:s0] =	ssyncadd.s32 $0xFFFFF000  }
0x35: {  	_ =	swait.ge [sflag:s0], $0x1000  }
0x36: {  	[sflag:s0] =	ssyncset.done $0x0  }
0x37: {  	[sflag:s0] =	ssyncadd.s32 $0xFFFFF000  }
0x38: {  	_ =	swait.ge [sflag:s0], $0x1000  }
0x39: {  	[sflag:s0] =	ssyncset.done $0x0  }
0x3a: {  	[sflag:s0] =	ssyncadd.s32 $0xFFFFF000  }
0x3b: {  	_ =	swait.ge [sflag:s0], $0x1000  }
0x3c: {  	s10 =	sld [smem:$0x7F9]  }
0x3d: {  	s5 =	sld [smem:$0x7FC];
	_ =	sdelay $0x1  }
0x3e: {  	s10 =	sadd.s32 $0x1, s10  }
0x3f: {  	p0 =	sne.s32 s10, s5  }
.Ltmp1:
0x40: {  	_ = 	snop;
	(pc) =	sbr.rel @!p0 .LBB2_51-.Ltmp1, $3  }
0x41: {  	_ =	sdelay $0x1  }
0x42: {  	[sflag:s0] =	ssyncset.done $0x0  }
0x43: {  	[sflag:s0] =	ssyncadd.s32 $0xFFFFF000  }
.LBB2_1:
0x44: {  	[smem:$0x7F9] =	sst s10  }
0x45: {  	s5 =	simm.s32 $0x18980;
	s28 =	rddreg [dreg:$0x0];
	s29 =	simm.s32 $0x4  }
0x46: {  	[tilespmem:s5], [sflag:$0x4] =	stream.linear.gather [hbm4b:s28+s6], $0x4000, $0x38;
	[tilespmem:$0x1C980] =	vst v63  }
0x47: {  	_ =	swait.ge [sflag:s29], $0x4000  }
0x48: {  	[sflag:s29] =	ssyncset.done $0x0  }
0x49: {  	[sflag:s29] =	ssyncadd.s32 $0xFFFFC000  }
0x4a: {  	v38 =	vld [tilespmem:s5+$0x0];
	_ =	sdelay $0x4  }
0x4b: {  	vm0 =	vge.s32 v38, v5;
	vm1 =	vlt.s32 v38, v2  }
0x4c: {  	vm0 =	vmand vm0, vm1  }
0x4d: {  	v39 =	vmpcnt.ones.xlane vm0;
	_ =	sdelay $0x1  }
0x4e: {  	(v2sf) =	vpush v39, $0x0  }
0x4f: {  	v38 =	vsub.s32 v38, v5  }
0x50: {  	v38 =	vshll.u32 v38, $0xE  }
0x51: {  	v38 =	vadd.s32 s6, v38  }
0x52: {  	v38 =	vadd.s32 v0, v38  }
0x53: {  	s5 =	simm.s32 $0x18990;
	[tilespmem:s6+$0x10000] =	vst.msk vm0, v38  }
0x54: {  	v38 =	vld [tilespmem:s5+$0x0];
	_ =	sdelay $0x4  }
0x55: {  	vm0 =	vge.s32 v38, v5;
	vm1 =	vlt.s32 v38, v2  }
0x56: {  	v38 =	vsub.s32 v38, v5;
	vm0 =	vmand vm0, vm1  }
0x57: {  	s30 =	simm.s32 $0x10;
	v38 =	vshll.u32 v38, $0xE;
	v63 =	vmpcnt.ones.xlane vm0  }
0x58: {  	v38 =	vadd.s32 s30, v38  }
0x59: {  	s10 =	simm.s32 $0x20;
	s13 =	simm.s32 $0x0;
	v38 =	vadd.s32 v0, v38;
	(v2sf) =	vpush v63, $0x0;
	s15 =	spop (v2sf)  }
.LBB2_2:
0x5a: {  	p0 =	sne.s32 s10, $0x3FF0  }
0x5b: {  	s13 =	sadd.s32 s13, s15;
	s15 =	smov.u32 s10;
	s10 =	sadd.s32 $0x10, s10  }
0x5c: {  	[tilespmem:s13+$0x10000] =	vst.msk vm0, v38  }
0x5d: {  	s5 =	sadd.s32 $0x10, s5  }
0x5e: {  	v38 =	vld [tilespmem:s5+$0x0];
	_ =	sdelay $0x4  }
0x5f: {  	vm0 =	vge.s32 v38, v5;
	vm1 =	vlt.s32 v38, v2;
	v38 =	vsub.s32 v38, v5  }
.Ltmp2:
0x60: {  	vm0 =	vmand vm0, vm1;
	v38 =	vshll.u32 v38, $0xE;
	(pc) =	sbr.rel @p0 .LBB2_2-.Ltmp2, $4  }
0x61: {  	v38 =	vadd.s32 s15, v38;
	v39 =	vmpcnt.ones.xlane vm0  }
0x62: {  	v38 =	vadd.s32 v0, v38  }
0x63: {  	(v2sf) =	vpush v39, $0x0  }
0x64: {  	s15 =	spop (v2sf)  }
0x65: {  	s10 =	sadd.s32 s13, s15  }
0x66: {  	s5 =	simm.s32 $0x0;
	s12 =	rddreg [dreg:$0x6];
	[tilespmem:s10+$0x10000] =	vst.msk vm0, v38  }
0x67: {  	[tilespmem:s5], [sflag:$0x1] =	stream.linear.gather [hbm4b:s12+s5], $0x400, $0x38;
	[tilespmem:$0x1C980] =	vst v63  }
0x68: {  	s16 =	simm.s32 $0x2000;
	s15 =	sadd.s32 $0xF4280, s12  }
0x69: {  	[tilespmem:s16], [sflag:$0x1] =	stream.linear.gather [hbm4b:s15+s5], $0x400, $0x38;
	[tilespmem:$0x1C980] =	vst v63  }
0x6a: {  	s20 =	simm.s32 $0x4000;
	s19 =	sadd.s32 $0x1E8500, s12  }
0x6b: {  	[tilespmem:s20], [sflag:$0x1] =	stream.linear.gather [hbm4b:s19+s5], $0x400, $0x38;
	[tilespmem:$0x1C980] =	vst v63  }
0x6c: {  	s26 =	simm.s32 $0x6000;
	s22 =	sadd.s32 $0x2DC780, s12  }
0x6d: {  	[tilespmem:s26], [sflag:$0x1] =	stream.linear.gather [hbm4b:s22+s5], $0x400, $0x38;
	[tilespmem:$0x1C980] =	vst v63  }
0x6e: {  	s29 =	rddreg [dreg:$0x7];
	s30 =	simm.s32 $0x400  }
0x6f: {  	[tilespmem:s30], [sflag:$0x1] =	stream.linear.gather [hbm4b:s29+s5], $0x400, $0x38;
	[tilespmem:$0x1C980] =	vst v63  }
0x70: {  	s15 =	sadd.s32 $0xF4280, s29;
	s16 =	simm.s32 $0x2400  }
0x71: {  	[tilespmem:s16], [sflag:$0x1] =	stream.linear.gather [hbm4b:s15+s5], $0x400, $0x38;
	[tilespmem:$0x1C980] =	vst v63  }
0x72: {  	s19 =	sadd.s32 $0x1E8500, s29;
	s20 =	simm.s32 $0x4400  }
0x73: {  	[tilespmem:s20], [sflag:$0x1] =	stream.linear.gather [hbm4b:s19+s5], $0x400, $0x38;
	[tilespmem:$0x1C980] =	vst v63  }
0x74: {  	s22 =	sadd.s32 $0x2DC780, s29;
	s26 =	simm.s32 $0x6400  }
0x75: {  	[tilespmem:s26], [sflag:$0x1] =	stream.linear.gather [hbm4b:s22+s5], $0x400, $0x38;
	[tilespmem:$0x1C980] =	vst v63  }
0x76: {  	s29 =	rddreg [dreg:$0x9];
	s30 =	simm.s32 $0x800  }
0x77: {  	[tilespmem:s30], [sflag:$0x1] =	stream.linear.gather [hbm4b:s29+s5], $0x400, $0x38;
	[tilespmem:$0x1C980] =	vst v63  }
0x78: {  	s15 =	sadd.s32 $0xF4280, s29;
	s16 =	simm.s32 $0x2800  }
0x79: {  	[tilespmem:s16], [sflag:$0x1] =	stream.linear.gather [hbm4b:s15+s5], $0x400, $0x38;
	[tilespmem:$0x1C980] =	vst v63  }
0x7a: {  	s19 =	sadd.s32 $0x1E8500, s29;
	s20 =	simm.s32 $0x4800  }
0x7b: {  	[tilespmem:s20], [sflag:$0x1] =	stream.linear.gather [hbm4b:s19+s5], $0x400, $0x38;
	[tilespmem:$0x1C980] =	vst v63  }
0x7c: {  	s22 =	sadd.s32 $0x2DC780, s29;
	s26 =	simm.s32 $0x6800  }
0x7d: {  	[tilespmem:s26], [sflag:$0x1] =	stream.linear.gather [hbm4b:s22+s5], $0x400, $0x38;
	[tilespmem:$0x1C980] =	vst v63  }
0x7e: {  	s29 =	rddreg [dreg:$0xb];
	s30 =	simm.s32 $0xC00  }
0x7f: {  	[tilespmem:s30], [sflag:$0x1] =	stream.linear.gather [hbm4b:s29+s5], $0x400, $0x38;
	[tilespmem:$0x1C980] =	vst v63  }
0x80: {  	s15 =	sadd.s32 $0xF4280, s29;
	s16 =	simm.s32 $0x2C00  }
0x81: {  	[tilespmem:s16], [sflag:$0x1] =	stream.linear.gather [hbm4b:s15+s5], $0x400, $0x38;
	[tilespmem:$0x1C980] =	vst v63  }
0x82: {  	s19 =	sadd.s32 $0x1E8500, s29;
	s20 =	simm.s32 $0x4C00  }
0x83: {  	[tilespmem:s20], [sflag:$0x1] =	stream.linear.gather [hbm4b:s19+s5], $0x400, $0x38;
	[tilespmem:$0x1C980] =	vst v63  }
0x84: {  	s22 =	sadd.s32 $0x2DC780, s29;
	s26 =	simm.s32 $0x6C00  }
0x85: {  	[tilespmem:s26], [sflag:$0x1] =	stream.linear.gather [hbm4b:s22+s5], $0x400, $0x38;
	[tilespmem:$0x1C980] =	vst v63  }
0x86: {  	s29 =	rddreg [dreg:$0xc];
	s30 =	simm.s32 $0x1000  }
0x87: {  	[tilespmem:s30], [sflag:$0x1] =	stream.linear.gather [hbm4b:s29+s5], $0x400, $0x38;
	[tilespmem:$0x1C980] =	vst v63  }
0x88: {  	s15 =	sadd.s32 $0xF4280, s29;
	s16 =	simm.s32 $0x3000  }
0x89: {  	[tilespmem:s16], [sflag:$0x1] =	stream.linear.gather [hbm4b:s15+s5], $0x400, $0x38;
	[tilespmem:$0x1C980] =	vst v63  }
0x8a: {  	s19 =	sadd.s32 $0x1E8500, s29;
	s20 =	simm.s32 $0x5000  }
0x8b: {  	[tilespmem:s20], [sflag:$0x1] =	stream.linear.gather [hbm4b:s19+s5], $0x400, $0x38;
	[tilespmem:$0x1C980] =	vst v63  }
0x8c: {  	s22 =	sadd.s32 $0x2DC780, s29;
	s26 =	simm.s32 $0x7000  }
0x8d: {  	[tilespmem:s26], [sflag:$0x1] =	stream.linear.gather [hbm4b:s22+s5], $0x400, $0x38;
	[tilespmem:$0x1C980] =	vst v63  }
0x8e: {  	s29 =	rddreg [dreg:$0x10];
	s30 =	simm.s32 $0x1400  }
0x8f: {  	[tilespmem:s30], [sflag:$0x1] =	stream.linear.gather [hbm4b:s29+s5], $0x400, $0x38;
	[tilespmem:$0x1C980] =	vst v63  }
0x90: {  	s15 =	sadd.s32 $0xF4280, s29;
	s16 =	simm.s32 $0x3400  }
0x91: {  	[tilespmem:s16], [sflag:$0x1] =	stream.linear.gather [hbm4b:s15+s5], $0x400, $0x38;
	[tilespmem:$0x1C980] =	vst v63  }
0x92: {  	s19 =	sadd.s32 $0x1E8500, s29;
	s20 =	simm.s32 $0x5400  }
0x93: {  	[tilespmem:s20], [sflag:$0x1] =	stream.linear.gather [hbm4b:s19+s5], $0x400, $0x38;
	[tilespmem:$0x1C980] =	vst v63  }
0x94: {  	s22 =	sadd.s32 $0x2DC780, s29;
	s26 =	simm.s32 $0x7400  }
0x95: {  	[tilespmem:s26], [sflag:$0x1] =	stream.linear.gather [hbm4b:s22+s5], $0x400, $0x38;
	[tilespmem:$0x1C980] =	vst v63  }
0x96: {  	s29 =	rddreg [dreg:$0x11];
	s30 =	simm.s32 $0x1800  }
0x97: {  	[tilespmem:s30], [sflag:$0x1] =	stream.linear.gather [hbm4b:s29+s5], $0x400, $0x38;
	[tilespmem:$0x1C980] =	vst v63  }
0x98: {  	s15 =	sadd.s32 $0xF4280, s29;
	s16 =	simm.s32 $0x3800  }
0x99: {  	[tilespmem:s16], [sflag:$0x1] =	stream.linear.gather [hbm4b:s15+s5], $0x400, $0x38;
	[tilespmem:$0x1C980] =	vst v63  }
0x9a: {  	s19 =	sadd.s32 $0x1E8500, s29;
	s20 =	simm.s32 $0x5800  }
0x9b: {  	[tilespmem:s20], [sflag:$0x1] =	stream.linear.gather [hbm4b:s19+s5], $0x400, $0x38;
	[tilespmem:$0x1C980] =	vst v63  }
0x9c: {  	s22 =	sadd.s32 $0x2DC780, s29;
	s26 =	simm.s32 $0x7800  }
0x9d: {  	[tilespmem:s26], [sflag:$0x1] =	stream.linear.gather [hbm4b:s22+s5], $0x400, $0x38;
	[tilespmem:$0x1C980] =	vst v63  }
0x9e: {  	s29 =	rddreg [dreg:$0x12];
	s30 =	simm.s32 $0x1C00;
	s22 =	spop (v2sf)  }
0x9f: {  	[tilespmem:s30], [sflag:$0x1] =	stream.linear.gather [hbm4b:s29+s5], $0x400, $0x38;
	[tilespmem:$0x1C980] =	vst v63  }
0xa0: {  	s15 =	sadd.s32 $0xF4280, s29;
	s16 =	simm.s32 $0x3C00;
	s10 =	sadd.s32 s10, s22  }
0xa1: {  	[tilespmem:s16], [sflag:$0x1] =	stream.linear.gather [hbm4b:s15+s5], $0x400, $0x38;
	[tilespmem:$0x1C980] =	vst v63  }
.Ltmp3:
0xa2: {  	s12 =	rddreg [dreg:$0x8];
	s30 =	sadd.s32 $0xF, s10;
	(pc) =	sbr.rel .LBB2_4-.Ltmp3, $4  }
0xa3: {  	s19 =	sadd.s32 $0x1E8500, s29;
	s20 =	simm.s32 $0x5C00;
	s28 =	sshrl.u32 s30, $0x4  }
0xa4: {  	[tilespmem:s20], [sflag:$0x1] =	stream.linear.gather [hbm4b:s19+s5], $0x400, $0x38;
	[tilespmem:$0x1C980] =	vst v63  }
0xa5: {  	s26 =	sadd.s32 $0x2DC780, s29;
	s29 =	simm.s32 $0x7C00;
	p0 =	seq.s32 s28, $0x0  }
0xa6: {  	v38 =	vmov s10;
	[tilespmem:s29], [sflag:$0x1] =	stream.linear.gather [hbm4b:s26+s5], $0x400, $0x38;
	[tilespmem:$0x1C980] =	vst v63  }
.LBB2_24:
0xa7: {  	[sflag:s3] =	ssyncadd.s32 $0xFFFFF800  }
.LBB2_25:
0xa8: {  	s5 =	sadd.s32 $0x1, s5  }
0xa9: {  	p1 =	sne.s32 s5, $0x14  }
.Ltmp4:
0xaa: {  	_ = 	snop;
	(pc) =	sbr.rel @!p1 .LBB2_26-.Ltmp4, $1  }
0xab: {  	_ =	sdelay $0x3  }
.LBB2_4:
0xac: {  	s10 =	sshllo.u32 s5, $0x1  }
0xad: {  	s13 =	smul.u32 $0x30D, s10  }
0xae: {  	s10 =	smin.u32 s10, $0xA  }
0xaf: {  	s10 =	sadd.s32 s10, s13  }
0xb0: {  	s13 =	sadd.s32 s7, s10  }
0xb1: {  	s13 =	sshrl.u32 s13, $0x7  }
0xb2: {  	s13 =	smin.u32 s13, $0x1E7C  }
0xb3: {  	s29 =	sshll.u32 s13, $0x7  }
0xb4: {  	s13 =	sadd.s32 s31, s29  }
0xb5: {  	[tilespmem:s1], [sflag:$0x2] =	stream.linear.gather [hbm4b:s13+s6], $0x400, $0x38;
	[tilespmem:$0x1C980] =	vst v63  }
0xb6: {  	s16 =	simm.s32 $0xA000;
	s15 =	sadd.s32 $0xF4280, s13  }
0xb7: {  	[tilespmem:s16], [sflag:$0x2] =	stream.linear.gather [hbm4b:s15+s6], $0x400, $0x38;
	[tilespmem:$0x1C980] =	vst v63  }
0xb8: {  	s20 =	simm.s32 $0xC000;
	s19 =	sadd.s32 $0x1E8500, s13  }
0xb9: {  	[tilespmem:s20], [sflag:$0x2] =	stream.linear.gather [hbm4b:s19+s6], $0x400, $0x38;
	[tilespmem:$0x1C980] =	vst v63  }
0xba: {  	s22 =	simm.s32 $0xE000;
	s13 =	sadd.s32 $0x2DC780, s13  }
0xbb: {  	[tilespmem:s22], [sflag:$0x2] =	stream.linear.gather [hbm4b:s13+s6], $0x400, $0x38;
	[tilespmem:$0x1C980] =	vst v63  }
0xbc: {  	s30 =	simm.s32 $0x8400;
	s26 =	sadd.s32 s29, s11  }
0xbd: {  	[tilespmem:s30], [sflag:$0x2] =	stream.linear.gather [hbm4b:s26+s6], $0x400, $0x38;
	[tilespmem:$0x1C980] =	vst v63  }
0xbe: {  	s16 =	sadd.s32 $0xF4280, s26;
	s19 =	simm.s32 $0xA400  }
0xbf: {  	[tilespmem:s19], [sflag:$0x2] =	stream.linear.gather [hbm4b:s16+s6], $0x400, $0x38;
	[tilespmem:$0x1C980] =	vst v63  }
0xc0: {  	s20 =	sadd.s32 $0x1E8500, s26;
	s22 =	simm.s32 $0xC400  }
0xc1: {  	[tilespmem:s22], [sflag:$0x2] =	stream.linear.gather [hbm4b:s20+s6], $0x400, $0x38;
	[tilespmem:$0x1C980] =	vst v63  }
0xc2: {  	s13 =	sadd.s32 $0x2DC780, s26;
	s26 =	simm.s32 $0xE400  }
0xc3: {  	[tilespmem:s26], [sflag:$0x2] =	stream.linear.gather [hbm4b:s13+s6], $0x400, $0x38;
	[tilespmem:$0x1C980] =	vst v63  }
0xc4: {  	s30 =	sadd.s32 s29, s12;
	s16 =	simm.s32 $0x8800  }
0xc5: {  	[tilespmem:s16], [sflag:$0x2] =	stream.linear.gather [hbm4b:s30+s6], $0x400, $0x38;
	[tilespmem:$0x1C980] =	vst v63  }
0xc6: {  	s19 =	sadd.s32 $0xF4280, s30;
	s20 =	simm.s32 $0xA800  }
0xc7: {  	[tilespmem:s20], [sflag:$0x2] =	stream.linear.gather [hbm4b:s19+s6], $0x400, $0x38;
	[tilespmem:$0x1C980] =	vst v63  }
0xc8: {  	s22 =	sadd.s32 $0x1E8500, s30;
	s26 =	simm.s32 $0xC800  }
0xc9: {  	[tilespmem:s26], [sflag:$0x2] =	stream.linear.gather [hbm4b:s22+s6], $0x400, $0x38;
	[tilespmem:$0x1C980] =	vst v63  }
0xca: {  	s15 =	rddreg [dreg:$0xa];
	s13 =	sadd.s32 $0x2DC780, s30;
	s30 =	simm.s32 $0xE800  }
0xcb: {  	[tilespmem:s30], [sflag:$0x2] =	stream.linear.gather [hbm4b:s13+s6], $0x400, $0x38;
	[tilespmem:$0x1C980] =	vst v63  }
0xcc: {  	s16 =	simm.s32 $0x8C00;
	s13 =	sadd.s32 s29, s15  }
0xcd: {  	[tilespmem:s16], [sflag:$0x2] =	stream.linear.gather [hbm4b:s13+s6], $0x400, $0x38;
	[tilespmem:$0x1C980] =	vst v63  }
0xce: {  	s20 =	simm.s32 $0xAC00;
	s19 =	sadd.s32 $0xF4280, s13  }
0xcf: {  	[tilespmem:s20], [sflag:$0x2] =	stream.linear.gather [hbm4b:s19+s6], $0x400, $0x38;
	[tilespmem:$0x1C980] =	vst v63  }
0xd0: {  	s26 =	simm.s32 $0xCC00;
	s22 =	sadd.s32 $0x1E8500, s13  }
0xd1: {  	[tilespmem:s26], [sflag:$0x2] =	stream.linear.gather [hbm4b:s22+s6], $0x400, $0x38;
	[tilespmem:$0x1C980] =	vst v63  }
0xd2: {  	s30 =	simm.s32 $0xEC00;
	s15 =	rddreg [dreg:$0xd];
	s13 =	sadd.s32 $0x2DC780, s13  }
0xd3: {  	[tilespmem:s30], [sflag:$0x2] =	stream.linear.gather [hbm4b:s13+s6], $0x400, $0x38;
	[tilespmem:$0x1C980] =	vst v63  }
0xd4: {  	s16 =	simm.s32 $0x9000;
	s13 =	sadd.s32 s29, s15  }
0xd5: {  	[tilespmem:s16], [sflag:$0x2] =	stream.linear.gather [hbm4b:s13+s6], $0x400, $0x38;
	[tilespmem:$0x1C980] =	vst v63  }
0xd6: {  	s20 =	simm.s32 $0xB000;
	s19 =	sadd.s32 $0xF4280, s13  }
0xd7: {  	[tilespmem:s20], [sflag:$0x2] =	stream.linear.gather [hbm4b:s19+s6], $0x400, $0x38;
	[tilespmem:$0x1C980] =	vst v63  }
0xd8: {  	s26 =	simm.s32 $0xD000;
	s22 =	sadd.s32 $0x1E8500, s13  }
0xd9: {  	[tilespmem:s26], [sflag:$0x2] =	stream.linear.gather [hbm4b:s22+s6], $0x400, $0x38;
	[tilespmem:$0x1C980] =	vst v63  }
0xda: {  	s30 =	simm.s32 $0xF000;
	s15 =	rddreg [dreg:$0xe];
	s13 =	sadd.s32 $0x2DC780, s13  }
0xdb: {  	[tilespmem:s30], [sflag:$0x2] =	stream.linear.gather [hbm4b:s13+s6], $0x400, $0x38;
	[tilespmem:$0x1C980] =	vst v63  }
0xdc: {  	s16 =	simm.s32 $0x9400;
	s13 =	sadd.s32 s29, s15  }
0xdd: {  	[tilespmem:s16], [sflag:$0x2] =	stream.linear.gather [hbm4b:s13+s6], $0x400, $0x38;
	[tilespmem:$0x1C980] =	vst v63  }
0xde: {  	s20 =	simm.s32 $0xB400;
	s19 =	sadd.s32 $0xF4280, s13  }
0xdf: {  	[tilespmem:s20], [sflag:$0x2] =	stream.linear.gather [hbm4b:s19+s6], $0x400, $0x38;
	[tilespmem:$0x1C980] =	vst v63  }
0xe0: {  	s26 =	simm.s32 $0xD400;
	s22 =	sadd.s32 $0x1E8500, s13  }
0xe1: {  	[tilespmem:s26], [sflag:$0x2] =	stream.linear.gather [hbm4b:s22+s6], $0x400, $0x38;
	[tilespmem:$0x1C980] =	vst v63  }
0xe2: {  	s30 =	simm.s32 $0xF400;
	s15 =	rddreg [dreg:$0xf];
	s13 =	sadd.s32 $0x2DC780, s13  }
0xe3: {  	[tilespmem:s30], [sflag:$0x2] =	stream.linear.gather [hbm4b:s13+s6], $0x400, $0x38;
	[tilespmem:$0x1C980] =	vst v63  }
0xe4: {  	s16 =	simm.s32 $0x9800;
	s13 =	sadd.s32 s29, s15  }
0xe5: {  	[tilespmem:s16], [sflag:$0x2] =	stream.linear.gather [hbm4b:s13+s6], $0x400, $0x38;
	[tilespmem:$0x1C980] =	vst v63  }
0xe6: {  	s20 =	simm.s32 $0xB800;
	s19 =	sadd.s32 $0xF4280, s13  }
0xe7: {  	[tilespmem:s20], [sflag:$0x2] =	stream.linear.gather [hbm4b:s19+s6], $0x400, $0x38;
	[tilespmem:$0x1C980] =	vst v63  }
0xe8: {  	s26 =	simm.s32 $0xD800;
	s22 =	sadd.s32 $0x1E8500, s13  }
0xe9: {  	[tilespmem:s26], [sflag:$0x2] =	stream.linear.gather [hbm4b:s22+s6], $0x400, $0x38;
	[tilespmem:$0x1C980] =	vst v63  }
0xea: {  	s30 =	simm.s32 $0xF800;
	s15 =	rddreg [dreg:$0x13];
	s13 =	sadd.s32 $0x2DC780, s13  }
0xeb: {  	[tilespmem:s30], [sflag:$0x2] =	stream.linear.gather [hbm4b:s13+s6], $0x400, $0x38;
	[tilespmem:$0x1C980] =	vst v63  }
0xec: {  	s16 =	simm.s32 $0x9C00;
	s13 =	sadd.s32 s29, s15  }
0xed: {  	[tilespmem:s16], [sflag:$0x2] =	stream.linear.gather [hbm4b:s13+s6], $0x400, $0x38;
	[tilespmem:$0x1C980] =	vst v63  }
0xee: {  	s20 =	simm.s32 $0xBC00;
	s19 =	sadd.s32 $0xF4280, s13  }
0xef: {  	[tilespmem:s20], [sflag:$0x2] =	stream.linear.gather [hbm4b:s19+s6], $0x400, $0x38;
	[tilespmem:$0x1C980] =	vst v63  }
0xf0: {  	s26 =	simm.s32 $0xDC00;
	s22 =	sadd.s32 $0x1E8500, s13  }
0xf1: {  	[tilespmem:s26], [sflag:$0x2] =	stream.linear.gather [hbm4b:s22+s6], $0x400, $0x38;
	[tilespmem:$0x1C980] =	vst v63  }
0xf2: {  	s30 =	simm.s32 $0xFC00;
	s13 =	sadd.s32 $0x2DC780, s13  }
0xf3: {  	[tilespmem:s30], [sflag:$0x2] =	stream.linear.gather [hbm4b:s13+s6], $0x400, $0x38;
	[tilespmem:$0x1C980] =	vst v63  }
0xf4: {  	_ =	swait.ge [sflag:s0], $0x1000  }
0xf5: {  	[sflag:s0] =	ssyncset.done $0x0  }
0xf6: {  	[sflag:s0] =	ssyncadd.s32 $0xFFFFF000  }
0xf7: {  	_ =	swait.ge [sflag:s0], $0x1000  }
0xf8: {  	[sflag:s0] =	ssyncset.done $0x0  }
0xf9: {  	[sflag:s0] =	ssyncadd.s32 $0xFFFFF000  }
0xfa: {  	_ =	swait.ge [sflag:s0], $0x1000  }
0xfb: {  	[sflag:s0] =	ssyncset.done $0x0  }
0xfc: {  	[sflag:s0] =	ssyncadd.s32 $0xFFFFF000  }
0xfd: {  	_ =	swait.ge [sflag:s0], $0x1000  }
0xfe: {  	[sflag:s0] =	ssyncset.done $0x0  }
0xff: {  	[sflag:s0] =	ssyncadd.s32 $0xFFFFF000  }
0x100: {  	_ =	swait.ge [sflag:s0], $0x1000  }
0x101: {  	[sflag:s0] =	ssyncset.done $0x0  }
0x102: {  	[sflag:s0] =	ssyncadd.s32 $0xFFFFF000  }
0x103: {  	_ =	swait.ge [sflag:s0], $0x1000  }
0x104: {  	[sflag:s0] =	ssyncset.done $0x0  }
0x105: {  	[sflag:s0] =	ssyncadd.s32 $0xFFFFF000  }
0x106: {  	_ =	swait.ge [sflag:s0], $0x1000  }
.Ltmp5:
0x107: {  	[sflag:s0] =	ssyncset.done $0x0;
	(pc) =	sbr.rel @p0 .LBB2_15-.Ltmp5, $4  }
0x108: {  	[sflag:s0] =	ssyncadd.s32 $0xFFFFF000  }
0x109: {  	_ =	swait.ge [sflag:s0], $0x1000  }
0x10a: {  	p1 =	slt.u32 s5, $0x5;
	s13 =	simm.s32 $0x30E;
	[sflag:s0] =	ssyncset.done $0x0  }
0x10b: {  	s15 =	sshll.u32 s5, $0x1;
	s13 =	simm.s32 @!p1 $0x30D;
	[sflag:s0] =	ssyncadd.s32 $0xFFFFF000  }
0x10c: {  	s16 =	smul.u32 $0x61A, s5  }
0x10d: {  	s19 =	smin.u32 s15, $0xA  }
0x10e: {  	p2 =	sne.s32 s28, $0x1;
	s16 =	sadd.s32 s16, s19  }
.Ltmp6:
0x10f: {  	s19 =	sadd.s32 s7, s16;
	(pc) =	sbr.rel @!p2 .LBB2_6-.Ltmp6, $4  }
0x110: {  	s22 =	smov.u32 s24;
	s20 =	sadd.s32 s13, s16;
	s19 =	sshrl.u32 s19, $0x7  }
0x111: {  	s30 =	simm.s32 $0x10000;
	p1 =	slt.s32 s20, s24;
	s19 =	smin.u32 s19, $0x1E7C  }
0x112: {  	v39 =	vmov s16;
	s16 =	simm.s32 $0x0;
	s22 =	smov.u32 @p1 s20;
	s19 =	sshll.u32 s19, $0x7  }
0x113: {  	v40 =	vld [tilespmem:s30+$0x0];
	s20 =	sadd.s32 $0xFFFFFFFF, s28;
	p1 =	por $0x0, $0x0;
	v41 =	vmov s22;
	s19 =	ssub.s32 $0x0, s19  }
0x114: {  	_ =	sdelay $0x3  }
0x115: {  	v43 =	vor.u32 s16, v0;
	v42 =	vshrl.u32 v40, $0xE  }
0x116: {  	vm0 =	vlt.s32 v43, v38;
	vm1 =	vlt.s32 v42, v41  }
0x117: {  	vm2 =	vge.u32 v42, v39;
	vm0 =	vmand vm0, vm1  }
0x118: {  	vm0 =	vmand vm0, vm2  }
0x119: {  	v63 =	vmpcnt.ones.xlane vm0;
	_ =	sdelay $0x1  }
0x11a: {  	p2 =	sne.s32 s20, $0x1;
	(v2sf) =	vpush v63, $0x0  }
.Ltmp7:
0x11b: {  	_ = 	snop;
	(pc) =	sbr.rel @!p2 .LBB2_8-.Ltmp7, $4  }
0x11c: {  	_ = 	snop  }
0x11d: {  	s12 =	smov.u32 s11;
	s11 =	smov.u32 s4  }
0x11e: {  	s4 =	smov.u32 s31;
	s26 =	simm.s32 $0x10010;
	s30 =	sadd.s32 $0xFFFFFFFF, s20;
	[tilespmem:s16+$0x14080] =	vst.msk vm0, v40  }
0x11f: {  	p1 =	por $0x1, $0x1;
	s22 =	simm.s32 $0x0;
	s20 =	simm.s32 $0x0;
	v40 =	vld [tilespmem:s26+$0x0]  }
.LBB2_9:
0x120: {  	p2 =	sne.s32 s30, $0x1;
	_ =	sdelay $0x2  }
0x121: {  	s22 =	sadd.s32 $0x10, s22  }
0x122: {  	v43 =	vor.u32 s22, v0;
	v42 =	vshrl.u32 v40, $0xE  }
0x123: {  	vm0 =	vlt.s32 v43, v38;
	vm1 =	vlt.s32 v42, v41  }
0x124: {  	vm2 =	vge.u32 v42, v39;
	vm0 =	vmand vm0, vm1  }
0x125: {  	vm0 =	vmand vm0, vm2  }
0x126: {  	v42 =	vmpcnt.ones.xlane vm0  }
0x127: {  	s31 =	spop (v2sf)  }
0x128: {  	(v2sf) =	vpush v42, $0x0;
	s20 =	sadd.s32 s20, s31  }
.Ltmp8:
0x129: {  	[tilespmem:s20+$0x14080] =	vst.msk vm0, v40;
	(pc) =	sbr.rel @p2 .LBB2_9-.Ltmp8, $3  }
0x12a: {  	_ =	sdelay $0x1  }
0x12b: {  	s26 =	sadd.s32 $0x10, s26  }
0x12c: {  	s30 =	sadd.s32 $0xFFFFFFFF, s30;
	v40 =	vld [tilespmem:s26+$0x0]  }
0x12d: {  	s31 =	smov.u32 s4  }
0x12e: {  	s4 =	smov.u32 s11;
	s11 =	smov.u32 s12;
	s12 =	rddreg [dreg:$0x8]  }
.LBB2_11:
0x12f: {  	s22 =	sadd.s32 @p1 $0x10, s22;
	s26 =	simm.s32 $0x0  }
0x130: {  	s26 =	smov.u32 @p1 s22  }
0x131: {  	v42 =	vshrl.u32 v40, $0xE;
	v43 =	vor.u32 s26, v0  }
0x132: {  	vm0 =	vlt.s32 v43, v38;
	vm1 =	vlt.s32 v42, v41  }
0x133: {  	vm2 =	vge.u32 v42, v39;
	vm0 =	vmand vm0, vm1  }
0x134: {  	vm0 =	vmand vm0, vm2  }
0x135: {  	v63 =	vmpcnt.ones.xlane vm0;
	_ =	sdelay $0x1  }
0x136: {  	(v2sf) =	vpush v63, $0x0;
	_ =	sdelay $0xc  }
0x137: {  	s22 =	spop @p1 (v2sf)  }
0x138: {  	s20 =	sadd.s32 @p1 s20, s22  }
0x139: {  	s16 =	smov.u32 @p1 s20;
	s30 =	spop (v2sf)  }
0x13a: {  	s22 =	sadd.s32 s16, s30  }
0x13b: {  	s20 =	sadd.s32 $0xF, s22  }
0x13c: {  	s20 =	sshrl.u32 s20, $0x4  }
0x13d: {  	p1 =	seq.s32 s20, $0x0  }
.Ltmp9:
0x13e: {  	_ = 	snop;
	(pc) =	sbr.rel @p1 .LBB2_15-.Ltmp9, $2  }
0x13f: {  	_ =	sdelay $0x2  }
0x140: {  	[tilespmem:s16+$0x14080] =	vst.msk vm0, v40  }
0x141: {  	s16 =	simm.s32 $0x14080  }
0x142: {  	v41 =	vld [tilespmem:s16+$0x0];
	_ =	sdelay $0x3  }
0x143: {  	s19 =	sadd.s32 s7, s19  }
0x144: {  	v39 =	vmov s19;
	v40 =	vshrl.u32 v41, $0xE  }
0x145: {  	v40 =	vadd.s32 v40, v39  }
0x146: {  	vm0 =	vgt.s32 v40, $0x0  }
0x147: {  	v40 =	vnsel vm0, $0x0, v40  }
0x148: {  	v42 =	vmin.u32 v40, $0x3FF  }
0x149: {  	v40 =	vshll.u32 v42, $0x3  }
0x14a: {  	v43 =	vand.u32 $0x7F, v42;
	v44 =	vand.u32 $0x1C00, v40  }
0x14b: {  	s19 =	simm.s32 $0x0;
	v43 =	vor.u32 v43, v44  }
0x14c: {  	v45 =	vor.u32 s19, v0;
	v40 =	vmov s22  }
0x14d: {  	v41 =	vand.u32 $0x3FFF, v41;
	vm15 =	vlt.s32 v45, v40  }
0x14e: {  	v41 =	vsel vm15, v41, v3  }
0x14f: {  	[tilespmem:$0x18900] =	vst v41  }
0x150: {  	v41 =	vld.idx.msk [tilespmem:v43+s6+$0x0], $0xffff  }
0x151: {  	v51 =	vor.u32 $0x80, v43;
	_ =	sdelay $0x3  }
0x152: {  	[tilespmem:v1+s17+$0x0] =	vst.idx.msk $0xffff, v41  }
0x153: {  	v41 =	vld.idx.msk [tilespmem:v51+s6+$0x0], $0xffff  }
0x154: {  	v52 =	vor.u32 $0x100, v43;
	_ =	sdelay $0x3  }
0x155: {  	[tilespmem:v7+s17+$0x0] =	vst.idx.msk $0xffff, v41  }
0x156: {  	v41 =	vld.idx.msk [tilespmem:v52+s6+$0x0], $0xffff  }
0x157: {  	v53 =	vor.u32 $0x180, v43;
	_ =	sdelay $0x3  }
0x158: {  	[tilespmem:v8+s17+$0x0] =	vst.idx.msk $0xffff, v41  }
0x159: {  	v41 =	vld.idx.msk [tilespmem:v53+s6+$0x0], $0xffff  }
0x15a: {  	v54 =	vor.u32 $0x200, v43;
	_ =	sdelay $0x3  }
0x15b: {  	[tilespmem:v9+s17+$0x0] =	vst.idx.msk $0xffff, v41  }
0x15c: {  	v41 =	vld.idx.msk [tilespmem:v54+s6+$0x0], $0xffff  }
0x15d: {  	v55 =	vor.u32 $0x280, v43;
	_ =	sdelay $0x3  }
0x15e: {  	[tilespmem:v10+s17+$0x0] =	vst.idx.msk $0xffff, v41  }
0x15f: {  	v41 =	vld.idx.msk [tilespmem:v55+s6+$0x0], $0xffff  }
0x160: {  	v56 =	vor.u32 $0x300, v43;
	_ =	sdelay $0x3  }
0x161: {  	[tilespmem:v11+s17+$0x0] =	vst.idx.msk $0xffff, v41  }
0x162: {  	v41 =	vor.u32 v42, v44;
	v57 =	vld.idx.msk [tilespmem:v56+s6+$0x0], $0xffff  }
0x163: {  	v44 =	vor.u32 $0x380, v41;
	_ =	sdelay $0x3  }
0x164: {  	[tilespmem:v12+s17+$0x0] =	vst.idx.msk $0xffff, v57  }
0x165: {  	v42 =	vld.idx.msk [tilespmem:v44+s6+$0x0], $0xffff  }
0x166: {  	v58 =	vor.u32 $0x2000, v43;
	_ =	sdelay $0x3  }
0x167: {  	[tilespmem:v13+s17+$0x0] =	vst.idx.msk $0xffff, v42  }
0x168: {  	v42 =	vld.idx.msk [tilespmem:v58+s6+$0x0], $0xffff  }
0x169: {  	v59 =	vor.u32 $0x2080, v43;
	_ =	sdelay $0x3  }
0x16a: {  	[tilespmem:v14+s17+$0x0] =	vst.idx.msk $0xffff, v42  }
0x16b: {  	v42 =	vld.idx.msk [tilespmem:v59+s6+$0x0], $0xffff  }
0x16c: {  	v60 =	vor.u32 $0x2100, v43;
	_ =	sdelay $0x3  }
0x16d: {  	[tilespmem:v15+s17+$0x0] =	vst.idx.msk $0xffff, v42  }
0x16e: {  	v42 =	vld.idx.msk [tilespmem:v60+s6+$0x0], $0xffff  }
0x16f: {  	v61 =	vor.u32 $0x2180, v43;
	_ =	sdelay $0x3  }
0x170: {  	[tilespmem:v16+s17+$0x0] =	vst.idx.msk $0xffff, v42  }
0x171: {  	v42 =	vld.idx.msk [tilespmem:v61+s6+$0x0], $0xffff  }
0x172: {  	v62 =	vor.u32 $0x2200, v43;
	_ =	sdelay $0x3  }
0x173: {  	[tilespmem:v17+s17+$0x0] =	vst.idx.msk $0xffff, v42  }
0x174: {  	v42 =	vld.idx.msk [tilespmem:v62+s6+$0x0], $0xffff  }
0x175: {  	v63 =	vor.u32 $0x2280, v43;
	_ =	sdelay $0x3  }
0x176: {  	[tilespmem:v18+s17+$0x0] =	vst.idx.msk $0xffff, v42  }
0x177: {  	v42 =	vld.idx.msk [tilespmem:v63+s6+$0x0], $0xffff  }
0x178: {  	v48 =	vor.u32 $0x2300, v43;
	_ =	sdelay $0x3  }
0x179: {  	[tilespmem:v19+s17+$0x0] =	vst.idx.msk $0xffff, v42  }
0x17a: {  	v42 =	vld.idx.msk [tilespmem:v48+s6+$0x0], $0xffff  }
0x17b: {  	v49 =	vor.u32 $0x2380, v41;
	_ =	sdelay $0x3  }
0x17c: {  	[tilespmem:v20+s17+$0x0] =	vst.idx.msk $0xffff, v42  }
0x17d: {  	v42 =	vld.idx.msk [tilespmem:v49+s6+$0x0], $0xffff  }
0x17e: {  	v50 =	vor.u32 $0x4000, v43;
	_ =	sdelay $0x3  }
0x17f: {  	[tilespmem:v21+s17+$0x0] =	vst.idx.msk $0xffff, v42  }
0x180: {  	v42 =	vld.idx.msk [tilespmem:v50+s6+$0x0], $0xffff  }
0x181: {  	v51 =	vor.u32 $0x4080, v43;
	_ =	sdelay $0x3  }
0x182: {  	[tilespmem:v22+s17+$0x0] =	vst.idx.msk $0xffff, v42  }
0x183: {  	v42 =	vld.idx.msk [tilespmem:v51+s6+$0x0], $0xffff  }
0x184: {  	v52 =	vor.u32 $0x4100, v43;
	_ =	sdelay $0x3  }
0x185: {  	[tilespmem:v23+s17+$0x0] =	vst.idx.msk $0xffff, v42  }
0x186: {  	v42 =	vld.idx.msk [tilespmem:v52+s6+$0x0], $0xffff  }
0x187: {  	v53 =	vor.u32 $0x4180, v43;
	_ =	sdelay $0x3  }
0x188: {  	[tilespmem:v24+s17+$0x0] =	vst.idx.msk $0xffff, v42  }
0x189: {  	v42 =	vld.idx.msk [tilespmem:v53+s6+$0x0], $0xffff  }
0x18a: {  	v54 =	vor.u32 $0x4200, v43;
	_ =	sdelay $0x3  }
0x18b: {  	[tilespmem:v25+s17+$0x0] =	vst.idx.msk $0xffff, v42  }
0x18c: {  	v42 =	vld.idx.msk [tilespmem:v54+s6+$0x0], $0xffff  }
0x18d: {  	v55 =	vor.u32 $0x4280, v43;
	_ =	sdelay $0x3  }
0x18e: {  	[tilespmem:v26+s17+$0x0] =	vst.idx.msk $0xffff, v42  }
0x18f: {  	v42 =	vld.idx.msk [tilespmem:v55+s6+$0x0], $0xffff  }
0x190: {  	v56 =	vor.u32 $0x4300, v43;
	_ =	sdelay $0x3  }
0x191: {  	[tilespmem:v27+s17+$0x0] =	vst.idx.msk $0xffff, v42  }
0x192: {  	v42 =	vld.idx.msk [tilespmem:v56+s6+$0x0], $0xffff  }
0x193: {  	v57 =	vor.u32 $0x4380, v41;
	_ =	sdelay $0x3  }
0x194: {  	[tilespmem:v28+s17+$0x0] =	vst.idx.msk $0xffff, v42  }
0x195: {  	v42 =	vld.idx.msk [tilespmem:v57+s6+$0x0], $0xffff  }
0x196: {  	v58 =	vor.u32 $0x6000, v43;
	_ =	sdelay $0x3  }
0x197: {  	[tilespmem:v29+s17+$0x0] =	vst.idx.msk $0xffff, v42  }
0x198: {  	v42 =	vld.idx.msk [tilespmem:v58+s6+$0x0], $0xffff  }
0x199: {  	v59 =	vor.u32 $0x6080, v43;
	_ =	sdelay $0x3  }
0x19a: {  	[tilespmem:v30+s17+$0x0] =	vst.idx.msk $0xffff, v42  }
0x19b: {  	v42 =	vld.idx.msk [tilespmem:v59+s6+$0x0], $0xffff  }
0x19c: {  	v60 =	vor.u32 $0x6100, v43;
	_ =	sdelay $0x3  }
0x19d: {  	[tilespmem:v31+s17+$0x0] =	vst.idx.msk $0xffff, v42  }
0x19e: {  	v42 =	vld.idx.msk [tilespmem:v60+s6+$0x0], $0xffff  }
0x19f: {  	v61 =	vor.u32 $0x6180, v43;
	_ =	sdelay $0x3  }
0x1a0: {  	[tilespmem:v32+s17+$0x0] =	vst.idx.msk $0xffff, v42  }
0x1a1: {  	v42 =	vld.idx.msk [tilespmem:v61+s6+$0x0], $0xffff  }
0x1a2: {  	v62 =	vor.u32 $0x6200, v43;
	_ =	sdelay $0x3  }
0x1a3: {  	[tilespmem:v33+s17+$0x0] =	vst.idx.msk $0xffff, v42  }
0x1a4: {  	v42 =	vld.idx.msk [tilespmem:v62+s6+$0x0], $0xffff  }
0x1a5: {  	v63 =	vor.u32 $0x6280, v43;
	_ =	sdelay $0x3  }
0x1a6: {  	[tilespmem:v34+s17+$0x0] =	vst.idx.msk $0xffff, v42  }
0x1a7: {  	v42 =	vld.idx.msk [tilespmem:v63+s6+$0x0], $0xffff  }
0x1a8: {  	v43 =	vor.u32 $0x6300, v43;
	_ =	sdelay $0x3  }
0x1a9: {  	[tilespmem:v35+s17+$0x0] =	vst.idx.msk $0xffff, v42  }
0x1aa: {  	v42 =	vld.idx.msk [tilespmem:v43+s6+$0x0], $0xffff  }
0x1ab: {  	v41 =	vor.u32 $0x6380, v41;
	_ =	sdelay $0x3  }
0x1ac: {  	[tilespmem:v36+s17+$0x0] =	vst.idx.msk $0xffff, v42  }
0x1ad: {  	v41 =	vld.idx.msk [tilespmem:v41+s6+$0x0], $0xffff;
	_ =	sdelay $0x2  }
0x1ae: {  	p1 =	sne.s32 s20, $0x1  }
.Ltmp10:
0x1af: {  	_ = 	snop;
	(pc) =	sbr.rel @!p1 .LBB2_14-.Ltmp10, $4  }
0x1b0: {  	[tilespmem:v37+s17+$0x0] =	vst.idx.msk $0xffff, v41  }
0x1b1: {  	[hbm4b:s8+s18] =	stream.indirect.scatter [tilespmem:s17], [sflag:$0x3], $0x80, s23, s18, $0xb8;
	[tilespmem:$0x1C980] =	vst v63  }
0x1b2: {  	_ =	swait.ge [sflag:s3], $0x800  }
0x1b3: {  	s20 =	sadd.s32 $0xFFFFFFFF, s20;
	[sflag:s3] =	ssyncset.done $0x0  }
.LBB2_13:
0x1b4: {  	[sflag:s3] =	ssyncadd.s32 $0xFFFFF800;
	s16 =	sadd.s32 $0x10, s16;
	s19 =	sadd.s32 $0x10, s19  }
0x1b5: {  	p1 =	sne.s32 s20, $0x1;
	s20 =	sadd.s32 $0xFFFFFFFF, s20;
	v41 =	vld [tilespmem:s16+$0x0];
	_ =	sdelay $0x3  }
0x1b6: {  	v42 =	vor.u32 s19, v0  }
0x1b7: {  	vm0 =	vlt.s32 v42, v40;
	v43 =	vand.u32 $0x3FFF, v41;
	v41 =	vshrl.u32 v41, $0xE  }
0x1b8: {  	v43 =	vsel vm0, v43, v3;
	v41 =	vadd.s32 v41, v39  }
0x1b9: {  	vm0 =	vgt.s32 v41, $0x0  }
0x1ba: {  	v41 =	vnsel vm0, $0x0, v41  }
0x1bb: {  	v41 =	vmin.u32 v41, $0x3FF  }
0x1bc: {  	v42 =	vshll.u32 v41, $0x3  }
0x1bd: {  	v44 =	vand.u32 $0x7F, v41;
	v45 =	vand.u32 $0x1C00, v42  }
0x1be: {  	v42 =	vor.u32 v44, v45;
	v41 =	vor.u32 v41, v45;
	_ =	sdelay $0x3  }
0x1bf: {  	[tilespmem:$0x18900] =	vst v43  }
0x1c0: {  	v43 =	vld.idx.msk [tilespmem:v42+s6+$0x0], $0xffff;
	_ =	sdelay $0x1  }
0x1c1: {  	v44 =	vor.u32 $0x80, v42;
	_ =	sdelay $0x3  }
0x1c2: {  	[tilespmem:v1+s17+$0x0] =	vst.idx.msk $0xffff, v43  }
0x1c3: {  	v43 =	vld.idx.msk [tilespmem:v44+s6+$0x0], $0xffff;
	_ =	sdelay $0x1  }
0x1c4: {  	v44 =	vor.u32 $0x100, v42;
	_ =	sdelay $0x3  }
0x1c5: {  	[tilespmem:v7+s17+$0x0] =	vst.idx.msk $0xffff, v43  }
0x1c6: {  	v43 =	vld.idx.msk [tilespmem:v44+s6+$0x0], $0xffff;
	_ =	sdelay $0x1  }
0x1c7: {  	v44 =	vor.u32 $0x180, v42;
	_ =	sdelay $0x3  }
0x1c8: {  	[tilespmem:v8+s17+$0x0] =	vst.idx.msk $0xffff, v43  }
0x1c9: {  	v43 =	vld.idx.msk [tilespmem:v44+s6+$0x0], $0xffff;
	_ =	sdelay $0x1  }
0x1ca: {  	v44 =	vor.u32 $0x200, v42;
	_ =	sdelay $0x3  }
0x1cb: {  	[tilespmem:v9+s17+$0x0] =	vst.idx.msk $0xffff, v43  }
0x1cc: {  	v43 =	vld.idx.msk [tilespmem:v44+s6+$0x0], $0xffff;
	_ =	sdelay $0x1  }
0x1cd: {  	v44 =	vor.u32 $0x280, v42;
	_ =	sdelay $0x3  }
0x1ce: {  	[tilespmem:v10+s17+$0x0] =	vst.idx.msk $0xffff, v43  }
0x1cf: {  	v43 =	vld.idx.msk [tilespmem:v44+s6+$0x0], $0xffff;
	_ =	sdelay $0x1  }
0x1d0: {  	v44 =	vor.u32 $0x300, v42;
	_ =	sdelay $0x3  }
0x1d1: {  	[tilespmem:v11+s17+$0x0] =	vst.idx.msk $0xffff, v43  }
0x1d2: {  	v43 =	vld.idx.msk [tilespmem:v44+s6+$0x0], $0xffff;
	_ =	sdelay $0x1  }
0x1d3: {  	v44 =	vor.u32 $0x380, v41;
	_ =	sdelay $0x3  }
0x1d4: {  	[tilespmem:v12+s17+$0x0] =	vst.idx.msk $0xffff, v43  }
0x1d5: {  	v43 =	vld.idx.msk [tilespmem:v44+s6+$0x0], $0xffff;
	_ =	sdelay $0x1  }
0x1d6: {  	v44 =	vor.u32 $0x2000, v42;
	_ =	sdelay $0x3  }
0x1d7: {  	[tilespmem:v13+s17+$0x0] =	vst.idx.msk $0xffff, v43  }
0x1d8: {  	v43 =	vld.idx.msk [tilespmem:v44+s6+$0x0], $0xffff;
	_ =	sdelay $0x1  }
0x1d9: {  	v44 =	vor.u32 $0x2080, v42;
	_ =	sdelay $0x3  }
0x1da: {  	[tilespmem:v14+s17+$0x0] =	vst.idx.msk $0xffff, v43  }
0x1db: {  	v43 =	vld.idx.msk [tilespmem:v44+s6+$0x0], $0xffff;
	_ =	sdelay $0x1  }
0x1dc: {  	v44 =	vor.u32 $0x2100, v42;
	_ =	sdelay $0x3  }
0x1dd: {  	[tilespmem:v15+s17+$0x0] =	vst.idx.msk $0xffff, v43  }
0x1de: {  	v43 =	vld.idx.msk [tilespmem:v44+s6+$0x0], $0xffff;
	_ =	sdelay $0x1  }
0x1df: {  	v44 =	vor.u32 $0x2180, v42;
	_ =	sdelay $0x3  }
0x1e0: {  	[tilespmem:v16+s17+$0x0] =	vst.idx.msk $0xffff, v43  }
0x1e1: {  	v43 =	vld.idx.msk [tilespmem:v44+s6+$0x0], $0xffff;
	_ =	sdelay $0x1  }
0x1e2: {  	v44 =	vor.u32 $0x2200, v42;
	_ =	sdelay $0x3  }
0x1e3: {  	[tilespmem:v17+s17+$0x0] =	vst.idx.msk $0xffff, v43  }
0x1e4: {  	v43 =	vld.idx.msk [tilespmem:v44+s6+$0x0], $0xffff;
	_ =	sdelay $0x1  }
0x1e5: {  	v44 =	vor.u32 $0x2280, v42;
	_ =	sdelay $0x3  }
0x1e6: {  	[tilespmem:v18+s17+$0x0] =	vst.idx.msk $0xffff, v43  }
0x1e7: {  	v43 =	vld.idx.msk [tilespmem:v44+s6+$0x0], $0xffff;
	_ =	sdelay $0x1  }
0x1e8: {  	v44 =	vor.u32 $0x2300, v42;
	_ =	sdelay $0x3  }
0x1e9: {  	[tilespmem:v19+s17+$0x0] =	vst.idx.msk $0xffff, v43  }
0x1ea: {  	v43 =	vld.idx.msk [tilespmem:v44+s6+$0x0], $0xffff;
	_ =	sdelay $0x1  }
0x1eb: {  	v44 =	vor.u32 $0x2380, v41;
	_ =	sdelay $0x3  }
0x1ec: {  	[tilespmem:v20+s17+$0x0] =	vst.idx.msk $0xffff, v43  }
0x1ed: {  	v43 =	vld.idx.msk [tilespmem:v44+s6+$0x0], $0xffff;
	_ =	sdelay $0x1  }
0x1ee: {  	v44 =	vor.u32 $0x4000, v42;
	_ =	sdelay $0x3  }
0x1ef: {  	[tilespmem:v21+s17+$0x0] =	vst.idx.msk $0xffff, v43  }
0x1f0: {  	v43 =	vld.idx.msk [tilespmem:v44+s6+$0x0], $0xffff;
	_ =	sdelay $0x1  }
0x1f1: {  	v44 =	vor.u32 $0x4080, v42;
	_ =	sdelay $0x3  }
0x1f2: {  	[tilespmem:v22+s17+$0x0] =	vst.idx.msk $0xffff, v43  }
0x1f3: {  	v43 =	vld.idx.msk [tilespmem:v44+s6+$0x0], $0xffff;
	_ =	sdelay $0x1  }
0x1f4: {  	v44 =	vor.u32 $0x4100, v42;
	_ =	sdelay $0x3  }
0x1f5: {  	[tilespmem:v23+s17+$0x0] =	vst.idx.msk $0xffff, v43  }
0x1f6: {  	v43 =	vld.idx.msk [tilespmem:v44+s6+$0x0], $0xffff;
	_ =	sdelay $0x1  }
0x1f7: {  	v44 =	vor.u32 $0x4180, v42;
	_ =	sdelay $0x3  }
0x1f8: {  	[tilespmem:v24+s17+$0x0] =	vst.idx.msk $0xffff, v43  }
0x1f9: {  	v43 =	vld.idx.msk [tilespmem:v44+s6+$0x0], $0xffff;
	_ =	sdelay $0x1  }
0x1fa: {  	v44 =	vor.u32 $0x4200, v42;
	_ =	sdelay $0x3  }
0x1fb: {  	[tilespmem:v25+s17+$0x0] =	vst.idx.msk $0xffff, v43  }
0x1fc: {  	v43 =	vld.idx.msk [tilespmem:v44+s6+$0x0], $0xffff;
	_ =	sdelay $0x1  }
0x1fd: {  	v44 =	vor.u32 $0x4280, v42;
	_ =	sdelay $0x3  }
0x1fe: {  	[tilespmem:v26+s17+$0x0] =	vst.idx.msk $0xffff, v43  }
0x1ff: {  	v43 =	vld.idx.msk [tilespmem:v44+s6+$0x0], $0xffff;
	_ =	sdelay $0x1  }
0x200: {  	v44 =	vor.u32 $0x4300, v42;
	_ =	sdelay $0x3  }
0x201: {  	[tilespmem:v27+s17+$0x0] =	vst.idx.msk $0xffff, v43  }
0x202: {  	v43 =	vld.idx.msk [tilespmem:v44+s6+$0x0], $0xffff;
	_ =	sdelay $0x1  }
0x203: {  	v44 =	vor.u32 $0x4380, v41;
	_ =	sdelay $0x3  }
0x204: {  	[tilespmem:v28+s17+$0x0] =	vst.idx.msk $0xffff, v43  }
0x205: {  	v43 =	vld.idx.msk [tilespmem:v44+s6+$0x0], $0xffff;
	_ =	sdelay $0x1  }
0x206: {  	v44 =	vor.u32 $0x6000, v42;
	_ =	sdelay $0x3  }
0x207: {  	[tilespmem:v29+s17+$0x0] =	vst.idx.msk $0xffff, v43  }
0x208: {  	v43 =	vld.idx.msk [tilespmem:v44+s6+$0x0], $0xffff;
	_ =	sdelay $0x1  }
0x209: {  	v44 =	vor.u32 $0x6080, v42;
	_ =	sdelay $0x3  }
0x20a: {  	[tilespmem:v30+s17+$0x0] =	vst.idx.msk $0xffff, v43  }
0x20b: {  	v43 =	vld.idx.msk [tilespmem:v44+s6+$0x0], $0xffff;
	_ =	sdelay $0x1  }
0x20c: {  	v44 =	vor.u32 $0x6100, v42;
	_ =	sdelay $0x3  }
0x20d: {  	[tilespmem:v31+s17+$0x0] =	vst.idx.msk $0xffff, v43  }
0x20e: {  	v43 =	vld.idx.msk [tilespmem:v44+s6+$0x0], $0xffff;
	_ =	sdelay $0x1  }
0x20f: {  	v44 =	vor.u32 $0x6180, v42;
	_ =	sdelay $0x3  }
0x210: {  	[tilespmem:v32+s17+$0x0] =	vst.idx.msk $0xffff, v43  }
0x211: {  	v43 =	vld.idx.msk [tilespmem:v44+s6+$0x0], $0xffff;
	_ =	sdelay $0x1  }
0x212: {  	v44 =	vor.u32 $0x6200, v42;
	_ =	sdelay $0x3  }
0x213: {  	[tilespmem:v33+s17+$0x0] =	vst.idx.msk $0xffff, v43  }
0x214: {  	v43 =	vld.idx.msk [tilespmem:v44+s6+$0x0], $0xffff;
	_ =	sdelay $0x1  }
0x215: {  	v44 =	vor.u32 $0x6280, v42;
	_ =	sdelay $0x3  }
0x216: {  	[tilespmem:v34+s17+$0x0] =	vst.idx.msk $0xffff, v43  }
0x217: {  	v43 =	vld.idx.msk [tilespmem:v44+s6+$0x0], $0xffff;
	_ =	sdelay $0x1  }
0x218: {  	v42 =	vor.u32 $0x6300, v42;
	_ =	sdelay $0x3  }
0x219: {  	[tilespmem:v35+s17+$0x0] =	vst.idx.msk $0xffff, v43  }
0x21a: {  	v42 =	vld.idx.msk [tilespmem:v42+s6+$0x0], $0xffff;
	_ =	sdelay $0x1  }
0x21b: {  	v41 =	vor.u32 $0x6380, v41;
	_ =	sdelay $0x3  }
0x21c: {  	[tilespmem:v36+s17+$0x0] =	vst.idx.msk $0xffff, v42  }
0x21d: {  	v41 =	vld.idx.msk [tilespmem:v41+s6+$0x0], $0xffff;
	_ =	sdelay $0x4  }
.Ltmp11:
0x21e: {  	(pc) =	sbr.rel @p1 .LBB2_13-.Ltmp11, $4  }
0x21f: {  	[tilespmem:v37+s17+$0x0] =	vst.idx.msk $0xffff, v41  }
0x220: {  	[hbm4b:s8+s18] =	stream.indirect.scatter [tilespmem:s17], [sflag:$0x3], $0x80, s23, s18, $0xb8;
	[tilespmem:$0x1C980] =	vst v63  }
0x221: {  	_ =	swait.ge [sflag:s3], $0x800  }
0x222: {  	[sflag:s3] =	ssyncset.done $0x0  }
.LBB2_14:
0x223: {  	[sflag:s3] =	ssyncadd.s32 $0xFFFFF800  }
.LBB2_15:
0x224: {  	s15 =	sadd.s32 $0x2, s15  }
0x225: {  	s16 =	smin.u32 s15, $0x27  }
0x226: {  	s15 =	smin.u32 s15, $0xA;
	s16 =	smul.u32 $0x30D, s16  }
0x227: {  	s15 =	sadd.s32 s7, s15  }
0x228: {  	s15 =	sadd.s32 s16, s15  }
0x229: {  	s15 =	sshrl.u32 s15, $0x7  }
0x22a: {  	s15 =	smin.u32 s15, $0x1E7C  }
0x22b: {  	s15 =	sshll.u32 s15, $0x7  }
0x22c: {  	s22 =	sadd.s32 s31, s15  }
0x22d: {  	[tilespmem:s6], [sflag:$0x1] =	stream.linear.gather [hbm4b:s22+s6], $0x400, $0x38;
	[tilespmem:$0x1C980] =	vst v63  }
0x22e: {  	s20 =	simm.s32 $0x2000;
	s19 =	sadd.s32 $0xF4280, s22  }
0x22f: {  	[tilespmem:s20], [sflag:$0x1] =	stream.linear.gather [hbm4b:s19+s6], $0x400, $0x38;
	[tilespmem:$0x1C980] =	vst v63  }
0x230: {  	s30 =	simm.s32 $0x4000;
	s26 =	sadd.s32 $0x1E8500, s22  }
0x231: {  	[tilespmem:s30], [sflag:$0x1] =	stream.linear.gather [hbm4b:s26+s6], $0x400, $0x38;
	[tilespmem:$0x1C980] =	vst v63  }
0x232: {  	s16 =	sadd.s32 $0x2DC780, s22;
	s20 =	simm.s32 $0x6000  }
0x233: {  	[tilespmem:s20], [sflag:$0x1] =	stream.linear.gather [hbm4b:s16+s6], $0x400, $0x38;
	[tilespmem:$0x1C980] =	vst v63  }
0x234: {  	s22 =	simm.s32 $0x400;
	s16 =	sadd.s32 s15, s11  }
0x235: {  	[tilespmem:s22], [sflag:$0x1] =	stream.linear.gather [hbm4b:s16+s6], $0x400, $0x38;
	[tilespmem:$0x1C980] =	vst v63  }
0x236: {  	s30 =	simm.s32 $0x2400;
	s26 =	sadd.s32 $0xF4280, s16  }
0x237: {  	[tilespmem:s30], [sflag:$0x1] =	stream.linear.gather [hbm4b:s26+s6], $0x400, $0x38;
	[tilespmem:$0x1C980] =	vst v63  }
0x238: {  	s20 =	sadd.s32 $0x1E8500, s16;
	s22 =	simm.s32 $0x4400  }
0x239: {  	[tilespmem:s22], [sflag:$0x1] =	stream.linear.gather [hbm4b:s20+s6], $0x400, $0x38;
	[tilespmem:$0x1C980] =	vst v63  }
0x23a: {  	s16 =	sadd.s32 $0x2DC780, s16;
	s26 =	simm.s32 $0x6400  }
0x23b: {  	[tilespmem:s26], [sflag:$0x1] =	stream.linear.gather [hbm4b:s16+s6], $0x400, $0x38;
	[tilespmem:$0x1C980] =	vst v63  }
0x23c: {  	s30 =	simm.s32 $0x800;
	s16 =	sadd.s32 s15, s12  }
0x23d: {  	[tilespmem:s30], [sflag:$0x1] =	stream.linear.gather [hbm4b:s16+s6], $0x400, $0x38;
	[tilespmem:$0x1C980] =	vst v63  }
0x23e: {  	s22 =	simm.s32 $0x2800;
	s20 =	sadd.s32 $0xF4280, s16  }
0x23f: {  	[tilespmem:s22], [sflag:$0x1] =	stream.linear.gather [hbm4b:s20+s6], $0x400, $0x38;
	[tilespmem:$0x1C980] =	vst v63  }
0x240: {  	s26 =	sadd.s32 $0x1E8500, s16;
	s30 =	simm.s32 $0x4800  }
0x241: {  	[tilespmem:s30], [sflag:$0x1] =	stream.linear.gather [hbm4b:s26+s6], $0x400, $0x38;
	[tilespmem:$0x1C980] =	vst v63  }
0x242: {  	s16 =	sadd.s32 $0x2DC780, s16;
	s22 =	simm.s32 $0x6800;
	s26 =	rddreg [dreg:$0xa]  }
0x243: {  	[tilespmem:s22], [sflag:$0x1] =	stream.linear.gather [hbm4b:s16+s6], $0x400, $0x38;
	[tilespmem:$0x1C980] =	vst v63  }
0x244: {  	s30 =	simm.s32 $0xC00;
	s16 =	sadd.s32 s15, s26  }
0x245: {  	[tilespmem:s30], [sflag:$0x1] =	stream.linear.gather [hbm4b:s16+s6], $0x400, $0x38;
	[tilespmem:$0x1C980] =	vst v63  }
0x246: {  	s22 =	simm.s32 $0x2C00;
	s20 =	sadd.s32 $0xF4280, s16  }
0x247: {  	[tilespmem:s22], [sflag:$0x1] =	stream.linear.gather [hbm4b:s20+s6], $0x400, $0x38;
	[tilespmem:$0x1C980] =	vst v63  }
0x248: {  	s26 =	sadd.s32 $0x1E8500, s16;
	s30 =	simm.s32 $0x4C00  }
0x249: {  	[tilespmem:s30], [sflag:$0x1] =	stream.linear.gather [hbm4b:s26+s6], $0x400, $0x38;
	[tilespmem:$0x1C980] =	vst v63  }
0x24a: {  	s16 =	sadd.s32 $0x2DC780, s16;
	s22 =	simm.s32 $0x6C00;
	s26 =	rddreg [dreg:$0xd]  }
0x24b: {  	[tilespmem:s22], [sflag:$0x1] =	stream.linear.gather [hbm4b:s16+s6], $0x400, $0x38;
	[tilespmem:$0x1C980] =	vst v63  }
0x24c: {  	s30 =	simm.s32 $0x1000;
	s16 =	sadd.s32 s15, s26  }
0x24d: {  	[tilespmem:s30], [sflag:$0x1] =	stream.linear.gather [hbm4b:s16+s6], $0x400, $0x38;
	[tilespmem:$0x1C980] =	vst v63  }
0x24e: {  	s22 =	simm.s32 $0x3000;
	s20 =	sadd.s32 $0xF4280, s16  }
0x24f: {  	[tilespmem:s22], [sflag:$0x1] =	stream.linear.gather [hbm4b:s20+s6], $0x400, $0x38;
	[tilespmem:$0x1C980] =	vst v63  }
0x250: {  	s26 =	sadd.s32 $0x1E8500, s16;
	s30 =	simm.s32 $0x5000  }
0x251: {  	[tilespmem:s30], [sflag:$0x1] =	stream.linear.gather [hbm4b:s26+s6], $0x400, $0x38;
	[tilespmem:$0x1C980] =	vst v63  }
0x252: {  	s16 =	sadd.s32 $0x2DC780, s16;
	s22 =	simm.s32 $0x7000;
	s26 =	rddreg [dreg:$0xe]  }
0x253: {  	[tilespmem:s22], [sflag:$0x1] =	stream.linear.gather [hbm4b:s16+s6], $0x400, $0x38;
	[tilespmem:$0x1C980] =	vst v63  }
0x254: {  	s30 =	simm.s32 $0x1400;
	s16 =	sadd.s32 s15, s26  }
0x255: {  	[tilespmem:s30], [sflag:$0x1] =	stream.linear.gather [hbm4b:s16+s6], $0x400, $0x38;
	[tilespmem:$0x1C980] =	vst v63  }
0x256: {  	s22 =	simm.s32 $0x3400;
	s20 =	sadd.s32 $0xF4280, s16  }
0x257: {  	[tilespmem:s22], [sflag:$0x1] =	stream.linear.gather [hbm4b:s20+s6], $0x400, $0x38;
	[tilespmem:$0x1C980] =	vst v63  }
0x258: {  	s26 =	sadd.s32 $0x1E8500, s16;
	s30 =	simm.s32 $0x5400  }
0x259: {  	[tilespmem:s30], [sflag:$0x1] =	stream.linear.gather [hbm4b:s26+s6], $0x400, $0x38;
	[tilespmem:$0x1C980] =	vst v63  }
0x25a: {  	s16 =	sadd.s32 $0x2DC780, s16;
	s22 =	simm.s32 $0x7400;
	s26 =	rddreg [dreg:$0xf]  }
0x25b: {  	[tilespmem:s22], [sflag:$0x1] =	stream.linear.gather [hbm4b:s16+s6], $0x400, $0x38;
	[tilespmem:$0x1C980] =	vst v63  }
0x25c: {  	s30 =	simm.s32 $0x1800;
	s16 =	sadd.s32 s15, s26  }
0x25d: {  	[tilespmem:s30], [sflag:$0x1] =	stream.linear.gather [hbm4b:s16+s6], $0x400, $0x38;
	[tilespmem:$0x1C980] =	vst v63  }
0x25e: {  	s22 =	simm.s32 $0x3800;
	s20 =	sadd.s32 $0xF4280, s16  }
0x25f: {  	[tilespmem:s22], [sflag:$0x1] =	stream.linear.gather [hbm4b:s20+s6], $0x400, $0x38;
	[tilespmem:$0x1C980] =	vst v63  }
0x260: {  	s26 =	sadd.s32 $0x1E8500, s16;
	s30 =	simm.s32 $0x5800  }
0x261: {  	[tilespmem:s30], [sflag:$0x1] =	stream.linear.gather [hbm4b:s26+s6], $0x400, $0x38;
	[tilespmem:$0x1C980] =	vst v63  }
0x262: {  	s16 =	sadd.s32 $0x2DC780, s16;
	s22 =	simm.s32 $0x7800;
	s26 =	rddreg [dreg:$0x13]  }
0x263: {  	[tilespmem:s22], [sflag:$0x1] =	stream.linear.gather [hbm4b:s16+s6], $0x400, $0x38;
	[tilespmem:$0x1C980] =	vst v63  }
0x264: {  	s30 =	simm.s32 $0x1C00;
	s15 =	sadd.s32 s15, s26  }
0x265: {  	[tilespmem:s30], [sflag:$0x1] =	stream.linear.gather [hbm4b:s15+s6], $0x400, $0x38;
	[tilespmem:$0x1C980] =	vst v63  }
0x266: {  	s20 =	simm.s32 $0x3C00;
	s19 =	sadd.s32 $0xF4280, s15  }
0x267: {  	[tilespmem:s20], [sflag:$0x1] =	stream.linear.gather [hbm4b:s19+s6], $0x400, $0x38;
	[tilespmem:$0x1C980] =	vst v63  }
0x268: {  	s26 =	simm.s32 $0x5C00;
	s22 =	sadd.s32 $0x1E8500, s15  }
0x269: {  	[tilespmem:s26], [sflag:$0x1] =	stream.linear.gather [hbm4b:s22+s6], $0x400, $0x38;
	[tilespmem:$0x1C980] =	vst v63  }
0x26a: {  	s15 =	sadd.s32 $0x2DC780, s15;
	s30 =	simm.s32 $0x7C00  }
0x26b: {  	[tilespmem:s30], [sflag:$0x1] =	stream.linear.gather [hbm4b:s15+s6], $0x400, $0x38;
	[tilespmem:$0x1C980] =	vst v63  }
0x26c: {  	_ =	swait.ge [sflag:s2], $0x1000  }
0x26d: {  	[sflag:s2] =	ssyncset.done $0x0  }
0x26e: {  	[sflag:s2] =	ssyncadd.s32 $0xFFFFF000  }
0x26f: {  	_ =	swait.ge [sflag:s2], $0x1000  }
0x270: {  	[sflag:s2] =	ssyncset.done $0x0  }
0x271: {  	[sflag:s2] =	ssyncadd.s32 $0xFFFFF000  }
0x272: {  	_ =	swait.ge [sflag:s2], $0x1000  }
0x273: {  	[sflag:s2] =	ssyncset.done $0x0  }
0x274: {  	[sflag:s2] =	ssyncadd.s32 $0xFFFFF000  }
0x275: {  	_ =	swait.ge [sflag:s2], $0x1000  }
0x276: {  	[sflag:s2] =	ssyncset.done $0x0  }
0x277: {  	[sflag:s2] =	ssyncadd.s32 $0xFFFFF000  }
0x278: {  	_ =	swait.ge [sflag:s2], $0x1000  }
0x279: {  	[sflag:s2] =	ssyncset.done $0x0  }
0x27a: {  	[sflag:s2] =	ssyncadd.s32 $0xFFFFF000  }
0x27b: {  	_ =	swait.ge [sflag:s2], $0x1000  }
0x27c: {  	[sflag:s2] =	ssyncset.done $0x0  }
0x27d: {  	[sflag:s2] =	ssyncadd.s32 $0xFFFFF000  }
0x27e: {  	_ =	swait.ge [sflag:s2], $0x1000  }
.Ltmp12:
0x27f: {  	[sflag:s2] =	ssyncset.done $0x0;
	(pc) =	sbr.rel @p0 .LBB2_25-.Ltmp12, $4  }
0x280: {  	[sflag:s2] =	ssyncadd.s32 $0xFFFFF000  }
0x281: {  	_ =	swait.ge [sflag:s2], $0x1000  }
0x282: {  	[sflag:s2] =	ssyncset.done $0x0  }
0x283: {  	[sflag:s2] =	ssyncadd.s32 $0xFFFFF000  }
0x284: {  	p2 =	sne.s32 s28, $0x1  }
.Ltmp13:
0x285: {  	_ = 	snop;
	(pc) =	sbr.rel @!p2 .LBB2_17-.Ltmp13, $4  }
0x286: {  	s13 =	sadd.s32 s13, s10  }
0x287: {  	s15 =	smov.u32 s24;
	p1 =	slt.s32 s13, s24  }
0x288: {  	s30 =	simm.s32 $0x10000;
	s15 =	smov.u32 @p1 s13  }
0x289: {  	v39 =	vmov s10;
	s10 =	simm.s32 $0x0;
	v40 =	vld [tilespmem:s30+$0x0];
	s13 =	sadd.s32 $0xFFFFFFFF, s28;
	p1 =	por $0x0, $0x0;
	v41 =	vmov s15  }
0x28a: {  	_ =	sdelay $0x3  }
0x28b: {  	v43 =	vor.u32 s10, v0;
	v42 =	vshrl.u32 v40, $0xE  }
0x28c: {  	vm0 =	vlt.s32 v43, v38;
	vm1 =	vlt.s32 v42, v41  }
0x28d: {  	vm2 =	vge.u32 v42, v39;
	vm0 =	vmand vm0, vm1  }
0x28e: {  	vm0 =	vmand vm0, vm2  }
0x28f: {  	v63 =	vmpcnt.ones.xlane vm0;
	_ =	sdelay $0x1  }
0x290: {  	p2 =	sne.s32 s13, $0x1;
	(v2sf) =	vpush v63, $0x0  }
.Ltmp14:
0x291: {  	_ = 	snop;
	(pc) =	sbr.rel @!p2 .LBB2_19-.Ltmp14, $3  }
0x292: {  	_ =	sdelay $0x1  }
0x293: {  	s16 =	simm.s32 $0x10010;
	s19 =	sadd.s32 $0xFFFFFFFF, s13;
	[tilespmem:s10+$0x14080] =	vst.msk vm0, v40  }
0x294: {  	p1 =	por $0x1, $0x1;
	s15 =	simm.s32 $0x0;
	s13 =	simm.s32 $0x0;
	v40 =	vld [tilespmem:s16+$0x0]  }
.LBB2_20:
0x295: {  	p2 =	sne.s32 s19, $0x1;
	_ =	sdelay $0x2  }
0x296: {  	s15 =	sadd.s32 $0x10, s15  }
0x297: {  	v43 =	vor.u32 s15, v0;
	v42 =	vshrl.u32 v40, $0xE  }
0x298: {  	vm0 =	vlt.s32 v43, v38;
	vm1 =	vlt.s32 v42, v41  }
0x299: {  	vm2 =	vge.u32 v42, v39;
	vm0 =	vmand vm0, vm1  }
0x29a: {  	vm0 =	vmand vm0, vm2  }
0x29b: {  	v42 =	vmpcnt.ones.xlane vm0  }
0x29c: {  	s20 =	spop (v2sf)  }
0x29d: {  	(v2sf) =	vpush v42, $0x0;
	s13 =	sadd.s32 s13, s20  }
.Ltmp15:
0x29e: {  	[tilespmem:s13+$0x14080] =	vst.msk vm0, v40;
	(pc) =	sbr.rel @p2 .LBB2_20-.Ltmp15, $3  }
0x29f: {  	_ =	sdelay $0x1  }
0x2a0: {  	s16 =	sadd.s32 $0x10, s16  }
0x2a1: {  	s19 =	sadd.s32 $0xFFFFFFFF, s19;
	v40 =	vld [tilespmem:s16+$0x0]  }
.LBB2_21:
0x2a2: {  	_ =	sdelay $0x1  }
0x2a3: {  	s15 =	sadd.s32 @p1 $0x10, s15;
	s16 =	simm.s32 $0x0  }
0x2a4: {  	s16 =	smov.u32 @p1 s15  }
0x2a5: {  	v43 =	vor.u32 s16, v0;
	v42 =	vshrl.u32 v40, $0xE  }
0x2a6: {  	vm0 =	vlt.s32 v43, v38;
	vm1 =	vlt.s32 v42, v41  }
0x2a7: {  	vm2 =	vge.u32 v42, v39;
	vm0 =	vmand vm0, vm1  }
0x2a8: {  	vm0 =	vmand vm0, vm2  }
0x2a9: {  	v63 =	vmpcnt.ones.xlane vm0;
	_ =	sdelay $0x1  }
0x2aa: {  	(v2sf) =	vpush v63, $0x0;
	_ =	sdelay $0xc  }
0x2ab: {  	s15 =	spop @p1 (v2sf)  }
0x2ac: {  	s13 =	sadd.s32 @p1 s13, s15  }
0x2ad: {  	s10 =	smov.u32 @p1 s13;
	s30 =	spop (v2sf)  }
0x2ae: {  	s16 =	sadd.s32 s10, s30  }
0x2af: {  	s13 =	sadd.s32 $0xF, s16  }
0x2b0: {  	s15 =	sshrl.u32 s13, $0x4  }
0x2b1: {  	p1 =	seq.s32 s15, $0x0  }
.Ltmp16:
0x2b2: {  	_ = 	snop;
	(pc) =	sbr.rel @p1 .LBB2_25-.Ltmp16, $2  }
0x2b3: {  	_ =	sdelay $0x2  }
0x2b4: {  	[tilespmem:s10+$0x14080] =	vst.msk vm0, v40  }
0x2b5: {  	s10 =	simm.s32 $0x14080  }
0x2b6: {  	v41 =	vld [tilespmem:s10+$0x0];
	_ =	sdelay $0x3  }
0x2b7: {  	s13 =	ssub.s32 s7, s29  }
0x2b8: {  	v39 =	vmov s13;
	v40 =	vshrl.u32 v41, $0xE  }
0x2b9: {  	v40 =	vadd.s32 v40, v39  }
0x2ba: {  	vm0 =	vgt.s32 v40, $0x0  }
0x2bb: {  	v40 =	vnsel vm0, $0x0, v40  }
0x2bc: {  	v42 =	vmin.u32 v40, $0x3FF  }
0x2bd: {  	v40 =	vshll.u32 v42, $0x3  }
0x2be: {  	v43 =	vand.u32 $0x7F, v42;
	v44 =	vand.u32 $0x1C00, v40  }
0x2bf: {  	s13 =	simm.s32 $0x0;
	v43 =	vor.u32 v43, v44  }
0x2c0: {  	v45 =	vor.u32 s13, v0;
	v40 =	vmov s16  }
0x2c1: {  	v41 =	vand.u32 $0x3FFF, v41;
	vm15 =	vlt.s32 v45, v40  }
0x2c2: {  	v41 =	vsel vm15, v41, v3  }
0x2c3: {  	[tilespmem:$0x18900] =	vst v41  }
0x2c4: {  	v41 =	vld.idx.msk [tilespmem:v43+s1+$0x0], $0xffff  }
0x2c5: {  	v51 =	vor.u32 $0x80, v43;
	_ =	sdelay $0x3  }
0x2c6: {  	[tilespmem:v1+s17+$0x0] =	vst.idx.msk $0xffff, v41  }
0x2c7: {  	v41 =	vld.idx.msk [tilespmem:v51+s1+$0x0], $0xffff  }
0x2c8: {  	v52 =	vor.u32 $0x100, v43;
	_ =	sdelay $0x3  }
0x2c9: {  	[tilespmem:v7+s17+$0x0] =	vst.idx.msk $0xffff, v41  }
0x2ca: {  	v41 =	vld.idx.msk [tilespmem:v52+s1+$0x0], $0xffff  }
0x2cb: {  	v53 =	vor.u32 $0x180, v43;
	_ =	sdelay $0x3  }
0x2cc: {  	[tilespmem:v8+s17+$0x0] =	vst.idx.msk $0xffff, v41  }
0x2cd: {  	v41 =	vld.idx.msk [tilespmem:v53+s1+$0x0], $0xffff  }
0x2ce: {  	v54 =	vor.u32 $0x200, v43;
	_ =	sdelay $0x3  }
0x2cf: {  	[tilespmem:v9+s17+$0x0] =	vst.idx.msk $0xffff, v41  }
0x2d0: {  	v41 =	vld.idx.msk [tilespmem:v54+s1+$0x0], $0xffff  }
0x2d1: {  	v55 =	vor.u32 $0x280, v43;
	_ =	sdelay $0x3  }
0x2d2: {  	[tilespmem:v10+s17+$0x0] =	vst.idx.msk $0xffff, v41  }
0x2d3: {  	v41 =	vld.idx.msk [tilespmem:v55+s1+$0x0], $0xffff  }
0x2d4: {  	v56 =	vor.u32 $0x300, v43;
	_ =	sdelay $0x3  }
0x2d5: {  	[tilespmem:v11+s17+$0x0] =	vst.idx.msk $0xffff, v41  }
0x2d6: {  	v41 =	vor.u32 v42, v44;
	v57 =	vld.idx.msk [tilespmem:v56+s1+$0x0], $0xffff  }
0x2d7: {  	v44 =	vor.u32 $0x380, v41;
	_ =	sdelay $0x3  }
0x2d8: {  	[tilespmem:v12+s17+$0x0] =	vst.idx.msk $0xffff, v57  }
0x2d9: {  	v42 =	vld.idx.msk [tilespmem:v44+s1+$0x0], $0xffff  }
0x2da: {  	v58 =	vor.u32 $0x2000, v43;
	_ =	sdelay $0x3  }
0x2db: {  	[tilespmem:v13+s17+$0x0] =	vst.idx.msk $0xffff, v42  }
0x2dc: {  	v42 =	vld.idx.msk [tilespmem:v58+s1+$0x0], $0xffff  }
0x2dd: {  	v59 =	vor.u32 $0x2080, v43;
	_ =	sdelay $0x3  }
0x2de: {  	[tilespmem:v14+s17+$0x0] =	vst.idx.msk $0xffff, v42  }
0x2df: {  	v42 =	vld.idx.msk [tilespmem:v59+s1+$0x0], $0xffff  }
0x2e0: {  	v60 =	vor.u32 $0x2100, v43;
	_ =	sdelay $0x3  }
0x2e1: {  	[tilespmem:v15+s17+$0x0] =	vst.idx.msk $0xffff, v42  }
0x2e2: {  	v42 =	vld.idx.msk [tilespmem:v60+s1+$0x0], $0xffff  }
0x2e3: {  	v61 =	vor.u32 $0x2180, v43;
	_ =	sdelay $0x3  }
0x2e4: {  	[tilespmem:v16+s17+$0x0] =	vst.idx.msk $0xffff, v42  }
0x2e5: {  	v42 =	vld.idx.msk [tilespmem:v61+s1+$0x0], $0xffff  }
0x2e6: {  	v62 =	vor.u32 $0x2200, v43;
	_ =	sdelay $0x3  }
0x2e7: {  	[tilespmem:v17+s17+$0x0] =	vst.idx.msk $0xffff, v42  }
0x2e8: {  	v42 =	vld.idx.msk [tilespmem:v62+s1+$0x0], $0xffff  }
0x2e9: {  	v63 =	vor.u32 $0x2280, v43;
	_ =	sdelay $0x3  }
0x2ea: {  	[tilespmem:v18+s17+$0x0] =	vst.idx.msk $0xffff, v42  }
0x2eb: {  	v42 =	vld.idx.msk [tilespmem:v63+s1+$0x0], $0xffff  }
0x2ec: {  	v48 =	vor.u32 $0x2300, v43;
	_ =	sdelay $0x3  }
0x2ed: {  	[tilespmem:v19+s17+$0x0] =	vst.idx.msk $0xffff, v42  }
0x2ee: {  	v42 =	vld.idx.msk [tilespmem:v48+s1+$0x0], $0xffff  }
0x2ef: {  	v49 =	vor.u32 $0x2380, v41;
	_ =	sdelay $0x3  }
0x2f0: {  	[tilespmem:v20+s17+$0x0] =	vst.idx.msk $0xffff, v42  }
0x2f1: {  	v42 =	vld.idx.msk [tilespmem:v49+s1+$0x0], $0xffff  }
0x2f2: {  	v50 =	vor.u32 $0x4000, v43;
	_ =	sdelay $0x3  }
0x2f3: {  	[tilespmem:v21+s17+$0x0] =	vst.idx.msk $0xffff, v42  }
0x2f4: {  	v42 =	vld.idx.msk [tilespmem:v50+s1+$0x0], $0xffff  }
0x2f5: {  	v51 =	vor.u32 $0x4080, v43;
	_ =	sdelay $0x3  }
0x2f6: {  	[tilespmem:v22+s17+$0x0] =	vst.idx.msk $0xffff, v42  }
0x2f7: {  	v42 =	vld.idx.msk [tilespmem:v51+s1+$0x0], $0xffff  }
0x2f8: {  	v52 =	vor.u32 $0x4100, v43;
	_ =	sdelay $0x3  }
0x2f9: {  	[tilespmem:v23+s17+$0x0] =	vst.idx.msk $0xffff, v42  }
0x2fa: {  	v42 =	vld.idx.msk [tilespmem:v52+s1+$0x0], $0xffff  }
0x2fb: {  	v53 =	vor.u32 $0x4180, v43;
	_ =	sdelay $0x3  }
0x2fc: {  	[tilespmem:v24+s17+$0x0] =	vst.idx.msk $0xffff, v42  }
0x2fd: {  	v42 =	vld.idx.msk [tilespmem:v53+s1+$0x0], $0xffff  }
0x2fe: {  	v54 =	vor.u32 $0x4200, v43;
	_ =	sdelay $0x3  }
0x2ff: {  	[tilespmem:v25+s17+$0x0] =	vst.idx.msk $0xffff, v42  }
0x300: {  	v42 =	vld.idx.msk [tilespmem:v54+s1+$0x0], $0xffff  }
0x301: {  	v55 =	vor.u32 $0x4280, v43;
	_ =	sdelay $0x3  }
0x302: {  	[tilespmem:v26+s17+$0x0] =	vst.idx.msk $0xffff, v42  }
0x303: {  	v42 =	vld.idx.msk [tilespmem:v55+s1+$0x0], $0xffff  }
0x304: {  	v56 =	vor.u32 $0x4300, v43;
	_ =	sdelay $0x3  }
0x305: {  	[tilespmem:v27+s17+$0x0] =	vst.idx.msk $0xffff, v42  }
0x306: {  	v42 =	vld.idx.msk [tilespmem:v56+s1+$0x0], $0xffff  }
0x307: {  	v57 =	vor.u32 $0x4380, v41;
	_ =	sdelay $0x3  }
0x308: {  	[tilespmem:v28+s17+$0x0] =	vst.idx.msk $0xffff, v42  }
0x309: {  	v42 =	vld.idx.msk [tilespmem:v57+s1+$0x0], $0xffff  }
0x30a: {  	v58 =	vor.u32 $0x6000, v43;
	_ =	sdelay $0x3  }
0x30b: {  	[tilespmem:v29+s17+$0x0] =	vst.idx.msk $0xffff, v42  }
0x30c: {  	v42 =	vld.idx.msk [tilespmem:v58+s1+$0x0], $0xffff  }
0x30d: {  	v59 =	vor.u32 $0x6080, v43;
	_ =	sdelay $0x3  }
0x30e: {  	[tilespmem:v30+s17+$0x0] =	vst.idx.msk $0xffff, v42  }
0x30f: {  	v42 =	vld.idx.msk [tilespmem:v59+s1+$0x0], $0xffff  }
0x310: {  	v60 =	vor.u32 $0x6100, v43;
	_ =	sdelay $0x3  }
0x311: {  	[tilespmem:v31+s17+$0x0] =	vst.idx.msk $0xffff, v42  }
0x312: {  	v42 =	vld.idx.msk [tilespmem:v60+s1+$0x0], $0xffff  }
0x313: {  	v61 =	vor.u32 $0x6180, v43;
	_ =	sdelay $0x3  }
0x314: {  	[tilespmem:v32+s17+$0x0] =	vst.idx.msk $0xffff, v42  }
0x315: {  	v42 =	vld.idx.msk [tilespmem:v61+s1+$0x0], $0xffff  }
0x316: {  	v62 =	vor.u32 $0x6200, v43;
	_ =	sdelay $0x3  }
0x317: {  	[tilespmem:v33+s17+$0x0] =	vst.idx.msk $0xffff, v42  }
0x318: {  	v42 =	vld.idx.msk [tilespmem:v62+s1+$0x0], $0xffff  }
0x319: {  	v63 =	vor.u32 $0x6280, v43;
	_ =	sdelay $0x3  }
0x31a: {  	[tilespmem:v34+s17+$0x0] =	vst.idx.msk $0xffff, v42  }
0x31b: {  	v42 =	vld.idx.msk [tilespmem:v63+s1+$0x0], $0xffff  }
0x31c: {  	v43 =	vor.u32 $0x6300, v43;
	_ =	sdelay $0x3  }
0x31d: {  	[tilespmem:v35+s17+$0x0] =	vst.idx.msk $0xffff, v42  }
0x31e: {  	v42 =	vld.idx.msk [tilespmem:v43+s1+$0x0], $0xffff  }
0x31f: {  	v41 =	vor.u32 $0x6380, v41;
	_ =	sdelay $0x3  }
0x320: {  	[tilespmem:v36+s17+$0x0] =	vst.idx.msk $0xffff, v42  }
0x321: {  	v41 =	vld.idx.msk [tilespmem:v41+s1+$0x0], $0xffff;
	_ =	sdelay $0x2  }
0x322: {  	p1 =	sne.s32 s15, $0x1  }
.Ltmp17:
0x323: {  	_ = 	snop;
	(pc) =	sbr.rel @!p1 .LBB2_24-.Ltmp17, $4  }
0x324: {  	[tilespmem:v37+s17+$0x0] =	vst.idx.msk $0xffff, v41  }
0x325: {  	[hbm4b:s8+s18] =	stream.indirect.scatter [tilespmem:s17], [sflag:$0x3], $0x80, s23, s18, $0xb8;
	[tilespmem:$0x1C980] =	vst v63  }
0x326: {  	_ =	swait.ge [sflag:s3], $0x800  }
0x327: {  	s15 =	sadd.s32 $0xFFFFFFFF, s15;
	[sflag:s3] =	ssyncset.done $0x0  }
.LBB2_23:
0x328: {  	[sflag:s3] =	ssyncadd.s32 $0xFFFFF800;
	s10 =	sadd.s32 $0x10, s10;
	s13 =	sadd.s32 $0x10, s13  }
0x329: {  	p1 =	sne.s32 s15, $0x1;
	s15 =	sadd.s32 $0xFFFFFFFF, s15;
	v41 =	vld [tilespmem:s10+$0x0];
	_ =	sdelay $0x3  }
0x32a: {  	v42 =	vor.u32 s13, v0  }
0x32b: {  	vm0 =	vlt.s32 v42, v40;
	v43 =	vand.u32 $0x3FFF, v41;
	v41 =	vshrl.u32 v41, $0xE  }
0x32c: {  	v43 =	vsel vm0, v43, v3;
	v41 =	vadd.s32 v41, v39  }
0x32d: {  	vm0 =	vgt.s32 v41, $0x0  }
0x32e: {  	v41 =	vnsel vm0, $0x0, v41  }
0x32f: {  	v41 =	vmin.u32 v41, $0x3FF  }
0x330: {  	v42 =	vshll.u32 v41, $0x3  }
0x331: {  	v44 =	vand.u32 $0x7F, v41;
	v45 =	vand.u32 $0x1C00, v42  }
0x332: {  	v42 =	vor.u32 v44, v45;
	v41 =	vor.u32 v41, v45;
	_ =	sdelay $0x3  }
0x333: {  	[tilespmem:$0x18900] =	vst v43  }
0x334: {  	v43 =	vld.idx.msk [tilespmem:v42+s1+$0x0], $0xffff;
	_ =	sdelay $0x1  }
0x335: {  	v44 =	vor.u32 $0x80, v42;
	_ =	sdelay $0x3  }
0x336: {  	[tilespmem:v1+s17+$0x0] =	vst.idx.msk $0xffff, v43  }
0x337: {  	v43 =	vld.idx.msk [tilespmem:v44+s1+$0x0], $0xffff;
	_ =	sdelay $0x1  }
0x338: {  	v44 =	vor.u32 $0x100, v42;
	_ =	sdelay $0x3  }
0x339: {  	[tilespmem:v7+s17+$0x0] =	vst.idx.msk $0xffff, v43  }
0x33a: {  	v43 =	vld.idx.msk [tilespmem:v44+s1+$0x0], $0xffff;
	_ =	sdelay $0x1  }
0x33b: {  	v44 =	vor.u32 $0x180, v42;
	_ =	sdelay $0x3  }
0x33c: {  	[tilespmem:v8+s17+$0x0] =	vst.idx.msk $0xffff, v43  }
0x33d: {  	v43 =	vld.idx.msk [tilespmem:v44+s1+$0x0], $0xffff;
	_ =	sdelay $0x1  }
0x33e: {  	v44 =	vor.u32 $0x200, v42;
	_ =	sdelay $0x3  }
0x33f: {  	[tilespmem:v9+s17+$0x0] =	vst.idx.msk $0xffff, v43  }
0x340: {  	v43 =	vld.idx.msk [tilespmem:v44+s1+$0x0], $0xffff;
	_ =	sdelay $0x1  }
0x341: {  	v44 =	vor.u32 $0x280, v42;
	_ =	sdelay $0x3  }
0x342: {  	[tilespmem:v10+s17+$0x0] =	vst.idx.msk $0xffff, v43  }
0x343: {  	v43 =	vld.idx.msk [tilespmem:v44+s1+$0x0], $0xffff;
	_ =	sdelay $0x1  }
0x344: {  	v44 =	vor.u32 $0x300, v42;
	_ =	sdelay $0x3  }
0x345: {  	[tilespmem:v11+s17+$0x0] =	vst.idx.msk $0xffff, v43  }
0x346: {  	v43 =	vld.idx.msk [tilespmem:v44+s1+$0x0], $0xffff;
	_ =	sdelay $0x1  }
0x347: {  	v44 =	vor.u32 $0x380, v41;
	_ =	sdelay $0x3  }
0x348: {  	[tilespmem:v12+s17+$0x0] =	vst.idx.msk $0xffff, v43  }
0x349: {  	v43 =	vld.idx.msk [tilespmem:v44+s1+$0x0], $0xffff;
	_ =	sdelay $0x1  }
0x34a: {  	v44 =	vor.u32 $0x2000, v42;
	_ =	sdelay $0x3  }
0x34b: {  	[tilespmem:v13+s17+$0x0] =	vst.idx.msk $0xffff, v43  }
0x34c: {  	v43 =	vld.idx.msk [tilespmem:v44+s1+$0x0], $0xffff;
	_ =	sdelay $0x1  }
0x34d: {  	v44 =	vor.u32 $0x2080, v42;
	_ =	sdelay $0x3  }
0x34e: {  	[tilespmem:v14+s17+$0x0] =	vst.idx.msk $0xffff, v43  }
0x34f: {  	v43 =	vld.idx.msk [tilespmem:v44+s1+$0x0], $0xffff;
	_ =	sdelay $0x1  }
0x350: {  	v44 =	vor.u32 $0x2100, v42;
	_ =	sdelay $0x3  }
0x351: {  	[tilespmem:v15+s17+$0x0] =	vst.idx.msk $0xffff, v43  }
0x352: {  	v43 =	vld.idx.msk [tilespmem:v44+s1+$0x0], $0xffff;
	_ =	sdelay $0x1  }
0x353: {  	v44 =	vor.u32 $0x2180, v42;
	_ =	sdelay $0x3  }
0x354: {  	[tilespmem:v16+s17+$0x0] =	vst.idx.msk $0xffff, v43  }
0x355: {  	v43 =	vld.idx.msk [tilespmem:v44+s1+$0x0], $0xffff;
	_ =	sdelay $0x1  }
0x356: {  	v44 =	vor.u32 $0x2200, v42;
	_ =	sdelay $0x3  }
0x357: {  	[tilespmem:v17+s17+$0x0] =	vst.idx.msk $0xffff, v43  }
0x358: {  	v43 =	vld.idx.msk [tilespmem:v44+s1+$0x0], $0xffff;
	_ =	sdelay $0x1  }
0x359: {  	v44 =	vor.u32 $0x2280, v42;
	_ =	sdelay $0x3  }
0x35a: {  	[tilespmem:v18+s17+$0x0] =	vst.idx.msk $0xffff, v43  }
0x35b: {  	v43 =	vld.idx.msk [tilespmem:v44+s1+$0x0], $0xffff;
	_ =	sdelay $0x1  }
0x35c: {  	v44 =	vor.u32 $0x2300, v42;
	_ =	sdelay $0x3  }
0x35d: {  	[tilespmem:v19+s17+$0x0] =	vst.idx.msk $0xffff, v43  }
0x35e: {  	v43 =	vld.idx.msk [tilespmem:v44+s1+$0x0], $0xffff;
	_ =	sdelay $0x1  }
0x35f: {  	v44 =	vor.u32 $0x2380, v41;
	_ =	sdelay $0x3  }
0x360: {  	[tilespmem:v20+s17+$0x0] =	vst.idx.msk $0xffff, v43  }
0x361: {  	v43 =	vld.idx.msk [tilespmem:v44+s1+$0x0], $0xffff;
	_ =	sdelay $0x1  }
0x362: {  	v44 =	vor.u32 $0x4000, v42;
	_ =	sdelay $0x3  }
0x363: {  	[tilespmem:v21+s17+$0x0] =	vst.idx.msk $0xffff, v43  }
0x364: {  	v43 =	vld.idx.msk [tilespmem:v44+s1+$0x0], $0xffff;
	_ =	sdelay $0x1  }
0x365: {  	v44 =	vor.u32 $0x4080, v42;
	_ =	sdelay $0x3  }
0x366: {  	[tilespmem:v22+s17+$0x0] =	vst.idx.msk $0xffff, v43  }
0x367: {  	v43 =	vld.idx.msk [tilespmem:v44+s1+$0x0], $0xffff;
	_ =	sdelay $0x1  }
0x368: {  	v44 =	vor.u32 $0x4100, v42;
	_ =	sdelay $0x3  }
0x369: {  	[tilespmem:v23+s17+$0x0] =	vst.idx.msk $0xffff, v43  }
0x36a: {  	v43 =	vld.idx.msk [tilespmem:v44+s1+$0x0], $0xffff;
	_ =	sdelay $0x1  }
0x36b: {  	v44 =	vor.u32 $0x4180, v42;
	_ =	sdelay $0x3  }
0x36c: {  	[tilespmem:v24+s17+$0x0] =	vst.idx.msk $0xffff, v43  }
0x36d: {  	v43 =	vld.idx.msk [tilespmem:v44+s1+$0x0], $0xffff;
	_ =	sdelay $0x1  }
0x36e: {  	v44 =	vor.u32 $0x4200, v42;
	_ =	sdelay $0x3  }
0x36f: {  	[tilespmem:v25+s17+$0x0] =	vst.idx.msk $0xffff, v43  }
0x370: {  	v43 =	vld.idx.msk [tilespmem:v44+s1+$0x0], $0xffff;
	_ =	sdelay $0x1  }
0x371: {  	v44 =	vor.u32 $0x4280, v42;
	_ =	sdelay $0x3  }
0x372: {  	[tilespmem:v26+s17+$0x0] =	vst.idx.msk $0xffff, v43  }
0x373: {  	v43 =	vld.idx.msk [tilespmem:v44+s1+$0x0], $0xffff;
	_ =	sdelay $0x1  }
0x374: {  	v44 =	vor.u32 $0x4300, v42;
	_ =	sdelay $0x3  }
0x375: {  	[tilespmem:v27+s17+$0x0] =	vst.idx.msk $0xffff, v43  }
0x376: {  	v43 =	vld.idx.msk [tilespmem:v44+s1+$0x0], $0xffff;
	_ =	sdelay $0x1  }
0x377: {  	v44 =	vor.u32 $0x4380, v41;
	_ =	sdelay $0x3  }
0x378: {  	[tilespmem:v28+s17+$0x0] =	vst.idx.msk $0xffff, v43  }
0x379: {  	v43 =	vld.idx.msk [tilespmem:v44+s1+$0x0], $0xffff;
	_ =	sdelay $0x1  }
0x37a: {  	v44 =	vor.u32 $0x6000, v42;
	_ =	sdelay $0x3  }
0x37b: {  	[tilespmem:v29+s17+$0x0] =	vst.idx.msk $0xffff, v43  }
0x37c: {  	v43 =	vld.idx.msk [tilespmem:v44+s1+$0x0], $0xffff;
	_ =	sdelay $0x1  }
0x37d: {  	v44 =	vor.u32 $0x6080, v42;
	_ =	sdelay $0x3  }
0x37e: {  	[tilespmem:v30+s17+$0x0] =	vst.idx.msk $0xffff, v43  }
0x37f: {  	v43 =	vld.idx.msk [tilespmem:v44+s1+$0x0], $0xffff;
	_ =	sdelay $0x1  }
0x380: {  	v44 =	vor.u32 $0x6100, v42;
	_ =	sdelay $0x3  }
0x381: {  	[tilespmem:v31+s17+$0x0] =	vst.idx.msk $0xffff, v43  }
0x382: {  	v43 =	vld.idx.msk [tilespmem:v44+s1+$0x0], $0xffff;
	_ =	sdelay $0x1  }
0x383: {  	v44 =	vor.u32 $0x6180, v42;
	_ =	sdelay $0x3  }
0x384: {  	[tilespmem:v32+s17+$0x0] =	vst.idx.msk $0xffff, v43  }
0x385: {  	v43 =	vld.idx.msk [tilespmem:v44+s1+$0x0], $0xffff;
	_ =	sdelay $0x1  }
0x386: {  	v44 =	vor.u32 $0x6200, v42;
	_ =	sdelay $0x3  }
0x387: {  	[tilespmem:v33+s17+$0x0] =	vst.idx.msk $0xffff, v43  }
0x388: {  	v43 =	vld.idx.msk [tilespmem:v44+s1+$0x0], $0xffff;
	_ =	sdelay $0x1  }
0x389: {  	v44 =	vor.u32 $0x6280, v42;
	_ =	sdelay $0x3  }
0x38a: {  	[tilespmem:v34+s17+$0x0] =	vst.idx.msk $0xffff, v43  }
0x38b: {  	v43 =	vld.idx.msk [tilespmem:v44+s1+$0x0], $0xffff;
	_ =	sdelay $0x1  }
0x38c: {  	v42 =	vor.u32 $0x6300, v42;
	_ =	sdelay $0x3  }
0x38d: {  	[tilespmem:v35+s17+$0x0] =	vst.idx.msk $0xffff, v43  }
0x38e: {  	v42 =	vld.idx.msk [tilespmem:v42+s1+$0x0], $0xffff;
	_ =	sdelay $0x1  }
0x38f: {  	v41 =	vor.u32 $0x6380, v41;
	_ =	sdelay $0x3  }
0x390: {  	[tilespmem:v36+s17+$0x0] =	vst.idx.msk $0xffff, v42  }
0x391: {  	v41 =	vld.idx.msk [tilespmem:v41+s1+$0x0], $0xffff;
	_ =	sdelay $0x4  }
.Ltmp18:
0x392: {  	(pc) =	sbr.rel @p1 .LBB2_23-.Ltmp18, $4  }
0x393: {  	[tilespmem:v37+s17+$0x0] =	vst.idx.msk $0xffff, v41  }
0x394: {  	[hbm4b:s8+s18] =	stream.indirect.scatter [tilespmem:s17], [sflag:$0x3], $0x80, s23, s18, $0xb8;
	[tilespmem:$0x1C980] =	vst v63  }
0x395: {  	_ =	swait.ge [sflag:s3], $0x800  }
0x396: {  	[sflag:s3] =	ssyncset.done $0x0  }
.Ltmp19:
0x397: {  	_ = 	snop;
	(pc) =	sbr.rel .LBB2_24-.Ltmp19, $1  }
0x398: {  	_ =	sdelay $0x3  }
.LBB2_6:
.Ltmp20:
0x399: {  	(pc) =	sbr.rel .LBB2_11-.Ltmp20, $2  }
0x39a: {  	_ =	sdelay $0x2  }
0x39b: {  	s22 =	simm.s32 $0x0;
	s20 =	simm.s32 $0x0  }
.LBB2_17:
.Ltmp21:
0x39c: {  	(pc) =	sbr.rel .LBB2_21-.Ltmp21, $2  }
0x39d: {  	_ =	sdelay $0x2  }
0x39e: {  	s15 =	simm.s32 $0x0;
	s13 =	simm.s32 $0x0  }
.LBB2_8:
.Ltmp22:
0x39f: {  	(pc) =	sbr.rel .LBB2_11-.Ltmp22, $3  }
0x3a0: {  	_ =	sdelay $0x1  }
0x3a1: {  	s22 =	simm.s32 $0x0;
	s20 =	simm.s32 $0x0;
	s31 =	smov.u32 s4  }
0x3a2: {  	s4 =	smov.u32 s11;
	s11 =	smov.u32 s12;
	s12 =	rddreg [dreg:$0x8]  }
.LBB2_19:
.Ltmp23:
0x3a3: {  	(pc) =	sbr.rel .LBB2_21-.Ltmp23, $2  }
0x3a4: {  	_ =	sdelay $0x2  }
0x3a5: {  	s15 =	simm.s32 $0x0;
	s13 =	simm.s32 $0x0  }
.LBB2_26:
0x3a6: {  	_ =	swait.ge [sflag:s0], $0x1000  }
0x3a7: {  	[sflag:s0] =	ssyncset.done $0x0  }
0x3a8: {  	[sflag:s0] =	ssyncadd.s32 $0xFFFFF000  }
0x3a9: {  	_ =	swait.ge [sflag:s0], $0x1000  }
0x3aa: {  	[sflag:s0] =	ssyncset.done $0x0  }
0x3ab: {  	[sflag:s0] =	ssyncadd.s32 $0xFFFFF000  }
0x3ac: {  	_ =	swait.ge [sflag:s0], $0x1000  }
0x3ad: {  	[sflag:s0] =	ssyncset.done $0x0  }
0x3ae: {  	[sflag:s0] =	ssyncadd.s32 $0xFFFFF000  }
0x3af: {  	_ =	swait.ge [sflag:s0], $0x1000  }
0x3b0: {  	[sflag:s0] =	ssyncset.done $0x0  }
0x3b1: {  	[sflag:s0] =	ssyncadd.s32 $0xFFFFF000  }
0x3b2: {  	_ =	swait.ge [sflag:s0], $0x1000  }
0x3b3: {  	[sflag:s0] =	ssyncset.done $0x0  }
0x3b4: {  	[sflag:s0] =	ssyncadd.s32 $0xFFFFF000  }
0x3b5: {  	_ =	swait.ge [sflag:s0], $0x1000  }
0x3b6: {  	[sflag:s0] =	ssyncset.done $0x0  }
0x3b7: {  	[sflag:s0] =	ssyncadd.s32 $0xFFFFF000  }
0x3b8: {  	_ =	swait.ge [sflag:s0], $0x1000  }
0x3b9: {  	[sflag:s0] =	ssyncset.done $0x0  }
0x3ba: {  	[sflag:s0] =	ssyncadd.s32 $0xFFFFF000  }
0x3bb: {  	_ =	swait.ge [sflag:s0], $0x1000  }
0x3bc: {  	[sflag:s0] =	ssyncset.done $0x0  }
0x3bd: {  	s5 =	simm.s32 $0x0;
	[sflag:s0] =	ssyncadd.s32 $0xFFFFF000  }
0x3be: {  	s10 =	simm.s32 $0x18980;
	s29 =	simm.s32 $0x4;
	s13 =	rddreg [dreg:$0x1]  }
0x3bf: {  	[tilespmem:s10], [sflag:$0x4] =	stream.linear.gather [hbm4b:s13+s5], $0x4000, $0x38;
	[tilespmem:$0x1C980] =	vst v63  }
0x3c0: {  	_ =	swait.ge [sflag:s29], $0x4000  }
0x3c1: {  	[sflag:s29] =	ssyncset.done $0x0  }
0x3c2: {  	[sflag:s29] =	ssyncadd.s32 $0xFFFFC000  }
0x3c3: {  	v38 =	vld [tilespmem:s10+$0x0];
	_ =	sdelay $0x4  }
0x3c4: {  	vm0 =	vge.s32 v38, v6;
	vm1 =	vlt.s32 v38, v4  }
0x3c5: {  	vm0 =	vmand vm0, vm1  }
0x3c6: {  	v39 =	vmpcnt.ones.xlane vm0;
	_ =	sdelay $0x1  }
0x3c7: {  	(v2sf) =	vpush v39, $0x0  }
0x3c8: {  	v38 =	vsub.s32 v38, v6  }
0x3c9: {  	v38 =	vshll.u32 v38, $0xE  }
0x3ca: {  	v38 =	vadd.s32 s5, v38  }
0x3cb: {  	v38 =	vadd.s32 v0, v38  }
0x3cc: {  	s10 =	simm.s32 $0x18990;
	[tilespmem:s5+$0x10000] =	vst.msk vm0, v38  }
0x3cd: {  	v38 =	vld [tilespmem:s10+$0x0];
	_ =	sdelay $0x4  }
0x3ce: {  	vm0 =	vge.s32 v38, v6;
	vm1 =	vlt.s32 v38, v4  }
0x3cf: {  	v38 =	vsub.s32 v38, v6;
	vm0 =	vmand vm0, vm1  }
0x3d0: {  	s30 =	simm.s32 $0x10;
	v38 =	vshll.u32 v38, $0xE;
	v63 =	vmpcnt.ones.xlane vm0  }
0x3d1: {  	v38 =	vadd.s32 s30, v38  }
0x3d2: {  	s13 =	simm.s32 $0x20;
	v38 =	vadd.s32 v0, v38;
	(v2sf) =	vpush v63, $0x0;
	s15 =	spop (v2sf)  }
.LBB2_27:
0x3d3: {  	p0 =	sne.s32 s13, $0x3FF0  }
0x3d4: {  	s5 =	sadd.s32 s5, s15;
	s15 =	smov.u32 s13;
	s13 =	sadd.s32 $0x10, s13  }
0x3d5: {  	[tilespmem:s5+$0x10000] =	vst.msk vm0, v38  }
0x3d6: {  	s10 =	sadd.s32 $0x10, s10  }
0x3d7: {  	v38 =	vld [tilespmem:s10+$0x0];
	_ =	sdelay $0x4  }
0x3d8: {  	vm0 =	vge.s32 v38, v6;
	vm1 =	vlt.s32 v38, v4;
	v38 =	vsub.s32 v38, v6  }
.Ltmp24:
0x3d9: {  	vm0 =	vmand vm0, vm1;
	v38 =	vshll.u32 v38, $0xE;
	(pc) =	sbr.rel @p0 .LBB2_27-.Ltmp24, $4  }
0x3da: {  	v38 =	vadd.s32 s15, v38;
	v39 =	vmpcnt.ones.xlane vm0  }
0x3db: {  	v38 =	vadd.s32 v0, v38  }
0x3dc: {  	(v2sf) =	vpush v39, $0x0  }
0x3dd: {  	s15 =	spop (v2sf)  }
0x3de: {  	s5 =	sadd.s32 s5, s15  }
0x3df: {  	s13 =	simm.s32 $0x0;
	s22 =	rddreg [dreg:$0x14];
	[tilespmem:s5+$0x10000] =	vst.msk vm0, v38  }
0x3e0: {  	[tilespmem:s13], [sflag:$0x1] =	stream.linear.gather [hbm4b:s22+s13], $0x400, $0x38;
	[tilespmem:$0x1C980] =	vst v63  }
0x3e1: {  	s16 =	simm.s32 $0x2000;
	s10 =	sadd.s32 $0x18700, s22  }
0x3e2: {  	[tilespmem:s16], [sflag:$0x1] =	stream.linear.gather [hbm4b:s10+s13], $0x400, $0x38;
	[tilespmem:$0x1C980] =	vst v63  }
0x3e3: {  	s28 =	simm.s32 $0x4000;
	s26 =	sadd.s32 $0x30E00, s22  }
0x3e4: {  	[tilespmem:s28], [sflag:$0x1] =	stream.linear.gather [hbm4b:s26+s13], $0x400, $0x38;
	[tilespmem:$0x1C980] =	vst v63  }
0x3e5: {  	s30 =	simm.s32 $0x6000;
	s29 =	sadd.s32 $0x49500, s22  }
0x3e6: {  	[tilespmem:s30], [sflag:$0x1] =	stream.linear.gather [hbm4b:s29+s13], $0x400, $0x38;
	[tilespmem:$0x1C980] =	vst v63  }
0x3e7: {  	s12 =	rddreg [dreg:$0x15];
	s19 =	simm.s32 $0x400  }
0x3e8: {  	[tilespmem:s19], [sflag:$0x1] =	stream.linear.gather [hbm4b:s12+s13], $0x400, $0x38;
	[tilespmem:$0x1C980] =	vst v63  }
0x3e9: {  	s20 =	sadd.s32 $0x18700, s12;
	s22 =	simm.s32 $0x2400  }
0x3ea: {  	[tilespmem:s22], [sflag:$0x1] =	stream.linear.gather [hbm4b:s20+s13], $0x400, $0x38;
	[tilespmem:$0x1C980] =	vst v63  }
0x3eb: {  	s26 =	sadd.s32 $0x30E00, s12;
	s28 =	simm.s32 $0x4400  }
0x3ec: {  	[tilespmem:s28], [sflag:$0x1] =	stream.linear.gather [hbm4b:s26+s13], $0x400, $0x38;
	[tilespmem:$0x1C980] =	vst v63  }
0x3ed: {  	s29 =	sadd.s32 $0x49500, s12;
	s30 =	simm.s32 $0x6400  }
0x3ee: {  	[tilespmem:s30], [sflag:$0x1] =	stream.linear.gather [hbm4b:s29+s13], $0x400, $0x38;
	[tilespmem:$0x1C980] =	vst v63  }
0x3ef: {  	s12 =	rddreg [dreg:$0x19];
	s19 =	simm.s32 $0x800  }
0x3f0: {  	[tilespmem:s19], [sflag:$0x1] =	stream.linear.gather [hbm4b:s12+s13], $0x400, $0x38;
	[tilespmem:$0x1C980] =	vst v63  }
0x3f1: {  	s20 =	sadd.s32 $0x18700, s12;
	s22 =	simm.s32 $0x2800  }
0x3f2: {  	[tilespmem:s22], [sflag:$0x1] =	stream.linear.gather [hbm4b:s20+s13], $0x400, $0x38;
	[tilespmem:$0x1C980] =	vst v63  }
0x3f3: {  	s26 =	sadd.s32 $0x30E00, s12;
	s28 =	simm.s32 $0x4800  }
0x3f4: {  	[tilespmem:s28], [sflag:$0x1] =	stream.linear.gather [hbm4b:s26+s13], $0x400, $0x38;
	[tilespmem:$0x1C980] =	vst v63  }
0x3f5: {  	s29 =	sadd.s32 $0x49500, s12;
	s30 =	simm.s32 $0x6800  }
0x3f6: {  	[tilespmem:s30], [sflag:$0x1] =	stream.linear.gather [hbm4b:s29+s13], $0x400, $0x38;
	[tilespmem:$0x1C980] =	vst v63  }
0x3f7: {  	s12 =	rddreg [dreg:$0x1a];
	s19 =	simm.s32 $0xC00  }
0x3f8: {  	[tilespmem:s19], [sflag:$0x1] =	stream.linear.gather [hbm4b:s12+s13], $0x400, $0x38;
	[tilespmem:$0x1C980] =	vst v63  }
0x3f9: {  	s20 =	sadd.s32 $0x18700, s12;
	s22 =	simm.s32 $0x2C00  }
0x3fa: {  	[tilespmem:s22], [sflag:$0x1] =	stream.linear.gather [hbm4b:s20+s13], $0x400, $0x38;
	[tilespmem:$0x1C980] =	vst v63  }
0x3fb: {  	s26 =	sadd.s32 $0x30E00, s12;
	s28 =	simm.s32 $0x4C00  }
0x3fc: {  	[tilespmem:s28], [sflag:$0x1] =	stream.linear.gather [hbm4b:s26+s13], $0x400, $0x38;
	[tilespmem:$0x1C980] =	vst v63  }
0x3fd: {  	s29 =	sadd.s32 $0x49500, s12;
	s30 =	simm.s32 $0x6C00  }
0x3fe: {  	[tilespmem:s30], [sflag:$0x1] =	stream.linear.gather [hbm4b:s29+s13], $0x400, $0x38;
	[tilespmem:$0x1C980] =	vst v63  }
0x3ff: {  	s12 =	rddreg [dreg:$0x1b];
	s19 =	simm.s32 $0x1000  }
0x400: {  	[tilespmem:s19], [sflag:$0x1] =	stream.linear.gather [hbm4b:s12+s13], $0x400, $0x38;
	[tilespmem:$0x1C980] =	vst v63  }
0x401: {  	s20 =	sadd.s32 $0x18700, s12;
	s22 =	simm.s32 $0x3000  }
0x402: {  	[tilespmem:s22], [sflag:$0x1] =	stream.linear.gather [hbm4b:s20+s13], $0x400, $0x38;
	[tilespmem:$0x1C980] =	vst v63  }
0x403: {  	s26 =	sadd.s32 $0x30E00, s12;
	s28 =	simm.s32 $0x5000  }
0x404: {  	[tilespmem:s28], [sflag:$0x1] =	stream.linear.gather [hbm4b:s26+s13], $0x400, $0x38;
	[tilespmem:$0x1C980] =	vst v63  }
0x405: {  	s29 =	sadd.s32 $0x49500, s12;
	s30 =	simm.s32 $0x7000  }
0x406: {  	[tilespmem:s30], [sflag:$0x1] =	stream.linear.gather [hbm4b:s29+s13], $0x400, $0x38;
	[tilespmem:$0x1C980] =	vst v63  }
0x407: {  	s12 =	rddreg [dreg:$0x1f];
	s19 =	simm.s32 $0x1400  }
0x408: {  	[tilespmem:s19], [sflag:$0x1] =	stream.linear.gather [hbm4b:s12+s13], $0x400, $0x38;
	[tilespmem:$0x1C980] =	vst v63  }
0x409: {  	s20 =	sadd.s32 $0x18700, s12;
	s22 =	simm.s32 $0x3400  }
0x40a: {  	[tilespmem:s22], [sflag:$0x1] =	stream.linear.gather [hbm4b:s20+s13], $0x400, $0x38;
	[tilespmem:$0x1C980] =	vst v63  }
0x40b: {  	s26 =	sadd.s32 $0x30E00, s12;
	s28 =	simm.s32 $0x5400  }
0x40c: {  	[tilespmem:s28], [sflag:$0x1] =	stream.linear.gather [hbm4b:s26+s13], $0x400, $0x38;
	[tilespmem:$0x1C980] =	vst v63  }
0x40d: {  	s29 =	sadd.s32 $0x49500, s12;
	s30 =	simm.s32 $0x7400;
	s12 =	sld [smem:$0x7FA]  }
0x40e: {  	[tilespmem:s30], [sflag:$0x1] =	stream.linear.gather [hbm4b:s29+s13], $0x400, $0x38;
	[tilespmem:$0x1C980] =	vst v63  }
0x40f: {  	s16 =	simm.s32 $0x1800  }
0x410: {  	[tilespmem:s16], [sflag:$0x1] =	stream.linear.gather [hbm4b:s12+s13], $0x400, $0x38;
	[tilespmem:$0x1C980] =	vst v63  }
0x411: {  	s20 =	simm.s32 $0x3800;
	s19 =	sadd.s32 $0x18700, s12  }
0x412: {  	[tilespmem:s20], [sflag:$0x1] =	stream.linear.gather [hbm4b:s19+s13], $0x400, $0x38;
	[tilespmem:$0x1C980] =	vst v63  }
0x413: {  	s22 =	sadd.s32 $0x30E00, s12;
	s26 =	simm.s32 $0x5800;
	s30 =	sld [smem:$0x7FB]  }
0x414: {  	[tilespmem:s26], [sflag:$0x1] =	stream.linear.gather [hbm4b:s22+s13], $0x400, $0x38;
	[tilespmem:$0x1C980] =	vst v63  }
0x415: {  	s28 =	sadd.s32 $0x49500, s12;
	s29 =	simm.s32 $0x7800  }
0x416: {  	[tilespmem:s29], [sflag:$0x1] =	stream.linear.gather [hbm4b:s28+s13], $0x400, $0x38;
	[tilespmem:$0x1C980] =	vst v63  }
0x417: {  	s12 =	simm.s32 $0x1C00;
	s16 =	sadd.s32 $0x18700, s30;
	s26 =	spop (v2sf)  }
0x418: {  	[tilespmem:s12], [sflag:$0x1] =	stream.linear.gather [hbm4b:s30+s13], $0x400, $0x38;
	[tilespmem:$0x1C980] =	vst v63  }
0x419: {  	s19 =	simm.s32 $0x3C00;
	s20 =	sadd.s32 $0x30E00, s30;
	s10 =	sadd.s32 s5, s26  }
0x41a: {  	[tilespmem:s19], [sflag:$0x1] =	stream.linear.gather [hbm4b:s16+s13], $0x400, $0x38;
	[tilespmem:$0x1C980] =	vst v63  }
.Ltmp25:
0x41b: {  	s28 =	sadd.s32 $0x49500, s30;
	s30 =	sadd.s32 $0xF, s10;
	(pc) =	sbr.rel .LBB2_29-.Ltmp25, $4  }
0x41c: {  	p2 =	por $0x1, $0x1;
	s22 =	simm.s32 $0x5C00;
	s5 =	sshrl.u32 s30, $0x4  }
0x41d: {  	[tilespmem:s22], [sflag:$0x1] =	stream.linear.gather [hbm4b:s20+s13], $0x400, $0x38;
	[tilespmem:$0x1C980] =	vst v63  }
0x41e: {  	s15 =	simm.s32 $0x30E;
	s29 =	simm.s32 $0x7C00;
	p0 =	seq.s32 s5, $0x0  }
0x41f: {  	v38 =	vmov s10;
	[tilespmem:s29], [sflag:$0x1] =	stream.linear.gather [hbm4b:s28+s13], $0x400, $0x38;
	[tilespmem:$0x1C980] =	vst v63  }
.LBB2_48:
0x420: {  	[sflag:s3] =	ssyncadd.s32 $0xFFFFF800  }
.LBB2_49:
.Ltmp26:
0x421: {  	(pc) =	sbr.rel @!p1 .LBB2_50-.Ltmp26, $2  }
0x422: {  	_ =	sdelay $0x2  }
0x423: {  	s13 =	simm.s32 $0x1;
	p2 =	por $0x0, $0x0;
	s15 =	simm.s32 $0x30D  }
.LBB2_29:
0x424: {  	s29 =	smul.u32 $0x61A, s13;
	_ =	sdelay $0x1  }
0x425: {  	s10 =	sadd.s32 $0x30E, s29  }
0x426: {  	s16 =	sadd.s32 s21, s10  }
0x427: {  	s16 =	sshrl.u32 s16, $0x7  }
0x428: {  	s16 =	smin.u32 s16, $0x305  }
0x429: {  	s28 =	sshll.u32 s16, $0x7  }
0x42a: {  	s16 =	sadd.s32 s4, s28  }
0x42b: {  	[tilespmem:s1], [sflag:$0x2] =	stream.linear.gather [hbm4b:s16+s6], $0x400, $0x38;
	[tilespmem:$0x1C980] =	vst v63  }
0x42c: {  	s20 =	simm.s32 $0xA000;
	s19 =	sadd.s32 $0x18700, s16  }
0x42d: {  	[tilespmem:s20], [sflag:$0x2] =	stream.linear.gather [hbm4b:s19+s6], $0x400, $0x38;
	[tilespmem:$0x1C980] =	vst v63  }
0x42e: {  	s12 =	simm.s32 $0xC000;
	s30 =	sadd.s32 $0x30E00, s16  }
0x42f: {  	[tilespmem:s12], [sflag:$0x2] =	stream.linear.gather [hbm4b:s30+s6], $0x400, $0x38;
	[tilespmem:$0x1C980] =	vst v63  }
0x430: {  	s22 =	rddreg [dreg:$0x16];
	s16 =	sadd.s32 $0x49500, s16;
	s20 =	simm.s32 $0xE000  }
0x431: {  	[tilespmem:s20], [sflag:$0x2] =	stream.linear.gather [hbm4b:s16+s6], $0x400, $0x38;
	[tilespmem:$0x1C980] =	vst v63  }
0x432: {  	s26 =	simm.s32 $0x8400;
	s16 =	sadd.s32 s28, s22  }
0x433: {  	[tilespmem:s26], [sflag:$0x2] =	stream.linear.gather [hbm4b:s16+s6], $0x400, $0x38;
	[tilespmem:$0x1C980] =	vst v63  }
0x434: {  	s12 =	simm.s32 $0xA400;
	s30 =	sadd.s32 $0x18700, s16  }
0x435: {  	[tilespmem:s12], [sflag:$0x2] =	stream.linear.gather [hbm4b:s30+s6], $0x400, $0x38;
	[tilespmem:$0x1C980] =	vst v63  }
0x436: {  	s22 =	simm.s32 $0xC400;
	s20 =	sadd.s32 $0x30E00, s16  }
0x437: {  	[tilespmem:s22], [sflag:$0x2] =	stream.linear.gather [hbm4b:s20+s6], $0x400, $0x38;
	[tilespmem:$0x1C980] =	vst v63  }
0x438: {  	s16 =	sadd.s32 $0x49500, s16;
	s26 =	simm.s32 $0xE400;
	s30 =	rddreg [dreg:$0x17]  }
0x439: {  	[tilespmem:s26], [sflag:$0x2] =	stream.linear.gather [hbm4b:s16+s6], $0x400, $0x38;
	[tilespmem:$0x1C980] =	vst v63  }
0x43a: {  	s12 =	simm.s32 $0x8800;
	s16 =	sadd.s32 s28, s30  }
0x43b: {  	[tilespmem:s12], [sflag:$0x2] =	stream.linear.gather [hbm4b:s16+s6], $0x400, $0x38;
	[tilespmem:$0x1C980] =	vst v63  }
0x43c: {  	s22 =	simm.s32 $0xA800;
	s20 =	sadd.s32 $0x18700, s16  }
0x43d: {  	[tilespmem:s22], [sflag:$0x2] =	stream.linear.gather [hbm4b:s20+s6], $0x400, $0x38;
	[tilespmem:$0x1C980] =	vst v63  }
0x43e: {  	s30 =	simm.s32 $0xC800;
	s26 =	sadd.s32 $0x30E00, s16  }
0x43f: {  	[tilespmem:s30], [sflag:$0x2] =	stream.linear.gather [hbm4b:s26+s6], $0x400, $0x38;
	[tilespmem:$0x1C980] =	vst v63  }
0x440: {  	s19 =	rddreg [dreg:$0x18];
	s16 =	sadd.s32 $0x49500, s16;
	s12 =	simm.s32 $0xE800  }
0x441: {  	[tilespmem:s12], [sflag:$0x2] =	stream.linear.gather [hbm4b:s16+s6], $0x400, $0x38;
	[tilespmem:$0x1C980] =	vst v63  }
0x442: {  	s20 =	simm.s32 $0x8C00;
	s16 =	sadd.s32 s28, s19  }
0x443: {  	[tilespmem:s20], [sflag:$0x2] =	stream.linear.gather [hbm4b:s16+s6], $0x400, $0x38;
	[tilespmem:$0x1C980] =	vst v63  }
0x444: {  	s26 =	simm.s32 $0xAC00;
	s22 =	sadd.s32 $0x18700, s16  }
0x445: {  	[tilespmem:s26], [sflag:$0x2] =	stream.linear.gather [hbm4b:s22+s6], $0x400, $0x38;
	[tilespmem:$0x1C980] =	vst v63  }
0x446: {  	s12 =	simm.s32 $0xCC00;
	s30 =	sadd.s32 $0x30E00, s16  }
0x447: {  	[tilespmem:s12], [sflag:$0x2] =	stream.linear.gather [hbm4b:s30+s6], $0x400, $0x38;
	[tilespmem:$0x1C980] =	vst v63  }
0x448: {  	s16 =	sadd.s32 $0x49500, s16;
	s20 =	simm.s32 $0xEC00;
	s22 =	rddreg [dreg:$0x1c]  }
0x449: {  	[tilespmem:s20], [sflag:$0x2] =	stream.linear.gather [hbm4b:s16+s6], $0x400, $0x38;
	[tilespmem:$0x1C980] =	vst v63  }
0x44a: {  	s26 =	simm.s32 $0x9000;
	s16 =	sadd.s32 s28, s22  }
0x44b: {  	[tilespmem:s26], [sflag:$0x2] =	stream.linear.gather [hbm4b:s16+s6], $0x400, $0x38;
	[tilespmem:$0x1C980] =	vst v63  }
0x44c: {  	s12 =	simm.s32 $0xB000;
	s30 =	sadd.s32 $0x18700, s16  }
0x44d: {  	[tilespmem:s12], [sflag:$0x2] =	stream.linear.gather [hbm4b:s30+s6], $0x400, $0x38;
	[tilespmem:$0x1C980] =	vst v63  }
0x44e: {  	s22 =	simm.s32 $0xD000;
	s20 =	sadd.s32 $0x30E00, s16  }
0x44f: {  	[tilespmem:s22], [sflag:$0x2] =	stream.linear.gather [hbm4b:s20+s6], $0x400, $0x38;
	[tilespmem:$0x1C980] =	vst v63  }
0x450: {  	s16 =	sadd.s32 $0x49500, s16;
	s26 =	simm.s32 $0xF000;
	s30 =	rddreg [dreg:$0x1d]  }
0x451: {  	[tilespmem:s26], [sflag:$0x2] =	stream.linear.gather [hbm4b:s16+s6], $0x400, $0x38;
	[tilespmem:$0x1C980] =	vst v63  }
0x452: {  	s12 =	simm.s32 $0x9400;
	s16 =	sadd.s32 s28, s30  }
0x453: {  	[tilespmem:s12], [sflag:$0x2] =	stream.linear.gather [hbm4b:s16+s6], $0x400, $0x38;
	[tilespmem:$0x1C980] =	vst v63  }
0x454: {  	s22 =	simm.s32 $0xB400;
	s20 =	sadd.s32 $0x18700, s16  }
0x455: {  	[tilespmem:s22], [sflag:$0x2] =	stream.linear.gather [hbm4b:s20+s6], $0x400, $0x38;
	[tilespmem:$0x1C980] =	vst v63  }
0x456: {  	s30 =	simm.s32 $0xD400;
	s26 =	sadd.s32 $0x30E00, s16  }
0x457: {  	[tilespmem:s30], [sflag:$0x2] =	stream.linear.gather [hbm4b:s26+s6], $0x400, $0x38;
	[tilespmem:$0x1C980] =	vst v63  }
0x458: {  	s19 =	rddreg [dreg:$0x1e];
	s16 =	sadd.s32 $0x49500, s16;
	s12 =	simm.s32 $0xF400  }
0x459: {  	[tilespmem:s12], [sflag:$0x2] =	stream.linear.gather [hbm4b:s16+s6], $0x400, $0x38;
	[tilespmem:$0x1C980] =	vst v63  }
0x45a: {  	s20 =	simm.s32 $0x9800;
	s16 =	sadd.s32 s28, s19  }
0x45b: {  	[tilespmem:s20], [sflag:$0x2] =	stream.linear.gather [hbm4b:s16+s6], $0x400, $0x38;
	[tilespmem:$0x1C980] =	vst v63  }
0x45c: {  	s26 =	simm.s32 $0xB800;
	s22 =	sadd.s32 $0x18700, s16  }
0x45d: {  	[tilespmem:s26], [sflag:$0x2] =	stream.linear.gather [hbm4b:s22+s6], $0x400, $0x38;
	[tilespmem:$0x1C980] =	vst v63  }
0x45e: {  	s12 =	simm.s32 $0xD800;
	s30 =	sadd.s32 $0x30E00, s16  }
0x45f: {  	[tilespmem:s12], [sflag:$0x2] =	stream.linear.gather [hbm4b:s30+s6], $0x400, $0x38;
	[tilespmem:$0x1C980] =	vst v63  }
0x460: {  	s16 =	sadd.s32 $0x49500, s16;
	s22 =	simm.s32 $0xF800  }
0x461: {  	[tilespmem:s22], [sflag:$0x2] =	stream.linear.gather [hbm4b:s16+s6], $0x400, $0x38;
	[tilespmem:$0x1C980] =	vst v63  }
0x462: {  	s26 =	simm.s32 $0x9C00;
	s16 =	sadd.s32 s28, s14  }
0x463: {  	[tilespmem:s26], [sflag:$0x2] =	stream.linear.gather [hbm4b:s16+s6], $0x400, $0x38;
	[tilespmem:$0x1C980] =	vst v63  }
0x464: {  	s12 =	simm.s32 $0xBC00;
	s30 =	sadd.s32 $0x18700, s16  }
0x465: {  	[tilespmem:s12], [sflag:$0x2] =	stream.linear.gather [hbm4b:s30+s6], $0x400, $0x38;
	[tilespmem:$0x1C980] =	vst v63  }
0x466: {  	s22 =	sadd.s32 $0x30E00, s16;
	s26 =	simm.s32 $0xDC00  }
0x467: {  	[tilespmem:s26], [sflag:$0x2] =	stream.linear.gather [hbm4b:s22+s6], $0x400, $0x38;
	[tilespmem:$0x1C980] =	vst v63  }
0x468: {  	s16 =	sadd.s32 $0x49500, s16;
	s30 =	simm.s32 $0xFC00  }
0x469: {  	[tilespmem:s30], [sflag:$0x2] =	stream.linear.gather [hbm4b:s16+s6], $0x400, $0x38;
	[tilespmem:$0x1C980] =	vst v63  }
0x46a: {  	_ =	swait.ge [sflag:s0], $0x1000  }
0x46b: {  	[sflag:s0] =	ssyncset.done $0x0  }
0x46c: {  	[sflag:s0] =	ssyncadd.s32 $0xFFFFF000  }
0x46d: {  	_ =	swait.ge [sflag:s0], $0x1000  }
0x46e: {  	[sflag:s0] =	ssyncset.done $0x0  }
0x46f: {  	[sflag:s0] =	ssyncadd.s32 $0xFFFFF000  }
0x470: {  	_ =	swait.ge [sflag:s0], $0x1000  }
0x471: {  	[sflag:s0] =	ssyncset.done $0x0  }
0x472: {  	[sflag:s0] =	ssyncadd.s32 $0xFFFFF000  }
0x473: {  	_ =	swait.ge [sflag:s0], $0x1000  }
0x474: {  	[sflag:s0] =	ssyncset.done $0x0  }
0x475: {  	[sflag:s0] =	ssyncadd.s32 $0xFFFFF000  }
0x476: {  	_ =	swait.ge [sflag:s0], $0x1000  }
0x477: {  	[sflag:s0] =	ssyncset.done $0x0  }
0x478: {  	[sflag:s0] =	ssyncadd.s32 $0xFFFFF000  }
0x479: {  	_ =	swait.ge [sflag:s0], $0x1000  }
0x47a: {  	[sflag:s0] =	ssyncset.done $0x0  }
0x47b: {  	[sflag:s0] =	ssyncadd.s32 $0xFFFFF000  }
0x47c: {  	_ =	swait.ge [sflag:s0], $0x1000  }
.Ltmp27:
0x47d: {  	[sflag:s0] =	ssyncset.done $0x0;
	(pc) =	sbr.rel @p0 .LBB2_39-.Ltmp27, $4  }
0x47e: {  	[sflag:s0] =	ssyncadd.s32 $0xFFFFF000  }
0x47f: {  	_ =	swait.ge [sflag:s0], $0x1000  }
0x480: {  	[sflag:s0] =	ssyncset.done $0x0  }
0x481: {  	p1 =	por p2, p2;
	[sflag:s0] =	ssyncadd.s32 $0xFFFFF000  }
0x482: {  	s19 =	sor.u32 s29, s13;
	p3 =	sne.s32 s5, $0x1  }
.Ltmp28:
0x483: {  	s16 =	sadd.s32 s21, s19;
	(pc) =	sbr.rel @!p3 .LBB2_31-.Ltmp28, $4  }
0x484: {  	s20 =	smov.u32 s25;
	s15 =	sadd.s32 s15, s19;
	s16 =	sshrl.u32 s16, $0x7  }
0x485: {  	s22 =	simm.s32 $0x10000;
	p2 =	slt.s32 s15, s25;
	s16 =	smin.u32 s16, $0x305  }
0x486: {  	v39 =	vmov s19;
	s19 =	sadd.s32 $0xFFFFFFFF, s5;
	s20 =	smov.u32 @p2 s15;
	s16 =	sshll.u32 s16, $0x7  }
0x487: {  	v40 =	vld [tilespmem:s22+$0x0];
	s15 =	simm.s32 $0x0;
	p2 =	por $0x0, $0x0;
	v41 =	vmov s20;
	s16 =	ssub.s32 $0x0, s16  }
0x488: {  	_ =	sdelay $0x3  }
0x489: {  	v43 =	vor.u32 s15, v0;
	v42 =	vshrl.u32 v40, $0xE  }
0x48a: {  	vm0 =	vlt.s32 v43, v38;
	vm1 =	vlt.s32 v42, v41  }
0x48b: {  	vm2 =	vge.u32 v42, v39;
	vm0 =	vmand vm0, vm1  }
0x48c: {  	vm0 =	vmand vm0, vm2  }
0x48d: {  	v63 =	vmpcnt.ones.xlane vm0;
	_ =	sdelay $0x1  }
0x48e: {  	p3 =	sne.s32 s19, $0x1;
	(v2sf) =	vpush v63, $0x0  }
.Ltmp29:
0x48f: {  	_ = 	snop;
	(pc) =	sbr.rel @!p3 .LBB2_33-.Ltmp29, $3  }
0x490: {  	_ =	sdelay $0x1  }
0x491: {  	s22 =	simm.s32 $0x10010;
	s26 =	sadd.s32 $0xFFFFFFFF, s19;
	[tilespmem:s15+$0x14080] =	vst.msk vm0, v40  }
0x492: {  	p2 =	por $0x1, $0x1;
	s20 =	simm.s32 $0x0;
	s19 =	simm.s32 $0x0;
	v40 =	vld [tilespmem:s22+$0x0]  }
.LBB2_34:
0x493: {  	p3 =	sne.s32 s26, $0x1;
	_ =	sdelay $0x2  }
0x494: {  	s20 =	sadd.s32 $0x10, s20  }
0x495: {  	v43 =	vor.u32 s20, v0;
	v42 =	vshrl.u32 v40, $0xE  }
0x496: {  	vm0 =	vlt.s32 v43, v38;
	vm1 =	vlt.s32 v42, v41  }
0x497: {  	vm2 =	vge.u32 v42, v39;
	vm0 =	vmand vm0, vm1  }
0x498: {  	vm0 =	vmand vm0, vm2  }
0x499: {  	v42 =	vmpcnt.ones.xlane vm0  }
0x49a: {  	s30 =	spop (v2sf)  }
0x49b: {  	(v2sf) =	vpush v42, $0x0;
	s19 =	sadd.s32 s19, s30  }
.Ltmp30:
0x49c: {  	[tilespmem:s19+$0x14080] =	vst.msk vm0, v40;
	(pc) =	sbr.rel @p3 .LBB2_34-.Ltmp30, $3  }
0x49d: {  	_ =	sdelay $0x1  }
0x49e: {  	s22 =	sadd.s32 $0x10, s22  }
0x49f: {  	s26 =	sadd.s32 $0xFFFFFFFF, s26;
	v40 =	vld [tilespmem:s22+$0x0]  }
.LBB2_35:
0x4a0: {  	_ =	sdelay $0x1  }
0x4a1: {  	s20 =	sadd.s32 @p2 $0x10, s20;
	s22 =	simm.s32 $0x0  }
0x4a2: {  	s22 =	smov.u32 @p2 s20  }
0x4a3: {  	v43 =	vor.u32 s22, v0;
	v42 =	vshrl.u32 v40, $0xE  }
0x4a4: {  	vm0 =	vlt.s32 v43, v38;
	vm1 =	vlt.s32 v42, v41  }
0x4a5: {  	vm2 =	vge.u32 v42, v39;
	vm0 =	vmand vm0, vm1  }
0x4a6: {  	vm0 =	vmand vm0, vm2  }
0x4a7: {  	v63 =	vmpcnt.ones.xlane vm0;
	_ =	sdelay $0x1  }
0x4a8: {  	(v2sf) =	vpush v63, $0x0;
	_ =	sdelay $0xc  }
0x4a9: {  	s20 =	spop @p2 (v2sf)  }
0x4aa: {  	s19 =	sadd.s32 @p2 s19, s20  }
0x4ab: {  	s15 =	smov.u32 @p2 s19;
	s30 =	spop (v2sf)  }
0x4ac: {  	s20 =	sadd.s32 s15, s30  }
0x4ad: {  	s19 =	sadd.s32 $0xF, s20  }
0x4ae: {  	s19 =	sshrl.u32 s19, $0x4  }
0x4af: {  	p2 =	seq.s32 s19, $0x0  }
.Ltmp31:
0x4b0: {  	_ = 	snop;
	(pc) =	sbr.rel @p2 .LBB2_39-.Ltmp31, $2  }
0x4b1: {  	_ =	sdelay $0x2  }
0x4b2: {  	[tilespmem:s15+$0x14080] =	vst.msk vm0, v40  }
0x4b3: {  	s15 =	simm.s32 $0x14080  }
0x4b4: {  	v41 =	vld [tilespmem:s15+$0x0];
	_ =	sdelay $0x3  }
0x4b5: {  	s16 =	sadd.s32 s21, s16  }
0x4b6: {  	v39 =	vmov s16;
	v40 =	vshrl.u32 v41, $0xE  }
0x4b7: {  	v40 =	vadd.s32 v40, v39  }
0x4b8: {  	vm0 =	vgt.s32 v40, $0x0  }
0x4b9: {  	v40 =	vnsel vm0, $0x0, v40  }
0x4ba: {  	v42 =	vmin.u32 v40, $0x3FF  }
0x4bb: {  	v40 =	vshll.u32 v42, $0x3  }
0x4bc: {  	v43 =	vand.u32 $0x7F, v42;
	v44 =	vand.u32 $0x1C00, v40  }
0x4bd: {  	s16 =	simm.s32 $0x0;
	v43 =	vor.u32 v43, v44  }
0x4be: {  	v45 =	vor.u32 s16, v0;
	v40 =	vmov s20  }
0x4bf: {  	v41 =	vand.u32 $0x3FFF, v41;
	vm15 =	vlt.s32 v45, v40  }
0x4c0: {  	v41 =	vsel vm15, v41, v3  }
0x4c1: {  	[tilespmem:$0x18900] =	vst v41  }
0x4c2: {  	v41 =	vld.idx.msk [tilespmem:v43+s6+$0x0], $0xffff  }
0x4c3: {  	v51 =	vor.u32 $0x80, v43;
	_ =	sdelay $0x3  }
0x4c4: {  	[tilespmem:v1+s17+$0x0] =	vst.idx.msk $0xffff, v41  }
0x4c5: {  	v41 =	vld.idx.msk [tilespmem:v51+s6+$0x0], $0xffff  }
0x4c6: {  	v52 =	vor.u32 $0x100, v43;
	_ =	sdelay $0x3  }
0x4c7: {  	[tilespmem:v7+s17+$0x0] =	vst.idx.msk $0xffff, v41  }
0x4c8: {  	v41 =	vld.idx.msk [tilespmem:v52+s6+$0x0], $0xffff  }
0x4c9: {  	v53 =	vor.u32 $0x180, v43;
	_ =	sdelay $0x3  }
0x4ca: {  	[tilespmem:v8+s17+$0x0] =	vst.idx.msk $0xffff, v41  }
0x4cb: {  	v41 =	vld.idx.msk [tilespmem:v53+s6+$0x0], $0xffff  }
0x4cc: {  	v54 =	vor.u32 $0x200, v43;
	_ =	sdelay $0x3  }
0x4cd: {  	[tilespmem:v9+s17+$0x0] =	vst.idx.msk $0xffff, v41  }
0x4ce: {  	v41 =	vld.idx.msk [tilespmem:v54+s6+$0x0], $0xffff  }
0x4cf: {  	v55 =	vor.u32 $0x280, v43;
	_ =	sdelay $0x3  }
0x4d0: {  	[tilespmem:v10+s17+$0x0] =	vst.idx.msk $0xffff, v41  }
0x4d1: {  	v41 =	vld.idx.msk [tilespmem:v55+s6+$0x0], $0xffff  }
0x4d2: {  	v56 =	vor.u32 $0x300, v43;
	_ =	sdelay $0x3  }
0x4d3: {  	[tilespmem:v11+s17+$0x0] =	vst.idx.msk $0xffff, v41  }
0x4d4: {  	v41 =	vor.u32 v42, v44;
	v57 =	vld.idx.msk [tilespmem:v56+s6+$0x0], $0xffff  }
0x4d5: {  	v44 =	vor.u32 $0x380, v41;
	_ =	sdelay $0x3  }
0x4d6: {  	[tilespmem:v12+s17+$0x0] =	vst.idx.msk $0xffff, v57  }
0x4d7: {  	v42 =	vld.idx.msk [tilespmem:v44+s6+$0x0], $0xffff  }
0x4d8: {  	v58 =	vor.u32 $0x2000, v43;
	_ =	sdelay $0x3  }
0x4d9: {  	[tilespmem:v13+s17+$0x0] =	vst.idx.msk $0xffff, v42  }
0x4da: {  	v42 =	vld.idx.msk [tilespmem:v58+s6+$0x0], $0xffff  }
0x4db: {  	v59 =	vor.u32 $0x2080, v43;
	_ =	sdelay $0x3  }
0x4dc: {  	[tilespmem:v14+s17+$0x0] =	vst.idx.msk $0xffff, v42  }
0x4dd: {  	v42 =	vld.idx.msk [tilespmem:v59+s6+$0x0], $0xffff  }
0x4de: {  	v60 =	vor.u32 $0x2100, v43;
	_ =	sdelay $0x3  }
0x4df: {  	[tilespmem:v15+s17+$0x0] =	vst.idx.msk $0xffff, v42  }
0x4e0: {  	v42 =	vld.idx.msk [tilespmem:v60+s6+$0x0], $0xffff  }
0x4e1: {  	v61 =	vor.u32 $0x2180, v43;
	_ =	sdelay $0x3  }
0x4e2: {  	[tilespmem:v16+s17+$0x0] =	vst.idx.msk $0xffff, v42  }
0x4e3: {  	v42 =	vld.idx.msk [tilespmem:v61+s6+$0x0], $0xffff  }
0x4e4: {  	v62 =	vor.u32 $0x2200, v43;
	_ =	sdelay $0x3  }
0x4e5: {  	[tilespmem:v17+s17+$0x0] =	vst.idx.msk $0xffff, v42  }
0x4e6: {  	v42 =	vld.idx.msk [tilespmem:v62+s6+$0x0], $0xffff  }
0x4e7: {  	v63 =	vor.u32 $0x2280, v43;
	_ =	sdelay $0x3  }
0x4e8: {  	[tilespmem:v18+s17+$0x0] =	vst.idx.msk $0xffff, v42  }
0x4e9: {  	v42 =	vld.idx.msk [tilespmem:v63+s6+$0x0], $0xffff  }
0x4ea: {  	v48 =	vor.u32 $0x2300, v43;
	_ =	sdelay $0x3  }
0x4eb: {  	[tilespmem:v19+s17+$0x0] =	vst.idx.msk $0xffff, v42  }
0x4ec: {  	v42 =	vld.idx.msk [tilespmem:v48+s6+$0x0], $0xffff  }
0x4ed: {  	v49 =	vor.u32 $0x2380, v41;
	_ =	sdelay $0x3  }
0x4ee: {  	[tilespmem:v20+s17+$0x0] =	vst.idx.msk $0xffff, v42  }
0x4ef: {  	v42 =	vld.idx.msk [tilespmem:v49+s6+$0x0], $0xffff  }
0x4f0: {  	v50 =	vor.u32 $0x4000, v43;
	_ =	sdelay $0x3  }
0x4f1: {  	[tilespmem:v21+s17+$0x0] =	vst.idx.msk $0xffff, v42  }
0x4f2: {  	v42 =	vld.idx.msk [tilespmem:v50+s6+$0x0], $0xffff  }
0x4f3: {  	v51 =	vor.u32 $0x4080, v43;
	_ =	sdelay $0x3  }
0x4f4: {  	[tilespmem:v22+s17+$0x0] =	vst.idx.msk $0xffff, v42  }
0x4f5: {  	v42 =	vld.idx.msk [tilespmem:v51+s6+$0x0], $0xffff  }
0x4f6: {  	v52 =	vor.u32 $0x4100, v43;
	_ =	sdelay $0x3  }
0x4f7: {  	[tilespmem:v23+s17+$0x0] =	vst.idx.msk $0xffff, v42  }
0x4f8: {  	v42 =	vld.idx.msk [tilespmem:v52+s6+$0x0], $0xffff  }
0x4f9: {  	v53 =	vor.u32 $0x4180, v43;
	_ =	sdelay $0x3  }
0x4fa: {  	[tilespmem:v24+s17+$0x0] =	vst.idx.msk $0xffff, v42  }
0x4fb: {  	v42 =	vld.idx.msk [tilespmem:v53+s6+$0x0], $0xffff  }
0x4fc: {  	v54 =	vor.u32 $0x4200, v43;
	_ =	sdelay $0x3  }
0x4fd: {  	[tilespmem:v25+s17+$0x0] =	vst.idx.msk $0xffff, v42  }
0x4fe: {  	v42 =	vld.idx.msk [tilespmem:v54+s6+$0x0], $0xffff  }
0x4ff: {  	v55 =	vor.u32 $0x4280, v43;
	_ =	sdelay $0x3  }
0x500: {  	[tilespmem:v26+s17+$0x0] =	vst.idx.msk $0xffff, v42  }
0x501: {  	v42 =	vld.idx.msk [tilespmem:v55+s6+$0x0], $0xffff  }
0x502: {  	v56 =	vor.u32 $0x4300, v43;
	_ =	sdelay $0x3  }
0x503: {  	[tilespmem:v27+s17+$0x0] =	vst.idx.msk $0xffff, v42  }
0x504: {  	v42 =	vld.idx.msk [tilespmem:v56+s6+$0x0], $0xffff  }
0x505: {  	v57 =	vor.u32 $0x4380, v41;
	_ =	sdelay $0x3  }
0x506: {  	[tilespmem:v28+s17+$0x0] =	vst.idx.msk $0xffff, v42  }
0x507: {  	v42 =	vld.idx.msk [tilespmem:v57+s6+$0x0], $0xffff  }
0x508: {  	v58 =	vor.u32 $0x6000, v43;
	_ =	sdelay $0x3  }
0x509: {  	[tilespmem:v29+s17+$0x0] =	vst.idx.msk $0xffff, v42  }
0x50a: {  	v42 =	vld.idx.msk [tilespmem:v58+s6+$0x0], $0xffff  }
0x50b: {  	v59 =	vor.u32 $0x6080, v43;
	_ =	sdelay $0x3  }
0x50c: {  	[tilespmem:v30+s17+$0x0] =	vst.idx.msk $0xffff, v42  }
0x50d: {  	v42 =	vld.idx.msk [tilespmem:v59+s6+$0x0], $0xffff  }
0x50e: {  	v60 =	vor.u32 $0x6100, v43;
	_ =	sdelay $0x3  }
0x50f: {  	[tilespmem:v31+s17+$0x0] =	vst.idx.msk $0xffff, v42  }
0x510: {  	v42 =	vld.idx.msk [tilespmem:v60+s6+$0x0], $0xffff  }
0x511: {  	v61 =	vor.u32 $0x6180, v43;
	_ =	sdelay $0x3  }
0x512: {  	[tilespmem:v32+s17+$0x0] =	vst.idx.msk $0xffff, v42  }
0x513: {  	v42 =	vld.idx.msk [tilespmem:v61+s6+$0x0], $0xffff  }
0x514: {  	v62 =	vor.u32 $0x6200, v43;
	_ =	sdelay $0x3  }
0x515: {  	[tilespmem:v33+s17+$0x0] =	vst.idx.msk $0xffff, v42  }
0x516: {  	v42 =	vld.idx.msk [tilespmem:v62+s6+$0x0], $0xffff  }
0x517: {  	v63 =	vor.u32 $0x6280, v43;
	_ =	sdelay $0x3  }
0x518: {  	[tilespmem:v34+s17+$0x0] =	vst.idx.msk $0xffff, v42  }
0x519: {  	v42 =	vld.idx.msk [tilespmem:v63+s6+$0x0], $0xffff  }
0x51a: {  	v43 =	vor.u32 $0x6300, v43;
	_ =	sdelay $0x3  }
0x51b: {  	[tilespmem:v35+s17+$0x0] =	vst.idx.msk $0xffff, v42  }
0x51c: {  	v42 =	vld.idx.msk [tilespmem:v43+s6+$0x0], $0xffff  }
0x51d: {  	v41 =	vor.u32 $0x6380, v41;
	_ =	sdelay $0x3  }
0x51e: {  	[tilespmem:v36+s17+$0x0] =	vst.idx.msk $0xffff, v42  }
0x51f: {  	v41 =	vld.idx.msk [tilespmem:v41+s6+$0x0], $0xffff;
	_ =	sdelay $0x2  }
0x520: {  	p2 =	sne.s32 s19, $0x1  }
.Ltmp32:
0x521: {  	_ = 	snop;
	(pc) =	sbr.rel @!p2 .LBB2_38-.Ltmp32, $4  }
0x522: {  	[tilespmem:v37+s17+$0x0] =	vst.idx.msk $0xffff, v41  }
0x523: {  	[hbm4b:s9+s18] =	stream.indirect.scatter [tilespmem:s17], [sflag:$0x3], $0x80, s23, s18, $0xb8;
	[tilespmem:$0x1C980] =	vst v63  }
0x524: {  	_ =	swait.ge [sflag:s3], $0x800  }
0x525: {  	s19 =	sadd.s32 $0xFFFFFFFF, s19;
	[sflag:s3] =	ssyncset.done $0x0  }
.LBB2_37:
0x526: {  	[sflag:s3] =	ssyncadd.s32 $0xFFFFF800;
	s15 =	sadd.s32 $0x10, s15;
	s16 =	sadd.s32 $0x10, s16  }
0x527: {  	p2 =	sne.s32 s19, $0x1;
	s19 =	sadd.s32 $0xFFFFFFFF, s19;
	v41 =	vld [tilespmem:s15+$0x0];
	_ =	sdelay $0x3  }
0x528: {  	v42 =	vor.u32 s16, v0  }
0x529: {  	vm0 =	vlt.s32 v42, v40;
	v43 =	vand.u32 $0x3FFF, v41;
	v41 =	vshrl.u32 v41, $0xE  }
0x52a: {  	v43 =	vsel vm0, v43, v3;
	v41 =	vadd.s32 v41, v39  }
0x52b: {  	vm0 =	vgt.s32 v41, $0x0  }
0x52c: {  	v41 =	vnsel vm0, $0x0, v41  }
0x52d: {  	v41 =	vmin.u32 v41, $0x3FF  }
0x52e: {  	v42 =	vshll.u32 v41, $0x3  }
0x52f: {  	v44 =	vand.u32 $0x7F, v41;
	v45 =	vand.u32 $0x1C00, v42  }
0x530: {  	v42 =	vor.u32 v44, v45;
	v41 =	vor.u32 v41, v45;
	_ =	sdelay $0x3  }
0x531: {  	[tilespmem:$0x18900] =	vst v43  }
0x532: {  	v43 =	vld.idx.msk [tilespmem:v42+s6+$0x0], $0xffff;
	_ =	sdelay $0x1  }
0x533: {  	v44 =	vor.u32 $0x80, v42;
	_ =	sdelay $0x3  }
0x534: {  	[tilespmem:v1+s17+$0x0] =	vst.idx.msk $0xffff, v43  }
0x535: {  	v43 =	vld.idx.msk [tilespmem:v44+s6+$0x0], $0xffff;
	_ =	sdelay $0x1  }
0x536: {  	v44 =	vor.u32 $0x100, v42;
	_ =	sdelay $0x3  }
0x537: {  	[tilespmem:v7+s17+$0x0] =	vst.idx.msk $0xffff, v43  }
0x538: {  	v43 =	vld.idx.msk [tilespmem:v44+s6+$0x0], $0xffff;
	_ =	sdelay $0x1  }
0x539: {  	v44 =	vor.u32 $0x180, v42;
	_ =	sdelay $0x3  }
0x53a: {  	[tilespmem:v8+s17+$0x0] =	vst.idx.msk $0xffff, v43  }
0x53b: {  	v43 =	vld.idx.msk [tilespmem:v44+s6+$0x0], $0xffff;
	_ =	sdelay $0x1  }
0x53c: {  	v44 =	vor.u32 $0x200, v42;
	_ =	sdelay $0x3  }
0x53d: {  	[tilespmem:v9+s17+$0x0] =	vst.idx.msk $0xffff, v43  }
0x53e: {  	v43 =	vld.idx.msk [tilespmem:v44+s6+$0x0], $0xffff;
	_ =	sdelay $0x1  }
0x53f: {  	v44 =	vor.u32 $0x280, v42;
	_ =	sdelay $0x3  }
0x540: {  	[tilespmem:v10+s17+$0x0] =	vst.idx.msk $0xffff, v43  }
0x541: {  	v43 =	vld.idx.msk [tilespmem:v44+s6+$0x0], $0xffff;
	_ =	sdelay $0x1  }
0x542: {  	v44 =	vor.u32 $0x300, v42;
	_ =	sdelay $0x3  }
0x543: {  	[tilespmem:v11+s17+$0x0] =	vst.idx.msk $0xffff, v43  }
0x544: {  	v43 =	vld.idx.msk [tilespmem:v44+s6+$0x0], $0xffff;
	_ =	sdelay $0x1  }
0x545: {  	v44 =	vor.u32 $0x380, v41;
	_ =	sdelay $0x3  }
0x546: {  	[tilespmem:v12+s17+$0x0] =	vst.idx.msk $0xffff, v43  }
0x547: {  	v43 =	vld.idx.msk [tilespmem:v44+s6+$0x0], $0xffff;
	_ =	sdelay $0x1  }
0x548: {  	v44 =	vor.u32 $0x2000, v42;
	_ =	sdelay $0x3  }
0x549: {  	[tilespmem:v13+s17+$0x0] =	vst.idx.msk $0xffff, v43  }
0x54a: {  	v43 =	vld.idx.msk [tilespmem:v44+s6+$0x0], $0xffff;
	_ =	sdelay $0x1  }
0x54b: {  	v44 =	vor.u32 $0x2080, v42;
	_ =	sdelay $0x3  }
0x54c: {  	[tilespmem:v14+s17+$0x0] =	vst.idx.msk $0xffff, v43  }
0x54d: {  	v43 =	vld.idx.msk [tilespmem:v44+s6+$0x0], $0xffff;
	_ =	sdelay $0x1  }
0x54e: {  	v44 =	vor.u32 $0x2100, v42;
	_ =	sdelay $0x3  }
0x54f: {  	[tilespmem:v15+s17+$0x0] =	vst.idx.msk $0xffff, v43  }
0x550: {  	v43 =	vld.idx.msk [tilespmem:v44+s6+$0x0], $0xffff;
	_ =	sdelay $0x1  }
0x551: {  	v44 =	vor.u32 $0x2180, v42;
	_ =	sdelay $0x3  }
0x552: {  	[tilespmem:v16+s17+$0x0] =	vst.idx.msk $0xffff, v43  }
0x553: {  	v43 =	vld.idx.msk [tilespmem:v44+s6+$0x0], $0xffff;
	_ =	sdelay $0x1  }
0x554: {  	v44 =	vor.u32 $0x2200, v42;
	_ =	sdelay $0x3  }
0x555: {  	[tilespmem:v17+s17+$0x0] =	vst.idx.msk $0xffff, v43  }
0x556: {  	v43 =	vld.idx.msk [tilespmem:v44+s6+$0x0], $0xffff;
	_ =	sdelay $0x1  }
0x557: {  	v44 =	vor.u32 $0x2280, v42;
	_ =	sdelay $0x3  }
0x558: {  	[tilespmem:v18+s17+$0x0] =	vst.idx.msk $0xffff, v43  }
0x559: {  	v43 =	vld.idx.msk [tilespmem:v44+s6+$0x0], $0xffff;
	_ =	sdelay $0x1  }
0x55a: {  	v44 =	vor.u32 $0x2300, v42;
	_ =	sdelay $0x3  }
0x55b: {  	[tilespmem:v19+s17+$0x0] =	vst.idx.msk $0xffff, v43  }
0x55c: {  	v43 =	vld.idx.msk [tilespmem:v44+s6+$0x0], $0xffff;
	_ =	sdelay $0x1  }
0x55d: {  	v44 =	vor.u32 $0x2380, v41;
	_ =	sdelay $0x3  }
0x55e: {  	[tilespmem:v20+s17+$0x0] =	vst.idx.msk $0xffff, v43  }
0x55f: {  	v43 =	vld.idx.msk [tilespmem:v44+s6+$0x0], $0xffff;
	_ =	sdelay $0x1  }
0x560: {  	v44 =	vor.u32 $0x4000, v42;
	_ =	sdelay $0x3  }
0x561: {  	[tilespmem:v21+s17+$0x0] =	vst.idx.msk $0xffff, v43  }
0x562: {  	v43 =	vld.idx.msk [tilespmem:v44+s6+$0x0], $0xffff;
	_ =	sdelay $0x1  }
0x563: {  	v44 =	vor.u32 $0x4080, v42;
	_ =	sdelay $0x3  }
0x564: {  	[tilespmem:v22+s17+$0x0] =	vst.idx.msk $0xffff, v43  }
0x565: {  	v43 =	vld.idx.msk [tilespmem:v44+s6+$0x0], $0xffff;
	_ =	sdelay $0x1  }
0x566: {  	v44 =	vor.u32 $0x4100, v42;
	_ =	sdelay $0x3  }
0x567: {  	[tilespmem:v23+s17+$0x0] =	vst.idx.msk $0xffff, v43  }
0x568: {  	v43 =	vld.idx.msk [tilespmem:v44+s6+$0x0], $0xffff;
	_ =	sdelay $0x1  }
0x569: {  	v44 =	vor.u32 $0x4180, v42;
	_ =	sdelay $0x3  }
0x56a: {  	[tilespmem:v24+s17+$0x0] =	vst.idx.msk $0xffff, v43  }
0x56b: {  	v43 =	vld.idx.msk [tilespmem:v44+s6+$0x0], $0xffff;
	_ =	sdelay $0x1  }
0x56c: {  	v44 =	vor.u32 $0x4200, v42;
	_ =	sdelay $0x3  }
0x56d: {  	[tilespmem:v25+s17+$0x0] =	vst.idx.msk $0xffff, v43  }
0x56e: {  	v43 =	vld.idx.msk [tilespmem:v44+s6+$0x0], $0xffff;
	_ =	sdelay $0x1  }
0x56f: {  	v44 =	vor.u32 $0x4280, v42;
	_ =	sdelay $0x3  }
0x570: {  	[tilespmem:v26+s17+$0x0] =	vst.idx.msk $0xffff, v43  }
0x571: {  	v43 =	vld.idx.msk [tilespmem:v44+s6+$0x0], $0xffff;
	_ =	sdelay $0x1  }
0x572: {  	v44 =	vor.u32 $0x4300, v42;
	_ =	sdelay $0x3  }
0x573: {  	[tilespmem:v27+s17+$0x0] =	vst.idx.msk $0xffff, v43  }
0x574: {  	v43 =	vld.idx.msk [tilespmem:v44+s6+$0x0], $0xffff;
	_ =	sdelay $0x1  }
0x575: {  	v44 =	vor.u32 $0x4380, v41;
	_ =	sdelay $0x3  }
0x576: {  	[tilespmem:v28+s17+$0x0] =	vst.idx.msk $0xffff, v43  }
0x577: {  	v43 =	vld.idx.msk [tilespmem:v44+s6+$0x0], $0xffff;
	_ =	sdelay $0x1  }
0x578: {  	v44 =	vor.u32 $0x6000, v42;
	_ =	sdelay $0x3  }
0x579: {  	[tilespmem:v29+s17+$0x0] =	vst.idx.msk $0xffff, v43  }
0x57a: {  	v43 =	vld.idx.msk [tilespmem:v44+s6+$0x0], $0xffff;
	_ =	sdelay $0x1  }
0x57b: {  	v44 =	vor.u32 $0x6080, v42;
	_ =	sdelay $0x3  }
0x57c: {  	[tilespmem:v30+s17+$0x0] =	vst.idx.msk $0xffff, v43  }
0x57d: {  	v43 =	vld.idx.msk [tilespmem:v44+s6+$0x0], $0xffff;
	_ =	sdelay $0x1  }
0x57e: {  	v44 =	vor.u32 $0x6100, v42;
	_ =	sdelay $0x3  }
0x57f: {  	[tilespmem:v31+s17+$0x0] =	vst.idx.msk $0xffff, v43  }
0x580: {  	v43 =	vld.idx.msk [tilespmem:v44+s6+$0x0], $0xffff;
	_ =	sdelay $0x1  }
0x581: {  	v44 =	vor.u32 $0x6180, v42;
	_ =	sdelay $0x3  }
0x582: {  	[tilespmem:v32+s17+$0x0] =	vst.idx.msk $0xffff, v43  }
0x583: {  	v43 =	vld.idx.msk [tilespmem:v44+s6+$0x0], $0xffff;
	_ =	sdelay $0x1  }
0x584: {  	v44 =	vor.u32 $0x6200, v42;
	_ =	sdelay $0x3  }
0x585: {  	[tilespmem:v33+s17+$0x0] =	vst.idx.msk $0xffff, v43  }
0x586: {  	v43 =	vld.idx.msk [tilespmem:v44+s6+$0x0], $0xffff;
	_ =	sdelay $0x1  }
0x587: {  	v44 =	vor.u32 $0x6280, v42;
	_ =	sdelay $0x3  }
0x588: {  	[tilespmem:v34+s17+$0x0] =	vst.idx.msk $0xffff, v43  }
0x589: {  	v43 =	vld.idx.msk [tilespmem:v44+s6+$0x0], $0xffff;
	_ =	sdelay $0x1  }
0x58a: {  	v42 =	vor.u32 $0x6300, v42;
	_ =	sdelay $0x3  }
0x58b: {  	[tilespmem:v35+s17+$0x0] =	vst.idx.msk $0xffff, v43  }
0x58c: {  	v42 =	vld.idx.msk [tilespmem:v42+s6+$0x0], $0xffff;
	_ =	sdelay $0x1  }
0x58d: {  	v41 =	vor.u32 $0x6380, v41;
	_ =	sdelay $0x3  }
0x58e: {  	[tilespmem:v36+s17+$0x0] =	vst.idx.msk $0xffff, v42  }
0x58f: {  	v41 =	vld.idx.msk [tilespmem:v41+s6+$0x0], $0xffff;
	_ =	sdelay $0x4  }
.Ltmp33:
0x590: {  	(pc) =	sbr.rel @p2 .LBB2_37-.Ltmp33, $4  }
0x591: {  	[tilespmem:v37+s17+$0x0] =	vst.idx.msk $0xffff, v41  }
0x592: {  	[hbm4b:s9+s18] =	stream.indirect.scatter [tilespmem:s17], [sflag:$0x3], $0x80, s23, s18, $0xb8;
	[tilespmem:$0x1C980] =	vst v63  }
0x593: {  	_ =	swait.ge [sflag:s3], $0x800  }
0x594: {  	[sflag:s3] =	ssyncset.done $0x0  }
.LBB2_38:
0x595: {  	[sflag:s3] =	ssyncadd.s32 $0xFFFFF800  }
.LBB2_39:
0x596: {  	s15 =	sld [smem:$0x7FD]  }
0x597: {  	s13 =	smul.u32 $0x30D, s13;
	_ =	sdelay $0x1  }
0x598: {  	s13 =	sadd.s32 s13, s15  }
0x599: {  	s13 =	sshrl.u32 s13, $0x7  }
0x59a: {  	s13 =	smin.u32 s13, $0x305  }
0x59b: {  	s13 =	sshll.u32 s13, $0x7  }
0x59c: {  	s22 =	sadd.s32 s4, s13  }
0x59d: {  	[tilespmem:s6], [sflag:$0x1] =	stream.linear.gather [hbm4b:s22+s6], $0x400, $0x38;
	[tilespmem:$0x1C980] =	vst v63  }
0x59e: {  	s19 =	simm.s32 $0x2000;
	s16 =	sadd.s32 $0x18700, s22  }
0x59f: {  	[tilespmem:s19], [sflag:$0x1] =	stream.linear.gather [hbm4b:s16+s6], $0x400, $0x38;
	[tilespmem:$0x1C980] =	vst v63  }
0x5a0: {  	s30 =	simm.s32 $0x4000;
	s26 =	sadd.s32 $0x30E00, s22  }
0x5a1: {  	[tilespmem:s30], [sflag:$0x1] =	stream.linear.gather [hbm4b:s26+s6], $0x400, $0x38;
	[tilespmem:$0x1C980] =	vst v63  }
0x5a2: {  	s12 =	simm.s32 $0x6000;
	s15 =	sadd.s32 $0x49500, s22;
	s16 =	rddreg [dreg:$0x16]  }
0x5a3: {  	[tilespmem:s12], [sflag:$0x1] =	stream.linear.gather [hbm4b:s15+s6], $0x400, $0x38;
	[tilespmem:$0x1C980] =	vst v63  }
0x5a4: {  	s19 =	simm.s32 $0x400;
	s15 =	sadd.s32 s13, s16  }
0x5a5: {  	[tilespmem:s19], [sflag:$0x1] =	stream.linear.gather [hbm4b:s15+s6], $0x400, $0x38;
	[tilespmem:$0x1C980] =	vst v63  }
0x5a6: {  	s22 =	simm.s32 $0x2400;
	s20 =	sadd.s32 $0x18700, s15  }
0x5a7: {  	[tilespmem:s22], [sflag:$0x1] =	stream.linear.gather [hbm4b:s20+s6], $0x400, $0x38;
	[tilespmem:$0x1C980] =	vst v63  }
0x5a8: {  	s30 =	simm.s32 $0x4400;
	s26 =	sadd.s32 $0x30E00, s15  }
0x5a9: {  	[tilespmem:s30], [sflag:$0x1] =	stream.linear.gather [hbm4b:s26+s6], $0x400, $0x38;
	[tilespmem:$0x1C980] =	vst v63  }
0x5aa: {  	s12 =	simm.s32 $0x6400;
	s16 =	rddreg [dreg:$0x17];
	s15 =	sadd.s32 $0x49500, s15  }
0x5ab: {  	[tilespmem:s12], [sflag:$0x1] =	stream.linear.gather [hbm4b:s15+s6], $0x400, $0x38;
	[tilespmem:$0x1C980] =	vst v63  }
0x5ac: {  	s19 =	simm.s32 $0x800;
	s15 =	sadd.s32 s13, s16  }
0x5ad: {  	[tilespmem:s19], [sflag:$0x1] =	stream.linear.gather [hbm4b:s15+s6], $0x400, $0x38;
	[tilespmem:$0x1C980] =	vst v63  }
0x5ae: {  	s22 =	simm.s32 $0x2800;
	s20 =	sadd.s32 $0x18700, s15  }
0x5af: {  	[tilespmem:s22], [sflag:$0x1] =	stream.linear.gather [hbm4b:s20+s6], $0x400, $0x38;
	[tilespmem:$0x1C980] =	vst v63  }
0x5b0: {  	s30 =	simm.s32 $0x4800;
	s26 =	sadd.s32 $0x30E00, s15  }
0x5b1: {  	[tilespmem:s30], [sflag:$0x1] =	stream.linear.gather [hbm4b:s26+s6], $0x400, $0x38;
	[tilespmem:$0x1C980] =	vst v63  }
0x5b2: {  	s12 =	simm.s32 $0x6800;
	s16 =	rddreg [dreg:$0x18];
	s15 =	sadd.s32 $0x49500, s15  }
0x5b3: {  	[tilespmem:s12], [sflag:$0x1] =	stream.linear.gather [hbm4b:s15+s6], $0x400, $0x38;
	[tilespmem:$0x1C980] =	vst v63  }
0x5b4: {  	s19 =	simm.s32 $0xC00;
	s15 =	sadd.s32 s13, s16  }
0x5b5: {  	[tilespmem:s19], [sflag:$0x1] =	stream.linear.gather [hbm4b:s15+s6], $0x400, $0x38;
	[tilespmem:$0x1C980] =	vst v63  }
0x5b6: {  	s22 =	simm.s32 $0x2C00;
	s20 =	sadd.s32 $0x18700, s15  }
0x5b7: {  	[tilespmem:s22], [sflag:$0x1] =	stream.linear.gather [hbm4b:s20+s6], $0x400, $0x38;
	[tilespmem:$0x1C980] =	vst v63  }
0x5b8: {  	s30 =	simm.s32 $0x4C00;
	s26 =	sadd.s32 $0x30E00, s15  }
0x5b9: {  	[tilespmem:s30], [sflag:$0x1] =	stream.linear.gather [hbm4b:s26+s6], $0x400, $0x38;
	[tilespmem:$0x1C980] =	vst v63  }
0x5ba: {  	s12 =	simm.s32 $0x6C00;
	s16 =	rddreg [dreg:$0x1c];
	s15 =	sadd.s32 $0x49500, s15  }
0x5bb: {  	[tilespmem:s12], [sflag:$0x1] =	stream.linear.gather [hbm4b:s15+s6], $0x400, $0x38;
	[tilespmem:$0x1C980] =	vst v63  }
0x5bc: {  	s19 =	simm.s32 $0x1000;
	s15 =	sadd.s32 s13, s16  }
0x5bd: {  	[tilespmem:s19], [sflag:$0x1] =	stream.linear.gather [hbm4b:s15+s6], $0x400, $0x38;
	[tilespmem:$0x1C980] =	vst v63  }
0x5be: {  	s22 =	simm.s32 $0x3000;
	s20 =	sadd.s32 $0x18700, s15  }
0x5bf: {  	[tilespmem:s22], [sflag:$0x1] =	stream.linear.gather [hbm4b:s20+s6], $0x400, $0x38;
	[tilespmem:$0x1C980] =	vst v63  }
0x5c0: {  	s30 =	simm.s32 $0x5000;
	s26 =	sadd.s32 $0x30E00, s15  }
0x5c1: {  	[tilespmem:s30], [sflag:$0x1] =	stream.linear.gather [hbm4b:s26+s6], $0x400, $0x38;
	[tilespmem:$0x1C980] =	vst v63  }
0x5c2: {  	s12 =	simm.s32 $0x7000;
	s16 =	rddreg [dreg:$0x1d];
	s15 =	sadd.s32 $0x49500, s15  }
0x5c3: {  	[tilespmem:s12], [sflag:$0x1] =	stream.linear.gather [hbm4b:s15+s6], $0x400, $0x38;
	[tilespmem:$0x1C980] =	vst v63  }
0x5c4: {  	s19 =	simm.s32 $0x1400;
	s15 =	sadd.s32 s13, s16  }
0x5c5: {  	[tilespmem:s19], [sflag:$0x1] =	stream.linear.gather [hbm4b:s15+s6], $0x400, $0x38;
	[tilespmem:$0x1C980] =	vst v63  }
0x5c6: {  	s22 =	simm.s32 $0x3400;
	s20 =	sadd.s32 $0x18700, s15  }
0x5c7: {  	[tilespmem:s22], [sflag:$0x1] =	stream.linear.gather [hbm4b:s20+s6], $0x400, $0x38;
	[tilespmem:$0x1C980] =	vst v63  }
0x5c8: {  	s30 =	simm.s32 $0x5400;
	s26 =	sadd.s32 $0x30E00, s15  }
0x5c9: {  	[tilespmem:s30], [sflag:$0x1] =	stream.linear.gather [hbm4b:s26+s6], $0x400, $0x38;
	[tilespmem:$0x1C980] =	vst v63  }
0x5ca: {  	s12 =	simm.s32 $0x7400;
	s16 =	rddreg [dreg:$0x1e];
	s15 =	sadd.s32 $0x49500, s15  }
0x5cb: {  	[tilespmem:s12], [sflag:$0x1] =	stream.linear.gather [hbm4b:s15+s6], $0x400, $0x38;
	[tilespmem:$0x1C980] =	vst v63  }
0x5cc: {  	s19 =	simm.s32 $0x1800;
	s15 =	sadd.s32 s13, s16  }
0x5cd: {  	[tilespmem:s19], [sflag:$0x1] =	stream.linear.gather [hbm4b:s15+s6], $0x400, $0x38;
	[tilespmem:$0x1C980] =	vst v63  }
0x5ce: {  	s22 =	simm.s32 $0x3800;
	s20 =	sadd.s32 $0x18700, s15  }
0x5cf: {  	[tilespmem:s22], [sflag:$0x1] =	stream.linear.gather [hbm4b:s20+s6], $0x400, $0x38;
	[tilespmem:$0x1C980] =	vst v63  }
0x5d0: {  	s30 =	simm.s32 $0x5800;
	s26 =	sadd.s32 $0x30E00, s15  }
0x5d1: {  	[tilespmem:s30], [sflag:$0x1] =	stream.linear.gather [hbm4b:s26+s6], $0x400, $0x38;
	[tilespmem:$0x1C980] =	vst v63  }
0x5d2: {  	s12 =	simm.s32 $0x7800;
	s15 =	sadd.s32 $0x49500, s15  }
0x5d3: {  	[tilespmem:s12], [sflag:$0x1] =	stream.linear.gather [hbm4b:s15+s6], $0x400, $0x38;
	[tilespmem:$0x1C980] =	vst v63  }
0x5d4: {  	s13 =	sadd.s32 s13, s14;
	s16 =	simm.s32 $0x1C00  }
0x5d5: {  	[tilespmem:s16], [sflag:$0x1] =	stream.linear.gather [hbm4b:s13+s6], $0x400, $0x38;
	[tilespmem:$0x1C980] =	vst v63  }
0x5d6: {  	s19 =	sadd.s32 $0x18700, s13;
	s20 =	simm.s32 $0x3C00  }
0x5d7: {  	[tilespmem:s20], [sflag:$0x1] =	stream.linear.gather [hbm4b:s19+s6], $0x400, $0x38;
	[tilespmem:$0x1C980] =	vst v63  }
0x5d8: {  	s22 =	sadd.s32 $0x30E00, s13;
	s26 =	simm.s32 $0x5C00  }
0x5d9: {  	[tilespmem:s26], [sflag:$0x1] =	stream.linear.gather [hbm4b:s22+s6], $0x400, $0x38;
	[tilespmem:$0x1C980] =	vst v63  }
0x5da: {  	s30 =	simm.s32 $0x7C00;
	s13 =	sadd.s32 $0x49500, s13  }
0x5db: {  	[tilespmem:s30], [sflag:$0x1] =	stream.linear.gather [hbm4b:s13+s6], $0x400, $0x38;
	[tilespmem:$0x1C980] =	vst v63  }
0x5dc: {  	_ =	swait.ge [sflag:s2], $0x1000  }
0x5dd: {  	[sflag:s2] =	ssyncset.done $0x0  }
0x5de: {  	[sflag:s2] =	ssyncadd.s32 $0xFFFFF000  }
0x5df: {  	_ =	swait.ge [sflag:s2], $0x1000  }
0x5e0: {  	[sflag:s2] =	ssyncset.done $0x0  }
0x5e1: {  	[sflag:s2] =	ssyncadd.s32 $0xFFFFF000  }
0x5e2: {  	_ =	swait.ge [sflag:s2], $0x1000  }
0x5e3: {  	[sflag:s2] =	ssyncset.done $0x0  }
0x5e4: {  	[sflag:s2] =	ssyncadd.s32 $0xFFFFF000  }
0x5e5: {  	_ =	swait.ge [sflag:s2], $0x1000  }
0x5e6: {  	[sflag:s2] =	ssyncset.done $0x0  }
0x5e7: {  	[sflag:s2] =	ssyncadd.s32 $0xFFFFF000  }
0x5e8: {  	_ =	swait.ge [sflag:s2], $0x1000  }
0x5e9: {  	[sflag:s2] =	ssyncset.done $0x0  }
0x5ea: {  	[sflag:s2] =	ssyncadd.s32 $0xFFFFF000  }
0x5eb: {  	_ =	swait.ge [sflag:s2], $0x1000  }
0x5ec: {  	[sflag:s2] =	ssyncset.done $0x0  }
0x5ed: {  	[sflag:s2] =	ssyncadd.s32 $0xFFFFF000  }
0x5ee: {  	_ =	swait.ge [sflag:s2], $0x1000  }
.Ltmp34:
0x5ef: {  	[sflag:s2] =	ssyncset.done $0x0;
	(pc) =	sbr.rel @p0 .LBB2_49-.Ltmp34, $4  }
0x5f0: {  	[sflag:s2] =	ssyncadd.s32 $0xFFFFF000  }
0x5f1: {  	_ =	swait.ge [sflag:s2], $0x1000  }
0x5f2: {  	[sflag:s2] =	ssyncset.done $0x0  }
0x5f3: {  	[sflag:s2] =	ssyncadd.s32 $0xFFFFF000  }
0x5f4: {  	p3 =	sne.s32 s5, $0x1  }
.Ltmp35:
0x5f5: {  	_ = 	snop;
	(pc) =	sbr.rel @!p3 .LBB2_41-.Ltmp35, $4  }
0x5f6: {  	s13 =	sadd.s32 $0x61B, s29  }
0x5f7: {  	s15 =	smov.u32 s25;
	p2 =	slt.s32 s13, s25  }
0x5f8: {  	s30 =	simm.s32 $0x10000;
	s15 =	smov.u32 @p2 s13  }
0x5f9: {  	v39 =	vmov s10;
	s10 =	simm.s32 $0x0;
	v40 =	vld [tilespmem:s30+$0x0];
	s13 =	sadd.s32 $0xFFFFFFFF, s5;
	p2 =	por $0x0, $0x0;
	v41 =	vmov s15  }
0x5fa: {  	_ =	sdelay $0x3  }
0x5fb: {  	v43 =	vor.u32 s10, v0;
	v42 =	vshrl.u32 v40, $0xE  }
0x5fc: {  	vm0 =	vlt.s32 v43, v38;
	vm1 =	vlt.s32 v42, v41  }
0x5fd: {  	vm2 =	vge.u32 v42, v39;
	vm0 =	vmand vm0, vm1  }
0x5fe: {  	vm0 =	vmand vm0, vm2  }
0x5ff: {  	v63 =	vmpcnt.ones.xlane vm0;
	_ =	sdelay $0x1  }
0x600: {  	p3 =	sne.s32 s13, $0x1;
	(v2sf) =	vpush v63, $0x0  }
.Ltmp36:
0x601: {  	_ = 	snop;
	(pc) =	sbr.rel @!p3 .LBB2_43-.Ltmp36, $3  }
0x602: {  	_ =	sdelay $0x1  }
0x603: {  	s16 =	simm.s32 $0x10010;
	s19 =	sadd.s32 $0xFFFFFFFF, s13;
	[tilespmem:s10+$0x14080] =	vst.msk vm0, v40  }
0x604: {  	p2 =	por $0x1, $0x1;
	s15 =	simm.s32 $0x0;
	s13 =	simm.s32 $0x0;
	v40 =	vld [tilespmem:s16+$0x0]  }
.LBB2_44:
0x605: {  	p3 =	sne.s32 s19, $0x1;
	_ =	sdelay $0x2  }
0x606: {  	s15 =	sadd.s32 $0x10, s15  }
0x607: {  	v43 =	vor.u32 s15, v0;
	v42 =	vshrl.u32 v40, $0xE  }
0x608: {  	vm0 =	vlt.s32 v43, v38;
	vm1 =	vlt.s32 v42, v41  }
0x609: {  	vm2 =	vge.u32 v42, v39;
	vm0 =	vmand vm0, vm1  }
0x60a: {  	vm0 =	vmand vm0, vm2  }
0x60b: {  	v42 =	vmpcnt.ones.xlane vm0  }
0x60c: {  	s20 =	spop (v2sf)  }
0x60d: {  	(v2sf) =	vpush v42, $0x0;
	s13 =	sadd.s32 s13, s20  }
.Ltmp37:
0x60e: {  	[tilespmem:s13+$0x14080] =	vst.msk vm0, v40;
	(pc) =	sbr.rel @p3 .LBB2_44-.Ltmp37, $3  }
0x60f: {  	_ =	sdelay $0x1  }
0x610: {  	s16 =	sadd.s32 $0x10, s16  }
0x611: {  	s19 =	sadd.s32 $0xFFFFFFFF, s19;
	v40 =	vld [tilespmem:s16+$0x0]  }
.LBB2_45:
0x612: {  	_ =	sdelay $0x1  }
0x613: {  	s15 =	sadd.s32 @p2 $0x10, s15;
	s16 =	simm.s32 $0x0  }
0x614: {  	s16 =	smov.u32 @p2 s15  }
0x615: {  	v43 =	vor.u32 s16, v0;
	v42 =	vshrl.u32 v40, $0xE  }
0x616: {  	vm0 =	vlt.s32 v43, v38;
	vm1 =	vlt.s32 v42, v41  }
0x617: {  	vm2 =	vge.u32 v42, v39;
	vm0 =	vmand vm0, vm1  }
0x618: {  	vm0 =	vmand vm0, vm2  }
0x619: {  	v63 =	vmpcnt.ones.xlane vm0;
	_ =	sdelay $0x1  }
0x61a: {  	(v2sf) =	vpush v63, $0x0;
	_ =	sdelay $0xc  }
0x61b: {  	s15 =	spop @p2 (v2sf)  }
0x61c: {  	s13 =	sadd.s32 @p2 s13, s15  }
0x61d: {  	s10 =	smov.u32 @p2 s13;
	s30 =	spop (v2sf)  }
0x61e: {  	s16 =	sadd.s32 s10, s30  }
0x61f: {  	s13 =	sadd.s32 $0xF, s16  }
0x620: {  	s15 =	sshrl.u32 s13, $0x4  }
0x621: {  	p2 =	seq.s32 s15, $0x0  }
.Ltmp38:
0x622: {  	_ = 	snop;
	(pc) =	sbr.rel @p2 .LBB2_49-.Ltmp38, $2  }
0x623: {  	_ =	sdelay $0x2  }
0x624: {  	[tilespmem:s10+$0x14080] =	vst.msk vm0, v40  }
0x625: {  	s10 =	simm.s32 $0x14080  }
0x626: {  	v41 =	vld [tilespmem:s10+$0x0];
	_ =	sdelay $0x3  }
0x627: {  	s13 =	ssub.s32 s21, s28  }
0x628: {  	v39 =	vmov s13;
	v40 =	vshrl.u32 v41, $0xE  }
0x629: {  	v40 =	vadd.s32 v40, v39  }
0x62a: {  	vm0 =	vgt.s32 v40, $0x0  }
0x62b: {  	v40 =	vnsel vm0, $0x0, v40  }
0x62c: {  	v42 =	vmin.u32 v40, $0x3FF  }
0x62d: {  	v40 =	vshll.u32 v42, $0x3  }
0x62e: {  	v43 =	vand.u32 $0x7F, v42;
	v44 =	vand.u32 $0x1C00, v40  }
0x62f: {  	s13 =	simm.s32 $0x0;
	v43 =	vor.u32 v43, v44  }
0x630: {  	v45 =	vor.u32 s13, v0;
	v40 =	vmov s16  }
0x631: {  	v41 =	vand.u32 $0x3FFF, v41;
	vm15 =	vlt.s32 v45, v40  }
0x632: {  	v41 =	vsel vm15, v41, v3  }
0x633: {  	[tilespmem:$0x18900] =	vst v41  }
0x634: {  	v41 =	vld.idx.msk [tilespmem:v43+s1+$0x0], $0xffff  }
0x635: {  	v51 =	vor.u32 $0x80, v43;
	_ =	sdelay $0x3  }
0x636: {  	[tilespmem:v1+s17+$0x0] =	vst.idx.msk $0xffff, v41  }
0x637: {  	v41 =	vld.idx.msk [tilespmem:v51+s1+$0x0], $0xffff  }
0x638: {  	v52 =	vor.u32 $0x100, v43;
	_ =	sdelay $0x3  }
0x639: {  	[tilespmem:v7+s17+$0x0] =	vst.idx.msk $0xffff, v41  }
0x63a: {  	v41 =	vld.idx.msk [tilespmem:v52+s1+$0x0], $0xffff  }
0x63b: {  	v53 =	vor.u32 $0x180, v43;
	_ =	sdelay $0x3  }
0x63c: {  	[tilespmem:v8+s17+$0x0] =	vst.idx.msk $0xffff, v41  }
0x63d: {  	v41 =	vld.idx.msk [tilespmem:v53+s1+$0x0], $0xffff  }
0x63e: {  	v54 =	vor.u32 $0x200, v43;
	_ =	sdelay $0x3  }
0x63f: {  	[tilespmem:v9+s17+$0x0] =	vst.idx.msk $0xffff, v41  }
0x640: {  	v41 =	vld.idx.msk [tilespmem:v54+s1+$0x0], $0xffff  }
0x641: {  	v55 =	vor.u32 $0x280, v43;
	_ =	sdelay $0x3  }
0x642: {  	[tilespmem:v10+s17+$0x0] =	vst.idx.msk $0xffff, v41  }
0x643: {  	v41 =	vld.idx.msk [tilespmem:v55+s1+$0x0], $0xffff  }
0x644: {  	v56 =	vor.u32 $0x300, v43;
	_ =	sdelay $0x3  }
0x645: {  	[tilespmem:v11+s17+$0x0] =	vst.idx.msk $0xffff, v41  }
0x646: {  	v41 =	vor.u32 v42, v44;
	v57 =	vld.idx.msk [tilespmem:v56+s1+$0x0], $0xffff  }
0x647: {  	v44 =	vor.u32 $0x380, v41;
	_ =	sdelay $0x3  }
0x648: {  	[tilespmem:v12+s17+$0x0] =	vst.idx.msk $0xffff, v57  }
0x649: {  	v42 =	vld.idx.msk [tilespmem:v44+s1+$0x0], $0xffff  }
0x64a: {  	v58 =	vor.u32 $0x2000, v43;
	_ =	sdelay $0x3  }
0x64b: {  	[tilespmem:v13+s17+$0x0] =	vst.idx.msk $0xffff, v42  }
0x64c: {  	v42 =	vld.idx.msk [tilespmem:v58+s1+$0x0], $0xffff  }
0x64d: {  	v59 =	vor.u32 $0x2080, v43;
	_ =	sdelay $0x3  }
0x64e: {  	[tilespmem:v14+s17+$0x0] =	vst.idx.msk $0xffff, v42  }
0x64f: {  	v42 =	vld.idx.msk [tilespmem:v59+s1+$0x0], $0xffff  }
0x650: {  	v60 =	vor.u32 $0x2100, v43;
	_ =	sdelay $0x3  }
0x651: {  	[tilespmem:v15+s17+$0x0] =	vst.idx.msk $0xffff, v42  }
0x652: {  	v42 =	vld.idx.msk [tilespmem:v60+s1+$0x0], $0xffff  }
0x653: {  	v61 =	vor.u32 $0x2180, v43;
	_ =	sdelay $0x3  }
0x654: {  	[tilespmem:v16+s17+$0x0] =	vst.idx.msk $0xffff, v42  }
0x655: {  	v42 =	vld.idx.msk [tilespmem:v61+s1+$0x0], $0xffff  }
0x656: {  	v62 =	vor.u32 $0x2200, v43;
	_ =	sdelay $0x3  }
0x657: {  	[tilespmem:v17+s17+$0x0] =	vst.idx.msk $0xffff, v42  }
0x658: {  	v42 =	vld.idx.msk [tilespmem:v62+s1+$0x0], $0xffff  }
0x659: {  	v63 =	vor.u32 $0x2280, v43;
	_ =	sdelay $0x3  }
0x65a: {  	[tilespmem:v18+s17+$0x0] =	vst.idx.msk $0xffff, v42  }
0x65b: {  	v42 =	vld.idx.msk [tilespmem:v63+s1+$0x0], $0xffff  }
0x65c: {  	v48 =	vor.u32 $0x2300, v43;
	_ =	sdelay $0x3  }
0x65d: {  	[tilespmem:v19+s17+$0x0] =	vst.idx.msk $0xffff, v42  }
0x65e: {  	v42 =	vld.idx.msk [tilespmem:v48+s1+$0x0], $0xffff  }
0x65f: {  	v49 =	vor.u32 $0x2380, v41;
	_ =	sdelay $0x3  }
0x660: {  	[tilespmem:v20+s17+$0x0] =	vst.idx.msk $0xffff, v42  }
0x661: {  	v42 =	vld.idx.msk [tilespmem:v49+s1+$0x0], $0xffff  }
0x662: {  	v50 =	vor.u32 $0x4000, v43;
	_ =	sdelay $0x3  }
0x663: {  	[tilespmem:v21+s17+$0x0] =	vst.idx.msk $0xffff, v42  }
0x664: {  	v42 =	vld.idx.msk [tilespmem:v50+s1+$0x0], $0xffff  }
0x665: {  	v51 =	vor.u32 $0x4080, v43;
	_ =	sdelay $0x3  }
0x666: {  	[tilespmem:v22+s17+$0x0] =	vst.idx.msk $0xffff, v42  }
0x667: {  	v42 =	vld.idx.msk [tilespmem:v51+s1+$0x0], $0xffff  }
0x668: {  	v52 =	vor.u32 $0x4100, v43;
	_ =	sdelay $0x3  }
0x669: {  	[tilespmem:v23+s17+$0x0] =	vst.idx.msk $0xffff, v42  }
0x66a: {  	v42 =	vld.idx.msk [tilespmem:v52+s1+$0x0], $0xffff  }
0x66b: {  	v53 =	vor.u32 $0x4180, v43;
	_ =	sdelay $0x3  }
0x66c: {  	[tilespmem:v24+s17+$0x0] =	vst.idx.msk $0xffff, v42  }
0x66d: {  	v42 =	vld.idx.msk [tilespmem:v53+s1+$0x0], $0xffff  }
0x66e: {  	v54 =	vor.u32 $0x4200, v43;
	_ =	sdelay $0x3  }
0x66f: {  	[tilespmem:v25+s17+$0x0] =	vst.idx.msk $0xffff, v42  }
0x670: {  	v42 =	vld.idx.msk [tilespmem:v54+s1+$0x0], $0xffff  }
0x671: {  	v55 =	vor.u32 $0x4280, v43;
	_ =	sdelay $0x3  }
0x672: {  	[tilespmem:v26+s17+$0x0] =	vst.idx.msk $0xffff, v42  }
0x673: {  	v42 =	vld.idx.msk [tilespmem:v55+s1+$0x0], $0xffff  }
0x674: {  	v56 =	vor.u32 $0x4300, v43;
	_ =	sdelay $0x3  }
0x675: {  	[tilespmem:v27+s17+$0x0] =	vst.idx.msk $0xffff, v42  }
0x676: {  	v42 =	vld.idx.msk [tilespmem:v56+s1+$0x0], $0xffff  }
0x677: {  	v57 =	vor.u32 $0x4380, v41;
	_ =	sdelay $0x3  }
0x678: {  	[tilespmem:v28+s17+$0x0] =	vst.idx.msk $0xffff, v42  }
0x679: {  	v42 =	vld.idx.msk [tilespmem:v57+s1+$0x0], $0xffff  }
0x67a: {  	v58 =	vor.u32 $0x6000, v43;
	_ =	sdelay $0x3  }
0x67b: {  	[tilespmem:v29+s17+$0x0] =	vst.idx.msk $0xffff, v42  }
0x67c: {  	v42 =	vld.idx.msk [tilespmem:v58+s1+$0x0], $0xffff  }
0x67d: {  	v59 =	vor.u32 $0x6080, v43;
	_ =	sdelay $0x3  }
0x67e: {  	[tilespmem:v30+s17+$0x0] =	vst.idx.msk $0xffff, v42  }
0x67f: {  	v42 =	vld.idx.msk [tilespmem:v59+s1+$0x0], $0xffff  }
0x680: {  	v60 =	vor.u32 $0x6100, v43;
	_ =	sdelay $0x3  }
0x681: {  	[tilespmem:v31+s17+$0x0] =	vst.idx.msk $0xffff, v42  }
0x682: {  	v42 =	vld.idx.msk [tilespmem:v60+s1+$0x0], $0xffff  }
0x683: {  	v61 =	vor.u32 $0x6180, v43;
	_ =	sdelay $0x3  }
0x684: {  	[tilespmem:v32+s17+$0x0] =	vst.idx.msk $0xffff, v42  }
0x685: {  	v42 =	vld.idx.msk [tilespmem:v61+s1+$0x0], $0xffff  }
0x686: {  	v62 =	vor.u32 $0x6200, v43;
	_ =	sdelay $0x3  }
0x687: {  	[tilespmem:v33+s17+$0x0] =	vst.idx.msk $0xffff, v42  }
0x688: {  	v42 =	vld.idx.msk [tilespmem:v62+s1+$0x0], $0xffff  }
0x689: {  	v63 =	vor.u32 $0x6280, v43;
	_ =	sdelay $0x3  }
0x68a: {  	[tilespmem:v34+s17+$0x0] =	vst.idx.msk $0xffff, v42  }
0x68b: {  	v42 =	vld.idx.msk [tilespmem:v63+s1+$0x0], $0xffff  }
0x68c: {  	v43 =	vor.u32 $0x6300, v43;
	_ =	sdelay $0x3  }
0x68d: {  	[tilespmem:v35+s17+$0x0] =	vst.idx.msk $0xffff, v42  }
0x68e: {  	v42 =	vld.idx.msk [tilespmem:v43+s1+$0x0], $0xffff  }
0x68f: {  	v41 =	vor.u32 $0x6380, v41;
	_ =	sdelay $0x3  }
0x690: {  	[tilespmem:v36+s17+$0x0] =	vst.idx.msk $0xffff, v42  }
0x691: {  	v41 =	vld.idx.msk [tilespmem:v41+s1+$0x0], $0xffff;
	_ =	sdelay $0x2  }
0x692: {  	p2 =	sne.s32 s15, $0x1  }
.Ltmp39:
0x693: {  	_ = 	snop;
	(pc) =	sbr.rel @!p2 .LBB2_48-.Ltmp39, $4  }
0x694: {  	[tilespmem:v37+s17+$0x0] =	vst.idx.msk $0xffff, v41  }
0x695: {  	[hbm4b:s9+s18] =	stream.indirect.scatter [tilespmem:s17], [sflag:$0x3], $0x80, s23, s18, $0xb8;
	[tilespmem:$0x1C980] =	vst v63  }
0x696: {  	_ =	swait.ge [sflag:s3], $0x800  }
0x697: {  	s15 =	sadd.s32 $0xFFFFFFFF, s15;
	[sflag:s3] =	ssyncset.done $0x0  }
.LBB2_47:
0x698: {  	[sflag:s3] =	ssyncadd.s32 $0xFFFFF800;
	s10 =	sadd.s32 $0x10, s10;
	s13 =	sadd.s32 $0x10, s13  }
0x699: {  	p2 =	sne.s32 s15, $0x1;
	s15 =	sadd.s32 $0xFFFFFFFF, s15;
	v41 =	vld [tilespmem:s10+$0x0];
	_ =	sdelay $0x3  }
0x69a: {  	v42 =	vor.u32 s13, v0  }
0x69b: {  	vm0 =	vlt.s32 v42, v40;
	v43 =	vand.u32 $0x3FFF, v41;
	v41 =	vshrl.u32 v41, $0xE  }
0x69c: {  	v43 =	vsel vm0, v43, v3;
	v41 =	vadd.s32 v41, v39  }
0x69d: {  	vm0 =	vgt.s32 v41, $0x0  }
0x69e: {  	v41 =	vnsel vm0, $0x0, v41  }
0x69f: {  	v41 =	vmin.u32 v41, $0x3FF  }
0x6a0: {  	v42 =	vshll.u32 v41, $0x3  }
0x6a1: {  	v44 =	vand.u32 $0x7F, v41;
	v45 =	vand.u32 $0x1C00, v42  }
0x6a2: {  	v42 =	vor.u32 v44, v45;
	v41 =	vor.u32 v41, v45;
	_ =	sdelay $0x3  }
0x6a3: {  	[tilespmem:$0x18900] =	vst v43  }
0x6a4: {  	v43 =	vld.idx.msk [tilespmem:v42+s1+$0x0], $0xffff;
	_ =	sdelay $0x1  }
0x6a5: {  	v44 =	vor.u32 $0x80, v42;
	_ =	sdelay $0x3  }
0x6a6: {  	[tilespmem:v1+s17+$0x0] =	vst.idx.msk $0xffff, v43  }
0x6a7: {  	v43 =	vld.idx.msk [tilespmem:v44+s1+$0x0], $0xffff;
	_ =	sdelay $0x1  }
0x6a8: {  	v44 =	vor.u32 $0x100, v42;
	_ =	sdelay $0x3  }
0x6a9: {  	[tilespmem:v7+s17+$0x0] =	vst.idx.msk $0xffff, v43  }
0x6aa: {  	v43 =	vld.idx.msk [tilespmem:v44+s1+$0x0], $0xffff;
	_ =	sdelay $0x1  }
0x6ab: {  	v44 =	vor.u32 $0x180, v42;
	_ =	sdelay $0x3  }
0x6ac: {  	[tilespmem:v8+s17+$0x0] =	vst.idx.msk $0xffff, v43  }
0x6ad: {  	v43 =	vld.idx.msk [tilespmem:v44+s1+$0x0], $0xffff;
	_ =	sdelay $0x1  }
0x6ae: {  	v44 =	vor.u32 $0x200, v42;
	_ =	sdelay $0x3  }
0x6af: {  	[tilespmem:v9+s17+$0x0] =	vst.idx.msk $0xffff, v43  }
0x6b0: {  	v43 =	vld.idx.msk [tilespmem:v44+s1+$0x0], $0xffff;
	_ =	sdelay $0x1  }
0x6b1: {  	v44 =	vor.u32 $0x280, v42;
	_ =	sdelay $0x3  }
0x6b2: {  	[tilespmem:v10+s17+$0x0] =	vst.idx.msk $0xffff, v43  }
0x6b3: {  	v43 =	vld.idx.msk [tilespmem:v44+s1+$0x0], $0xffff;
	_ =	sdelay $0x1  }
0x6b4: {  	v44 =	vor.u32 $0x300, v42;
	_ =	sdelay $0x3  }
0x6b5: {  	[tilespmem:v11+s17+$0x0] =	vst.idx.msk $0xffff, v43  }
0x6b6: {  	v43 =	vld.idx.msk [tilespmem:v44+s1+$0x0], $0xffff;
	_ =	sdelay $0x1  }
0x6b7: {  	v44 =	vor.u32 $0x380, v41;
	_ =	sdelay $0x3  }
0x6b8: {  	[tilespmem:v12+s17+$0x0] =	vst.idx.msk $0xffff, v43  }
0x6b9: {  	v43 =	vld.idx.msk [tilespmem:v44+s1+$0x0], $0xffff;
	_ =	sdelay $0x1  }
0x6ba: {  	v44 =	vor.u32 $0x2000, v42;
	_ =	sdelay $0x3  }
0x6bb: {  	[tilespmem:v13+s17+$0x0] =	vst.idx.msk $0xffff, v43  }
0x6bc: {  	v43 =	vld.idx.msk [tilespmem:v44+s1+$0x0], $0xffff;
	_ =	sdelay $0x1  }
0x6bd: {  	v44 =	vor.u32 $0x2080, v42;
	_ =	sdelay $0x3  }
0x6be: {  	[tilespmem:v14+s17+$0x0] =	vst.idx.msk $0xffff, v43  }
0x6bf: {  	v43 =	vld.idx.msk [tilespmem:v44+s1+$0x0], $0xffff;
	_ =	sdelay $0x1  }
0x6c0: {  	v44 =	vor.u32 $0x2100, v42;
	_ =	sdelay $0x3  }
0x6c1: {  	[tilespmem:v15+s17+$0x0] =	vst.idx.msk $0xffff, v43  }
0x6c2: {  	v43 =	vld.idx.msk [tilespmem:v44+s1+$0x0], $0xffff;
	_ =	sdelay $0x1  }
0x6c3: {  	v44 =	vor.u32 $0x2180, v42;
	_ =	sdelay $0x3  }
0x6c4: {  	[tilespmem:v16+s17+$0x0] =	vst.idx.msk $0xffff, v43  }
0x6c5: {  	v43 =	vld.idx.msk [tilespmem:v44+s1+$0x0], $0xffff;
	_ =	sdelay $0x1  }
0x6c6: {  	v44 =	vor.u32 $0x2200, v42;
	_ =	sdelay $0x3  }
0x6c7: {  	[tilespmem:v17+s17+$0x0] =	vst.idx.msk $0xffff, v43  }
0x6c8: {  	v43 =	vld.idx.msk [tilespmem:v44+s1+$0x0], $0xffff;
	_ =	sdelay $0x1  }
0x6c9: {  	v44 =	vor.u32 $0x2280, v42;
	_ =	sdelay $0x3  }
0x6ca: {  	[tilespmem:v18+s17+$0x0] =	vst.idx.msk $0xffff, v43  }
0x6cb: {  	v43 =	vld.idx.msk [tilespmem:v44+s1+$0x0], $0xffff;
	_ =	sdelay $0x1  }
0x6cc: {  	v44 =	vor.u32 $0x2300, v42;
	_ =	sdelay $0x3  }
0x6cd: {  	[tilespmem:v19+s17+$0x0] =	vst.idx.msk $0xffff, v43  }
0x6ce: {  	v43 =	vld.idx.msk [tilespmem:v44+s1+$0x0], $0xffff;
	_ =	sdelay $0x1  }
0x6cf: {  	v44 =	vor.u32 $0x2380, v41;
	_ =	sdelay $0x3  }
0x6d0: {  	[tilespmem:v20+s17+$0x0] =	vst.idx.msk $0xffff, v43  }
0x6d1: {  	v43 =	vld.idx.msk [tilespmem:v44+s1+$0x0], $0xffff;
	_ =	sdelay $0x1  }
0x6d2: {  	v44 =	vor.u32 $0x4000, v42;
	_ =	sdelay $0x3  }
0x6d3: {  	[tilespmem:v21+s17+$0x0] =	vst.idx.msk $0xffff, v43  }
0x6d4: {  	v43 =	vld.idx.msk [tilespmem:v44+s1+$0x0], $0xffff;
	_ =	sdelay $0x1  }
0x6d5: {  	v44 =	vor.u32 $0x4080, v42;
	_ =	sdelay $0x3  }
0x6d6: {  	[tilespmem:v22+s17+$0x0] =	vst.idx.msk $0xffff, v43  }
0x6d7: {  	v43 =	vld.idx.msk [tilespmem:v44+s1+$0x0], $0xffff;
	_ =	sdelay $0x1  }
0x6d8: {  	v44 =	vor.u32 $0x4100, v42;
	_ =	sdelay $0x3  }
0x6d9: {  	[tilespmem:v23+s17+$0x0] =	vst.idx.msk $0xffff, v43  }
0x6da: {  	v43 =	vld.idx.msk [tilespmem:v44+s1+$0x0], $0xffff;
	_ =	sdelay $0x1  }
0x6db: {  	v44 =	vor.u32 $0x4180, v42;
	_ =	sdelay $0x3  }
0x6dc: {  	[tilespmem:v24+s17+$0x0] =	vst.idx.msk $0xffff, v43  }
0x6dd: {  	v43 =	vld.idx.msk [tilespmem:v44+s1+$0x0], $0xffff;
	_ =	sdelay $0x1  }
0x6de: {  	v44 =	vor.u32 $0x4200, v42;
	_ =	sdelay $0x3  }
0x6df: {  	[tilespmem:v25+s17+$0x0] =	vst.idx.msk $0xffff, v43  }
0x6e0: {  	v43 =	vld.idx.msk [tilespmem:v44+s1+$0x0], $0xffff;
	_ =	sdelay $0x1  }
0x6e1: {  	v44 =	vor.u32 $0x4280, v42;
	_ =	sdelay $0x3  }
0x6e2: {  	[tilespmem:v26+s17+$0x0] =	vst.idx.msk $0xffff, v43  }
0x6e3: {  	v43 =	vld.idx.msk [tilespmem:v44+s1+$0x0], $0xffff;
	_ =	sdelay $0x1  }
0x6e4: {  	v44 =	vor.u32 $0x4300, v42;
	_ =	sdelay $0x3  }
0x6e5: {  	[tilespmem:v27+s17+$0x0] =	vst.idx.msk $0xffff, v43  }
0x6e6: {  	v43 =	vld.idx.msk [tilespmem:v44+s1+$0x0], $0xffff;
	_ =	sdelay $0x1  }
0x6e7: {  	v44 =	vor.u32 $0x4380, v41;
	_ =	sdelay $0x3  }
0x6e8: {  	[tilespmem:v28+s17+$0x0] =	vst.idx.msk $0xffff, v43  }
0x6e9: {  	v43 =	vld.idx.msk [tilespmem:v44+s1+$0x0], $0xffff;
	_ =	sdelay $0x1  }
0x6ea: {  	v44 =	vor.u32 $0x6000, v42;
	_ =	sdelay $0x3  }
0x6eb: {  	[tilespmem:v29+s17+$0x0] =	vst.idx.msk $0xffff, v43  }
0x6ec: {  	v43 =	vld.idx.msk [tilespmem:v44+s1+$0x0], $0xffff;
	_ =	sdelay $0x1  }
0x6ed: {  	v44 =	vor.u32 $0x6080, v42;
	_ =	sdelay $0x3  }
0x6ee: {  	[tilespmem:v30+s17+$0x0] =	vst.idx.msk $0xffff, v43  }
0x6ef: {  	v43 =	vld.idx.msk [tilespmem:v44+s1+$0x0], $0xffff;
	_ =	sdelay $0x1  }
0x6f0: {  	v44 =	vor.u32 $0x6100, v42;
	_ =	sdelay $0x3  }
0x6f1: {  	[tilespmem:v31+s17+$0x0] =	vst.idx.msk $0xffff, v43  }
0x6f2: {  	v43 =	vld.idx.msk [tilespmem:v44+s1+$0x0], $0xffff;
	_ =	sdelay $0x1  }
0x6f3: {  	v44 =	vor.u32 $0x6180, v42;
	_ =	sdelay $0x3  }
0x6f4: {  	[tilespmem:v32+s17+$0x0] =	vst.idx.msk $0xffff, v43  }
0x6f5: {  	v43 =	vld.idx.msk [tilespmem:v44+s1+$0x0], $0xffff;
	_ =	sdelay $0x1  }
0x6f6: {  	v44 =	vor.u32 $0x6200, v42;
	_ =	sdelay $0x3  }
0x6f7: {  	[tilespmem:v33+s17+$0x0] =	vst.idx.msk $0xffff, v43  }
0x6f8: {  	v43 =	vld.idx.msk [tilespmem:v44+s1+$0x0], $0xffff;
	_ =	sdelay $0x1  }
0x6f9: {  	v44 =	vor.u32 $0x6280, v42;
	_ =	sdelay $0x3  }
0x6fa: {  	[tilespmem:v34+s17+$0x0] =	vst.idx.msk $0xffff, v43  }
0x6fb: {  	v43 =	vld.idx.msk [tilespmem:v44+s1+$0x0], $0xffff;
	_ =	sdelay $0x1  }
0x6fc: {  	v42 =	vor.u32 $0x6300, v42;
	_ =	sdelay $0x3  }
0x6fd: {  	[tilespmem:v35+s17+$0x0] =	vst.idx.msk $0xffff, v43  }
0x6fe: {  	v42 =	vld.idx.msk [tilespmem:v42+s1+$0x0], $0xffff;
	_ =	sdelay $0x1  }
0x6ff: {  	v41 =	vor.u32 $0x6380, v41;
	_ =	sdelay $0x3  }
0x700: {  	[tilespmem:v36+s17+$0x0] =	vst.idx.msk $0xffff, v42  }
0x701: {  	v41 =	vld.idx.msk [tilespmem:v41+s1+$0x0], $0xffff;
	_ =	sdelay $0x4  }
.Ltmp40:
0x702: {  	(pc) =	sbr.rel @p2 .LBB2_47-.Ltmp40, $4  }
0x703: {  	[tilespmem:v37+s17+$0x0] =	vst.idx.msk $0xffff, v41  }
0x704: {  	[hbm4b:s9+s18] =	stream.indirect.scatter [tilespmem:s17], [sflag:$0x3], $0x80, s23, s18, $0xb8;
	[tilespmem:$0x1C980] =	vst v63  }
0x705: {  	_ =	swait.ge [sflag:s3], $0x800  }
0x706: {  	[sflag:s3] =	ssyncset.done $0x0  }
.Ltmp41:
0x707: {  	_ = 	snop;
	(pc) =	sbr.rel .LBB2_48-.Ltmp41, $1  }
0x708: {  	_ =	sdelay $0x3  }
.LBB2_31:
.Ltmp42:
0x709: {  	(pc) =	sbr.rel .LBB2_35-.Ltmp42, $2  }
0x70a: {  	_ =	sdelay $0x2  }
0x70b: {  	s20 =	simm.s32 $0x0;
	s19 =	simm.s32 $0x0  }
.LBB2_41:
.Ltmp43:
0x70c: {  	(pc) =	sbr.rel .LBB2_45-.Ltmp43, $2  }
0x70d: {  	_ =	sdelay $0x2  }
0x70e: {  	s15 =	simm.s32 $0x0;
	s13 =	simm.s32 $0x0  }
.LBB2_33:
.Ltmp44:
0x70f: {  	(pc) =	sbr.rel .LBB2_35-.Ltmp44, $2  }
0x710: {  	_ =	sdelay $0x2  }
0x711: {  	s20 =	simm.s32 $0x0;
	s19 =	simm.s32 $0x0  }
.LBB2_43:
.Ltmp45:
0x712: {  	(pc) =	sbr.rel .LBB2_45-.Ltmp45, $2  }
0x713: {  	_ =	sdelay $0x2  }
0x714: {  	s15 =	simm.s32 $0x0;
	s13 =	simm.s32 $0x0  }
.LBB2_51:
0x715: {  	_ =	sfence.sel $0x180000  }
0x716: {  	[bflag:$0x0] =	sbarrier.arrive $0xFFFF  }
0x717: {  	_ =	strace $0x90000047  }
0x718: {  	s0 =	stileid.u32;
	[bflag:$0x2] =	sbarrier.arrive $0xFFFF  }
0x719: {  	p0 =	sne.s32 s0, $0x0;
	s0 =	rddreg [dreg:$0x5]  }
0x71a: {  	s0 =	sadd.s32 @!p0 $0x100000, s0  }
0x71b: {  	[sflag:s0] =	ssyncadd.tile.s32 @!p0 $0x1;
	_ =	shalt  }
.Lfunc_end2:
_tile_overlayer_lowered:
.L_overlay_start_2:
0x71c: {  	(tag) =	ssettag $0x2  }
0x71d: {  	s0 =	rddreg [dreg:$0x0];
	s2 =	stileid.u32  }
0x71e: {  	s1 =	rddreg [dreg:$0x1];
	p0 =	sne.s32 s2, $0x0  }
0x71f: {  	s3 =	rddreg [dreg:$0x2];
	[bflag:$0x3] =	sbarrier.arrive $0xFFFF;
	s2 =	simm.s32 @!p0 $0x1C04  }
0x720: {  	[timem:s3], [sflag:s2] =	dma.local @!p0 [hbm:s0], s1  }
0x721: {  	s0 =	simm.s32 @!p0 $0x4  }
0x722: {  	_ =	swait.ge @!p0 [sflag:s0], s1  }
0x723: {  	s1 =	ssub.s32 @!p0 $0x0, s1;
	[sflag:s0] =	ssyncset.done @!p0 $0x0  }
0x724: {  	[sflag:s0] =	ssyncadd.s32 @!p0 s1  }
0x725: {  	[bflag:$0x3] =	sbarrier.arrive $0xFFFF  }
0x726: {  	_ =	shalt  }

</sc_bundles>
